<compile_context>
chip_gen: v7x
topology: tpu7x:2x2x1
jax: 0.10.2.dev20260603
libtpu: 0.0.44.dev20260713+nightly
codegen_flags: <defaults>
</compile_context>

<pallas_src>
import functools

import jax
import jax.numpy as jnp
from jax import lax
from jax.experimental import pallas as pl
from jax.experimental.pallas import tpu as pltpu
from jax.experimental.pallas import tpu_sc as plsc

NC = 2
NS = 16
NW = NC * NS
L = 16
C = 200
EPS = 1e-5


def _mesh():
    return plsc.VectorSubcoreMesh(
        core_axis_name="c", subcore_axis_name="s", num_cores=NC, num_subcores=NS
    )



def _a1_body(f_ref, x_ref, wh_ref, wx_ref, o_ref):
    o_ref[...] = (
        jnp.dot(f_ref[...], wh_ref[...], preferred_element_type=jnp.float32)
        + jnp.dot(x_ref[...], wx_ref[...], preferred_element_type=jnp.float32)
    )


def _a2_body(et_ref, w_ref, b_ref, o_ref):
    o_ref[...] = (
        lax.dot_general(et_ref[...], w_ref[...], (((0,), (0,)), ((), ())),
                        preferred_element_type=jnp.float32)
        + b_ref[...]
    )


def _t_body(e_edges, parts_ref, g1_ref, be1_ref, p_ref, f_ref, o_ref, st_ref):
    parts = parts_ref[...]
    h = g1_ref.shape[1]
    mu = jnp.sum(parts[:, :h], axis=0, keepdims=True) / e_edges
    var = jnp.sum(parts[:, h:], axis=0, keepdims=True) / e_edges - mu * mu
    s1 = g1_ref[...] / jnp.sqrt(var + EPS)
    t1 = be1_ref[...] - mu * s1
    o_ref[...] = p_ref[...] * s1 + f_ref[...] + t1
    st_ref[0:1, :] = s1
    st_ref[1:2, :] = t1


def _e_body(nvalid, bs1, np1, bs2, c0_ref, c1_ref, w2_ref, b2_ref, g2_ref,
            be2_ref, f_ref, o_ref, y_s, stat_s, st_s):
    i = pl.program_id(0)

    @pl.when(i == 0)
    def _():
        stat_s[...] = jnp.zeros_like(stat_s)

    @pl.when(i < np1)
    def _():
        y = (
            jnp.dot(c0_ref[...] + c1_ref[...], w2_ref[...],
                    preferred_element_type=jnp.float32)
            + b2_ref[...]
        )
        y_s[pl.ds(i * bs1, bs1), :] = y
        rows = lax.broadcasted_iota(jnp.int32, (bs1, 1), 0) + i * bs1
        ym = jnp.where(rows < nvalid, y, 0.0)
        stat_s[0:1, :] += jnp.sum(ym, axis=0, keepdims=True)
        stat_s[1:2, :] += jnp.sum(ym * ym, axis=0, keepdims=True)

    @pl.when(i == np1)
    def _():
        mu = stat_s[0:1, :] / nvalid
        var = stat_s[1:2, :] / nvalid - mu * mu
        s2 = g2_ref[...] / jnp.sqrt(var + EPS)
        st_s[0:1, :] = s2
        st_s[1:2, :] = be2_ref[...] - mu * s2

    @pl.when(i >= np1)
    def _():
        j = i - np1
        y = y_s[pl.ds(j * bs2, bs2), :]
        o_ref[...] = jnp.maximum(
            y * st_s[0:1, :] + st_s[1:2, :] + f_ref[...], 0.0)





def _make_pass_a(e_edges, h):
    nj = h // L
    ew = e_edges // NW
    nch = ew // C
    tail = ew - nch * C
    assert ew % 8 == 0 and tail % 8 == 0 and nch >= 4 and nch % 2 == 0
    tl = max(tail, 8)

    @functools.partial(
        pl.kernel,
        out_type=jax.ShapeDtypeStruct((NW * 2 * h,), jnp.float32),
        mesh=_mesh(),
        scratch_types=[
            pltpu.VMEM((C,), jnp.int32),
            pltpu.VMEM((C,), jnp.int32),
            pltpu.VMEM((C, h), jnp.float32),
            pltpu.VMEM((C, h), jnp.float32),
            pltpu.VMEM((C, h), jnp.float32),
            pltpu.VMEM((C, h), jnp.float32),
            pltpu.VMEM((tl, h), jnp.float32),
            pltpu.VMEM((tl, h), jnp.float32),
            pltpu.VMEM((tl,), jnp.int32),
            pltpu.VMEM((2 * h,), jnp.float32),
            pltpu.SemaphoreType.DMA,
            pltpu.SemaphoreType.DMA,
            pltpu.SemaphoreType.DMA,
            pltpu.SemaphoreType.DMA,
        ],
    )
    def pass_a(src_hbm, p_hbm, q_hbm, out_hbm,
               idx0, idx1, rows0, rows1, qv0, qv1, rows_t, q_t, idx_t, st_v,
               semi0, semi1, semg0, semg1):
        wid = lax.axis_index("s") * NC + lax.axis_index("c")
        base = wid * ew
        idxs = [idx0, idx1]
        rows = [rows0, rows1]
        qvs = [qv0, qv1]
        semi = [semi0, semi1]
        semg = [semg0, semg1]

        def idx_copy(b, k):
            pltpu.async_copy(src_hbm.at[pl.ds(base + k * C, C)], idxs[b], semi[b])

        def idx_wait(b, k):
            pltpu.make_async_copy(
                src_hbm.at[pl.ds(base + k * C, C)], idxs[b], semi[b]).wait()

        def gath_start(b, k):
            pltpu.async_copy(p_hbm.at[idxs[b]], rows[b], semg[b])
            pltpu.async_copy(q_hbm.at[pl.ds(base + k * C, C)], qvs[b], semg[b])

        def gath_wait(b, k):
            pltpu.make_async_copy(p_hbm.at[idxs[b]], rows[b], semg[b]).wait()
            pltpu.make_async_copy(
                q_hbm.at[pl.ds(base + k * C, C)], qvs[b], semg[b]).wait()

        def rowloop(carry, nrows, rv, qv):
            def body(r, accs):
                out = list(accs)
                for j in range(nj):
                    sl = pl.ds(j * L, L)
                    m = rv[r, sl] + qv[r, sl]
                    out[j] = accs[j] + m
                    out[nj + j] = accs[nj + j] + m * m
                return tuple(out)

            return lax.fori_loop(0, nrows, body, carry)

        zero = jnp.zeros((L,), jnp.float32)
        carry = tuple(zero for _ in range(2 * nj))

        idx_copy(0, 0)
        idx_wait(0, 0)
        gath_start(0, 0)
        idx_copy(1, 1)

        def steady(k2, carry):
            for d in (0, 1):
                b = d
                ck = 2 * k2 + d
                idx_wait(1 - b, ck + 1)
                gath_start(1 - b, ck + 1)
                gath_wait(b, ck)
                idx_copy(b, ck + 2)
                carry = rowloop(carry, C, rows[b], qvs[b])
            return carry

        carry = lax.fori_loop(0, (nch - 2) // 2, steady, carry)

        idx_wait(1, nch - 1)
        gath_start(1, nch - 1)
        gath_wait(0, nch - 2)
        carry = rowloop(carry, C, rows[0], qvs[0])
        gath_wait(1, nch - 1)
        carry = rowloop(carry, C, rows[1], qvs[1])

        if tail:
            pltpu.sync_copy(src_hbm.at[pl.ds(base + nch * C, tail)], idx_t)
            pltpu.async_copy(p_hbm.at[idx_t], rows_t, semg0).wait()
            pltpu.sync_copy(q_hbm.at[pl.ds(base + nch * C, tail)], q_t)
            carry = rowloop(carry, tail, rows_t, q_t)

        for j in range(2 * nj):
            st_v[pl.ds(j * L, L)] = carry[j]
        pltpu.sync_copy(st_v, out_hbm.at[pl.ds(wid * 2 * h, 2 * h)])

    return pass_a



def _make_pass_b(e_edges, n_nodes, h):
    nj = h // L
    CB = 48
    ew = e_edges // NW
    nch = ew // CB
    tail = ew - nch * CB
    assert ew % 8 == 0 and tail % 8 == 0 and nch >= 6 and nch % 2 == 0
    tl = max(tail, 8)
    acc_rows = 10112
    tile_rows = acc_rows // NS
    zchunks = []
    off = 0
    while off < tile_rows:
        zchunks.append((off, min(CB, tile_rows - off)))
        off += CB
    assert acc_rows >= n_nodes and tile_rows % 8 == 0 and CB % 8 == 0

    @functools.partial(
        pl.kernel,
        out_type=jax.ShapeDtypeStruct((NC, acc_rows, h), jnp.float32),
        mesh=_mesh(),
        scratch_types=[
            pltpu.VMEM((CB,), jnp.int32),
            pltpu.VMEM((CB,), jnp.int32),
            pltpu.VMEM((CB,), jnp.int32),
            pltpu.VMEM((CB,), jnp.int32),
            pltpu.VMEM((CB, h), jnp.float32),
            pltpu.VMEM((CB, h), jnp.float32),
            pltpu.VMEM((CB, h), jnp.float32),
            pltpu.VMEM((CB, h), jnp.float32),
            pltpu.VMEM((CB, h), jnp.float32),
            pltpu.VMEM((CB, h), jnp.float32),
            pltpu.VMEM((tl, h), jnp.float32),
            pltpu.VMEM((tl, h), jnp.float32),
            pltpu.VMEM((tl,), jnp.int32),
            pltpu.VMEM((2, h), jnp.float32),
            pltpu.VMEM_SHARED((acc_rows, h), jnp.float32),
            pltpu.SemaphoreType.DMA,
            pltpu.SemaphoreType.DMA,
            pltpu.SemaphoreType.DMA,
            pltpu.SemaphoreType.DMA,
            pltpu.SemaphoreType.DMA,
            pltpu.SemaphoreType.DMA,
            pltpu.SemaphoreType.DMA,
            pltpu.SemaphoreType.DMA,
        ],
    )
    def pass_b(src_hbm, dst_hbm, t_hbm, q_hbm, st_hbm, out_hbm,
               idxs0, idxs1, idxd0, idxd1, rowst0, rowst1, qv0, qv1, rv0, rv1,
               rows_t, q_t, idx_t, st_v, acc,
               semi0, semi1, semd0, semd1, semg0, semg1, sems0, sems1):
        sc = lax.axis_index("c")
        tid = lax.axis_index("s")
        wid = tid * NC + sc
        base = wid * ew
        idxs = [idxs0, idxs1]
        idxd = [idxd0, idxd1]
        rowst = [rowst0, rowst1]
        qvs = [qv0, qv1]
        rvs = [rv0, rv1]
        semi = [semi0, semi1]
        semd = [semd0, semd1]
        semg = [semg0, semg1]
        sems = [sems0, sems1]

        def zrow(r, _):
            for j in range(nj):
                rowst0[r, pl.ds(j * L, L)] = jnp.zeros((L,), jnp.float32)
            return 0

        lax.fori_loop(0, CB, zrow, 0)
        for off, sz in zchunks:
            r0 = tid * tile_rows + off
            pltpu.sync_copy(rowst0.at[pl.ds(0, sz)], acc.at[pl.ds(r0, sz)])
        plsc.subcore_barrier()

        pltpu.sync_copy(st_hbm, st_v)
        s1 = [st_v[0, pl.ds(j * L, L)] for j in range(nj)]

        def idx_copy(b, k):
            pltpu.async_copy(src_hbm.at[pl.ds(base + k * CB, CB)], idxs[b], semi[b])

        def idx_wait(b, k):
            pltpu.make_async_copy(
                src_hbm.at[pl.ds(base + k * CB, CB)], idxs[b], semi[b]).wait()

        def idxd_copy(b, k):
            pltpu.async_copy(dst_hbm.at[pl.ds(base + k * CB, CB)], idxd[b], semd[b])

        def idxd_wait(b, k):
            pltpu.make_async_copy(
                dst_hbm.at[pl.ds(base + k * CB, CB)], idxd[b], semd[b]).wait()

        def gath_start(b, k):
            pltpu.async_copy(t_hbm.at[idxs[b]], rowst[b], semg[b])
            pltpu.async_copy(q_hbm.at[pl.ds(base + k * CB, CB)], qvs[b], semg[b])

        def gath_wait(b, k):
            pltpu.make_async_copy(t_hbm.at[idxs[b]], rowst[b], semg[b]).wait()
            pltpu.make_async_copy(
                q_hbm.at[pl.ds(base + k * CB, CB)], qvs[b], semg[b]).wait()

        def scat_start(b):
            pltpu.async_copy(rvs[b], acc.at[idxd[b]], sems[b], add=True)

        def scat_wait(b):
            pltpu.make_async_copy(rvs[b], acc.at[pl.ds(0, CB)], sems[b]).wait()

        def rowloop(b):
            def body(r, _):
                for j in range(nj):
                    sl = pl.ds(j * L, L)
                    y = qvs[b][r, sl] * s1[j] + rowst[b][r, sl]
                    rvs[b][r, sl] = jnp.maximum(y, 0.0)
                return 0

            lax.fori_loop(0, CB, body, 0)

        def phase(b, ck, nxt1, nxt2, first):
            idx_wait(1 - b, nxt1)
            if not first:
                scat_wait(1 - b)
            idxd_copy(1 - b, nxt1)
            gath_start(1 - b, nxt1)
            gath_wait(b, ck)
            idx_copy(b, nxt2)
            rowloop(b)
            idxd_wait(b, ck)
            scat_start(b)

        idx_copy(0, 0)
        idx_wait(0, 0)
        idxd_copy(0, 0)
        gath_start(0, 0)
        idx_copy(1, 1)
        phase(0, 0, 1, 2, True)

        def steady(k2, _):
            c = 2 * k2 + 1
            phase(1, c, c + 1, c + 2, False)
            phase(0, c + 1, c + 2, c + 3, False)
            return 0

        lax.fori_loop(0, (nch - 4) // 2, steady, 0)

        phase(1, nch - 3, nch - 2, nch - 1, False)
        phase(0, nch - 2, nch - 1, nch - 1, False)
        phase(1, nch - 1, nch - 1, nch - 1, False)

        gath_wait(0, nch - 1)
        idx_wait(1, nch - 1)
        idxd_wait(0, nch - 1)
        scat_wait(1)

        if tail:
            pltpu.sync_copy(src_hbm.at[pl.ds(base + nch * CB, tail)], idx_t)
            pltpu.async_copy(t_hbm.at[idx_t], rows_t, semg0).wait()
            pltpu.sync_copy(q_hbm.at[pl.ds(base + nch * CB, tail)], q_t)

            def tbody(r, _):
                for j in range(nj):
                    sl = pl.ds(j * L, L)
                    y = q_t[r, sl] * s1[j] + rows_t[r, sl]
                    rows_t[r, sl] = jnp.maximum(y, 0.0)
                return 0

            lax.fori_loop(0, tail, tbody, 0)
            pltpu.sync_copy(dst_hbm.at[pl.ds(base + nch * CB, tail)], idx_t)
            pltpu.sync_copy(rows_t, acc.at[idx_t], add=True)

        plsc.subcore_barrier()

        stage = [rowst0, rv0]
        for i, (off, sz) in enumerate(zchunks):
            r0 = tid * tile_rows + off
            sb = stage[i % 2]
            pltpu.sync_copy(acc.at[pl.ds(r0, sz)], sb.at[pl.ds(0, sz)])
            if i > 0:
                po, psz = zchunks[i - 1]
                pltpu.make_async_copy(
                    stage[(i - 1) % 2].at[pl.ds(0, psz)],
                    out_hbm.at[sc, pl.ds(tid * tile_rows + po, psz)],
                    sems0).wait()
            pltpu.async_copy(sb.at[pl.ds(0, sz)],
                             out_hbm.at[sc, pl.ds(r0, sz)], sems0)
        lo, lsz = zchunks[-1]
        pltpu.make_async_copy(
            stage[(len(zchunks) - 1) % 2].at[pl.ds(0, lsz)],
            out_hbm.at[sc, pl.ds(tid * tile_rows + lo, lsz)], sems0).wait()

    return pass_b



def kernel(features, x_atom, edge_attr, edge_index, W1, b1, g1, be1, W2, b2, g2, be2):
    n, h = features.shape
    a = x_atom.shape[1]
    e, bf = edge_attr.shape

    src = edge_index[0]
    dst = edge_index[1]
    w1h = W1[:h]
    w1x = W1[h:h + a]
    w1w = W1[h + a:]

    bn = 1000
    p = pl.pallas_call(
        _a1_body,
        grid=(n // bn,),
        in_specs=[
            pl.BlockSpec((bn, h), lambda i: (i, 0)),
            pl.BlockSpec((bn, a), lambda i: (i, 0)),
            pl.BlockSpec((h, h), lambda i: (0, 0)),
            pl.BlockSpec((a, h), lambda i: (0, 0)),
        ],
        out_specs=pl.BlockSpec((bn, h), lambda i: (i, 0)),
        out_shape=jax.ShapeDtypeStruct((n, h), jnp.float32),
    )(features, x_atom, w1h, w1x)

    be_ = 6400
    q = pl.pallas_call(
        _a2_body,
        grid=(e // be_,),
        in_specs=[
            pl.BlockSpec((bf, be_), lambda i: (0, i)),
            pl.BlockSpec((bf, h), lambda i: (0, 0)),
            pl.BlockSpec((1, h), lambda i: (0, 0)),
        ],
        out_specs=pl.BlockSpec((be_, h), lambda i: (i, 0)),
        out_shape=jax.ShapeDtypeStruct((e, h), jnp.float32),
    )(edge_attr.T, w1w, b1.reshape(1, h))

    parts = _make_pass_a(e, h)(src, p, q).reshape(NW, 2 * h)

    t_tab, st1 = pl.pallas_call(
        functools.partial(_t_body, e),
        grid=(n // bn,),
        in_specs=[
            pl.BlockSpec((NW, 2 * h), lambda i: (0, 0)),
            pl.BlockSpec((1, h), lambda i: (0, 0)),
            pl.BlockSpec((1, h), lambda i: (0, 0)),
            pl.BlockSpec((bn, h), lambda i: (i, 0)),
            pl.BlockSpec((bn, h), lambda i: (i, 0)),
        ],
        out_specs=[
            pl.BlockSpec((bn, h), lambda i: (i, 0)),
            pl.BlockSpec((2, h), lambda i: (0, 0)),
        ],
        out_shape=[
            jax.ShapeDtypeStruct((n, h), jnp.float32),
            jax.ShapeDtypeStruct((2, h), jnp.float32),
        ],
    )(parts, g1.reshape(1, h), be1.reshape(1, h), p, features)

    acc_rows = 10112
    hsc = _make_pass_b(e, n, h)(src, dst, t_tab, q, st1)
    h2 = hsc.reshape(NC * acc_rows, h)

    bs1 = 632
    np1 = acc_rows // bs1
    bs2 = 1000
    np2 = n // bs2
    out = pl.pallas_call(
        functools.partial(_e_body, n, bs1, np1, bs2),
        grid=(np1 + np2,),
        in_specs=[
            pl.BlockSpec((bs1, h), lambda i: (jnp.minimum(i, np1 - 1), 0)),
            pl.BlockSpec((bs1, h), lambda i: (jnp.minimum(i, np1 - 1) + np1, 0)),
            pl.BlockSpec((h, h), lambda i: (0, 0)),
            pl.BlockSpec((1, h), lambda i: (0, 0)),
            pl.BlockSpec((1, h), lambda i: (0, 0)),
            pl.BlockSpec((1, h), lambda i: (0, 0)),
            pl.BlockSpec((bs2, h), lambda i: (jnp.maximum(i - np1, 0), 0)),
        ],
        out_specs=pl.BlockSpec((bs2, h), lambda i: (jnp.maximum(i - np1, 0), 0)),
        out_shape=jax.ShapeDtypeStruct((n, h), jnp.float32),
        scratch_shapes=[
            pltpu.VMEM((acc_rows, h), jnp.float32),
            pltpu.VMEM((2, h), jnp.float32),
            pltpu.VMEM((2, h), jnp.float32),
        ],
    )(h2, h2, W2, b2.reshape(1, h), g2.reshape(1, h), be2.reshape(1, h),
      features)
    return out

# --- scband reference (transcript-rebuilt; emitter-appended) ---
"""Pipeline reference for scband-structure2-vec-ours-layer-88399016886799 (READ-ONLY COPY).

The authoritative reference and input builder live on the scoring server;
editing this copy changes nothing except your own understanding.
"""

import jax, jax.numpy as jnp
import numpy as np

N = 10000
E = 320000
H = 128
A = 128
BF = 16


def _batchnorm(x, gamma, beta, eps=1e-5):
    mu = jnp.mean(x, axis=0, keepdims=True)
    var = jnp.var(x, axis=0, keepdims=True)
    return gamma * (x - mu) / jnp.sqrt(var + eps) + beta


def setup_inputs(seed: int = 0) -> dict:
    key = jax.random.key(seed)
    ks = jax.random.split(key, 8)
    features = jax.random.normal(ks[0], (N, H), dtype=jnp.float32)
    x_atom = jax.random.normal(ks[1], (N, A), dtype=jnp.float32)
    edge_attr = jax.random.normal(ks[2], (E, BF), dtype=jnp.float32)
    edge_index = jax.random.randint(ks[3], (2, E), 0, N, dtype=jnp.int32)
    d_in = H + A + BF
    W1 = jax.random.normal(ks[4], (d_in, H), dtype=jnp.float32) / np.sqrt(d_in)
    b1 = jnp.zeros((H,), dtype=jnp.float32)
    g1 = jnp.ones((H,), dtype=jnp.float32)
    be1 = jnp.zeros((H,), dtype=jnp.float32)
    W2 = jax.random.normal(ks[5], (H, H), dtype=jnp.float32) / np.sqrt(H)
    b2 = jnp.zeros((H,), dtype=jnp.float32)
    g2 = jnp.ones((H,), dtype=jnp.float32)
    be2 = jnp.zeros((H,), dtype=jnp.float32)
    return {
        "features": features,
        "x_atom": x_atom,
        "edge_attr": edge_attr,
        "edge_index": edge_index,
        "W1": W1, "b1": b1, "g1": g1, "be1": be1,
        "W2": W2, "b2": b2, "g2": g2, "be2": be2,
    }


def reference(features, x_atom, edge_attr, edge_index, W1, b1, g1, be1, W2, b2, g2, be2):
    src = edge_index[0]
    dst = edge_index[1]
    h_src = jnp.take(features, src, axis=0)
    x_src = jnp.take(x_atom, src, axis=0)
    # msg_fn: cat([h_src, x_src, w]) -> linear1 -> bn1 -> +h_src -> relu
    m = jnp.concatenate([h_src, x_src, edge_attr], axis=1)
    m = m @ W1 + b1
    m = _batchnorm(m, g1, be1)
    m = jax.nn.relu(m + h_src)
    # reduce_fn: sum messages into destination nodes
    h_new = jax.ops.segment_sum(m, dst, num_segments=N)
    # node update: linear2 -> bn2 -> +features -> relu
    out = h_new @ W2 + b2
    out = _batchnorm(out, g2, be2)
    return jax.nn.relu(out + features)

if __name__ == "__main__":
    import jax
    _d = setup_inputs()
    print(jax.jit(kernel)(*tuple(_d.values())))

</pallas_src>

<mosaic_0001>
#map = affine_map<(d0, d1) -> (0)>
#map1 = affine_map<(d0, d1) -> (0, 0)>
#map2 = affine_map<(d0, d1) -> (0, 0, 0)>
module attributes {stable_mosaic.version = 14 : i64} {
  func.func @pass_b(%arg0: i32, %arg1: i32, %arg2: memref<320000xi32, #tpu.memory_space<hbm>>, %arg3: memref<320000xi32, #tpu.memory_space<hbm>>, %arg4: memref<10000x128xf32, #tpu.memory_space<hbm>>, %arg5: memref<320000x128xf32, #tpu.memory_space<hbm>>, %arg6: memref<2x128xf32, #tpu.memory_space<hbm>>, %arg7: memref<2x10112x128xf32, #tpu.memory_space<hbm>>, %arg8: memref<48xi32, #tpu.memory_space<vmem>>, %arg9: memref<48xi32, #tpu.memory_space<vmem>>, %arg10: memref<48xi32, #tpu.memory_space<vmem>>, %arg11: memref<48xi32, #tpu.memory_space<vmem>>, %arg12: memref<48x128xf32, #tpu.memory_space<vmem>>, %arg13: memref<48x128xf32, #tpu.memory_space<vmem>>, %arg14: memref<48x128xf32, #tpu.memory_space<vmem>>, %arg15: memref<48x128xf32, #tpu.memory_space<vmem>>, %arg16: memref<48x128xf32, #tpu.memory_space<vmem>>, %arg17: memref<48x128xf32, #tpu.memory_space<vmem>>, %arg18: memref<16x128xf32, #tpu.memory_space<vmem>>, %arg19: memref<16x128xf32, #tpu.memory_space<vmem>>, %arg20: memref<16xi32, #tpu.memory_space<vmem>>, %arg21: memref<2x128xf32, #tpu.memory_space<vmem>>, %arg22: memref<10112x128xf32, #tpu.memory_space<vmem_shared>>, %arg23: memref<!tpu.dma_semaphore, #tpu.memory_space<semaphore_mem>>, %arg24: memref<!tpu.dma_semaphore, #tpu.memory_space<semaphore_mem>>, %arg25: memref<!tpu.dma_semaphore, #tpu.memory_space<semaphore_mem>>, %arg26: memref<!tpu.dma_semaphore, #tpu.memory_space<semaphore_mem>>, %arg27: memref<!tpu.dma_semaphore, #tpu.memory_space<semaphore_mem>>, %arg28: memref<!tpu.dma_semaphore, #tpu.memory_space<semaphore_mem>>, %arg29: memref<!tpu.dma_semaphore, #tpu.memory_space<semaphore_mem>>, %arg30: memref<!tpu.dma_semaphore, #tpu.memory_space<semaphore_mem>>) attributes {dimension_semantics = [#tpu.dimension_semantics<core_parallel>, #tpu.dimension_semantics<subcore_parallel>], iteration_bounds = array<i64: 2, 16>, scalar_prefetch = 0 : i64, scratch_operands = 23 : i64, tpu.core_type = #tpu.core_type<sc_vector_subcore>, window_params = [{transform_indices = #map}, {transform_indices = #map}, {transform_indices = #map1}, {transform_indices = #map1}, {transform_indices = #map1}, {transform_indices = #map2}]} {
    %mul3A = arith.constant 2 : i32
    %mul3A_0 = arith.muli %arg1, %mul3A : i32
    %add3A = arith.addi %mul3A_0, %arg0 : i32
    %mul3A_1 = arith.constant 10000 : i32
    %mul3A_2 = arith.muli %add3A, %mul3A_1 : i32
    %scan3A = arith.constant 0 : i32
    %scan3A_3 = arith.constant 0 : i32
    %scan3A_4 = arith.constant 48 : i32
    %scan3A_5 = arith.addi %scan3A_3, %scan3A_4 : i32
    %scan3A_6 = arith.constant 1 : i32
    %scan3A_7 = scf.for %scan3A_819 = %scan3A_3 to %scan3A_5 step %scan3A_6 iter_args(%scan3A_820 = %scan3A) -> (i32)  : i32 {
      %broadcast_in_dim3A = arith.constant 0.000000e+00 : f32
      %broadcast_in_dim3A_821 = vector.broadcast %broadcast_in_dim3A : f32 to vector<16xf32>
      %swap3A = arith.index_cast %scan3A_819 : i32 to index
      %swap3A_822 = arith.constant 0 : index
      %swap3A_823 = tpu.vector_load %arg12[%swap3A, %swap3A_822] {strides = array<i32>} : memref<48x128xf32, #tpu.memory_space<vmem>>, vector<1x16xf32>,
      %swap3A_824 = vector.shape_cast %swap3A_823 : vector<1x16xf32> to vector<16xf32>
      %swap3A_825 = vector.shape_cast %broadcast_in_dim3A_821 : vector<16xf32> to vector<1x16xf32>
      tpu.vector_store %arg12[%swap3A, %swap3A_822], %swap3A_825 {strides = array<i32>} : memref<48x128xf32, #tpu.memory_space<vmem>>, vector<1x16xf32>,
      %broadcast_in_dim3A_826 = arith.constant 0.000000e+00 : f32
      %broadcast_in_dim3A_827 = vector.broadcast %broadcast_in_dim3A_826 : f32 to vector<16xf32>
      %swap3A_828 = arith.index_cast %scan3A_819 : i32 to index
      %swap3A_829 = arith.constant 16 : index
      %swap3A_830 = tpu.vector_load %arg12[%swap3A_828, %swap3A_829] {strides = array<i32>} : memref<48x128xf32, #tpu.memory_space<vmem>>, vector<1x16xf32>,
      %swap3A_831 = vector.shape_cast %swap3A_830 : vector<1x16xf32> to vector<16xf32>
      %swap3A_832 = vector.shape_cast %broadcast_in_dim3A_827 : vector<16xf32> to vector<1x16xf32>
      tpu.vector_store %arg12[%swap3A_828, %swap3A_829], %swap3A_832 {strides = array<i32>} : memref<48x128xf32, #tpu.memory_space<vmem>>, vector<1x16xf32>,
      %broadcast_in_dim3A_833 = arith.constant 0.000000e+00 : f32
      %broadcast_in_dim3A_834 = vector.broadcast %broadcast_in_dim3A_833 : f32 to vector<16xf32>
      %swap3A_835 = arith.index_cast %scan3A_819 : i32 to index
      %swap3A_836 = arith.constant 32 : index
      %swap3A_837 = tpu.vector_load %arg12[%swap3A_835, %swap3A_836] {strides = array<i32>} : memref<48x128xf32, #tpu.memory_space<vmem>>, vector<1x16xf32>,
      %swap3A_838 = vector.shape_cast %swap3A_837 : vector<1x16xf32> to vector<16xf32>
      %swap3A_839 = vector.shape_cast %broadcast_in_dim3A_834 : vector<16xf32> to vector<1x16xf32>
      tpu.vector_store %arg12[%swap3A_835, %swap3A_836], %swap3A_839 {strides = array<i32>} : memref<48x128xf32, #tpu.memory_space<vmem>>, vector<1x16xf32>,
      %broadcast_in_dim3A_840 = arith.constant 0.000000e+00 : f32
      %broadcast_in_dim3A_841 = vector.broadcast %broadcast_in_dim3A_840 : f32 to vector<16xf32>
      %swap3A_842 = arith.index_cast %scan3A_819 : i32 to index
      %swap3A_843 = arith.constant 48 : index
      %swap3A_844 = tpu.vector_load %arg12[%swap3A_842, %swap3A_843] {strides = array<i32>} : memref<48x128xf32, #tpu.memory_space<vmem>>, vector<1x16xf32>,
      %swap3A_845 = vector.shape_cast %swap3A_844 : vector<1x16xf32> to vector<16xf32>
      %swap3A_846 = vector.shape_cast %broadcast_in_dim3A_841 : vector<16xf32> to vector<1x16xf32>
      tpu.vector_store %arg12[%swap3A_842, %swap3A_843], %swap3A_846 {strides = array<i32>} : memref<48x128xf32, #tpu.memory_space<vmem>>, vector<1x16xf32>,
      %broadcast_in_dim3A_847 = arith.constant 0.000000e+00 : f32
      %broadcast_in_dim3A_848 = vector.broadcast %broadcast_in_dim3A_847 : f32 to vector<16xf32>
      %swap3A_849 = arith.index_cast %scan3A_819 : i32 to index
      %swap3A_850 = arith.constant 64 : index
      %swap3A_851 = tpu.vector_load %arg12[%swap3A_849, %swap3A_850] {strides = array<i32>} : memref<48x128xf32, #tpu.memory_space<vmem>>, vector<1x16xf32>,
      %swap3A_852 = vector.shape_cast %swap3A_851 : vector<1x16xf32> to vector<16xf32>
      %swap3A_853 = vector.shape_cast %broadcast_in_dim3A_848 : vector<16xf32> to vector<1x16xf32>
      tpu.vector_store %arg12[%swap3A_849, %swap3A_850], %swap3A_853 {strides = array<i32>} : memref<48x128xf32, #tpu.memory_space<vmem>>, vector<1x16xf32>,
      %broadcast_in_dim3A_854 = arith.constant 0.000000e+00 : f32
      %broadcast_in_dim3A_855 = vector.broadcast %broadcast_in_dim3A_854 : f32 to vector<16xf32>
      %swap3A_856 = arith.index_cast %scan3A_819 : i32 to index
      %swap3A_857 = arith.constant 80 : index
      %swap3A_858 = tpu.vector_load %arg12[%swap3A_856, %swap3A_857] {strides = array<i32>} : memref<48x128xf32, #tpu.memory_space<vmem>>, vector<1x16xf32>,
      %swap3A_859 = vector.shape_cast %swap3A_858 : vector<1x16xf32> to vector<16xf32>
      %swap3A_860 = vector.shape_cast %broadcast_in_dim3A_855 : vector<16xf32> to vector<1x16xf32>
      tpu.vector_store %arg12[%swap3A_856, %swap3A_857], %swap3A_860 {strides = array<i32>} : memref<48x128xf32, #tpu.memory_space<vmem>>, vector<1x16xf32>,
      %broadcast_in_dim3A_861 = arith.constant 0.000000e+00 : f32
      %broadcast_in_dim3A_862 = vector.broadcast %broadcast_in_dim3A_861 : f32 to vector<16xf32>
      %swap3A_863 = arith.index_cast %scan3A_819 : i32 to index
      %swap3A_864 = arith.constant 96 : index
      %swap3A_865 = tpu.vector_load %arg12[%swap3A_863, %swap3A_864] {strides = array<i32>} : memref<48x128xf32, #tpu.memory_space<vmem>>, vector<1x16xf32>,
      %swap3A_866 = vector.shape_cast %swap3A_865 : vector<1x16xf32> to vector<16xf32>
      %swap3A_867 = vector.shape_cast %broadcast_in_dim3A_862 : vector<16xf32> to vector<1x16xf32>
      tpu.vector_store %arg12[%swap3A_863, %swap3A_864], %swap3A_867 {strides = array<i32>} : memref<48x128xf32, #tpu.memory_space<vmem>>, vector<1x16xf32>,
      %broadcast_in_dim3A_868 = arith.constant 0.000000e+00 : f32
      %broadcast_in_dim3A_869 = vector.broadcast %broadcast_in_dim3A_868 : f32 to vector<16xf32>
      %swap3A_870 = arith.index_cast %scan3A_819 : i32 to index
      %swap3A_871 = arith.constant 112 : index
      %swap3A_872 = tpu.vector_load %arg12[%swap3A_870, %swap3A_871] {strides = array<i32>} : memref<48x128xf32, #tpu.memory_space<vmem>>, vector<1x16xf32>,
      %swap3A_873 = vector.shape_cast %swap3A_872 : vector<1x16xf32> to vector<16xf32>
      %swap3A_874 = vector.shape_cast %broadcast_in_dim3A_869 : vector<16xf32> to vector<1x16xf32>
      tpu.vector_store %arg12[%swap3A_870, %swap3A_871], %swap3A_874 {strides = array<i32>} : memref<48x128xf32, #tpu.memory_space<vmem>>, vector<1x16xf32>,
      %scan3A_875 = arith.constant 0 : i32
      scf.yield %scan3A_875 : i32
    }
    %scan3A_8 = arith.constant 48 : i32
    %mul3A_9 = arith.constant 632 : i32
    %mul3A_10 = arith.muli %arg1, %mul3A_9 : i32
    %add3A_11 = arith.constant 0 : i32
    %add3A_12 = arith.addi %mul3A_10, %add3A_11 : i32
    "tpu.region"() ({
      %run_scoped3A = tpu.sem_alloc : memref<!tpu.dma_semaphore, #tpu.memory_space<semaphore_mem>>
      %dma_start3A_819 = arith.constant 0 : i32
      %dma_start3A_820 = arith.constant 0 : i32
      %dma_start3A_821 = tpu.memref_slice %arg12[%dma_start3A_819, %dma_start3A_820] : memref<48x128xf32, #tpu.memory_space<vmem>> -> memref<48x128xf32, #tpu.memory_space<vmem>>
      %dma_start3A_822 = arith.constant 0 : i32
      %dma_start3A_823 = tpu.memref_slice %arg22[%add3A_12, %dma_start3A_822] : memref<10112x128xf32, #tpu.memory_space<vmem_shared>> -> memref<48x128xf32, #tpu.memory_space<vmem_shared>>
      %dma_start3A_824 = arith.constant 0 : i32
      %dma_start3A_825 = tpu.memref_slice %arg22[%add3A_12, %dma_start3A_824] : memref<10112x128xf32, #tpu.memory_space<vmem_shared>> -> memref<48x128xf32, #tpu.memory_space<vmem_shared>>
      %dma_start3A_826 = arith.constant 0 : i32
      %dma_start3A_827 = arith.constant 0 : i32
      %dma_start3A_828 = tpu.memref_slice %arg12[%dma_start3A_826, %dma_start3A_827] : memref<48x128xf32, #tpu.memory_space<vmem>> -> memref<48x128xf32, #tpu.memory_space<vmem>>
      tpu.enqueue_dma source(%dma_start3A_828 : memref<48x128xf32, #tpu.memory_space<vmem>>) target(%dma_start3A_825 : memref<48x128xf32, #tpu.memory_space<vmem_shared>>) target_semaphore(%run_scoped3A : memref<!tpu.dma_semaphore, #tpu.memory_space<semaphore_mem>>)
      %dma_wait3A_829 = arith.constant 0 : i32
      %dma_wait3A_830 = arith.constant 0 : i32
      %dma_wait3A_831 = tpu.memref_slice %arg12[%dma_wait3A_829, %dma_wait3A_830] : memref<48x128xf32, #tpu.memory_space<vmem>> -> memref<48x128xf32, #tpu.memory_space<vmem>>
      %dma_wait3A_832 = arith.constant 0 : i32
      %dma_wait3A_833 = tpu.memref_slice %arg22[%add3A_12, %dma_wait3A_832] : memref<10112x128xf32, #tpu.memory_space<vmem_shared>> -> memref<48x128xf32, #tpu.memory_space<vmem_shared>>
      %dma_wait3A_834 = arith.constant 0 : i32
      %dma_wait3A_835 = tpu.memref_slice %arg22[%add3A_12, %dma_wait3A_834] : memref<10112x128xf32, #tpu.memory_space<vmem_shared>> -> memref<48x128xf32, #tpu.memory_space<vmem_shared>>
      %dma_wait3A_836 = arith.constant 0 : i32
      %dma_wait3A_837 = arith.constant 0 : i32
      %dma_wait3A_838 = tpu.memref_slice %arg12[%dma_wait3A_836, %dma_wait3A_837] : memref<48x128xf32, #tpu.memory_space<vmem>> -> memref<48x128xf32, #tpu.memory_space<vmem>>
      tpu.wait_dma2 semaphore(%run_scoped3A : memref<!tpu.dma_semaphore, #tpu.memory_space<semaphore_mem>>) src(%dma_wait3A_838 : memref<48x128xf32, #tpu.memory_space<vmem>>) dst(%dma_wait3A_835 : memref<48x128xf32, #tpu.memory_space<vmem_shared>>)
      tpu.yield
    }) : () -> ()
    %mul3A_13 = arith.constant 632 : i32
    %mul3A_14 = arith.muli %arg1, %mul3A_13 : i32
    %add3A_15 = arith.constant 48 : i32
    %add3A_16 = arith.addi %mul3A_14, %add3A_15 : i32
    "tpu.region"() ({
      %run_scoped3A = tpu.sem_alloc : memref<!tpu.dma_semaphore, #tpu.memory_space<semaphore_mem>>
      %dma_start3A_819 = arith.constant 0 : i32
      %dma_start3A_820 = arith.constant 0 : i32
      %dma_start3A_821 = tpu.memref_slice %arg12[%dma_start3A_819, %dma_start3A_820] : memref<48x128xf32, #tpu.memory_space<vmem>> -> memref<48x128xf32, #tpu.memory_space<vmem>>
      %dma_start3A_822 = arith.constant 0 : i32
      %dma_start3A_823 = tpu.memref_slice %arg22[%add3A_16, %dma_start3A_822] : memref<10112x128xf32, #tpu.memory_space<vmem_shared>> -> memref<48x128xf32, #tpu.memory_space<vmem_shared>>
      %dma_start3A_824 = arith.constant 0 : i32
      %dma_start3A_825 = tpu.memref_slice %arg22[%add3A_16, %dma_start3A_824] : memref<10112x128xf32, #tpu.memory_space<vmem_shared>> -> memref<48x128xf32, #tpu.memory_space<vmem_shared>>
      %dma_start3A_826 = arith.constant 0 : i32
      %dma_start3A_827 = arith.constant 0 : i32
      %dma_start3A_828 = tpu.memref_slice %arg12[%dma_start3A_826, %dma_start3A_827] : memref<48x128xf32, #tpu.memory_space<vmem>> -> memref<48x128xf32, #tpu.memory_space<vmem>>
      tpu.enqueue_dma source(%dma_start3A_828 : memref<48x128xf32, #tpu.memory_space<vmem>>) target(%dma_start3A_825 : memref<48x128xf32, #tpu.memory_space<vmem_shared>>) target_semaphore(%run_scoped3A : memref<!tpu.dma_semaphore, #tpu.memory_space<semaphore_mem>>)
      %dma_wait3A_829 = arith.constant 0 : i32
      %dma_wait3A_830 = arith.constant 0 : i32
      %dma_wait3A_831 = tpu.memref_slice %arg12[%dma_wait3A_829, %dma_wait3A_830] : memref<48x128xf32, #tpu.memory_space<vmem>> -> memref<48x128xf32, #tpu.memory_space<vmem>>
      %dma_wait3A_832 = arith.constant 0 : i32
      %dma_wait3A_833 = tpu.memref_slice %arg22[%add3A_16, %dma_wait3A_832] : memref<10112x128xf32, #tpu.memory_space<vmem_shared>> -> memref<48x128xf32, #tpu.memory_space<vmem_shared>>
      %dma_wait3A_834 = arith.constant 0 : i32
      %dma_wait3A_835 = tpu.memref_slice %arg22[%add3A_16, %dma_wait3A_834] : memref<10112x128xf32, #tpu.memory_space<vmem_shared>> -> memref<48x128xf32, #tpu.memory_space<vmem_shared>>
      %dma_wait3A_836 = arith.constant 0 : i32
      %dma_wait3A_837 = arith.constant 0 : i32
      %dma_wait3A_838 = tpu.memref_slice %arg12[%dma_wait3A_836, %dma_wait3A_837] : memref<48x128xf32, #tpu.memory_space<vmem>> -> memref<48x128xf32, #tpu.memory_space<vmem>>
      tpu.wait_dma2 semaphore(%run_scoped3A : memref<!tpu.dma_semaphore, #tpu.memory_space<semaphore_mem>>) src(%dma_wait3A_838 : memref<48x128xf32, #tpu.memory_space<vmem>>) dst(%dma_wait3A_835 : memref<48x128xf32, #tpu.memory_space<vmem_shared>>)
      tpu.yield
    }) : () -> ()
    %mul3A_17 = arith.constant 632 : i32
    %mul3A_18 = arith.muli %arg1, %mul3A_17 : i32
    %add3A_19 = arith.constant 96 : i32
    %add3A_20 = arith.addi %mul3A_18, %add3A_19 : i32
    "tpu.region"() ({
      %run_scoped3A = tpu.sem_alloc : memref<!tpu.dma_semaphore, #tpu.memory_space<semaphore_mem>>
      %dma_start3A_819 = arith.constant 0 : i32
      %dma_start3A_820 = arith.constant 0 : i32
      %dma_start3A_821 = tpu.memref_slice %arg12[%dma_start3A_819, %dma_start3A_820] : memref<48x128xf32, #tpu.memory_space<vmem>> -> memref<48x128xf32, #tpu.memory_space<vmem>>
      %dma_start3A_822 = arith.constant 0 : i32
      %dma_start3A_823 = tpu.memref_slice %arg22[%add3A_20, %dma_start3A_822] : memref<10112x128xf32, #tpu.memory_space<vmem_shared>> -> memref<48x128xf32, #tpu.memory_space<vmem_shared>>
      %dma_start3A_824 = arith.constant 0 : i32
      %dma_start3A_825 = tpu.memref_slice %arg22[%add3A_20, %dma_start3A_824] : memref<10112x128xf32, #tpu.memory_space<vmem_shared>> -> memref<48x128xf32, #tpu.memory_space<vmem_shared>>
      %dma_start3A_826 = arith.constant 0 : i32
      %dma_start3A_827 = arith.constant 0 : i32
      %dma_start3A_828 = tpu.memref_slice %arg12[%dma_start3A_826, %dma_start3A_827] : memref<48x128xf32, #tpu.memory_space<vmem>> -> memref<48x128xf32, #tpu.memory_space<vmem>>
      tpu.enqueue_dma source(%dma_start3A_828 : memref<48x128xf32, #tpu.memory_space<vmem>>) target(%dma_start3A_825 : memref<48x128xf32, #tpu.memory_space<vmem_shared>>) target_semaphore(%run_scoped3A : memref<!tpu.dma_semaphore, #tpu.memory_space<semaphore_mem>>)
      %dma_wait3A_829 = arith.constant 0 : i32
      %dma_wait3A_830 = arith.constant 0 : i32
      %dma_wait3A_831 = tpu.memref_slice %arg12[%dma_wait3A_829, %dma_wait3A_830] : memref<48x128xf32, #tpu.memory_space<vmem>> -> memref<48x128xf32, #tpu.memory_space<vmem>>
      %dma_wait3A_832 = arith.constant 0 : i32
      %dma_wait3A_833 = tpu.memref_slice %arg22[%add3A_20, %dma_wait3A_832] : memref<10112x128xf32, #tpu.memory_space<vmem_shared>> -> memref<48x128xf32, #tpu.memory_space<vmem_shared>>
      %dma_wait3A_834 = arith.constant 0 : i32
      %dma_wait3A_835 = tpu.memref_slice %arg22[%add3A_20, %dma_wait3A_834] : memref<10112x128xf32, #tpu.memory_space<vmem_shared>> -> memref<48x128xf32, #tpu.memory_space<vmem_shared>>
      %dma_wait3A_836 = arith.constant 0 : i32
      %dma_wait3A_837 = arith.constant 0 : i32
      %dma_wait3A_838 = tpu.memref_slice %arg12[%dma_wait3A_836, %dma_wait3A_837] : memref<48x128xf32, #tpu.memory_space<vmem>> -> memref<48x128xf32, #tpu.memory_space<vmem>>
      tpu.wait_dma2 semaphore(%run_scoped3A : memref<!tpu.dma_semaphore, #tpu.memory_space<semaphore_mem>>) src(%dma_wait3A_838 : memref<48x128xf32, #tpu.memory_space<vmem>>) dst(%dma_wait3A_835 : memref<48x128xf32, #tpu.memory_space<vmem_shared>>)
      tpu.yield
    }) : () -> ()
    %mul3A_21 = arith.constant 632 : i32
    %mul3A_22 = arith.muli %arg1, %mul3A_21 : i32
    %add3A_23 = arith.constant 144 : i32
    %add3A_24 = arith.addi %mul3A_22, %add3A_23 : i32
    "tpu.region"() ({
      %run_scoped3A = tpu.sem_alloc : memref<!tpu.dma_semaphore, #tpu.memory_space<semaphore_mem>>
      %dma_start3A_819 = arith.constant 0 : i32
      %dma_start3A_820 = arith.constant 0 : i32
      %dma_start3A_821 = tpu.memref_slice %arg12[%dma_start3A_819, %dma_start3A_820] : memref<48x128xf32, #tpu.memory_space<vmem>> -> memref<48x128xf32, #tpu.memory_space<vmem>>
      %dma_start3A_822 = arith.constant 0 : i32
      %dma_start3A_823 = tpu.memref_slice %arg22[%add3A_24, %dma_start3A_822] : memref<10112x128xf32, #tpu.memory_space<vmem_shared>> -> memref<48x128xf32, #tpu.memory_space<vmem_shared>>
      %dma_start3A_824 = arith.constant 0 : i32
      %dma_start3A_825 = tpu.memref_slice %arg22[%add3A_24, %dma_start3A_824] : memref<10112x128xf32, #tpu.memory_space<vmem_shared>> -> memref<48x128xf32, #tpu.memory_space<vmem_shared>>
      %dma_start3A_826 = arith.constant 0 : i32
      %dma_start3A_827 = arith.constant 0 : i32
      %dma_start3A_828 = tpu.memref_slice %arg12[%dma_start3A_826, %dma_start3A_827] : memref<48x128xf32, #tpu.memory_space<vmem>> -> memref<48x128xf32, #tpu.memory_space<vmem>>
      tpu.enqueue_dma source(%dma_start3A_828 : memref<48x128xf32, #tpu.memory_space<vmem>>) target(%dma_start3A_825 : memref<48x128xf32, #tpu.memory_space<vmem_shared>>) target_semaphore(%run_scoped3A : memref<!tpu.dma_semaphore, #tpu.memory_space<semaphore_mem>>)
      %dma_wait3A_829 = arith.constant 0 : i32
      %dma_wait3A_830 = arith.constant 0 : i32
      %dma_wait3A_831 = tpu.memref_slice %arg12[%dma_wait3A_829, %dma_wait3A_830] : memref<48x128xf32, #tpu.memory_space<vmem>> -> memref<48x128xf32, #tpu.memory_space<vmem>>
      %dma_wait3A_832 = arith.constant 0 : i32
      %dma_wait3A_833 = tpu.memref_slice %arg22[%add3A_24, %dma_wait3A_832] : memref<10112x128xf32, #tpu.memory_space<vmem_shared>> -> memref<48x128xf32, #tpu.memory_space<vmem_shared>>
      %dma_wait3A_834 = arith.constant 0 : i32
      %dma_wait3A_835 = tpu.memref_slice %arg22[%add3A_24, %dma_wait3A_834] : memref<10112x128xf32, #tpu.memory_space<vmem_shared>> -> memref<48x128xf32, #tpu.memory_space<vmem_shared>>
      %dma_wait3A_836 = arith.constant 0 : i32
      %dma_wait3A_837 = arith.constant 0 : i32
      %dma_wait3A_838 = tpu.memref_slice %arg12[%dma_wait3A_836, %dma_wait3A_837] : memref<48x128xf32, #tpu.memory_space<vmem>> -> memref<48x128xf32, #tpu.memory_space<vmem>>
      tpu.wait_dma2 semaphore(%run_scoped3A : memref<!tpu.dma_semaphore, #tpu.memory_space<semaphore_mem>>) src(%dma_wait3A_838 : memref<48x128xf32, #tpu.memory_space<vmem>>) dst(%dma_wait3A_835 : memref<48x128xf32, #tpu.memory_space<vmem_shared>>)
      tpu.yield
    }) : () -> ()
    %mul3A_25 = arith.constant 632 : i32
    %mul3A_26 = arith.muli %arg1, %mul3A_25 : i32
    %add3A_27 = arith.constant 192 : i32
    %add3A_28 = arith.addi %mul3A_26, %add3A_27 : i32
    "tpu.region"() ({
      %run_scoped3A = tpu.sem_alloc : memref<!tpu.dma_semaphore, #tpu.memory_space<semaphore_mem>>
      %dma_start3A_819 = arith.constant 0 : i32
      %dma_start3A_820 = arith.constant 0 : i32
      %dma_start3A_821 = tpu.memref_slice %arg12[%dma_start3A_819, %dma_start3A_820] : memref<48x128xf32, #tpu.memory_space<vmem>> -> memref<48x128xf32, #tpu.memory_space<vmem>>
      %dma_start3A_822 = arith.constant 0 : i32
      %dma_start3A_823 = tpu.memref_slice %arg22[%add3A_28, %dma_start3A_822] : memref<10112x128xf32, #tpu.memory_space<vmem_shared>> -> memref<48x128xf32, #tpu.memory_space<vmem_shared>>
      %dma_start3A_824 = arith.constant 0 : i32
      %dma_start3A_825 = tpu.memref_slice %arg22[%add3A_28, %dma_start3A_824] : memref<10112x128xf32, #tpu.memory_space<vmem_shared>> -> memref<48x128xf32, #tpu.memory_space<vmem_shared>>
      %dma_start3A_826 = arith.constant 0 : i32
      %dma_start3A_827 = arith.constant 0 : i32
      %dma_start3A_828 = tpu.memref_slice %arg12[%dma_start3A_826, %dma_start3A_827] : memref<48x128xf32, #tpu.memory_space<vmem>> -> memref<48x128xf32, #tpu.memory_space<vmem>>
      tpu.enqueue_dma source(%dma_start3A_828 : memref<48x128xf32, #tpu.memory_space<vmem>>) target(%dma_start3A_825 : memref<48x128xf32, #tpu.memory_space<vmem_shared>>) target_semaphore(%run_scoped3A : memref<!tpu.dma_semaphore, #tpu.memory_space<semaphore_mem>>)
      %dma_wait3A_829 = arith.constant 0 : i32
      %dma_wait3A_830 = arith.constant 0 : i32
      %dma_wait3A_831 = tpu.memref_slice %arg12[%dma_wait3A_829, %dma_wait3A_830] : memref<48x128xf32, #tpu.memory_space<vmem>> -> memref<48x128xf32, #tpu.memory_space<vmem>>
      %dma_wait3A_832 = arith.constant 0 : i32
      %dma_wait3A_833 = tpu.memref_slice %arg22[%add3A_28, %dma_wait3A_832] : memref<10112x128xf32, #tpu.memory_space<vmem_shared>> -> memref<48x128xf32, #tpu.memory_space<vmem_shared>>
      %dma_wait3A_834 = arith.constant 0 : i32
      %dma_wait3A_835 = tpu.memref_slice %arg22[%add3A_28, %dma_wait3A_834] : memref<10112x128xf32, #tpu.memory_space<vmem_shared>> -> memref<48x128xf32, #tpu.memory_space<vmem_shared>>
      %dma_wait3A_836 = arith.constant 0 : i32
      %dma_wait3A_837 = arith.constant 0 : i32
      %dma_wait3A_838 = tpu.memref_slice %arg12[%dma_wait3A_836, %dma_wait3A_837] : memref<48x128xf32, #tpu.memory_space<vmem>> -> memref<48x128xf32, #tpu.memory_space<vmem>>
      tpu.wait_dma2 semaphore(%run_scoped3A : memref<!tpu.dma_semaphore, #tpu.memory_space<semaphore_mem>>) src(%dma_wait3A_838 : memref<48x128xf32, #tpu.memory_space<vmem>>) dst(%dma_wait3A_835 : memref<48x128xf32, #tpu.memory_space<vmem_shared>>)
      tpu.yield
    }) : () -> ()
    %mul3A_29 = arith.constant 632 : i32
    %mul3A_30 = arith.muli %arg1, %mul3A_29 : i32
    %add3A_31 = arith.constant 240 : i32
    %add3A_32 = arith.addi %mul3A_30, %add3A_31 : i32
    "tpu.region"() ({
      %run_scoped3A = tpu.sem_alloc : memref<!tpu.dma_semaphore, #tpu.memory_space<semaphore_mem>>
      %dma_start3A_819 = arith.constant 0 : i32
      %dma_start3A_820 = arith.constant 0 : i32
      %dma_start3A_821 = tpu.memref_slice %arg12[%dma_start3A_819, %dma_start3A_820] : memref<48x128xf32, #tpu.memory_space<vmem>> -> memref<48x128xf32, #tpu.memory_space<vmem>>
      %dma_start3A_822 = arith.constant 0 : i32
      %dma_start3A_823 = tpu.memref_slice %arg22[%add3A_32, %dma_start3A_822] : memref<10112x128xf32, #tpu.memory_space<vmem_shared>> -> memref<48x128xf32, #tpu.memory_space<vmem_shared>>
      %dma_start3A_824 = arith.constant 0 : i32
      %dma_start3A_825 = tpu.memref_slice %arg22[%add3A_32, %dma_start3A_824] : memref<10112x128xf32, #tpu.memory_space<vmem_shared>> -> memref<48x128xf32, #tpu.memory_space<vmem_shared>>
      %dma_start3A_826 = arith.constant 0 : i32
      %dma_start3A_827 = arith.constant 0 : i32
      %dma_start3A_828 = tpu.memref_slice %arg12[%dma_start3A_826, %dma_start3A_827] : memref<48x128xf32, #tpu.memory_space<vmem>> -> memref<48x128xf32, #tpu.memory_space<vmem>>
      tpu.enqueue_dma source(%dma_start3A_828 : memref<48x128xf32, #tpu.memory_space<vmem>>) target(%dma_start3A_825 : memref<48x128xf32, #tpu.memory_space<vmem_shared>>) target_semaphore(%run_scoped3A : memref<!tpu.dma_semaphore, #tpu.memory_space<semaphore_mem>>)
      %dma_wait3A_829 = arith.constant 0 : i32
      %dma_wait3A_830 = arith.constant 0 : i32
      %dma_wait3A_831 = tpu.memref_slice %arg12[%dma_wait3A_829, %dma_wait3A_830] : memref<48x128xf32, #tpu.memory_space<vmem>> -> memref<48x128xf32, #tpu.memory_space<vmem>>
      %dma_wait3A_832 = arith.constant 0 : i32
      %dma_wait3A_833 = tpu.memref_slice %arg22[%add3A_32, %dma_wait3A_832] : memref<10112x128xf32, #tpu.memory_space<vmem_shared>> -> memref<48x128xf32, #tpu.memory_space<vmem_shared>>
      %dma_wait3A_834 = arith.constant 0 : i32
      %dma_wait3A_835 = tpu.memref_slice %arg22[%add3A_32, %dma_wait3A_834] : memref<10112x128xf32, #tpu.memory_space<vmem_shared>> -> memref<48x128xf32, #tpu.memory_space<vmem_shared>>
      %dma_wait3A_836 = arith.constant 0 : i32
      %dma_wait3A_837 = arith.constant 0 : i32
      %dma_wait3A_838 = tpu.memref_slice %arg12[%dma_wait3A_836, %dma_wait3A_837] : memref<48x128xf32, #tpu.memory_space<vmem>> -> memref<48x128xf32, #tpu.memory_space<vmem>>
      tpu.wait_dma2 semaphore(%run_scoped3A : memref<!tpu.dma_semaphore, #tpu.memory_space<semaphore_mem>>) src(%dma_wait3A_838 : memref<48x128xf32, #tpu.memory_space<vmem>>) dst(%dma_wait3A_835 : memref<48x128xf32, #tpu.memory_space<vmem_shared>>)
      tpu.yield
    }) : () -> ()
    %mul3A_33 = arith.constant 632 : i32
    %mul3A_34 = arith.muli %arg1, %mul3A_33 : i32
    %add3A_35 = arith.constant 288 : i32
    %add3A_36 = arith.addi %mul3A_34, %add3A_35 : i32
    "tpu.region"() ({
      %run_scoped3A = tpu.sem_alloc : memref<!tpu.dma_semaphore, #tpu.memory_space<semaphore_mem>>
      %dma_start3A_819 = arith.constant 0 : i32
      %dma_start3A_820 = arith.constant 0 : i32
      %dma_start3A_821 = tpu.memref_slice %arg12[%dma_start3A_819, %dma_start3A_820] : memref<48x128xf32, #tpu.memory_space<vmem>> -> memref<48x128xf32, #tpu.memory_space<vmem>>
      %dma_start3A_822 = arith.constant 0 : i32
      %dma_start3A_823 = tpu.memref_slice %arg22[%add3A_36, %dma_start3A_822] : memref<10112x128xf32, #tpu.memory_space<vmem_shared>> -> memref<48x128xf32, #tpu.memory_space<vmem_shared>>
      %dma_start3A_824 = arith.constant 0 : i32
      %dma_start3A_825 = tpu.memref_slice %arg22[%add3A_36, %dma_start3A_824] : memref<10112x128xf32, #tpu.memory_space<vmem_shared>> -> memref<48x128xf32, #tpu.memory_space<vmem_shared>>
      %dma_start3A_826 = arith.constant 0 : i32
      %dma_start3A_827 = arith.constant 0 : i32
      %dma_start3A_828 = tpu.memref_slice %arg12[%dma_start3A_826, %dma_start3A_827] : memref<48x128xf32, #tpu.memory_space<vmem>> -> memref<48x128xf32, #tpu.memory_space<vmem>>
      tpu.enqueue_dma source(%dma_start3A_828 : memref<48x128xf32, #tpu.memory_space<vmem>>) target(%dma_start3A_825 : memref<48x128xf32, #tpu.memory_space<vmem_shared>>) target_semaphore(%run_scoped3A : memref<!tpu.dma_semaphore, #tpu.memory_space<semaphore_mem>>)
      %dma_wait3A_829 = arith.constant 0 : i32
      %dma_wait3A_830 = arith.constant 0 : i32
      %dma_wait3A_831 = tpu.memref_slice %arg12[%dma_wait3A_829, %dma_wait3A_830] : memref<48x128xf32, #tpu.memory_space<vmem>> -> memref<48x128xf32, #tpu.memory_space<vmem>>
      %dma_wait3A_832 = arith.constant 0 : i32
      %dma_wait3A_833 = tpu.memref_slice %arg22[%add3A_36, %dma_wait3A_832] : memref<10112x128xf32, #tpu.memory_space<vmem_shared>> -> memref<48x128xf32, #tpu.memory_space<vmem_shared>>
      %dma_wait3A_834 = arith.constant 0 : i32
      %dma_wait3A_835 = tpu.memref_slice %arg22[%add3A_36, %dma_wait3A_834] : memref<10112x128xf32, #tpu.memory_space<vmem_shared>> -> memref<48x128xf32, #tpu.memory_space<vmem_shared>>
      %dma_wait3A_836 = arith.constant 0 : i32
      %dma_wait3A_837 = arith.constant 0 : i32
      %dma_wait3A_838 = tpu.memref_slice %arg12[%dma_wait3A_836, %dma_wait3A_837] : memref<48x128xf32, #tpu.memory_space<vmem>> -> memref<48x128xf32, #tpu.memory_space<vmem>>
      tpu.wait_dma2 semaphore(%run_scoped3A : memref<!tpu.dma_semaphore, #tpu.memory_space<semaphore_mem>>) src(%dma_wait3A_838 : memref<48x128xf32, #tpu.memory_space<vmem>>) dst(%dma_wait3A_835 : memref<48x128xf32, #tpu.memory_space<vmem_shared>>)
      tpu.yield
    }) : () -> ()
    %mul3A_37 = arith.constant 632 : i32
    %mul3A_38 = arith.muli %arg1, %mul3A_37 : i32
    %add3A_39 = arith.constant 336 : i32
    %add3A_40 = arith.addi %mul3A_38, %add3A_39 : i32
    "tpu.region"() ({
      %run_scoped3A = tpu.sem_alloc : memref<!tpu.dma_semaphore, #tpu.memory_space<semaphore_mem>>
      %dma_start3A_819 = arith.constant 0 : i32
      %dma_start3A_820 = arith.constant 0 : i32
      %dma_start3A_821 = tpu.memref_slice %arg12[%dma_start3A_819, %dma_start3A_820] : memref<48x128xf32, #tpu.memory_space<vmem>> -> memref<48x128xf32, #tpu.memory_space<vmem>>
      %dma_start3A_822 = arith.constant 0 : i32
      %dma_start3A_823 = tpu.memref_slice %arg22[%add3A_40, %dma_start3A_822] : memref<10112x128xf32, #tpu.memory_space<vmem_shared>> -> memref<48x128xf32, #tpu.memory_space<vmem_shared>>
      %dma_start3A_824 = arith.constant 0 : i32
      %dma_start3A_825 = tpu.memref_slice %arg22[%add3A_40, %dma_start3A_824] : memref<10112x128xf32, #tpu.memory_space<vmem_shared>> -> memref<48x128xf32, #tpu.memory_space<vmem_shared>>
      %dma_start3A_826 = arith.constant 0 : i32
      %dma_start3A_827 = arith.constant 0 : i32
      %dma_start3A_828 = tpu.memref_slice %arg12[%dma_start3A_826, %dma_start3A_827] : memref<48x128xf32, #tpu.memory_space<vmem>> -> memref<48x128xf32, #tpu.memory_space<vmem>>
      tpu.enqueue_dma source(%dma_start3A_828 : memref<48x128xf32, #tpu.memory_space<vmem>>) target(%dma_start3A_825 : memref<48x128xf32, #tpu.memory_space<vmem_shared>>) target_semaphore(%run_scoped3A : memref<!tpu.dma_semaphore, #tpu.memory_space<semaphore_mem>>)
      %dma_wait3A_829 = arith.constant 0 : i32
      %dma_wait3A_830 = arith.constant 0 : i32
      %dma_wait3A_831 = tpu.memref_slice %arg12[%dma_wait3A_829, %dma_wait3A_830] : memref<48x128xf32, #tpu.memory_space<vmem>> -> memref<48x128xf32, #tpu.memory_space<vmem>>
      %dma_wait3A_832 = arith.constant 0 : i32
      %dma_wait3A_833 = tpu.memref_slice %arg22[%add3A_40, %dma_wait3A_832] : memref<10112x128xf32, #tpu.memory_space<vmem_shared>> -> memref<48x128xf32, #tpu.memory_space<vmem_shared>>
      %dma_wait3A_834 = arith.constant 0 : i32
      %dma_wait3A_835 = tpu.memref_slice %arg22[%add3A_40, %dma_wait3A_834] : memref<10112x128xf32, #tpu.memory_space<vmem_shared>> -> memref<48x128xf32, #tpu.memory_space<vmem_shared>>
      %dma_wait3A_836 = arith.constant 0 : i32
      %dma_wait3A_837 = arith.constant 0 : i32
      %dma_wait3A_838 = tpu.memref_slice %arg12[%dma_wait3A_836, %dma_wait3A_837] : memref<48x128xf32, #tpu.memory_space<vmem>> -> memref<48x128xf32, #tpu.memory_space<vmem>>
      tpu.wait_dma2 semaphore(%run_scoped3A : memref<!tpu.dma_semaphore, #tpu.memory_space<semaphore_mem>>) src(%dma_wait3A_838 : memref<48x128xf32, #tpu.memory_space<vmem>>) dst(%dma_wait3A_835 : memref<48x128xf32, #tpu.memory_space<vmem_shared>>)
      tpu.yield
    }) : () -> ()
    %mul3A_41 = arith.constant 632 : i32
    %mul3A_42 = arith.muli %arg1, %mul3A_41 : i32
    %add3A_43 = arith.constant 384 : i32
    %add3A_44 = arith.addi %mul3A_42, %add3A_43 : i32
    "tpu.region"() ({
      %run_scoped3A = tpu.sem_alloc : memref<!tpu.dma_semaphore, #tpu.memory_space<semaphore_mem>>
      %dma_start3A_819 = arith.constant 0 : i32
      %dma_start3A_820 = arith.constant 0 : i32
      %dma_start3A_821 = tpu.memref_slice %arg12[%dma_start3A_819, %dma_start3A_820] : memref<48x128xf32, #tpu.memory_space<vmem>> -> memref<48x128xf32, #tpu.memory_space<vmem>>
      %dma_start3A_822 = arith.constant 0 : i32
      %dma_start3A_823 = tpu.memref_slice %arg22[%add3A_44, %dma_start3A_822] : memref<10112x128xf32, #tpu.memory_space<vmem_shared>> -> memref<48x128xf32, #tpu.memory_space<vmem_shared>>
      %dma_start3A_824 = arith.constant 0 : i32
      %dma_start3A_825 = tpu.memref_slice %arg22[%add3A_44, %dma_start3A_824] : memref<10112x128xf32, #tpu.memory_space<vmem_shared>> -> memref<48x128xf32, #tpu.memory_space<vmem_shared>>
      %dma_start3A_826 = arith.constant 0 : i32
      %dma_start3A_827 = arith.constant 0 : i32
      %dma_start3A_828 = tpu.memref_slice %arg12[%dma_start3A_826, %dma_start3A_827] : memref<48x128xf32, #tpu.memory_space<vmem>> -> memref<48x128xf32, #tpu.memory_space<vmem>>
      tpu.enqueue_dma source(%dma_start3A_828 : memref<48x128xf32, #tpu.memory_space<vmem>>) target(%dma_start3A_825 : memref<48x128xf32, #tpu.memory_space<vmem_shared>>) target_semaphore(%run_scoped3A : memref<!tpu.dma_semaphore, #tpu.memory_space<semaphore_mem>>)
      %dma_wait3A_829 = arith.constant 0 : i32
      %dma_wait3A_830 = arith.constant 0 : i32
      %dma_wait3A_831 = tpu.memref_slice %arg12[%dma_wait3A_829, %dma_wait3A_830] : memref<48x128xf32, #tpu.memory_space<vmem>> -> memref<48x128xf32, #tpu.memory_space<vmem>>
      %dma_wait3A_832 = arith.constant 0 : i32
      %dma_wait3A_833 = tpu.memref_slice %arg22[%add3A_44, %dma_wait3A_832] : memref<10112x128xf32, #tpu.memory_space<vmem_shared>> -> memref<48x128xf32, #tpu.memory_space<vmem_shared>>
      %dma_wait3A_834 = arith.constant 0 : i32
      %dma_wait3A_835 = tpu.memref_slice %arg22[%add3A_44, %dma_wait3A_834] : memref<10112x128xf32, #tpu.memory_space<vmem_shared>> -> memref<48x128xf32, #tpu.memory_space<vmem_shared>>
      %dma_wait3A_836 = arith.constant 0 : i32
      %dma_wait3A_837 = arith.constant 0 : i32
      %dma_wait3A_838 = tpu.memref_slice %arg12[%dma_wait3A_836, %dma_wait3A_837] : memref<48x128xf32, #tpu.memory_space<vmem>> -> memref<48x128xf32, #tpu.memory_space<vmem>>
      tpu.wait_dma2 semaphore(%run_scoped3A : memref<!tpu.dma_semaphore, #tpu.memory_space<semaphore_mem>>) src(%dma_wait3A_838 : memref<48x128xf32, #tpu.memory_space<vmem>>) dst(%dma_wait3A_835 : memref<48x128xf32, #tpu.memory_space<vmem_shared>>)
      tpu.yield
    }) : () -> ()
    %mul3A_45 = arith.constant 632 : i32
    %mul3A_46 = arith.muli %arg1, %mul3A_45 : i32
    %add3A_47 = arith.constant 432 : i32
    %add3A_48 = arith.addi %mul3A_46, %add3A_47 : i32
    "tpu.region"() ({
      %run_scoped3A = tpu.sem_alloc : memref<!tpu.dma_semaphore, #tpu.memory_space<semaphore_mem>>
      %dma_start3A_819 = arith.constant 0 : i32
      %dma_start3A_820 = arith.constant 0 : i32
      %dma_start3A_821 = tpu.memref_slice %arg12[%dma_start3A_819, %dma_start3A_820] : memref<48x128xf32, #tpu.memory_space<vmem>> -> memref<48x128xf32, #tpu.memory_space<vmem>>
      %dma_start3A_822 = arith.constant 0 : i32
      %dma_start3A_823 = tpu.memref_slice %arg22[%add3A_48, %dma_start3A_822] : memref<10112x128xf32, #tpu.memory_space<vmem_shared>> -> memref<48x128xf32, #tpu.memory_space<vmem_shared>>
      %dma_start3A_824 = arith.constant 0 : i32
      %dma_start3A_825 = tpu.memref_slice %arg22[%add3A_48, %dma_start3A_824] : memref<10112x128xf32, #tpu.memory_space<vmem_shared>> -> memref<48x128xf32, #tpu.memory_space<vmem_shared>>
      %dma_start3A_826 = arith.constant 0 : i32
      %dma_start3A_827 = arith.constant 0 : i32
      %dma_start3A_828 = tpu.memref_slice %arg12[%dma_start3A_826, %dma_start3A_827] : memref<48x128xf32, #tpu.memory_space<vmem>> -> memref<48x128xf32, #tpu.memory_space<vmem>>
      tpu.enqueue_dma source(%dma_start3A_828 : memref<48x128xf32, #tpu.memory_space<vmem>>) target(%dma_start3A_825 : memref<48x128xf32, #tpu.memory_space<vmem_shared>>) target_semaphore(%run_scoped3A : memref<!tpu.dma_semaphore, #tpu.memory_space<semaphore_mem>>)
      %dma_wait3A_829 = arith.constant 0 : i32
      %dma_wait3A_830 = arith.constant 0 : i32
      %dma_wait3A_831 = tpu.memref_slice %arg12[%dma_wait3A_829, %dma_wait3A_830] : memref<48x128xf32, #tpu.memory_space<vmem>> -> memref<48x128xf32, #tpu.memory_space<vmem>>
      %dma_wait3A_832 = arith.constant 0 : i32
      %dma_wait3A_833 = tpu.memref_slice %arg22[%add3A_48, %dma_wait3A_832] : memref<10112x128xf32, #tpu.memory_space<vmem_shared>> -> memref<48x128xf32, #tpu.memory_space<vmem_shared>>
      %dma_wait3A_834 = arith.constant 0 : i32
      %dma_wait3A_835 = tpu.memref_slice %arg22[%add3A_48, %dma_wait3A_834] : memref<10112x128xf32, #tpu.memory_space<vmem_shared>> -> memref<48x128xf32, #tpu.memory_space<vmem_shared>>
      %dma_wait3A_836 = arith.constant 0 : i32
      %dma_wait3A_837 = arith.constant 0 : i32
      %dma_wait3A_838 = tpu.memref_slice %arg12[%dma_wait3A_836, %dma_wait3A_837] : memref<48x128xf32, #tpu.memory_space<vmem>> -> memref<48x128xf32, #tpu.memory_space<vmem>>
      tpu.wait_dma2 semaphore(%run_scoped3A : memref<!tpu.dma_semaphore, #tpu.memory_space<semaphore_mem>>) src(%dma_wait3A_838 : memref<48x128xf32, #tpu.memory_space<vmem>>) dst(%dma_wait3A_835 : memref<48x128xf32, #tpu.memory_space<vmem_shared>>)
      tpu.yield
    }) : () -> ()
    %mul3A_49 = arith.constant 632 : i32
    %mul3A_50 = arith.muli %arg1, %mul3A_49 : i32
    %add3A_51 = arith.constant 480 : i32
    %add3A_52 = arith.addi %mul3A_50, %add3A_51 : i32
    "tpu.region"() ({
      %run_scoped3A = tpu.sem_alloc : memref<!tpu.dma_semaphore, #tpu.memory_space<semaphore_mem>>
      %dma_start3A_819 = arith.constant 0 : i32
      %dma_start3A_820 = arith.constant 0 : i32
      %dma_start3A_821 = tpu.memref_slice %arg12[%dma_start3A_819, %dma_start3A_820] : memref<48x128xf32, #tpu.memory_space<vmem>> -> memref<48x128xf32, #tpu.memory_space<vmem>>
      %dma_start3A_822 = arith.constant 0 : i32
      %dma_start3A_823 = tpu.memref_slice %arg22[%add3A_52, %dma_start3A_822] : memref<10112x128xf32, #tpu.memory_space<vmem_shared>> -> memref<48x128xf32, #tpu.memory_space<vmem_shared>>
      %dma_start3A_824 = arith.constant 0 : i32
      %dma_start3A_825 = tpu.memref_slice %arg22[%add3A_52, %dma_start3A_824] : memref<10112x128xf32, #tpu.memory_space<vmem_shared>> -> memref<48x128xf32, #tpu.memory_space<vmem_shared>>
      %dma_start3A_826 = arith.constant 0 : i32
      %dma_start3A_827 = arith.constant 0 : i32
      %dma_start3A_828 = tpu.memref_slice %arg12[%dma_start3A_826, %dma_start3A_827] : memref<48x128xf32, #tpu.memory_space<vmem>> -> memref<48x128xf32, #tpu.memory_space<vmem>>
      tpu.enqueue_dma source(%dma_start3A_828 : memref<48x128xf32, #tpu.memory_space<vmem>>) target(%dma_start3A_825 : memref<48x128xf32, #tpu.memory_space<vmem_shared>>) target_semaphore(%run_scoped3A : memref<!tpu.dma_semaphore, #tpu.memory_space<semaphore_mem>>)
      %dma_wait3A_829 = arith.constant 0 : i32
      %dma_wait3A_830 = arith.constant 0 : i32
      %dma_wait3A_831 = tpu.memref_slice %arg12[%dma_wait3A_829, %dma_wait3A_830] : memref<48x128xf32, #tpu.memory_space<vmem>> -> memref<48x128xf32, #tpu.memory_space<vmem>>
      %dma_wait3A_832 = arith.constant 0 : i32
      %dma_wait3A_833 = tpu.memref_slice %arg22[%add3A_52, %dma_wait3A_832] : memref<10112x128xf32, #tpu.memory_space<vmem_shared>> -> memref<48x128xf32, #tpu.memory_space<vmem_shared>>
      %dma_wait3A_834 = arith.constant 0 : i32
      %dma_wait3A_835 = tpu.memref_slice %arg22[%add3A_52, %dma_wait3A_834] : memref<10112x128xf32, #tpu.memory_space<vmem_shared>> -> memref<48x128xf32, #tpu.memory_space<vmem_shared>>
      %dma_wait3A_836 = arith.constant 0 : i32
      %dma_wait3A_837 = arith.constant 0 : i32
      %dma_wait3A_838 = tpu.memref_slice %arg12[%dma_wait3A_836, %dma_wait3A_837] : memref<48x128xf32, #tpu.memory_space<vmem>> -> memref<48x128xf32, #tpu.memory_space<vmem>>
      tpu.wait_dma2 semaphore(%run_scoped3A : memref<!tpu.dma_semaphore, #tpu.memory_space<semaphore_mem>>) src(%dma_wait3A_838 : memref<48x128xf32, #tpu.memory_space<vmem>>) dst(%dma_wait3A_835 : memref<48x128xf32, #tpu.memory_space<vmem_shared>>)
      tpu.yield
    }) : () -> ()
    %mul3A_53 = arith.constant 632 : i32
    %mul3A_54 = arith.muli %arg1, %mul3A_53 : i32
    %add3A_55 = arith.constant 528 : i32
    %add3A_56 = arith.addi %mul3A_54, %add3A_55 : i32
    "tpu.region"() ({
      %run_scoped3A = tpu.sem_alloc : memref<!tpu.dma_semaphore, #tpu.memory_space<semaphore_mem>>
      %dma_start3A_819 = arith.constant 0 : i32
      %dma_start3A_820 = arith.constant 0 : i32
      %dma_start3A_821 = tpu.memref_slice %arg12[%dma_start3A_819, %dma_start3A_820] : memref<48x128xf32, #tpu.memory_space<vmem>> -> memref<48x128xf32, #tpu.memory_space<vmem>>
      %dma_start3A_822 = arith.constant 0 : i32
      %dma_start3A_823 = tpu.memref_slice %arg22[%add3A_56, %dma_start3A_822] : memref<10112x128xf32, #tpu.memory_space<vmem_shared>> -> memref<48x128xf32, #tpu.memory_space<vmem_shared>>
      %dma_start3A_824 = arith.constant 0 : i32
      %dma_start3A_825 = tpu.memref_slice %arg22[%add3A_56, %dma_start3A_824] : memref<10112x128xf32, #tpu.memory_space<vmem_shared>> -> memref<48x128xf32, #tpu.memory_space<vmem_shared>>
      %dma_start3A_826 = arith.constant 0 : i32
      %dma_start3A_827 = arith.constant 0 : i32
      %dma_start3A_828 = tpu.memref_slice %arg12[%dma_start3A_826, %dma_start3A_827] : memref<48x128xf32, #tpu.memory_space<vmem>> -> memref<48x128xf32, #tpu.memory_space<vmem>>
      tpu.enqueue_dma source(%dma_start3A_828 : memref<48x128xf32, #tpu.memory_space<vmem>>) target(%dma_start3A_825 : memref<48x128xf32, #tpu.memory_space<vmem_shared>>) target_semaphore(%run_scoped3A : memref<!tpu.dma_semaphore, #tpu.memory_space<semaphore_mem>>)
      %dma_wait3A_829 = arith.constant 0 : i32
      %dma_wait3A_830 = arith.constant 0 : i32
      %dma_wait3A_831 = tpu.memref_slice %arg12[%dma_wait3A_829, %dma_wait3A_830] : memref<48x128xf32, #tpu.memory_space<vmem>> -> memref<48x128xf32, #tpu.memory_space<vmem>>
      %dma_wait3A_832 = arith.constant 0 : i32
      %dma_wait3A_833 = tpu.memref_slice %arg22[%add3A_56, %dma_wait3A_832] : memref<10112x128xf32, #tpu.memory_space<vmem_shared>> -> memref<48x128xf32, #tpu.memory_space<vmem_shared>>
      %dma_wait3A_834 = arith.constant 0 : i32
      %dma_wait3A_835 = tpu.memref_slice %arg22[%add3A_56, %dma_wait3A_834] : memref<10112x128xf32, #tpu.memory_space<vmem_shared>> -> memref<48x128xf32, #tpu.memory_space<vmem_shared>>
      %dma_wait3A_836 = arith.constant 0 : i32
      %dma_wait3A_837 = arith.constant 0 : i32
      %dma_wait3A_838 = tpu.memref_slice %arg12[%dma_wait3A_836, %dma_wait3A_837] : memref<48x128xf32, #tpu.memory_space<vmem>> -> memref<48x128xf32, #tpu.memory_space<vmem>>
      tpu.wait_dma2 semaphore(%run_scoped3A : memref<!tpu.dma_semaphore, #tpu.memory_space<semaphore_mem>>) src(%dma_wait3A_838 : memref<48x128xf32, #tpu.memory_space<vmem>>) dst(%dma_wait3A_835 : memref<48x128xf32, #tpu.memory_space<vmem_shared>>)
      tpu.yield
    }) : () -> ()
    %mul3A_57 = arith.constant 632 : i32
    %mul3A_58 = arith.muli %arg1, %mul3A_57 : i32
    %add3A_59 = arith.constant 576 : i32
    %add3A_60 = arith.addi %mul3A_58, %add3A_59 : i32
    "tpu.region"() ({
      %run_scoped3A = tpu.sem_alloc : memref<!tpu.dma_semaphore, #tpu.memory_space<semaphore_mem>>
      %dma_start3A_819 = arith.constant 0 : i32
      %dma_start3A_820 = arith.constant 0 : i32
      %dma_start3A_821 = tpu.memref_slice %arg12[%dma_start3A_819, %dma_start3A_820] : memref<48x128xf32, #tpu.memory_space<vmem>> -> memref<48x128xf32, #tpu.memory_space<vmem>>
      %dma_start3A_822 = arith.constant 0 : i32
      %dma_start3A_823 = tpu.memref_slice %arg22[%add3A_60, %dma_start3A_822] : memref<10112x128xf32, #tpu.memory_space<vmem_shared>> -> memref<48x128xf32, #tpu.memory_space<vmem_shared>>
      %dma_start3A_824 = arith.constant 0 : i32
      %dma_start3A_825 = tpu.memref_slice %arg22[%add3A_60, %dma_start3A_824] : memref<10112x128xf32, #tpu.memory_space<vmem_shared>> -> memref<48x128xf32, #tpu.memory_space<vmem_shared>>
      %dma_start3A_826 = arith.constant 0 : i32
      %dma_start3A_827 = arith.constant 0 : i32
      %dma_start3A_828 = tpu.memref_slice %arg12[%dma_start3A_826, %dma_start3A_827] : memref<48x128xf32, #tpu.memory_space<vmem>> -> memref<48x128xf32, #tpu.memory_space<vmem>>
      tpu.enqueue_dma source(%dma_start3A_828 : memref<48x128xf32, #tpu.memory_space<vmem>>) target(%dma_start3A_825 : memref<48x128xf32, #tpu.memory_space<vmem_shared>>) target_semaphore(%run_scoped3A : memref<!tpu.dma_semaphore, #tpu.memory_space<semaphore_mem>>)
      %dma_wait3A_829 = arith.constant 0 : i32
      %dma_wait3A_830 = arith.constant 0 : i32
      %dma_wait3A_831 = tpu.memref_slice %arg12[%dma_wait3A_829, %dma_wait3A_830] : memref<48x128xf32, #tpu.memory_space<vmem>> -> memref<48x128xf32, #tpu.memory_space<vmem>>
      %dma_wait3A_832 = arith.constant 0 : i32
      %dma_wait3A_833 = tpu.memref_slice %arg22[%add3A_60, %dma_wait3A_832] : memref<10112x128xf32, #tpu.memory_space<vmem_shared>> -> memref<48x128xf32, #tpu.memory_space<vmem_shared>>
      %dma_wait3A_834 = arith.constant 0 : i32
      %dma_wait3A_835 = tpu.memref_slice %arg22[%add3A_60, %dma_wait3A_834] : memref<10112x128xf32, #tpu.memory_space<vmem_shared>> -> memref<48x128xf32, #tpu.memory_space<vmem_shared>>
      %dma_wait3A_836 = arith.constant 0 : i32
      %dma_wait3A_837 = arith.constant 0 : i32
      %dma_wait3A_838 = tpu.memref_slice %arg12[%dma_wait3A_836, %dma_wait3A_837] : memref<48x128xf32, #tpu.memory_space<vmem>> -> memref<48x128xf32, #tpu.memory_space<vmem>>
      tpu.wait_dma2 semaphore(%run_scoped3A : memref<!tpu.dma_semaphore, #tpu.memory_space<semaphore_mem>>) src(%dma_wait3A_838 : memref<48x128xf32, #tpu.memory_space<vmem>>) dst(%dma_wait3A_835 : memref<48x128xf32, #tpu.memory_space<vmem_shared>>)
      tpu.yield
    }) : () -> ()
    %mul3A_61 = arith.constant 632 : i32
    %mul3A_62 = arith.muli %arg1, %mul3A_61 : i32
    %add3A_63 = arith.constant 624 : i32
    %add3A_64 = arith.addi %mul3A_62, %add3A_63 : i32
    "tpu.region"() ({
      %run_scoped3A = tpu.sem_alloc : memref<!tpu.dma_semaphore, #tpu.memory_space<semaphore_mem>>
      %dma_start3A_819 = arith.constant 0 : i32
      %dma_start3A_820 = arith.constant 0 : i32
      %dma_start3A_821 = tpu.memref_slice %arg12[%dma_start3A_819, %dma_start3A_820] : memref<48x128xf32, #tpu.memory_space<vmem>> -> memref<8x128xf32, #tpu.memory_space<vmem>>
      %dma_start3A_822 = arith.constant 0 : i32
      %dma_start3A_823 = tpu.memref_slice %arg22[%add3A_64, %dma_start3A_822] : memref<10112x128xf32, #tpu.memory_space<vmem_shared>> -> memref<8x128xf32, #tpu.memory_space<vmem_shared>>
      %dma_start3A_824 = arith.constant 0 : i32
      %dma_start3A_825 = tpu.memref_slice %arg22[%add3A_64, %dma_start3A_824] : memref<10112x128xf32, #tpu.memory_space<vmem_shared>> -> memref<8x128xf32, #tpu.memory_space<vmem_shared>>
      %dma_start3A_826 = arith.constant 0 : i32
      %dma_start3A_827 = arith.constant 0 : i32
      %dma_start3A_828 = tpu.memref_slice %arg12[%dma_start3A_826, %dma_start3A_827] : memref<48x128xf32, #tpu.memory_space<vmem>> -> memref<8x128xf32, #tpu.memory_space<vmem>>
      tpu.enqueue_dma source(%dma_start3A_828 : memref<8x128xf32, #tpu.memory_space<vmem>>) target(%dma_start3A_825 : memref<8x128xf32, #tpu.memory_space<vmem_shared>>) target_semaphore(%run_scoped3A : memref<!tpu.dma_semaphore, #tpu.memory_space<semaphore_mem>>)
      %dma_wait3A_829 = arith.constant 0 : i32
      %dma_wait3A_830 = arith.constant 0 : i32
      %dma_wait3A_831 = tpu.memref_slice %arg12[%dma_wait3A_829, %dma_wait3A_830] : memref<48x128xf32, #tpu.memory_space<vmem>> -> memref<8x128xf32, #tpu.memory_space<vmem>>
      %dma_wait3A_832 = arith.constant 0 : i32
      %dma_wait3A_833 = tpu.memref_slice %arg22[%add3A_64, %dma_wait3A_832] : memref<10112x128xf32, #tpu.memory_space<vmem_shared>> -> memref<8x128xf32, #tpu.memory_space<vmem_shared>>
      %dma_wait3A_834 = arith.constant 0 : i32
      %dma_wait3A_835 = tpu.memref_slice %arg22[%add3A_64, %dma_wait3A_834] : memref<10112x128xf32, #tpu.memory_space<vmem_shared>> -> memref<8x128xf32, #tpu.memory_space<vmem_shared>>
      %dma_wait3A_836 = arith.constant 0 : i32
      %dma_wait3A_837 = arith.constant 0 : i32
      %dma_wait3A_838 = tpu.memref_slice %arg12[%dma_wait3A_836, %dma_wait3A_837] : memref<48x128xf32, #tpu.memory_space<vmem>> -> memref<8x128xf32, #tpu.memory_space<vmem>>
      tpu.wait_dma2 semaphore(%run_scoped3A : memref<!tpu.dma_semaphore, #tpu.memory_space<semaphore_mem>>) src(%dma_wait3A_838 : memref<8x128xf32, #tpu.memory_space<vmem>>) dst(%dma_wait3A_835 : memref<8x128xf32, #tpu.memory_space<vmem_shared>>)
      tpu.yield
    }) : () -> ()
    %barrier3A = arith.constant 0 : index
    tpu.barrier barrier_id(%barrier3A)
    "tpu.region"() ({
      %run_scoped3A = tpu.sem_alloc : memref<!tpu.dma_semaphore, #tpu.memory_space<semaphore_mem>>
      tpu.enqueue_dma source(%arg6 : memref<2x128xf32, #tpu.memory_space<hbm>>) target(%arg21 : memref<2x128xf32, #tpu.memory_space<vmem>>) target_semaphore(%run_scoped3A : memref<!tpu.dma_semaphore, #tpu.memory_space<semaphore_mem>>)
      tpu.wait_dma2 semaphore(%run_scoped3A : memref<!tpu.dma_semaphore, #tpu.memory_space<semaphore_mem>>) src(%arg6 : memref<2x128xf32, #tpu.memory_space<hbm>>) dst(%arg21 : memref<2x128xf32, #tpu.memory_space<vmem>>)
      tpu.yield
    }) : () -> ()
    %get3A = arith.constant 0 : i32
    %get3A_65 = arith.index_cast %get3A : i32 to index
    %get3A_66 = arith.constant 0 : index
    %get3A_67 = tpu.vector_load %arg21[%get3A_65, %get3A_66] {strides = array<i32>} : memref<2x128xf32, #tpu.memory_space<vmem>>, vector<1x16xf32>,
    %get3A_68 = vector.shape_cast %get3A_67 : vector<1x16xf32> to vector<16xf32>
    %get3A_69 = arith.constant 0 : i32
    %get3A_70 = arith.index_cast %get3A_69 : i32 to index
    %get3A_71 = arith.constant 16 : index
    %get3A_72 = tpu.vector_load %arg21[%get3A_70, %get3A_71] {strides = array<i32>} : memref<2x128xf32, #tpu.memory_space<vmem>>, vector<1x16xf32>,
    %get3A_73 = vector.shape_cast %get3A_72 : vector<1x16xf32> to vector<16xf32>
    %get3A_74 = arith.constant 0 : i32
    %get3A_75 = arith.index_cast %get3A_74 : i32 to index
    %get3A_76 = arith.constant 32 : index
    %get3A_77 = tpu.vector_load %arg21[%get3A_75, %get3A_76] {strides = array<i32>} : memref<2x128xf32, #tpu.memory_space<vmem>>, vector<1x16xf32>,
    %get3A_78 = vector.shape_cast %get3A_77 : vector<1x16xf32> to vector<16xf32>
    %get3A_79 = arith.constant 0 : i32
    %get3A_80 = arith.index_cast %get3A_79 : i32 to index
    %get3A_81 = arith.constant 48 : index
    %get3A_82 = tpu.vector_load %arg21[%get3A_80, %get3A_81] {strides = array<i32>} : memref<2x128xf32, #tpu.memory_space<vmem>>, vector<1x16xf32>,
    %get3A_83 = vector.shape_cast %get3A_82 : vector<1x16xf32> to vector<16xf32>
    %get3A_84 = arith.constant 0 : i32
    %get3A_85 = arith.index_cast %get3A_84 : i32 to index
    %get3A_86 = arith.constant 64 : index
    %get3A_87 = tpu.vector_load %arg21[%get3A_85, %get3A_86] {strides = array<i32>} : memref<2x128xf32, #tpu.memory_space<vmem>>, vector<1x16xf32>,
    %get3A_88 = vector.shape_cast %get3A_87 : vector<1x16xf32> to vector<16xf32>
    %get3A_89 = arith.constant 0 : i32
    %get3A_90 = arith.index_cast %get3A_89 : i32 to index
    %get3A_91 = arith.constant 80 : index
    %get3A_92 = tpu.vector_load %arg21[%get3A_90, %get3A_91] {strides = array<i32>} : memref<2x128xf32, #tpu.memory_space<vmem>>, vector<1x16xf32>,
    %get3A_93 = vector.shape_cast %get3A_92 : vector<1x16xf32> to vector<16xf32>
    %get3A_94 = arith.constant 0 : i32
    %get3A_95 = arith.index_cast %get3A_94 : i32 to index
    %get3A_96 = arith.constant 96 : index
    %get3A_97 = tpu.vector_load %arg21[%get3A_95, %get3A_96] {strides = array<i32>} : memref<2x128xf32, #tpu.memory_space<vmem>>, vector<1x16xf32>,
    %get3A_98 = vector.shape_cast %get3A_97 : vector<1x16xf32> to vector<16xf32>
    %get3A_99 = arith.constant 0 : i32
    %get3A_100 = arith.index_cast %get3A_99 : i32 to index
    %get3A_101 = arith.constant 112 : index
    %get3A_102 = tpu.vector_load %arg21[%get3A_100, %get3A_101] {strides = array<i32>} : memref<2x128xf32, #tpu.memory_space<vmem>>, vector<1x16xf32>,
    %get3A_103 = vector.shape_cast %get3A_102 : vector<1x16xf32> to vector<16xf32>
    %add3A_104 = arith.constant 0 : i32
    %add3A_105 = arith.addi %mul3A_2, %add3A_104 : i32
    %dma_start3A = tpu.memref_slice %arg2[%add3A_105] : memref<320000xi32, #tpu.memory_space<hbm>> -> memref<48xi32, #tpu.memory_space<hbm>>
    %dma_start3A_106 = tpu.memref_slice %arg2[%add3A_105] : memref<320000xi32, #tpu.memory_space<hbm>> -> memref<48xi32, #tpu.memory_space<hbm>>
    tpu.enqueue_dma source(%dma_start3A_106 : memref<48xi32, #tpu.memory_space<hbm>>) target(%arg8 : memref<48xi32, #tpu.memory_space<vmem>>) target_semaphore(%arg23 : memref<!tpu.dma_semaphore, #tpu.memory_space<semaphore_mem>>)
    %add3A_107 = arith.constant 0 : i32
    %add3A_108 = arith.addi %mul3A_2, %add3A_107 : i32
    %dma_wait3A = tpu.memref_slice %arg2[%add3A_108] : memref<320000xi32, #tpu.memory_space<hbm>> -> memref<48xi32, #tpu.memory_space<hbm>>
    %dma_wait3A_109 = tpu.memref_slice %arg2[%add3A_108] : memref<320000xi32, #tpu.memory_space<hbm>> -> memref<48xi32, #tpu.memory_space<hbm>>
    tpu.wait_dma2 semaphore(%arg23 : memref<!tpu.dma_semaphore, #tpu.memory_space<semaphore_mem>>) src(%dma_wait3A_109 : memref<48xi32, #tpu.memory_space<hbm>>) dst(%arg8 : memref<48xi32, #tpu.memory_space<vmem>>)
    %add3A_110 = arith.constant 0 : i32
    %add3A_111 = arith.addi %mul3A_2, %add3A_110 : i32
    %dma_start3A_112 = tpu.memref_slice %arg3[%add3A_111] : memref<320000xi32, #tpu.memory_space<hbm>> -> memref<48xi32, #tpu.memory_space<hbm>>
    %dma_start3A_113 = tpu.memref_slice %arg3[%add3A_111] : memref<320000xi32, #tpu.memory_space<hbm>> -> memref<48xi32, #tpu.memory_space<hbm>>
    tpu.enqueue_dma source(%dma_start3A_113 : memref<48xi32, #tpu.memory_space<hbm>>) target(%arg10 : memref<48xi32, #tpu.memory_space<vmem>>) target_semaphore(%arg25 : memref<!tpu.dma_semaphore, #tpu.memory_space<semaphore_mem>>)
    %dma_start3A_114 = arith.constant 0 : i32
    %dma_start3A_115 = arith.constant 0 : i32
    %dma_start3A_116 = tpu.memref_slice %arg4[%dma_start3A_114, %dma_start3A_115] : memref<10000x128xf32, #tpu.memory_space<hbm>> -> memref<10000x128xf32, #tpu.memory_space<hbm>>
    tpu.enqueue_indirect_dma source(%dma_start3A_116 : memref<10000x128xf32, #tpu.memory_space<hbm>>) target(%arg12 : memref<48x128xf32, #tpu.memory_space<vmem>>) offsets(%arg8 : memref<48xi32, #tpu.memory_space<vmem>>) semaphore(%arg27 : memref<!tpu.dma_semaphore, #tpu.memory_space<semaphore_mem>>)
    %add3A_117 = arith.constant 0 : i32
    %add3A_118 = arith.addi %mul3A_2, %add3A_117 : i32
    %dma_start3A_119 = arith.constant 0 : i32
    %dma_start3A_120 = tpu.memref_slice %arg5[%add3A_118, %dma_start3A_119] : memref<320000x128xf32, #tpu.memory_space<hbm>> -> memref<48x128xf32, #tpu.memory_space<hbm>>
    %dma_start3A_121 = arith.constant 0 : i32
    %dma_start3A_122 = tpu.memref_slice %arg5[%add3A_118, %dma_start3A_121] : memref<320000x128xf32, #tpu.memory_space<hbm>> -> memref<48x128xf32, #tpu.memory_space<hbm>>
    tpu.enqueue_dma source(%dma_start3A_122 : memref<48x128xf32, #tpu.memory_space<hbm>>) target(%arg14 : memref<48x128xf32, #tpu.memory_space<vmem>>) target_semaphore(%arg27 : memref<!tpu.dma_semaphore, #tpu.memory_space<semaphore_mem>>)
    %add3A_123 = arith.constant 48 : i32
    %add3A_124 = arith.addi %mul3A_2, %add3A_123 : i32
    %dma_start3A_125 = tpu.memref_slice %arg2[%add3A_124] : memref<320000xi32, #tpu.memory_space<hbm>> -> memref<48xi32, #tpu.memory_space<hbm>>
    %dma_start3A_126 = tpu.memref_slice %arg2[%add3A_124] : memref<320000xi32, #tpu.memory_space<hbm>> -> memref<48xi32, #tpu.memory_space<hbm>>
    tpu.enqueue_dma source(%dma_start3A_126 : memref<48xi32, #tpu.memory_space<hbm>>) target(%arg9 : memref<48xi32, #tpu.memory_space<vmem>>) target_semaphore(%arg24 : memref<!tpu.dma_semaphore, #tpu.memory_space<semaphore_mem>>)
    %add3A_127 = arith.constant 48 : i32
    %add3A_128 = arith.addi %mul3A_2, %add3A_127 : i32
    %dma_wait3A_129 = tpu.memref_slice %arg2[%add3A_128] : memref<320000xi32, #tpu.memory_space<hbm>> -> memref<48xi32, #tpu.memory_space<hbm>>
    %dma_wait3A_130 = tpu.memref_slice %arg2[%add3A_128] : memref<320000xi32, #tpu.memory_space<hbm>> -> memref<48xi32, #tpu.memory_space<hbm>>
    tpu.wait_dma2 semaphore(%arg24 : memref<!tpu.dma_semaphore, #tpu.memory_space<semaphore_mem>>) src(%dma_wait3A_130 : memref<48xi32, #tpu.memory_space<hbm>>) dst(%arg9 : memref<48xi32, #tpu.memory_space<vmem>>)
    %add3A_131 = arith.constant 48 : i32
    %add3A_132 = arith.addi %mul3A_2, %add3A_131 : i32
    %dma_start3A_133 = tpu.memref_slice %arg3[%add3A_132] : memref<320000xi32, #tpu.memory_space<hbm>> -> memref<48xi32, #tpu.memory_space<hbm>>
    %dma_start3A_134 = tpu.memref_slice %arg3[%add3A_132] : memref<320000xi32, #tpu.memory_space<hbm>> -> memref<48xi32, #tpu.memory_space<hbm>>
    tpu.enqueue_dma source(%dma_start3A_134 : memref<48xi32, #tpu.memory_space<hbm>>) target(%arg11 : memref<48xi32, #tpu.memory_space<vmem>>) target_semaphore(%arg26 : memref<!tpu.dma_semaphore, #tpu.memory_space<semaphore_mem>>)
    %dma_start3A_135 = arith.constant 0 : i32
    %dma_start3A_136 = arith.constant 0 : i32
    %dma_start3A_137 = tpu.memref_slice %arg4[%dma_start3A_135, %dma_start3A_136] : memref<10000x128xf32, #tpu.memory_space<hbm>> -> memref<10000x128xf32, #tpu.memory_space<hbm>>
    tpu.enqueue_indirect_dma source(%dma_start3A_137 : memref<10000x128xf32, #tpu.memory_space<hbm>>) target(%arg13 : memref<48x128xf32, #tpu.memory_space<vmem>>) offsets(%arg9 : memref<48xi32, #tpu.memory_space<vmem>>) semaphore(%arg28 : memref<!tpu.dma_semaphore, #tpu.memory_space<semaphore_mem>>)
    %add3A_138 = arith.constant 48 : i32
    %add3A_139 = arith.addi %mul3A_2, %add3A_138 : i32
    %dma_start3A_140 = arith.constant 0 : i32
    %dma_start3A_141 = tpu.memref_slice %arg5[%add3A_139, %dma_start3A_140] : memref<320000x128xf32, #tpu.memory_space<hbm>> -> memref<48x128xf32, #tpu.memory_space<hbm>>
    %dma_start3A_142 = arith.constant 0 : i32
    %dma_start3A_143 = tpu.memref_slice %arg5[%add3A_139, %dma_start3A_142] : memref<320000x128xf32, #tpu.memory_space<hbm>> -> memref<48x128xf32, #tpu.memory_space<hbm>>
    tpu.enqueue_dma source(%dma_start3A_143 : memref<48x128xf32, #tpu.memory_space<hbm>>) target(%arg15 : memref<48x128xf32, #tpu.memory_space<vmem>>) target_semaphore(%arg28 : memref<!tpu.dma_semaphore, #tpu.memory_space<semaphore_mem>>)
    %dma_wait3A_144 = arith.constant 0 : i32
    %dma_wait3A_145 = arith.constant 0 : i32
    %dma_wait3A_146 = tpu.memref_slice %arg4[%dma_wait3A_144, %dma_wait3A_145] : memref<10000x128xf32, #tpu.memory_space<hbm>> -> memref<10000x128xf32, #tpu.memory_space<hbm>>
    tpu.wait_indirect_dma semaphore(%arg27 : memref<!tpu.dma_semaphore, #tpu.memory_space<semaphore_mem>>) src(%dma_wait3A_146 : memref<10000x128xf32, #tpu.memory_space<hbm>>) dst(%arg12 : memref<48x128xf32, #tpu.memory_space<vmem>>)
    %add3A_147 = arith.constant 0 : i32
    %add3A_148 = arith.addi %mul3A_2, %add3A_147 : i32
    %dma_wait3A_149 = arith.constant 0 : i32
    %dma_wait3A_150 = tpu.memref_slice %arg5[%add3A_148, %dma_wait3A_149] : memref<320000x128xf32, #tpu.memory_space<hbm>> -> memref<48x128xf32, #tpu.memory_space<hbm>>
    %dma_wait3A_151 = arith.constant 0 : i32
    %dma_wait3A_152 = tpu.memref_slice %arg5[%add3A_148, %dma_wait3A_151] : memref<320000x128xf32, #tpu.memory_space<hbm>> -> memref<48x128xf32, #tpu.memory_space<hbm>>
    tpu.wait_dma2 semaphore(%arg27 : memref<!tpu.dma_semaphore, #tpu.memory_space<semaphore_mem>>) src(%dma_wait3A_152 : memref<48x128xf32, #tpu.memory_space<hbm>>) dst(%arg14 : memref<48x128xf32, #tpu.memory_space<vmem>>)
    %add3A_153 = arith.constant 96 : i32
    %add3A_154 = arith.addi %mul3A_2, %add3A_153 : i32
    %dma_start3A_155 = tpu.memref_slice %arg2[%add3A_154] : memref<320000xi32, #tpu.memory_space<hbm>> -> memref<48xi32, #tpu.memory_space<hbm>>
    %dma_start3A_156 = tpu.memref_slice %arg2[%add3A_154] : memref<320000xi32, #tpu.memory_space<hbm>> -> memref<48xi32, #tpu.memory_space<hbm>>
    tpu.enqueue_dma source(%dma_start3A_156 : memref<48xi32, #tpu.memory_space<hbm>>) target(%arg8 : memref<48xi32, #tpu.memory_space<vmem>>) target_semaphore(%arg23 : memref<!tpu.dma_semaphore, #tpu.memory_space<semaphore_mem>>)
    %scan3A_157 = arith.constant 0 : i32
    %scan3A_158 = arith.constant 0 : i32
    %scan3A_159 = arith.constant 48 : i32
    %scan3A_160 = arith.addi %scan3A_158, %scan3A_159 : i32
    %scan3A_161 = arith.constant 1 : i32
    %scan3A_162 = scf.for %scan3A_819 = %scan3A_158 to %scan3A_160 step %scan3A_161 iter_args(%scan3A_820 = %scan3A_157) -> (i32)  : i32 {
      %get3A_821 = arith.index_cast %scan3A_819 : i32 to index
      %get3A_822 = arith.constant 0 : index
      %get3A_823 = tpu.vector_load %arg14[%get3A_821, %get3A_822] {strides = array<i32>} : memref<48x128xf32, #tpu.memory_space<vmem>>, vector<1x16xf32>,
      %get3A_824 = vector.shape_cast %get3A_823 : vector<1x16xf32> to vector<16xf32>
      %mul3A_825 = arith.mulf %get3A_824, %get3A_68 : vector<16xf32>
      %get3A_826 = arith.index_cast %scan3A_819 : i32 to index
      %get3A_827 = arith.constant 0 : index
      %get3A_828 = tpu.vector_load %arg12[%get3A_826, %get3A_827] {strides = array<i32>} : memref<48x128xf32, #tpu.memory_space<vmem>>, vector<1x16xf32>,
      %get3A_829 = vector.shape_cast %get3A_828 : vector<1x16xf32> to vector<16xf32>
      %add3A_830 = arith.addf %mul3A_825, %get3A_829 : vector<16xf32>
      %max3A = arith.constant 0.000000e+00 : f32
      %max3A_831 = vector.broadcast %max3A : f32 to vector<16xf32>
      %max3A_832 = arith.maximumf %add3A_830, %max3A_831 : vector<16xf32>
      %swap3A = arith.index_cast %scan3A_819 : i32 to index
      %swap3A_833 = arith.constant 0 : index
      %swap3A_834 = tpu.vector_load %arg16[%swap3A, %swap3A_833] {strides = array<i32>} : memref<48x128xf32, #tpu.memory_space<vmem>>, vector<1x16xf32>,
      %swap3A_835 = vector.shape_cast %swap3A_834 : vector<1x16xf32> to vector<16xf32>
      %swap3A_836 = vector.shape_cast %max3A_832 : vector<16xf32> to vector<1x16xf32>
      tpu.vector_store %arg16[%swap3A, %swap3A_833], %swap3A_836 {strides = array<i32>} : memref<48x128xf32, #tpu.memory_space<vmem>>, vector<1x16xf32>,
      %get3A_837 = arith.index_cast %scan3A_819 : i32 to index
      %get3A_838 = arith.constant 16 : index
      %get3A_839 = tpu.vector_load %arg14[%get3A_837, %get3A_838] {strides = array<i32>} : memref<48x128xf32, #tpu.memory_space<vmem>>, vector<1x16xf32>,
      %get3A_840 = vector.shape_cast %get3A_839 : vector<1x16xf32> to vector<16xf32>
      %mul3A_841 = arith.mulf %get3A_840, %get3A_73 : vector<16xf32>
      %get3A_842 = arith.index_cast %scan3A_819 : i32 to index
      %get3A_843 = arith.constant 16 : index
      %get3A_844 = tpu.vector_load %arg12[%get3A_842, %get3A_843] {strides = array<i32>} : memref<48x128xf32, #tpu.memory_space<vmem>>, vector<1x16xf32>,
      %get3A_845 = vector.shape_cast %get3A_844 : vector<1x16xf32> to vector<16xf32>
      %add3A_846 = arith.addf %mul3A_841, %get3A_845 : vector<16xf32>
      %max3A_847 = arith.constant 0.000000e+00 : f32
      %max3A_848 = vector.broadcast %max3A_847 : f32 to vector<16xf32>
      %max3A_849 = arith.maximumf %add3A_846, %max3A_848 : vector<16xf32>
      %swap3A_850 = arith.index_cast %scan3A_819 : i32 to index
      %swap3A_851 = arith.constant 16 : index
      %swap3A_852 = tpu.vector_load %arg16[%swap3A_850, %swap3A_851] {strides = array<i32>} : memref<48x128xf32, #tpu.memory_space<vmem>>, vector<1x16xf32>,
      %swap3A_853 = vector.shape_cast %swap3A_852 : vector<1x16xf32> to vector<16xf32>
      %swap3A_854 = vector.shape_cast %max3A_849 : vector<16xf32> to vector<1x16xf32>
      tpu.vector_store %arg16[%swap3A_850, %swap3A_851], %swap3A_854 {strides = array<i32>} : memref<48x128xf32, #tpu.memory_space<vmem>>, vector<1x16xf32>,
      %get3A_855 = arith.index_cast %scan3A_819 : i32 to index
      %get3A_856 = arith.constant 32 : index
      %get3A_857 = tpu.vector_load %arg14[%get3A_855, %get3A_856] {strides = array<i32>} : memref<48x128xf32, #tpu.memory_space<vmem>>, vector<1x16xf32>,
      %get3A_858 = vector.shape_cast %get3A_857 : vector<1x16xf32> to vector<16xf32>
      %mul3A_859 = arith.mulf %get3A_858, %get3A_78 : vector<16xf32>
      %get3A_860 = arith.index_cast %scan3A_819 : i32 to index
      %get3A_861 = arith.constant 32 : index
      %get3A_862 = tpu.vector_load %arg12[%get3A_860, %get3A_861] {strides = array<i32>} : memref<48x128xf32, #tpu.memory_space<vmem>>, vector<1x16xf32>,
      %get3A_863 = vector.shape_cast %get3A_862 : vector<1x16xf32> to vector<16xf32>
      %add3A_864 = arith.addf %mul3A_859, %get3A_863 : vector<16xf32>
      %max3A_865 = arith.constant 0.000000e+00 : f32
      %max3A_866 = vector.broadcast %max3A_865 : f32 to vector<16xf32>
      %max3A_867 = arith.maximumf %add3A_864, %max3A_866 : vector<16xf32>
      %swap3A_868 = arith.index_cast %scan3A_819 : i32 to index
      %swap3A_869 = arith.constant 32 : index
      %swap3A_870 = tpu.vector_load %arg16[%swap3A_868, %swap3A_869] {strides = array<i32>} : memref<48x128xf32, #tpu.memory_space<vmem>>, vector<1x16xf32>,
      %swap3A_871 = vector.shape_cast %swap3A_870 : vector<1x16xf32> to vector<16xf32>
      %swap3A_872 = vector.shape_cast %max3A_867 : vector<16xf32> to vector<1x16xf32>
      tpu.vector_store %arg16[%swap3A_868, %swap3A_869], %swap3A_872 {strides = array<i32>} : memref<48x128xf32, #tpu.memory_space<vmem>>, vector<1x16xf32>,
      %get3A_873 = arith.index_cast %scan3A_819 : i32 to index
      %get3A_874 = arith.constant 48 : index
      %get3A_875 = tpu.vector_load %arg14[%get3A_873, %get3A_874] {strides = array<i32>} : memref<48x128xf32, #tpu.memory_space<vmem>>, vector<1x16xf32>,
      %get3A_876 = vector.shape_cast %get3A_875 : vector<1x16xf32> to vector<16xf32>
      %mul3A_877 = arith.mulf %get3A_876, %get3A_83 : vector<16xf32>
      %get3A_878 = arith.index_cast %scan3A_819 : i32 to index
      %get3A_879 = arith.constant 48 : index
      %get3A_880 = tpu.vector_load %arg12[%get3A_878, %get3A_879] {strides = array<i32>} : memref<48x128xf32, #tpu.memory_space<vmem>>, vector<1x16xf32>,
      %get3A_881 = vector.shape_cast %get3A_880 : vector<1x16xf32> to vector<16xf32>
      %add3A_882 = arith.addf %mul3A_877, %get3A_881 : vector<16xf32>
      %max3A_883 = arith.constant 0.000000e+00 : f32
      %max3A_884 = vector.broadcast %max3A_883 : f32 to vector<16xf32>
      %max3A_885 = arith.maximumf %add3A_882, %max3A_884 : vector<16xf32>
      %swap3A_886 = arith.index_cast %scan3A_819 : i32 to index
      %swap3A_887 = arith.constant 48 : index
      %swap3A_888 = tpu.vector_load %arg16[%swap3A_886, %swap3A_887] {strides = array<i32>} : memref<48x128xf32, #tpu.memory_space<vmem>>, vector<1x16xf32>,
      %swap3A_889 = vector.shape_cast %swap3A_888 : vector<1x16xf32> to vector<16xf32>
      %swap3A_890 = vector.shape_cast %max3A_885 : vector<16xf32> to vector<1x16xf32>
      tpu.vector_store %arg16[%swap3A_886, %swap3A_887], %swap3A_890 {strides = array<i32>} : memref<48x128xf32, #tpu.memory_space<vmem>>, vector<1x16xf32>,
      %get3A_891 = arith.index_cast %scan3A_819 : i32 to index
      %get3A_892 = arith.constant 64 : index
      %get3A_893 = tpu.vector_load %arg14[%get3A_891, %get3A_892] {strides = array<i32>} : memref<48x128xf32, #tpu.memory_space<vmem>>, vector<1x16xf32>,
      %get3A_894 = vector.shape_cast %get3A_893 : vector<1x16xf32> to vector<16xf32>
      %mul3A_895 = arith.mulf %get3A_894, %get3A_88 : vector<16xf32>
      %get3A_896 = arith.index_cast %scan3A_819 : i32 to index
      %get3A_897 = arith.constant 64 : index
      %get3A_898 = tpu.vector_load %arg12[%get3A_896, %get3A_897] {strides = array<i32>} : memref<48x128xf32, #tpu.memory_space<vmem>>, vector<1x16xf32>,
      %get3A_899 = vector.shape_cast %get3A_898 : vector<1x16xf32> to vector<16xf32>
      %add3A_900 = arith.addf %mul3A_895, %get3A_899 : vector<16xf32>
      %max3A_901 = arith.constant 0.000000e+00 : f32
      %max3A_902 = vector.broadcast %max3A_901 : f32 to vector<16xf32>
      %max3A_903 = arith.maximumf %add3A_900, %max3A_902 : vector<16xf32>
      %swap3A_904 = arith.index_cast %scan3A_819 : i32 to index
      %swap3A_905 = arith.constant 64 : index
      %swap3A_906 = tpu.vector_load %arg16[%swap3A_904, %swap3A_905] {strides = array<i32>} : memref<48x128xf32, #tpu.memory_space<vmem>>, vector<1x16xf32>,
      %swap3A_907 = vector.shape_cast %swap3A_906 : vector<1x16xf32> to vector<16xf32>
      %swap3A_908 = vector.shape_cast %max3A_903 : vector<16xf32> to vector<1x16xf32>
      tpu.vector_store %arg16[%swap3A_904, %swap3A_905], %swap3A_908 {strides = array<i32>} : memref<48x128xf32, #tpu.memory_space<vmem>>, vector<1x16xf32>,
      %get3A_909 = arith.index_cast %scan3A_819 : i32 to index
      %get3A_910 = arith.constant 80 : index
      %get3A_911 = tpu.vector_load %arg14[%get3A_909, %get3A_910] {strides = array<i32>} : memref<48x128xf32, #tpu.memory_space<vmem>>, vector<1x16xf32>,
      %get3A_912 = vector.shape_cast %get3A_911 : vector<1x16xf32> to vector<16xf32>
      %mul3A_913 = arith.mulf %get3A_912, %get3A_93 : vector<16xf32>
      %get3A_914 = arith.index_cast %scan3A_819 : i32 to index
      %get3A_915 = arith.constant 80 : index
      %get3A_916 = tpu.vector_load %arg12[%get3A_914, %get3A_915] {strides = array<i32>} : memref<48x128xf32, #tpu.memory_space<vmem>>, vector<1x16xf32>,
      %get3A_917 = vector.shape_cast %get3A_916 : vector<1x16xf32> to vector<16xf32>
      %add3A_918 = arith.addf %mul3A_913, %get3A_917 : vector<16xf32>
      %max3A_919 = arith.constant 0.000000e+00 : f32
      %max3A_920 = vector.broadcast %max3A_919 : f32 to vector<16xf32>
      %max3A_921 = arith.maximumf %add3A_918, %max3A_920 : vector<16xf32>
      %swap3A_922 = arith.index_cast %scan3A_819 : i32 to index
      %swap3A_923 = arith.constant 80 : index
      %swap3A_924 = tpu.vector_load %arg16[%swap3A_922, %swap3A_923] {strides = array<i32>} : memref<48x128xf32, #tpu.memory_space<vmem>>, vector<1x16xf32>,
      %swap3A_925 = vector.shape_cast %swap3A_924 : vector<1x16xf32> to vector<16xf32>
      %swap3A_926 = vector.shape_cast %max3A_921 : vector<16xf32> to vector<1x16xf32>
      tpu.vector_store %arg16[%swap3A_922, %swap3A_923], %swap3A_926 {strides = array<i32>} : memref<48x128xf32, #tpu.memory_space<vmem>>, vector<1x16xf32>,
      %get3A_927 = arith.index_cast %scan3A_819 : i32 to index
      %get3A_928 = arith.constant 96 : index
      %get3A_929 = tpu.vector_load %arg14[%get3A_927, %get3A_928] {strides = array<i32>} : memref<48x128xf32, #tpu.memory_space<vmem>>, vector<1x16xf32>,
      %get3A_930 = vector.shape_cast %get3A_929 : vector<1x16xf32> to vector<16xf32>
      %mul3A_931 = arith.mulf %get3A_930, %get3A_98 : vector<16xf32>
      %get3A_932 = arith.index_cast %scan3A_819 : i32 to index
      %get3A_933 = arith.constant 96 : index
      %get3A_934 = tpu.vector_load %arg12[%get3A_932, %get3A_933] {strides = array<i32>} : memref<48x128xf32, #tpu.memory_space<vmem>>, vector<1x16xf32>,
      %get3A_935 = vector.shape_cast %get3A_934 : vector<1x16xf32> to vector<16xf32>
      %add3A_936 = arith.addf %mul3A_931, %get3A_935 : vector<16xf32>
      %max3A_937 = arith.constant 0.000000e+00 : f32
      %max3A_938 = vector.broadcast %max3A_937 : f32 to vector<16xf32>
      %max3A_939 = arith.maximumf %add3A_936, %max3A_938 : vector<16xf32>
      %swap3A_940 = arith.index_cast %scan3A_819 : i32 to index
      %swap3A_941 = arith.constant 96 : index
      %swap3A_942 = tpu.vector_load %arg16[%swap3A_940, %swap3A_941] {strides = array<i32>} : memref<48x128xf32, #tpu.memory_space<vmem>>, vector<1x16xf32>,
      %swap3A_943 = vector.shape_cast %swap3A_942 : vector<1x16xf32> to vector<16xf32>
      %swap3A_944 = vector.shape_cast %max3A_939 : vector<16xf32> to vector<1x16xf32>
      tpu.vector_store %arg16[%swap3A_940, %swap3A_941], %swap3A_944 {strides = array<i32>} : memref<48x128xf32, #tpu.memory_space<vmem>>, vector<1x16xf32>,
      %get3A_945 = arith.index_cast %scan3A_819 : i32 to index
      %get3A_946 = arith.constant 112 : index
      %get3A_947 = tpu.vector_load %arg14[%get3A_945, %get3A_946] {strides = array<i32>} : memref<48x128xf32, #tpu.memory_space<vmem>>, vector<1x16xf32>,
      %get3A_948 = vector.shape_cast %get3A_947 : vector<1x16xf32> to vector<16xf32>
      %mul3A_949 = arith.mulf %get3A_948, %get3A_103 : vector<16xf32>
      %get3A_950 = arith.index_cast %scan3A_819 : i32 to index
      %get3A_951 = arith.constant 112 : index
      %get3A_952 = tpu.vector_load %arg12[%get3A_950, %get3A_951] {strides = array<i32>} : memref<48x128xf32, #tpu.memory_space<vmem>>, vector<1x16xf32>,
      %get3A_953 = vector.shape_cast %get3A_952 : vector<1x16xf32> to vector<16xf32>
      %add3A_954 = arith.addf %mul3A_949, %get3A_953 : vector<16xf32>
      %max3A_955 = arith.constant 0.000000e+00 : f32
      %max3A_956 = vector.broadcast %max3A_955 : f32 to vector<16xf32>
      %max3A_957 = arith.maximumf %add3A_954, %max3A_956 : vector<16xf32>
      %swap3A_958 = arith.index_cast %scan3A_819 : i32 to index
      %swap3A_959 = arith.constant 112 : index
      %swap3A_960 = tpu.vector_load %arg16[%swap3A_958, %swap3A_959] {strides = array<i32>} : memref<48x128xf32, #tpu.memory_space<vmem>>, vector<1x16xf32>,
      %swap3A_961 = vector.shape_cast %swap3A_960 : vector<1x16xf32> to vector<16xf32>
      %swap3A_962 = vector.shape_cast %max3A_957 : vector<16xf32> to vector<1x16xf32>
      tpu.vector_store %arg16[%swap3A_958, %swap3A_959], %swap3A_962 {strides = array<i32>} : memref<48x128xf32, #tpu.memory_space<vmem>>, vector<1x16xf32>,
      %scan3A_963 = arith.constant 0 : i32
      scf.yield %scan3A_963 : i32
    }
    %scan3A_163 = arith.constant 48 : i32
    %add3A_164 = arith.constant 0 : i32
    %add3A_165 = arith.addi %mul3A_2, %add3A_164 : i32
    %dma_wait3A_166 = tpu.memref_slice %arg3[%add3A_165] : memref<320000xi32, #tpu.memory_space<hbm>> -> memref<48xi32, #tpu.memory_space<hbm>>
    %dma_wait3A_167 = tpu.memref_slice %arg3[%add3A_165] : memref<320000xi32, #tpu.memory_space<hbm>> -> memref<48xi32, #tpu.memory_space<hbm>>
    tpu.wait_dma2 semaphore(%arg25 : memref<!tpu.dma_semaphore, #tpu.memory_space<semaphore_mem>>) src(%dma_wait3A_167 : memref<48xi32, #tpu.memory_space<hbm>>) dst(%arg10 : memref<48xi32, #tpu.memory_space<vmem>>)
    %dma_start3A_168 = arith.constant 0 : i32
    %dma_start3A_169 = arith.constant 0 : i32
    %dma_start3A_170 = tpu.memref_slice %arg22[%dma_start3A_168, %dma_start3A_169] : memref<10112x128xf32, #tpu.memory_space<vmem_shared>> -> memref<10112x128xf32, #tpu.memory_space<vmem_shared>>
    tpu.enqueue_indirect_dma source(%arg16 : memref<48x128xf32, #tpu.memory_space<vmem>>) target(%dma_start3A_170 : memref<10112x128xf32, #tpu.memory_space<vmem_shared>>) offsets(%arg10 : memref<48xi32, #tpu.memory_space<vmem>>) semaphore(%arg29 : memref<!tpu.dma_semaphore, #tpu.memory_space<semaphore_mem>>) {add = true}
    %scan3A_171 = arith.constant 0 : i32
    %scan3A_172 = arith.constant 0 : i32
    %scan3A_173 = arith.constant 102 : i32
    %scan3A_174 = arith.addi %scan3A_172, %scan3A_173 : i32
    %scan3A_175 = arith.constant 1 : i32
    %scan3A_176 = scf.for %scan3A_819 = %scan3A_172 to %scan3A_174 step %scan3A_175 iter_args(%scan3A_820 = %scan3A_171) -> (i32)  : i32 {
      %mul3A_821 = arith.constant 2 : i32
      %mul3A_822 = arith.muli %mul3A_821, %scan3A_819 : i32
      %add3A_823 = arith.constant 1 : i32
      %add3A_824 = arith.addi %mul3A_822, %add3A_823 : i32
      %add3A_825 = arith.constant 1 : i32
      %add3A_826 = arith.addi %add3A_824, %add3A_825 : i32
      %add3A_827 = arith.constant 2 : i32
      %add3A_828 = arith.addi %add3A_824, %add3A_827 : i32
      %mul3A_829 = arith.constant 48 : i32
      %mul3A_830 = arith.muli %add3A_826, %mul3A_829 : i32
      %add3A_831 = arith.addi %mul3A_2, %mul3A_830 : i32
      %dma_wait3A_832 = tpu.memref_slice %arg2[%add3A_831] : memref<320000xi32, #tpu.memory_space<hbm>> -> memref<48xi32, #tpu.memory_space<hbm>>
      %dma_wait3A_833 = tpu.memref_slice %arg2[%add3A_831] : memref<320000xi32, #tpu.memory_space<hbm>> -> memref<48xi32, #tpu.memory_space<hbm>>
      tpu.wait_dma2 semaphore(%arg23 : memref<!tpu.dma_semaphore, #tpu.memory_space<semaphore_mem>>) src(%dma_wait3A_833 : memref<48xi32, #tpu.memory_space<hbm>>) dst(%arg8 : memref<48xi32, #tpu.memory_space<vmem>>)
      %dma_wait3A_834 = arith.constant 0 : i32
      %dma_wait3A_835 = arith.constant 0 : i32
      %dma_wait3A_836 = tpu.memref_slice %arg22[%dma_wait3A_834, %dma_wait3A_835] : memref<10112x128xf32, #tpu.memory_space<vmem_shared>> -> memref<48x128xf32, #tpu.memory_space<vmem_shared>>
      %dma_wait3A_837 = arith.constant 0 : i32
      %dma_wait3A_838 = arith.constant 0 : i32
      %dma_wait3A_839 = tpu.memref_slice %arg22[%dma_wait3A_837, %dma_wait3A_838] : memref<10112x128xf32, #tpu.memory_space<vmem_shared>> -> memref<48x128xf32, #tpu.memory_space<vmem_shared>>
      tpu.wait_dma2 semaphore(%arg29 : memref<!tpu.dma_semaphore, #tpu.memory_space<semaphore_mem>>) src(%arg16 : memref<48x128xf32, #tpu.memory_space<vmem>>) dst(%dma_wait3A_839 : memref<48x128xf32, #tpu.memory_space<vmem_shared>>)
      %mul3A_840 = arith.constant 48 : i32
      %mul3A_841 = arith.muli %add3A_826, %mul3A_840 : i32
      %add3A_842 = arith.addi %mul3A_2, %mul3A_841 : i32
      %dma_start3A_843 = tpu.memref_slice %arg3[%add3A_842] : memref<320000xi32, #tpu.memory_space<hbm>> -> memref<48xi32, #tpu.memory_space<hbm>>
      %dma_start3A_844 = tpu.memref_slice %arg3[%add3A_842] : memref<320000xi32, #tpu.memory_space<hbm>> -> memref<48xi32, #tpu.memory_space<hbm>>
      tpu.enqueue_dma source(%dma_start3A_844 : memref<48xi32, #tpu.memory_space<hbm>>) target(%arg10 : memref<48xi32, #tpu.memory_space<vmem>>) target_semaphore(%arg25 : memref<!tpu.dma_semaphore, #tpu.memory_space<semaphore_mem>>)
      %dma_start3A_845 = arith.constant 0 : i32
      %dma_start3A_846 = arith.constant 0 : i32
      %dma_start3A_847 = tpu.memref_slice %arg4[%dma_start3A_845, %dma_start3A_846] : memref<10000x128xf32, #tpu.memory_space<hbm>> -> memref<10000x128xf32, #tpu.memory_space<hbm>>
      tpu.enqueue_indirect_dma source(%dma_start3A_847 : memref<10000x128xf32, #tpu.memory_space<hbm>>) target(%arg12 : memref<48x128xf32, #tpu.memory_space<vmem>>) offsets(%arg8 : memref<48xi32, #tpu.memory_space<vmem>>) semaphore(%arg27 : memref<!tpu.dma_semaphore, #tpu.memory_space<semaphore_mem>>)
      %mul3A_848 = arith.constant 48 : i32
      %mul3A_849 = arith.muli %add3A_826, %mul3A_848 : i32
      %add3A_850 = arith.addi %mul3A_2, %mul3A_849 : i32
      %dma_start3A_851 = arith.constant 0 : i32
      %dma_start3A_852 = tpu.memref_slice %arg5[%add3A_850, %dma_start3A_851] : memref<320000x128xf32, #tpu.memory_space<hbm>> -> memref<48x128xf32, #tpu.memory_space<hbm>>
      %dma_start3A_853 = arith.constant 0 : i32
      %dma_start3A_854 = tpu.memref_slice %arg5[%add3A_850, %dma_start3A_853] : memref<320000x128xf32, #tpu.memory_space<hbm>> -> memref<48x128xf32, #tpu.memory_space<hbm>>
      tpu.enqueue_dma source(%dma_start3A_854 : memref<48x128xf32, #tpu.memory_space<hbm>>) target(%arg14 : memref<48x128xf32, #tpu.memory_space<vmem>>) target_semaphore(%arg27 : memref<!tpu.dma_semaphore, #tpu.memory_space<semaphore_mem>>)
      %dma_wait3A_855 = arith.constant 0 : i32
      %dma_wait3A_856 = arith.constant 0 : i32
      %dma_wait3A_857 = tpu.memref_slice %arg4[%dma_wait3A_855, %dma_wait3A_856] : memref<10000x128xf32, #tpu.memory_space<hbm>> -> memref<10000x128xf32, #tpu.memory_space<hbm>>
      tpu.wait_indirect_dma semaphore(%arg28 : memref<!tpu.dma_semaphore, #tpu.memory_space<semaphore_mem>>) src(%dma_wait3A_857 : memref<10000x128xf32, #tpu.memory_space<hbm>>) dst(%arg13 : memref<48x128xf32, #tpu.memory_space<vmem>>)
      %mul3A_858 = arith.constant 48 : i32
      %mul3A_859 = arith.muli %add3A_824, %mul3A_858 : i32
      %add3A_860 = arith.addi %mul3A_2, %mul3A_859 : i32
      %dma_wait3A_861 = arith.constant 0 : i32
      %dma_wait3A_862 = tpu.memref_slice %arg5[%add3A_860, %dma_wait3A_861] : memref<320000x128xf32, #tpu.memory_space<hbm>> -> memref<48x128xf32, #tpu.memory_space<hbm>>
      %dma_wait3A_863 = arith.constant 0 : i32
      %dma_wait3A_864 = tpu.memref_slice %arg5[%add3A_860, %dma_wait3A_863] : memref<320000x128xf32, #tpu.memory_space<hbm>> -> memref<48x128xf32, #tpu.memory_space<hbm>>
      tpu.wait_dma2 semaphore(%arg28 : memref<!tpu.dma_semaphore, #tpu.memory_space<semaphore_mem>>) src(%dma_wait3A_864 : memref<48x128xf32, #tpu.memory_space<hbm>>) dst(%arg15 : memref<48x128xf32, #tpu.memory_space<vmem>>)
      %mul3A_865 = arith.constant 48 : i32
      %mul3A_866 = arith.muli %add3A_828, %mul3A_865 : i32
      %add3A_867 = arith.addi %mul3A_2, %mul3A_866 : i32
      %dma_start3A_868 = tpu.memref_slice %arg2[%add3A_867] : memref<320000xi32, #tpu.memory_space<hbm>> -> memref<48xi32, #tpu.memory_space<hbm>>
      %dma_start3A_869 = tpu.memref_slice %arg2[%add3A_867] : memref<320000xi32, #tpu.memory_space<hbm>> -> memref<48xi32, #tpu.memory_space<hbm>>
      tpu.enqueue_dma source(%dma_start3A_869 : memref<48xi32, #tpu.memory_space<hbm>>) target(%arg9 : memref<48xi32, #tpu.memory_space<vmem>>) target_semaphore(%arg24 : memref<!tpu.dma_semaphore, #tpu.memory_space<semaphore_mem>>)
      %scan3A_870 = arith.constant 0 : i32
      %scan3A_871 = arith.constant 0 : i32
      %scan3A_872 = arith.constant 48 : i32
      %scan3A_873 = arith.addi %scan3A_871, %scan3A_872 : i32
      %scan3A_874 = arith.constant 1 : i32
      %scan3A_875 = scf.for %scan3A_948 = %scan3A_871 to %scan3A_873 step %scan3A_874 iter_args(%scan3A_949 = %scan3A_870) -> (i32)  : i32 {
        %get3A_950 = arith.index_cast %scan3A_948 : i32 to index
        %get3A_951 = arith.constant 0 : index
        %get3A_952 = tpu.vector_load %arg15[%get3A_950, %get3A_951] {strides = array<i32>} : memref<48x128xf32, #tpu.memory_space<vmem>>, vector<1x16xf32>,
        %get3A_953 = vector.shape_cast %get3A_952 : vector<1x16xf32> to vector<16xf32>
        %mul3A_954 = arith.mulf %get3A_953, %get3A_68 : vector<16xf32>
        %get3A_955 = arith.index_cast %scan3A_948 : i32 to index
        %get3A_956 = arith.constant 0 : index
        %get3A_957 = tpu.vector_load %arg13[%get3A_955, %get3A_956] {strides = array<i32>} : memref<48x128xf32, #tpu.memory_space<vmem>>, vector<1x16xf32>,
        %get3A_958 = vector.shape_cast %get3A_957 : vector<1x16xf32> to vector<16xf32>
        %add3A_959 = arith.addf %mul3A_954, %get3A_958 : vector<16xf32>
        %max3A = arith.constant 0.000000e+00 : f32
        %max3A_960 = vector.broadcast %max3A : f32 to vector<16xf32>
        %max3A_961 = arith.maximumf %add3A_959, %max3A_960 : vector<16xf32>
        %swap3A = arith.index_cast %scan3A_948 : i32 to index
        %swap3A_962 = arith.constant 0 : index
        %swap3A_963 = tpu.vector_load %arg17[%swap3A, %swap3A_962] {strides = array<i32>} : memref<48x128xf32, #tpu.memory_space<vmem>>, vector<1x16xf32>,
        %swap3A_964 = vector.shape_cast %swap3A_963 : vector<1x16xf32> to vector<16xf32>
        %swap3A_965 = vector.shape_cast %max3A_961 : vector<16xf32> to vector<1x16xf32>
        tpu.vector_store %arg17[%swap3A, %swap3A_962], %swap3A_965 {strides = array<i32>} : memref<48x128xf32, #tpu.memory_space<vmem>>, vector<1x16xf32>,
        %get3A_966 = arith.index_cast %scan3A_948 : i32 to index
        %get3A_967 = arith.constant 16 : index
        %get3A_968 = tpu.vector_load %arg15[%get3A_966, %get3A_967] {strides = array<i32>} : memref<48x128xf32, #tpu.memory_space<vmem>>, vector<1x16xf32>,
        %get3A_969 = vector.shape_cast %get3A_968 : vector<1x16xf32> to vector<16xf32>
        %mul3A_970 = arith.mulf %get3A_969, %get3A_73 : vector<16xf32>
        %get3A_971 = arith.index_cast %scan3A_948 : i32 to index
        %get3A_972 = arith.constant 16 : index
        %get3A_973 = tpu.vector_load %arg13[%get3A_971, %get3A_972] {strides = array<i32>} : memref<48x128xf32, #tpu.memory_space<vmem>>, vector<1x16xf32>,
        %get3A_974 = vector.shape_cast %get3A_973 : vector<1x16xf32> to vector<16xf32>
        %add3A_975 = arith.addf %mul3A_970, %get3A_974 : vector<16xf32>
        %max3A_976 = arith.constant 0.000000e+00 : f32
        %max3A_977 = vector.broadcast %max3A_976 : f32 to vector<16xf32>
        %max3A_978 = arith.maximumf %add3A_975, %max3A_977 : vector<16xf32>
        %swap3A_979 = arith.index_cast %scan3A_948 : i32 to index
        %swap3A_980 = arith.constant 16 : index
        %swap3A_981 = tpu.vector_load %arg17[%swap3A_979, %swap3A_980] {strides = array<i32>} : memref<48x128xf32, #tpu.memory_space<vmem>>, vector<1x16xf32>,
        %swap3A_982 = vector.shape_cast %swap3A_981 : vector<1x16xf32> to vector<16xf32>
        %swap3A_983 = vector.shape_cast %max3A_978 : vector<16xf32> to vector<1x16xf32>
        tpu.vector_store %arg17[%swap3A_979, %swap3A_980], %swap3A_983 {strides = array<i32>} : memref<48x128xf32, #tpu.memory_space<vmem>>, vector<1x16xf32>,
        %get3A_984 = arith.index_cast %scan3A_948 : i32 to index
        %get3A_985 = arith.constant 32 : index
        %get3A_986 = tpu.vector_load %arg15[%get3A_984, %get3A_985] {strides = array<i32>} : memref<48x128xf32, #tpu.memory_space<vmem>>, vector<1x16xf32>,
        %get3A_987 = vector.shape_cast %get3A_986 : vector<1x16xf32> to vector<16xf32>
        %mul3A_988 = arith.mulf %get3A_987, %get3A_78 : vector<16xf32>
        %get3A_989 = arith.index_cast %scan3A_948 : i32 to index
        %get3A_990 = arith.constant 32 : index
        %get3A_991 = tpu.vector_load %arg13[%get3A_989, %get3A_990] {strides = array<i32>} : memref<48x128xf32, #tpu.memory_space<vmem>>, vector<1x16xf32>,
        %get3A_992 = vector.shape_cast %get3A_991 : vector<1x16xf32> to vector<16xf32>
        %add3A_993 = arith.addf %mul3A_988, %get3A_992 : vector<16xf32>
        %max3A_994 = arith.constant 0.000000e+00 : f32
        %max3A_995 = vector.broadcast %max3A_994 : f32 to vector<16xf32>
        %max3A_996 = arith.maximumf %add3A_993, %max3A_995 : vector<16xf32>
        %swap3A_997 = arith.index_cast %scan3A_948 : i32 to index
        %swap3A_998 = arith.constant 32 : index
        %swap3A_999 = tpu.vector_load %arg17[%swap3A_997, %swap3A_998] {strides = array<i32>} : memref<48x128xf32, #tpu.memory_space<vmem>>, vector<1x16xf32>,
        %swap3A_1000 = vector.shape_cast %swap3A_999 : vector<1x16xf32> to vector<16xf32>
        %swap3A_1001 = vector.shape_cast %max3A_996 : vector<16xf32> to vector<1x16xf32>
        tpu.vector_store %arg17[%swap3A_997, %swap3A_998], %swap3A_1001 {strides = array<i32>} : memref<48x128xf32, #tpu.memory_space<vmem>>, vector<1x16xf32>,
        %get3A_1002 = arith.index_cast %scan3A_948 : i32 to index
        %get3A_1003 = arith.constant 48 : index
        %get3A_1004 = tpu.vector_load %arg15[%get3A_1002, %get3A_1003] {strides = array<i32>} : memref<48x128xf32, #tpu.memory_space<vmem>>, vector<1x16xf32>,
        %get3A_1005 = vector.shape_cast %get3A_1004 : vector<1x16xf32> to vector<16xf32>
        %mul3A_1006 = arith.mulf %get3A_1005, %get3A_83 : vector<16xf32>
        %get3A_1007 = arith.index_cast %scan3A_948 : i32 to index
        %get3A_1008 = arith.constant 48 : index
        %get3A_1009 = tpu.vector_load %arg13[%get3A_1007, %get3A_1008] {strides = array<i32>} : memref<48x128xf32, #tpu.memory_space<vmem>>, vector<1x16xf32>,
        %get3A_1010 = vector.shape_cast %get3A_1009 : vector<1x16xf32> to vector<16xf32>
        %add3A_1011 = arith.addf %mul3A_1006, %get3A_1010 : vector<16xf32>
        %max3A_1012 = arith.constant 0.000000e+00 : f32
        %max3A_1013 = vector.broadcast %max3A_1012 : f32 to vector<16xf32>
        %max3A_1014 = arith.maximumf %add3A_1011, %max3A_1013 : vector<16xf32>
        %swap3A_1015 = arith.index_cast %scan3A_948 : i32 to index
        %swap3A_1016 = arith.constant 48 : index
        %swap3A_1017 = tpu.vector_load %arg17[%swap3A_1015, %swap3A_1016] {strides = array<i32>} : memref<48x128xf32, #tpu.memory_space<vmem>>, vector<1x16xf32>,
        %swap3A_1018 = vector.shape_cast %swap3A_1017 : vector<1x16xf32> to vector<16xf32>
        %swap3A_1019 = vector.shape_cast %max3A_1014 : vector<16xf32> to vector<1x16xf32>
        tpu.vector_store %arg17[%swap3A_1015, %swap3A_1016], %swap3A_1019 {strides = array<i32>} : memref<48x128xf32, #tpu.memory_space<vmem>>, vector<1x16xf32>,
        %get3A_1020 = arith.index_cast %scan3A_948 : i32 to index
        %get3A_1021 = arith.constant 64 : index
        %get3A_1022 = tpu.vector_load %arg15[%get3A_1020, %get3A_1021] {strides = array<i32>} : memref<48x128xf32, #tpu.memory_space<vmem>>, vector<1x16xf32>,
        %get3A_1023 = vector.shape_cast %get3A_1022 : vector<1x16xf32> to vector<16xf32>
        %mul3A_1024 = arith.mulf %get3A_1023, %get3A_88 : vector<16xf32>
        %get3A_1025 = arith.index_cast %scan3A_948 : i32 to index
        %get3A_1026 = arith.constant 64 : index
        %get3A_1027 = tpu.vector_load %arg13[%get3A_1025, %get3A_1026] {strides = array<i32>} : memref<48x128xf32, #tpu.memory_space<vmem>>, vector<1x16xf32>,
        %get3A_1028 = vector.shape_cast %get3A_1027 : vector<1x16xf32> to vector<16xf32>
        %add3A_1029 = arith.addf %mul3A_1024, %get3A_1028 : vector<16xf32>
        %max3A_1030 = arith.constant 0.000000e+00 : f32
        %max3A_1031 = vector.broadcast %max3A_1030 : f32 to vector<16xf32>
        %max3A_1032 = arith.maximumf %add3A_1029, %max3A_1031 : vector<16xf32>
        %swap3A_1033 = arith.index_cast %scan3A_948 : i32 to index
        %swap3A_1034 = arith.constant 64 : index
        %swap3A_1035 = tpu.vector_load %arg17[%swap3A_1033, %swap3A_1034] {strides = array<i32>} : memref<48x128xf32, #tpu.memory_space<vmem>>, vector<1x16xf32>,
        %swap3A_1036 = vector.shape_cast %swap3A_1035 : vector<1x16xf32> to vector<16xf32>
        %swap3A_1037 = vector.shape_cast %max3A_1032 : vector<16xf32> to vector<1x16xf32>
        tpu.vector_store %arg17[%swap3A_1033, %swap3A_1034], %swap3A_1037 {strides = array<i32>} : memref<48x128xf32, #tpu.memory_space<vmem>>, vector<1x16xf32>,
        %get3A_1038 = arith.index_cast %scan3A_948 : i32 to index
        %get3A_1039 = arith.constant 80 : index
        %get3A_1040 = tpu.vector_load %arg15[%get3A_1038, %get3A_1039] {strides = array<i32>} : memref<48x128xf32, #tpu.memory_space<vmem>>, vector<1x16xf32>,
        %get3A_1041 = vector.shape_cast %get3A_1040 : vector<1x16xf32> to vector<16xf32>
        %mul3A_1042 = arith.mulf %get3A_1041, %get3A_93 : vector<16xf32>
        %get3A_1043 = arith.index_cast %scan3A_948 : i32 to index
        %get3A_1044 = arith.constant 80 : index
        %get3A_1045 = tpu.vector_load %arg13[%get3A_1043, %get3A_1044] {strides = array<i32>} : memref<48x128xf32, #tpu.memory_space<vmem>>, vector<1x16xf32>,
        %get3A_1046 = vector.shape_cast %get3A_1045 : vector<1x16xf32> to vector<16xf32>
        %add3A_1047 = arith.addf %mul3A_1042, %get3A_1046 : vector<16xf32>
        %max3A_1048 = arith.constant 0.000000e+00 : f32
        %max3A_1049 = vector.broadcast %max3A_1048 : f32 to vector<16xf32>
        %max3A_1050 = arith.maximumf %add3A_1047, %max3A_1049 : vector<16xf32>
        %swap3A_1051 = arith.index_cast %scan3A_948 : i32 to index
        %swap3A_1052 = arith.constant 80 : index
        %swap3A_1053 = tpu.vector_load %arg17[%swap3A_1051, %swap3A_1052] {strides = array<i32>} : memref<48x128xf32, #tpu.memory_space<vmem>>, vector<1x16xf32>,
        %swap3A_1054 = vector.shape_cast %swap3A_1053 : vector<1x16xf32> to vector<16xf32>
        %swap3A_1055 = vector.shape_cast %max3A_1050 : vector<16xf32> to vector<1x16xf32>
        tpu.vector_store %arg17[%swap3A_1051, %swap3A_1052], %swap3A_1055 {strides = array<i32>} : memref<48x128xf32, #tpu.memory_space<vmem>>, vector<1x16xf32>,
        %get3A_1056 = arith.index_cast %scan3A_948 : i32 to index
        %get3A_1057 = arith.constant 96 : index
        %get3A_1058 = tpu.vector_load %arg15[%get3A_1056, %get3A_1057] {strides = array<i32>} : memref<48x128xf32, #tpu.memory_space<vmem>>, vector<1x16xf32>,
        %get3A_1059 = vector.shape_cast %get3A_1058 : vector<1x16xf32> to vector<16xf32>
        %mul3A_1060 = arith.mulf %get3A_1059, %get3A_98 : vector<16xf32>
        %get3A_1061 = arith.index_cast %scan3A_948 : i32 to index
        %get3A_1062 = arith.constant 96 : index
        %get3A_1063 = tpu.vector_load %arg13[%get3A_1061, %get3A_1062] {strides = array<i32>} : memref<48x128xf32, #tpu.memory_space<vmem>>, vector<1x16xf32>,
        %get3A_1064 = vector.shape_cast %get3A_1063 : vector<1x16xf32> to vector<16xf32>
        %add3A_1065 = arith.addf %mul3A_1060, %get3A_1064 : vector<16xf32>
        %max3A_1066 = arith.constant 0.000000e+00 : f32
        %max3A_1067 = vector.broadcast %max3A_1066 : f32 to vector<16xf32>
        %max3A_1068 = arith.maximumf %add3A_1065, %max3A_1067 : vector<16xf32>
        %swap3A_1069 = arith.index_cast %scan3A_948 : i32 to index
        %swap3A_1070 = arith.constant 96 : index
        %swap3A_1071 = tpu.vector_load %arg17[%swap3A_1069, %swap3A_1070] {strides = array<i32>} : memref<48x128xf32, #tpu.memory_space<vmem>>, vector<1x16xf32>,
        %swap3A_1072 = vector.shape_cast %swap3A_1071 : vector<1x16xf32> to vector<16xf32>
        %swap3A_1073 = vector.shape_cast %max3A_1068 : vector<16xf32> to vector<1x16xf32>
        tpu.vector_store %arg17[%swap3A_1069, %swap3A_1070], %swap3A_1073 {strides = array<i32>} : memref<48x128xf32, #tpu.memory_space<vmem>>, vector<1x16xf32>,
        %get3A_1074 = arith.index_cast %scan3A_948 : i32 to index
        %get3A_1075 = arith.constant 112 : index
        %get3A_1076 = tpu.vector_load %arg15[%get3A_1074, %get3A_1075] {strides = array<i32>} : memref<48x128xf32, #tpu.memory_space<vmem>>, vector<1x16xf32>,
        %get3A_1077 = vector.shape_cast %get3A_1076 : vector<1x16xf32> to vector<16xf32>
        %mul3A_1078 = arith.mulf %get3A_1077, %get3A_103 : vector<16xf32>
        %get3A_1079 = arith.index_cast %scan3A_948 : i32 to index
        %get3A_1080 = arith.constant 112 : index
        %get3A_1081 = tpu.vector_load %arg13[%get3A_1079, %get3A_1080] {strides = array<i32>} : memref<48x128xf32, #tpu.memory_space<vmem>>, vector<1x16xf32>,
        %get3A_1082 = vector.shape_cast %get3A_1081 : vector<1x16xf32> to vector<16xf32>
        %add3A_1083 = arith.addf %mul3A_1078, %get3A_1082 : vector<16xf32>
        %max3A_1084 = arith.constant 0.000000e+00 : f32
        %max3A_1085 = vector.broadcast %max3A_1084 : f32 to vector<16xf32>
        %max3A_1086 = arith.maximumf %add3A_1083, %max3A_1085 : vector<16xf32>
        %swap3A_1087 = arith.index_cast %scan3A_948 : i32 to index
        %swap3A_1088 = arith.constant 112 : index
        %swap3A_1089 = tpu.vector_load %arg17[%swap3A_1087, %swap3A_1088] {strides = array<i32>} : memref<48x128xf32, #tpu.memory_space<vmem>>, vector<1x16xf32>,
        %swap3A_1090 = vector.shape_cast %swap3A_1089 : vector<1x16xf32> to vector<16xf32>
        %swap3A_1091 = vector.shape_cast %max3A_1086 : vector<16xf32> to vector<1x16xf32>
        tpu.vector_store %arg17[%swap3A_1087, %swap3A_1088], %swap3A_1091 {strides = array<i32>} : memref<48x128xf32, #tpu.memory_space<vmem>>, vector<1x16xf32>,
        %scan3A_1092 = arith.constant 0 : i32
        scf.yield %scan3A_1092 : i32
      }
      %scan3A_876 = arith.constant 48 : i32
      %mul3A_877 = arith.constant 48 : i32
      %mul3A_878 = arith.muli %add3A_824, %mul3A_877 : i32
      %add3A_879 = arith.addi %mul3A_2, %mul3A_878 : i32
      %dma_wait3A_880 = tpu.memref_slice %arg3[%add3A_879] : memref<320000xi32, #tpu.memory_space<hbm>> -> memref<48xi32, #tpu.memory_space<hbm>>
      %dma_wait3A_881 = tpu.memref_slice %arg3[%add3A_879] : memref<320000xi32, #tpu.memory_space<hbm>> -> memref<48xi32, #tpu.memory_space<hbm>>
      tpu.wait_dma2 semaphore(%arg26 : memref<!tpu.dma_semaphore, #tpu.memory_space<semaphore_mem>>) src(%dma_wait3A_881 : memref<48xi32, #tpu.memory_space<hbm>>) dst(%arg11 : memref<48xi32, #tpu.memory_space<vmem>>)
      %dma_start3A_882 = arith.constant 0 : i32
      %dma_start3A_883 = arith.constant 0 : i32
      %dma_start3A_884 = tpu.memref_slice %arg22[%dma_start3A_882, %dma_start3A_883] : memref<10112x128xf32, #tpu.memory_space<vmem_shared>> -> memref<10112x128xf32, #tpu.memory_space<vmem_shared>>
      tpu.enqueue_indirect_dma source(%arg17 : memref<48x128xf32, #tpu.memory_space<vmem>>) target(%dma_start3A_884 : memref<10112x128xf32, #tpu.memory_space<vmem_shared>>) offsets(%arg11 : memref<48xi32, #tpu.memory_space<vmem>>) semaphore(%arg30 : memref<!tpu.dma_semaphore, #tpu.memory_space<semaphore_mem>>) {add = true}
      %add3A_885 = arith.constant 1 : i32
      %add3A_886 = arith.addi %add3A_824, %add3A_885 : i32
      %add3A_887 = arith.constant 2 : i32
      %add3A_888 = arith.addi %add3A_824, %add3A_887 : i32
      %add3A_889 = arith.constant 3 : i32
      %add3A_890 = arith.addi %add3A_824, %add3A_889 : i32
      %mul3A_891 = arith.constant 48 : i32
      %mul3A_892 = arith.muli %add3A_888, %mul3A_891 : i32
      %add3A_893 = arith.addi %mul3A_2, %mul3A_892 : i32
      %dma_wait3A_894 = tpu.memref_slice %arg2[%add3A_893] : memref<320000xi32, #tpu.memory_space<hbm>> -> memref<48xi32, #tpu.memory_space<hbm>>
      %dma_wait3A_895 = tpu.memref_slice %arg2[%add3A_893] : memref<320000xi32, #tpu.memory_space<hbm>> -> memref<48xi32, #tpu.memory_space<hbm>>
      tpu.wait_dma2 semaphore(%arg24 : memref<!tpu.dma_semaphore, #tpu.memory_space<semaphore_mem>>) src(%dma_wait3A_895 : memref<48xi32, #tpu.memory_space<hbm>>) dst(%arg9 : memref<48xi32, #tpu.memory_space<vmem>>)
      %dma_wait3A_896 = arith.constant 0 : i32
      %dma_wait3A_897 = arith.constant 0 : i32
      %dma_wait3A_898 = tpu.memref_slice %arg22[%dma_wait3A_896, %dma_wait3A_897] : memref<10112x128xf32, #tpu.memory_space<vmem_shared>> -> memref<48x128xf32, #tpu.memory_space<vmem_shared>>
      %dma_wait3A_899 = arith.constant 0 : i32
      %dma_wait3A_900 = arith.constant 0 : i32
      %dma_wait3A_901 = tpu.memref_slice %arg22[%dma_wait3A_899, %dma_wait3A_900] : memref<10112x128xf32, #tpu.memory_space<vmem_shared>> -> memref<48x128xf32, #tpu.memory_space<vmem_shared>>
      tpu.wait_dma2 semaphore(%arg30 : memref<!tpu.dma_semaphore, #tpu.memory_space<semaphore_mem>>) src(%arg17 : memref<48x128xf32, #tpu.memory_space<vmem>>) dst(%dma_wait3A_901 : memref<48x128xf32, #tpu.memory_space<vmem_shared>>)
      %mul3A_902 = arith.constant 48 : i32
      %mul3A_903 = arith.muli %add3A_888, %mul3A_902 : i32
      %add3A_904 = arith.addi %mul3A_2, %mul3A_903 : i32
      %dma_start3A_905 = tpu.memref_slice %arg3[%add3A_904] : memref<320000xi32, #tpu.memory_space<hbm>> -> memref<48xi32, #tpu.memory_space<hbm>>
      %dma_start3A_906 = tpu.memref_slice %arg3[%add3A_904] : memref<320000xi32, #tpu.memory_space<hbm>> -> memref<48xi32, #tpu.memory_space<hbm>>
      tpu.enqueue_dma source(%dma_start3A_906 : memref<48xi32, #tpu.memory_space<hbm>>) target(%arg11 : memref<48xi32, #tpu.memory_space<vmem>>) target_semaphore(%arg26 : memref<!tpu.dma_semaphore, #tpu.memory_space<semaphore_mem>>)
      %dma_start3A_907 = arith.constant 0 : i32
      %dma_start3A_908 = arith.constant 0 : i32
      %dma_start3A_909 = tpu.memref_slice %arg4[%dma_start3A_907, %dma_start3A_908] : memref<10000x128xf32, #tpu.memory_space<hbm>> -> memref<10000x128xf32, #tpu.memory_space<hbm>>
      tpu.enqueue_indirect_dma source(%dma_start3A_909 : memref<10000x128xf32, #tpu.memory_space<hbm>>) target(%arg13 : memref<48x128xf32, #tpu.memory_space<vmem>>) offsets(%arg9 : memref<48xi32, #tpu.memory_space<vmem>>) semaphore(%arg28 : memref<!tpu.dma_semaphore, #tpu.memory_space<semaphore_mem>>)
      %mul3A_910 = arith.constant 48 : i32
      %mul3A_911 = arith.muli %add3A_888, %mul3A_910 : i32
      %add3A_912 = arith.addi %mul3A_2, %mul3A_911 : i32
      %dma_start3A_913 = arith.constant 0 : i32
      %dma_start3A_914 = tpu.memref_slice %arg5[%add3A_912, %dma_start3A_913] : memref<320000x128xf32, #tpu.memory_space<hbm>> -> memref<48x128xf32, #tpu.memory_space<hbm>>
      %dma_start3A_915 = arith.constant 0 : i32
      %dma_start3A_916 = tpu.memref_slice %arg5[%add3A_912, %dma_start3A_915] : memref<320000x128xf32, #tpu.memory_space<hbm>> -> memref<48x128xf32, #tpu.memory_space<hbm>>
      tpu.enqueue_dma source(%dma_start3A_916 : memref<48x128xf32, #tpu.memory_space<hbm>>) target(%arg15 : memref<48x128xf32, #tpu.memory_space<vmem>>) target_semaphore(%arg28 : memref<!tpu.dma_semaphore, #tpu.memory_space<semaphore_mem>>)
      %dma_wait3A_917 = arith.constant 0 : i32
      %dma_wait3A_918 = arith.constant 0 : i32
      %dma_wait3A_919 = tpu.memref_slice %arg4[%dma_wait3A_917, %dma_wait3A_918] : memref<10000x128xf32, #tpu.memory_space<hbm>> -> memref<10000x128xf32, #tpu.memory_space<hbm>>
      tpu.wait_indirect_dma semaphore(%arg27 : memref<!tpu.dma_semaphore, #tpu.memory_space<semaphore_mem>>) src(%dma_wait3A_919 : memref<10000x128xf32, #tpu.memory_space<hbm>>) dst(%arg12 : memref<48x128xf32, #tpu.memory_space<vmem>>)
      %mul3A_920 = arith.constant 48 : i32
      %mul3A_921 = arith.muli %add3A_886, %mul3A_920 : i32
      %add3A_922 = arith.addi %mul3A_2, %mul3A_921 : i32
      %dma_wait3A_923 = arith.constant 0 : i32
      %dma_wait3A_924 = tpu.memref_slice %arg5[%add3A_922, %dma_wait3A_923] : memref<320000x128xf32, #tpu.memory_space<hbm>> -> memref<48x128xf32, #tpu.memory_space<hbm>>
      %dma_wait3A_925 = arith.constant 0 : i32
      %dma_wait3A_926 = tpu.memref_slice %arg5[%add3A_922, %dma_wait3A_925] : memref<320000x128xf32, #tpu.memory_space<hbm>> -> memref<48x128xf32, #tpu.memory_space<hbm>>
      tpu.wait_dma2 semaphore(%arg27 : memref<!tpu.dma_semaphore, #tpu.memory_space<semaphore_mem>>) src(%dma_wait3A_926 : memref<48x128xf32, #tpu.memory_space<hbm>>) dst(%arg14 : memref<48x128xf32, #tpu.memory_space<vmem>>)
      %mul3A_927 = arith.constant 48 : i32
      %mul3A_928 = arith.muli %add3A_890, %mul3A_927 : i32
      %add3A_929 = arith.addi %mul3A_2, %mul3A_928 : i32
      %dma_start3A_930 = tpu.memref_slice %arg2[%add3A_929] : memref<320000xi32, #tpu.memory_space<hbm>> -> memref<48xi32, #tpu.memory_space<hbm>>
      %dma_start3A_931 = tpu.memref_slice %arg2[%add3A_929] : memref<320000xi32, #tpu.memory_space<hbm>> -> memref<48xi32, #tpu.memory_space<hbm>>
      tpu.enqueue_dma source(%dma_start3A_931 : memref<48xi32, #tpu.memory_space<hbm>>) target(%arg8 : memref<48xi32, #tpu.memory_space<vmem>>) target_semaphore(%arg23 : memref<!tpu.dma_semaphore, #tpu.memory_space<semaphore_mem>>)
      %scan3A_932 = arith.constant 0 : i32
      %scan3A_933 = arith.constant 0 : i32
      %scan3A_934 = arith.constant 48 : i32
      %scan3A_935 = arith.addi %scan3A_933, %scan3A_934 : i32
      %scan3A_936 = arith.constant 1 : i32
      %scan3A_937 = scf.for %scan3A_948 = %scan3A_933 to %scan3A_935 step %scan3A_936 iter_args(%scan3A_949 = %scan3A_932) -> (i32)  : i32 {
        %get3A_950 = arith.index_cast %scan3A_948 : i32 to index
        %get3A_951 = arith.constant 0 : index
        %get3A_952 = tpu.vector_load %arg14[%get3A_950, %get3A_951] {strides = array<i32>} : memref<48x128xf32, #tpu.memory_space<vmem>>, vector<1x16xf32>,
        %get3A_953 = vector.shape_cast %get3A_952 : vector<1x16xf32> to vector<16xf32>
        %mul3A_954 = arith.mulf %get3A_953, %get3A_68 : vector<16xf32>
        %get3A_955 = arith.index_cast %scan3A_948 : i32 to index
        %get3A_956 = arith.constant 0 : index
        %get3A_957 = tpu.vector_load %arg12[%get3A_955, %get3A_956] {strides = array<i32>} : memref<48x128xf32, #tpu.memory_space<vmem>>, vector<1x16xf32>,
        %get3A_958 = vector.shape_cast %get3A_957 : vector<1x16xf32> to vector<16xf32>
        %add3A_959 = arith.addf %mul3A_954, %get3A_958 : vector<16xf32>
        %max3A = arith.constant 0.000000e+00 : f32
        %max3A_960 = vector.broadcast %max3A : f32 to vector<16xf32>
        %max3A_961 = arith.maximumf %add3A_959, %max3A_960 : vector<16xf32>
        %swap3A = arith.index_cast %scan3A_948 : i32 to index
        %swap3A_962 = arith.constant 0 : index
        %swap3A_963 = tpu.vector_load %arg16[%swap3A, %swap3A_962] {strides = array<i32>} : memref<48x128xf32, #tpu.memory_space<vmem>>, vector<1x16xf32>,
        %swap3A_964 = vector.shape_cast %swap3A_963 : vector<1x16xf32> to vector<16xf32>
        %swap3A_965 = vector.shape_cast %max3A_961 : vector<16xf32> to vector<1x16xf32>
        tpu.vector_store %arg16[%swap3A, %swap3A_962], %swap3A_965 {strides = array<i32>} : memref<48x128xf32, #tpu.memory_space<vmem>>, vector<1x16xf32>,
        %get3A_966 = arith.index_cast %scan3A_948 : i32 to index
        %get3A_967 = arith.constant 16 : index
        %get3A_968 = tpu.vector_load %arg14[%get3A_966, %get3A_967] {strides = array<i32>} : memref<48x128xf32, #tpu.memory_space<vmem>>, vector<1x16xf32>,
        %get3A_969 = vector.shape_cast %get3A_968 : vector<1x16xf32> to vector<16xf32>
        %mul3A_970 = arith.mulf %get3A_969, %get3A_73 : vector<16xf32>
        %get3A_971 = arith.index_cast %scan3A_948 : i32 to index
        %get3A_972 = arith.constant 16 : index
        %get3A_973 = tpu.vector_load %arg12[%get3A_971, %get3A_972] {strides = array<i32>} : memref<48x128xf32, #tpu.memory_space<vmem>>, vector<1x16xf32>,
        %get3A_974 = vector.shape_cast %get3A_973 : vector<1x16xf32> to vector<16xf32>
        %add3A_975 = arith.addf %mul3A_970, %get3A_974 : vector<16xf32>
        %max3A_976 = arith.constant 0.000000e+00 : f32
        %max3A_977 = vector.broadcast %max3A_976 : f32 to vector<16xf32>
        %max3A_978 = arith.maximumf %add3A_975, %max3A_977 : vector<16xf32>
        %swap3A_979 = arith.index_cast %scan3A_948 : i32 to index
        %swap3A_980 = arith.constant 16 : index
        %swap3A_981 = tpu.vector_load %arg16[%swap3A_979, %swap3A_980] {strides = array<i32>} : memref<48x128xf32, #tpu.memory_space<vmem>>, vector<1x16xf32>,
        %swap3A_982 = vector.shape_cast %swap3A_981 : vector<1x16xf32> to vector<16xf32>
        %swap3A_983 = vector.shape_cast %max3A_978 : vector<16xf32> to vector<1x16xf32>
        tpu.vector_store %arg16[%swap3A_979, %swap3A_980], %swap3A_983 {strides = array<i32>} : memref<48x128xf32, #tpu.memory_space<vmem>>, vector<1x16xf32>,
        %get3A_984 = arith.index_cast %scan3A_948 : i32 to index
        %get3A_985 = arith.constant 32 : index
        %get3A_986 = tpu.vector_load %arg14[%get3A_984, %get3A_985] {strides = array<i32>} : memref<48x128xf32, #tpu.memory_space<vmem>>, vector<1x16xf32>,
        %get3A_987 = vector.shape_cast %get3A_986 : vector<1x16xf32> to vector<16xf32>
        %mul3A_988 = arith.mulf %get3A_987, %get3A_78 : vector<16xf32>
        %get3A_989 = arith.index_cast %scan3A_948 : i32 to index
        %get3A_990 = arith.constant 32 : index
        %get3A_991 = tpu.vector_load %arg12[%get3A_989, %get3A_990] {strides = array<i32>} : memref<48x128xf32, #tpu.memory_space<vmem>>, vector<1x16xf32>,
        %get3A_992 = vector.shape_cast %get3A_991 : vector<1x16xf32> to vector<16xf32>
        %add3A_993 = arith.addf %mul3A_988, %get3A_992 : vector<16xf32>
        %max3A_994 = arith.constant 0.000000e+00 : f32
        %max3A_995 = vector.broadcast %max3A_994 : f32 to vector<16xf32>
        %max3A_996 = arith.maximumf %add3A_993, %max3A_995 : vector<16xf32>
        %swap3A_997 = arith.index_cast %scan3A_948 : i32 to index
        %swap3A_998 = arith.constant 32 : index
        %swap3A_999 = tpu.vector_load %arg16[%swap3A_997, %swap3A_998] {strides = array<i32>} : memref<48x128xf32, #tpu.memory_space<vmem>>, vector<1x16xf32>,
        %swap3A_1000 = vector.shape_cast %swap3A_999 : vector<1x16xf32> to vector<16xf32>
        %swap3A_1001 = vector.shape_cast %max3A_996 : vector<16xf32> to vector<1x16xf32>
        tpu.vector_store %arg16[%swap3A_997, %swap3A_998], %swap3A_1001 {strides = array<i32>} : memref<48x128xf32, #tpu.memory_space<vmem>>, vector<1x16xf32>,
        %get3A_1002 = arith.index_cast %scan3A_948 : i32 to index
        %get3A_1003 = arith.constant 48 : index
        %get3A_1004 = tpu.vector_load %arg14[%get3A_1002, %get3A_1003] {strides = array<i32>} : memref<48x128xf32, #tpu.memory_space<vmem>>, vector<1x16xf32>,
        %get3A_1005 = vector.shape_cast %get3A_1004 : vector<1x16xf32> to vector<16xf32>
        %mul3A_1006 = arith.mulf %get3A_1005, %get3A_83 : vector<16xf32>
        %get3A_1007 = arith.index_cast %scan3A_948 : i32 to index
        %get3A_1008 = arith.constant 48 : index
        %get3A_1009 = tpu.vector_load %arg12[%get3A_1007, %get3A_1008] {strides = array<i32>} : memref<48x128xf32, #tpu.memory_space<vmem>>, vector<1x16xf32>,
        %get3A_1010 = vector.shape_cast %get3A_1009 : vector<1x16xf32> to vector<16xf32>
        %add3A_1011 = arith.addf %mul3A_1006, %get3A_1010 : vector<16xf32>
        %max3A_1012 = arith.constant 0.000000e+00 : f32
        %max3A_1013 = vector.broadcast %max3A_1012 : f32 to vector<16xf32>
        %max3A_1014 = arith.maximumf %add3A_1011, %max3A_1013 : vector<16xf32>
        %swap3A_1015 = arith.index_cast %scan3A_948 : i32 to index
        %swap3A_1016 = arith.constant 48 : index
        %swap3A_1017 = tpu.vector_load %arg16[%swap3A_1015, %swap3A_1016] {strides = array<i32>} : memref<48x128xf32, #tpu.memory_space<vmem>>, vector<1x16xf32>,
        %swap3A_1018 = vector.shape_cast %swap3A_1017 : vector<1x16xf32> to vector<16xf32>
        %swap3A_1019 = vector.shape_cast %max3A_1014 : vector<16xf32> to vector<1x16xf32>
        tpu.vector_store %arg16[%swap3A_1015, %swap3A_1016], %swap3A_1019 {strides = array<i32>} : memref<48x128xf32, #tpu.memory_space<vmem>>, vector<1x16xf32>,
        %get3A_1020 = arith.index_cast %scan3A_948 : i32 to index
        %get3A_1021 = arith.constant 64 : index
        %get3A_1022 = tpu.vector_load %arg14[%get3A_1020, %get3A_1021] {strides = array<i32>} : memref<48x128xf32, #tpu.memory_space<vmem>>, vector<1x16xf32>,
        %get3A_1023 = vector.shape_cast %get3A_1022 : vector<1x16xf32> to vector<16xf32>
        %mul3A_1024 = arith.mulf %get3A_1023, %get3A_88 : vector<16xf32>
        %get3A_1025 = arith.index_cast %scan3A_948 : i32 to index
        %get3A_1026 = arith.constant 64 : index
        %get3A_1027 = tpu.vector_load %arg12[%get3A_1025, %get3A_1026] {strides = array<i32>} : memref<48x128xf32, #tpu.memory_space<vmem>>, vector<1x16xf32>,
        %get3A_1028 = vector.shape_cast %get3A_1027 : vector<1x16xf32> to vector<16xf32>
        %add3A_1029 = arith.addf %mul3A_1024, %get3A_1028 : vector<16xf32>
        %max3A_1030 = arith.constant 0.000000e+00 : f32
        %max3A_1031 = vector.broadcast %max3A_1030 : f32 to vector<16xf32>
        %max3A_1032 = arith.maximumf %add3A_1029, %max3A_1031 : vector<16xf32>
        %swap3A_1033 = arith.index_cast %scan3A_948 : i32 to index
        %swap3A_1034 = arith.constant 64 : index
        %swap3A_1035 = tpu.vector_load %arg16[%swap3A_1033, %swap3A_1034] {strides = array<i32>} : memref<48x128xf32, #tpu.memory_space<vmem>>, vector<1x16xf32>,
        %swap3A_1036 = vector.shape_cast %swap3A_1035 : vector<1x16xf32> to vector<16xf32>
        %swap3A_1037 = vector.shape_cast %max3A_1032 : vector<16xf32> to vector<1x16xf32>
        tpu.vector_store %arg16[%swap3A_1033, %swap3A_1034], %swap3A_1037 {strides = array<i32>} : memref<48x128xf32, #tpu.memory_space<vmem>>, vector<1x16xf32>,
        %get3A_1038 = arith.index_cast %scan3A_948 : i32 to index
        %get3A_1039 = arith.constant 80 : index
        %get3A_1040 = tpu.vector_load %arg14[%get3A_1038, %get3A_1039] {strides = array<i32>} : memref<48x128xf32, #tpu.memory_space<vmem>>, vector<1x16xf32>,
        %get3A_1041 = vector.shape_cast %get3A_1040 : vector<1x16xf32> to vector<16xf32>
        %mul3A_1042 = arith.mulf %get3A_1041, %get3A_93 : vector<16xf32>
        %get3A_1043 = arith.index_cast %scan3A_948 : i32 to index
        %get3A_1044 = arith.constant 80 : index
        %get3A_1045 = tpu.vector_load %arg12[%get3A_1043, %get3A_1044] {strides = array<i32>} : memref<48x128xf32, #tpu.memory_space<vmem>>, vector<1x16xf32>,
        %get3A_1046 = vector.shape_cast %get3A_1045 : vector<1x16xf32> to vector<16xf32>
        %add3A_1047 = arith.addf %mul3A_1042, %get3A_1046 : vector<16xf32>
        %max3A_1048 = arith.constant 0.000000e+00 : f32
        %max3A_1049 = vector.broadcast %max3A_1048 : f32 to vector<16xf32>
        %max3A_1050 = arith.maximumf %add3A_1047, %max3A_1049 : vector<16xf32>
        %swap3A_1051 = arith.index_cast %scan3A_948 : i32 to index
        %swap3A_1052 = arith.constant 80 : index
        %swap3A_1053 = tpu.vector_load %arg16[%swap3A_1051, %swap3A_1052] {strides = array<i32>} : memref<48x128xf32, #tpu.memory_space<vmem>>, vector<1x16xf32>,
        %swap3A_1054 = vector.shape_cast %swap3A_1053 : vector<1x16xf32> to vector<16xf32>
        %swap3A_1055 = vector.shape_cast %max3A_1050 : vector<16xf32> to vector<1x16xf32>
        tpu.vector_store %arg16[%swap3A_1051, %swap3A_1052], %swap3A_1055 {strides = array<i32>} : memref<48x128xf32, #tpu.memory_space<vmem>>, vector<1x16xf32>,
        %get3A_1056 = arith.index_cast %scan3A_948 : i32 to index
        %get3A_1057 = arith.constant 96 : index
        %get3A_1058 = tpu.vector_load %arg14[%get3A_1056, %get3A_1057] {strides = array<i32>} : memref<48x128xf32, #tpu.memory_space<vmem>>, vector<1x16xf32>,
        %get3A_1059 = vector.shape_cast %get3A_1058 : vector<1x16xf32> to vector<16xf32>
        %mul3A_1060 = arith.mulf %get3A_1059, %get3A_98 : vector<16xf32>
        %get3A_1061 = arith.index_cast %scan3A_948 : i32 to index
        %get3A_1062 = arith.constant 96 : index
        %get3A_1063 = tpu.vector_load %arg12[%get3A_1061, %get3A_1062] {strides = array<i32>} : memref<48x128xf32, #tpu.memory_space<vmem>>, vector<1x16xf32>,
        %get3A_1064 = vector.shape_cast %get3A_1063 : vector<1x16xf32> to vector<16xf32>
        %add3A_1065 = arith.addf %mul3A_1060, %get3A_1064 : vector<16xf32>
        %max3A_1066 = arith.constant 0.000000e+00 : f32
        %max3A_1067 = vector.broadcast %max3A_1066 : f32 to vector<16xf32>
        %max3A_1068 = arith.maximumf %add3A_1065, %max3A_1067 : vector<16xf32>
        %swap3A_1069 = arith.index_cast %scan3A_948 : i32 to index
        %swap3A_1070 = arith.constant 96 : index
        %swap3A_1071 = tpu.vector_load %arg16[%swap3A_1069, %swap3A_1070] {strides = array<i32>} : memref<48x128xf32, #tpu.memory_space<vmem>>, vector<1x16xf32>,
        %swap3A_1072 = vector.shape_cast %swap3A_1071 : vector<1x16xf32> to vector<16xf32>
        %swap3A_1073 = vector.shape_cast %max3A_1068 : vector<16xf32> to vector<1x16xf32>
        tpu.vector_store %arg16[%swap3A_1069, %swap3A_1070], %swap3A_1073 {strides = array<i32>} : memref<48x128xf32, #tpu.memory_space<vmem>>, vector<1x16xf32>,
        %get3A_1074 = arith.index_cast %scan3A_948 : i32 to index
        %get3A_1075 = arith.constant 112 : index
        %get3A_1076 = tpu.vector_load %arg14[%get3A_1074, %get3A_1075] {strides = array<i32>} : memref<48x128xf32, #tpu.memory_space<vmem>>, vector<1x16xf32>,
        %get3A_1077 = vector.shape_cast %get3A_1076 : vector<1x16xf32> to vector<16xf32>
        %mul3A_1078 = arith.mulf %get3A_1077, %get3A_103 : vector<16xf32>
        %get3A_1079 = arith.index_cast %scan3A_948 : i32 to index
        %get3A_1080 = arith.constant 112 : index
        %get3A_1081 = tpu.vector_load %arg12[%get3A_1079, %get3A_1080] {strides = array<i32>} : memref<48x128xf32, #tpu.memory_space<vmem>>, vector<1x16xf32>,
        %get3A_1082 = vector.shape_cast %get3A_1081 : vector<1x16xf32> to vector<16xf32>
        %add3A_1083 = arith.addf %mul3A_1078, %get3A_1082 : vector<16xf32>
        %max3A_1084 = arith.constant 0.000000e+00 : f32
        %max3A_1085 = vector.broadcast %max3A_1084 : f32 to vector<16xf32>
        %max3A_1086 = arith.maximumf %add3A_1083, %max3A_1085 : vector<16xf32>
        %swap3A_1087 = arith.index_cast %scan3A_948 : i32 to index
        %swap3A_1088 = arith.constant 112 : index
        %swap3A_1089 = tpu.vector_load %arg16[%swap3A_1087, %swap3A_1088] {strides = array<i32>} : memref<48x128xf32, #tpu.memory_space<vmem>>, vector<1x16xf32>,
        %swap3A_1090 = vector.shape_cast %swap3A_1089 : vector<1x16xf32> to vector<16xf32>
        %swap3A_1091 = vector.shape_cast %max3A_1086 : vector<16xf32> to vector<1x16xf32>
        tpu.vector_store %arg16[%swap3A_1087, %swap3A_1088], %swap3A_1091 {strides = array<i32>} : memref<48x128xf32, #tpu.memory_space<vmem>>, vector<1x16xf32>,
        %scan3A_1092 = arith.constant 0 : i32
        scf.yield %scan3A_1092 : i32
      }
      %scan3A_938 = arith.constant 48 : i32
      %mul3A_939 = arith.constant 48 : i32
      %mul3A_940 = arith.muli %add3A_886, %mul3A_939 : i32
      %add3A_941 = arith.addi %mul3A_2, %mul3A_940 : i32
      %dma_wait3A_942 = tpu.memref_slice %arg3[%add3A_941] : memref<320000xi32, #tpu.memory_space<hbm>> -> memref<48xi32, #tpu.memory_space<hbm>>
      %dma_wait3A_943 = tpu.memref_slice %arg3[%add3A_941] : memref<320000xi32, #tpu.memory_space<hbm>> -> memref<48xi32, #tpu.memory_space<hbm>>
      tpu.wait_dma2 semaphore(%arg25 : memref<!tpu.dma_semaphore, #tpu.memory_space<semaphore_mem>>) src(%dma_wait3A_943 : memref<48xi32, #tpu.memory_space<hbm>>) dst(%arg10 : memref<48xi32, #tpu.memory_space<vmem>>)
      %dma_start3A_944 = arith.constant 0 : i32
      %dma_start3A_945 = arith.constant 0 : i32
      %dma_start3A_946 = tpu.memref_slice %arg22[%dma_start3A_944, %dma_start3A_945] : memref<10112x128xf32, #tpu.memory_space<vmem_shared>> -> memref<10112x128xf32, #tpu.memory_space<vmem_shared>>
      tpu.enqueue_indirect_dma source(%arg16 : memref<48x128xf32, #tpu.memory_space<vmem>>) target(%dma_start3A_946 : memref<10112x128xf32, #tpu.memory_space<vmem_shared>>) offsets(%arg10 : memref<48xi32, #tpu.memory_space<vmem>>) semaphore(%arg29 : memref<!tpu.dma_semaphore, #tpu.memory_space<semaphore_mem>>) {add = true}
      %scan3A_947 = arith.constant 0 : i32
      scf.yield %scan3A_947 : i32
    }
    %scan3A_177 = arith.constant 102 : i32
    %add3A_178 = arith.constant 9888 : i32
    %add3A_179 = arith.addi %mul3A_2, %add3A_178 : i32
    %dma_wait3A_180 = tpu.memref_slice %arg2[%add3A_179] : memref<320000xi32, #tpu.memory_space<hbm>> -> memref<48xi32, #tpu.memory_space<hbm>>
    %dma_wait3A_181 = tpu.memref_slice %arg2[%add3A_179] : memref<320000xi32, #tpu.memory_space<hbm>> -> memref<48xi32, #tpu.memory_space<hbm>>
    tpu.wait_dma2 semaphore(%arg23 : memref<!tpu.dma_semaphore, #tpu.memory_space<semaphore_mem>>) src(%dma_wait3A_181 : memref<48xi32, #tpu.memory_space<hbm>>) dst(%arg8 : memref<48xi32, #tpu.memory_space<vmem>>)
    %dma_wait3A_182 = arith.constant 0 : i32
    %dma_wait3A_183 = arith.constant 0 : i32
    %dma_wait3A_184 = tpu.memref_slice %arg22[%dma_wait3A_182, %dma_wait3A_183] : memref<10112x128xf32, #tpu.memory_space<vmem_shared>> -> memref<48x128xf32, #tpu.memory_space<vmem_shared>>
    %dma_wait3A_185 = arith.constant 0 : i32
    %dma_wait3A_186 = arith.constant 0 : i32
    %dma_wait3A_187 = tpu.memref_slice %arg22[%dma_wait3A_185, %dma_wait3A_186] : memref<10112x128xf32, #tpu.memory_space<vmem_shared>> -> memref<48x128xf32, #tpu.memory_space<vmem_shared>>
    tpu.wait_dma2 semaphore(%arg29 : memref<!tpu.dma_semaphore, #tpu.memory_space<semaphore_mem>>) src(%arg16 : memref<48x128xf32, #tpu.memory_space<vmem>>) dst(%dma_wait3A_187 : memref<48x128xf32, #tpu.memory_space<vmem_shared>>)
    %add3A_188 = arith.constant 9888 : i32
    %add3A_189 = arith.addi %mul3A_2, %add3A_188 : i32
    %dma_start3A_190 = tpu.memref_slice %arg3[%add3A_189] : memref<320000xi32, #tpu.memory_space<hbm>> -> memref<48xi32, #tpu.memory_space<hbm>>
    %dma_start3A_191 = tpu.memref_slice %arg3[%add3A_189] : memref<320000xi32, #tpu.memory_space<hbm>> -> memref<48xi32, #tpu.memory_space<hbm>>
    tpu.enqueue_dma source(%dma_start3A_191 : memref<48xi32, #tpu.memory_space<hbm>>) target(%arg10 : memref<48xi32, #tpu.memory_space<vmem>>) target_semaphore(%arg25 : memref<!tpu.dma_semaphore, #tpu.memory_space<semaphore_mem>>)
    %dma_start3A_192 = arith.constant 0 : i32
    %dma_start3A_193 = arith.constant 0 : i32
    %dma_start3A_194 = tpu.memref_slice %arg4[%dma_start3A_192, %dma_start3A_193] : memref<10000x128xf32, #tpu.memory_space<hbm>> -> memref<10000x128xf32, #tpu.memory_space<hbm>>
    tpu.enqueue_indirect_dma source(%dma_start3A_194 : memref<10000x128xf32, #tpu.memory_space<hbm>>) target(%arg12 : memref<48x128xf32, #tpu.memory_space<vmem>>) offsets(%arg8 : memref<48xi32, #tpu.memory_space<vmem>>) semaphore(%arg27 : memref<!tpu.dma_semaphore, #tpu.memory_space<semaphore_mem>>)
    %add3A_195 = arith.constant 9888 : i32
    %add3A_196 = arith.addi %mul3A_2, %add3A_195 : i32
    %dma_start3A_197 = arith.constant 0 : i32
    %dma_start3A_198 = tpu.memref_slice %arg5[%add3A_196, %dma_start3A_197] : memref<320000x128xf32, #tpu.memory_space<hbm>> -> memref<48x128xf32, #tpu.memory_space<hbm>>
    %dma_start3A_199 = arith.constant 0 : i32
    %dma_start3A_200 = tpu.memref_slice %arg5[%add3A_196, %dma_start3A_199] : memref<320000x128xf32, #tpu.memory_space<hbm>> -> memref<48x128xf32, #tpu.memory_space<hbm>>
    tpu.enqueue_dma source(%dma_start3A_200 : memref<48x128xf32, #tpu.memory_space<hbm>>) target(%arg14 : memref<48x128xf32, #tpu.memory_space<vmem>>) target_semaphore(%arg27 : memref<!tpu.dma_semaphore, #tpu.memory_space<semaphore_mem>>)
    %dma_wait3A_201 = arith.constant 0 : i32
    %dma_wait3A_202 = arith.constant 0 : i32
    %dma_wait3A_203 = tpu.memref_slice %arg4[%dma_wait3A_201, %dma_wait3A_202] : memref<10000x128xf32, #tpu.memory_space<hbm>> -> memref<10000x128xf32, #tpu.memory_space<hbm>>
    tpu.wait_indirect_dma semaphore(%arg28 : memref<!tpu.dma_semaphore, #tpu.memory_space<semaphore_mem>>) src(%dma_wait3A_203 : memref<10000x128xf32, #tpu.memory_space<hbm>>) dst(%arg13 : memref<48x128xf32, #tpu.memory_space<vmem>>)
    %add3A_204 = arith.constant 9840 : i32
    %add3A_205 = arith.addi %mul3A_2, %add3A_204 : i32
    %dma_wait3A_206 = arith.constant 0 : i32
    %dma_wait3A_207 = tpu.memref_slice %arg5[%add3A_205, %dma_wait3A_206] : memref<320000x128xf32, #tpu.memory_space<hbm>> -> memref<48x128xf32, #tpu.memory_space<hbm>>
    %dma_wait3A_208 = arith.constant 0 : i32
    %dma_wait3A_209 = tpu.memref_slice %arg5[%add3A_205, %dma_wait3A_208] : memref<320000x128xf32, #tpu.memory_space<hbm>> -> memref<48x128xf32, #tpu.memory_space<hbm>>
    tpu.wait_dma2 semaphore(%arg28 : memref<!tpu.dma_semaphore, #tpu.memory_space<semaphore_mem>>) src(%dma_wait3A_209 : memref<48x128xf32, #tpu.memory_space<hbm>>) dst(%arg15 : memref<48x128xf32, #tpu.memory_space<vmem>>)
    %add3A_210 = arith.constant 9936 : i32
    %add3A_211 = arith.addi %mul3A_2, %add3A_210 : i32
    %dma_start3A_212 = tpu.memref_slice %arg2[%add3A_211] : memref<320000xi32, #tpu.memory_space<hbm>> -> memref<48xi32, #tpu.memory_space<hbm>>
    %dma_start3A_213 = tpu.memref_slice %arg2[%add3A_211] : memref<320000xi32, #tpu.memory_space<hbm>> -> memref<48xi32, #tpu.memory_space<hbm>>
    tpu.enqueue_dma source(%dma_start3A_213 : memref<48xi32, #tpu.memory_space<hbm>>) target(%arg9 : memref<48xi32, #tpu.memory_space<vmem>>) target_semaphore(%arg24 : memref<!tpu.dma_semaphore, #tpu.memory_space<semaphore_mem>>)
    %scan3A_214 = arith.constant 0 : i32
    %scan3A_215 = arith.constant 0 : i32
    %scan3A_216 = arith.constant 48 : i32
    %scan3A_217 = arith.addi %scan3A_215, %scan3A_216 : i32
    %scan3A_218 = arith.constant 1 : i32
    %scan3A_219 = scf.for %scan3A_819 = %scan3A_215 to %scan3A_217 step %scan3A_218 iter_args(%scan3A_820 = %scan3A_214) -> (i32)  : i32 {
      %get3A_821 = arith.index_cast %scan3A_819 : i32 to index
      %get3A_822 = arith.constant 0 : index
      %get3A_823 = tpu.vector_load %arg15[%get3A_821, %get3A_822] {strides = array<i32>} : memref<48x128xf32, #tpu.memory_space<vmem>>, vector<1x16xf32>,
      %get3A_824 = vector.shape_cast %get3A_823 : vector<1x16xf32> to vector<16xf32>
      %mul3A_825 = arith.mulf %get3A_824, %get3A_68 : vector<16xf32>
      %get3A_826 = arith.index_cast %scan3A_819 : i32 to index
      %get3A_827 = arith.constant 0 : index
      %get3A_828 = tpu.vector_load %arg13[%get3A_826, %get3A_827] {strides = array<i32>} : memref<48x128xf32, #tpu.memory_space<vmem>>, vector<1x16xf32>,
      %get3A_829 = vector.shape_cast %get3A_828 : vector<1x16xf32> to vector<16xf32>
      %add3A_830 = arith.addf %mul3A_825, %get3A_829 : vector<16xf32>
      %max3A = arith.constant 0.000000e+00 : f32
      %max3A_831 = vector.broadcast %max3A : f32 to vector<16xf32>
      %max3A_832 = arith.maximumf %add3A_830, %max3A_831 : vector<16xf32>
      %swap3A = arith.index_cast %scan3A_819 : i32 to index
      %swap3A_833 = arith.constant 0 : index
      %swap3A_834 = tpu.vector_load %arg17[%swap3A, %swap3A_833] {strides = array<i32>} : memref<48x128xf32, #tpu.memory_space<vmem>>, vector<1x16xf32>,
      %swap3A_835 = vector.shape_cast %swap3A_834 : vector<1x16xf32> to vector<16xf32>
      %swap3A_836 = vector.shape_cast %max3A_832 : vector<16xf32> to vector<1x16xf32>
      tpu.vector_store %arg17[%swap3A, %swap3A_833], %swap3A_836 {strides = array<i32>} : memref<48x128xf32, #tpu.memory_space<vmem>>, vector<1x16xf32>,
      %get3A_837 = arith.index_cast %scan3A_819 : i32 to index
      %get3A_838 = arith.constant 16 : index
      %get3A_839 = tpu.vector_load %arg15[%get3A_837, %get3A_838] {strides = array<i32>} : memref<48x128xf32, #tpu.memory_space<vmem>>, vector<1x16xf32>,
      %get3A_840 = vector.shape_cast %get3A_839 : vector<1x16xf32> to vector<16xf32>
      %mul3A_841 = arith.mulf %get3A_840, %get3A_73 : vector<16xf32>
      %get3A_842 = arith.index_cast %scan3A_819 : i32 to index
      %get3A_843 = arith.constant 16 : index
      %get3A_844 = tpu.vector_load %arg13[%get3A_842, %get3A_843] {strides = array<i32>} : memref<48x128xf32, #tpu.memory_space<vmem>>, vector<1x16xf32>,
      %get3A_845 = vector.shape_cast %get3A_844 : vector<1x16xf32> to vector<16xf32>
      %add3A_846 = arith.addf %mul3A_841, %get3A_845 : vector<16xf32>
      %max3A_847 = arith.constant 0.000000e+00 : f32
      %max3A_848 = vector.broadcast %max3A_847 : f32 to vector<16xf32>
      %max3A_849 = arith.maximumf %add3A_846, %max3A_848 : vector<16xf32>
      %swap3A_850 = arith.index_cast %scan3A_819 : i32 to index
      %swap3A_851 = arith.constant 16 : index
      %swap3A_852 = tpu.vector_load %arg17[%swap3A_850, %swap3A_851] {strides = array<i32>} : memref<48x128xf32, #tpu.memory_space<vmem>>, vector<1x16xf32>,
      %swap3A_853 = vector.shape_cast %swap3A_852 : vector<1x16xf32> to vector<16xf32>
      %swap3A_854 = vector.shape_cast %max3A_849 : vector<16xf32> to vector<1x16xf32>
      tpu.vector_store %arg17[%swap3A_850, %swap3A_851], %swap3A_854 {strides = array<i32>} : memref<48x128xf32, #tpu.memory_space<vmem>>, vector<1x16xf32>,
      %get3A_855 = arith.index_cast %scan3A_819 : i32 to index
      %get3A_856 = arith.constant 32 : index
      %get3A_857 = tpu.vector_load %arg15[%get3A_855, %get3A_856] {strides = array<i32>} : memref<48x128xf32, #tpu.memory_space<vmem>>, vector<1x16xf32>,
      %get3A_858 = vector.shape_cast %get3A_857 : vector<1x16xf32> to vector<16xf32>
      %mul3A_859 = arith.mulf %get3A_858, %get3A_78 : vector<16xf32>
      %get3A_860 = arith.index_cast %scan3A_819 : i32 to index
      %get3A_861 = arith.constant 32 : index
      %get3A_862 = tpu.vector_load %arg13[%get3A_860, %get3A_861] {strides = array<i32>} : memref<48x128xf32, #tpu.memory_space<vmem>>, vector<1x16xf32>,
      %get3A_863 = vector.shape_cast %get3A_862 : vector<1x16xf32> to vector<16xf32>
      %add3A_864 = arith.addf %mul3A_859, %get3A_863 : vector<16xf32>
      %max3A_865 = arith.constant 0.000000e+00 : f32
      %max3A_866 = vector.broadcast %max3A_865 : f32 to vector<16xf32>
      %max3A_867 = arith.maximumf %add3A_864, %max3A_866 : vector<16xf32>
      %swap3A_868 = arith.index_cast %scan3A_819 : i32 to index
      %swap3A_869 = arith.constant 32 : index
      %swap3A_870 = tpu.vector_load %arg17[%swap3A_868, %swap3A_869] {strides = array<i32>} : memref<48x128xf32, #tpu.memory_space<vmem>>, vector<1x16xf32>,
      %swap3A_871 = vector.shape_cast %swap3A_870 : vector<1x16xf32> to vector<16xf32>
      %swap3A_872 = vector.shape_cast %max3A_867 : vector<16xf32> to vector<1x16xf32>
      tpu.vector_store %arg17[%swap3A_868, %swap3A_869], %swap3A_872 {strides = array<i32>} : memref<48x128xf32, #tpu.memory_space<vmem>>, vector<1x16xf32>,
      %get3A_873 = arith.index_cast %scan3A_819 : i32 to index
      %get3A_874 = arith.constant 48 : index
      %get3A_875 = tpu.vector_load %arg15[%get3A_873, %get3A_874] {strides = array<i32>} : memref<48x128xf32, #tpu.memory_space<vmem>>, vector<1x16xf32>,
      %get3A_876 = vector.shape_cast %get3A_875 : vector<1x16xf32> to vector<16xf32>
      %mul3A_877 = arith.mulf %get3A_876, %get3A_83 : vector<16xf32>
      %get3A_878 = arith.index_cast %scan3A_819 : i32 to index
      %get3A_879 = arith.constant 48 : index
      %get3A_880 = tpu.vector_load %arg13[%get3A_878, %get3A_879] {strides = array<i32>} : memref<48x128xf32, #tpu.memory_space<vmem>>, vector<1x16xf32>,
      %get3A_881 = vector.shape_cast %get3A_880 : vector<1x16xf32> to vector<16xf32>
      %add3A_882 = arith.addf %mul3A_877, %get3A_881 : vector<16xf32>
      %max3A_883 = arith.constant 0.000000e+00 : f32
      %max3A_884 = vector.broadcast %max3A_883 : f32 to vector<16xf32>
      %max3A_885 = arith.maximumf %add3A_882, %max3A_884 : vector<16xf32>
      %swap3A_886 = arith.index_cast %scan3A_819 : i32 to index
      %swap3A_887 = arith.constant 48 : index
      %swap3A_888 = tpu.vector_load %arg17[%swap3A_886, %swap3A_887] {strides = array<i32>} : memref<48x128xf32, #tpu.memory_space<vmem>>, vector<1x16xf32>,
      %swap3A_889 = vector.shape_cast %swap3A_888 : vector<1x16xf32> to vector<16xf32>
      %swap3A_890 = vector.shape_cast %max3A_885 : vector<16xf32> to vector<1x16xf32>
      tpu.vector_store %arg17[%swap3A_886, %swap3A_887], %swap3A_890 {strides = array<i32>} : memref<48x128xf32, #tpu.memory_space<vmem>>, vector<1x16xf32>,
      %get3A_891 = arith.index_cast %scan3A_819 : i32 to index
      %get3A_892 = arith.constant 64 : index
      %get3A_893 = tpu.vector_load %arg15[%get3A_891, %get3A_892] {strides = array<i32>} : memref<48x128xf32, #tpu.memory_space<vmem>>, vector<1x16xf32>,
      %get3A_894 = vector.shape_cast %get3A_893 : vector<1x16xf32> to vector<16xf32>
      %mul3A_895 = arith.mulf %get3A_894, %get3A_88 : vector<16xf32>
      %get3A_896 = arith.index_cast %scan3A_819 : i32 to index
      %get3A_897 = arith.constant 64 : index
      %get3A_898 = tpu.vector_load %arg13[%get3A_896, %get3A_897] {strides = array<i32>} : memref<48x128xf32, #tpu.memory_space<vmem>>, vector<1x16xf32>,
      %get3A_899 = vector.shape_cast %get3A_898 : vector<1x16xf32> to vector<16xf32>
      %add3A_900 = arith.addf %mul3A_895, %get3A_899 : vector<16xf32>
      %max3A_901 = arith.constant 0.000000e+00 : f32
      %max3A_902 = vector.broadcast %max3A_901 : f32 to vector<16xf32>
      %max3A_903 = arith.maximumf %add3A_900, %max3A_902 : vector<16xf32>
      %swap3A_904 = arith.index_cast %scan3A_819 : i32 to index
      %swap3A_905 = arith.constant 64 : index
      %swap3A_906 = tpu.vector_load %arg17[%swap3A_904, %swap3A_905] {strides = array<i32>} : memref<48x128xf32, #tpu.memory_space<vmem>>, vector<1x16xf32>,
      %swap3A_907 = vector.shape_cast %swap3A_906 : vector<1x16xf32> to vector<16xf32>
      %swap3A_908 = vector.shape_cast %max3A_903 : vector<16xf32> to vector<1x16xf32>
      tpu.vector_store %arg17[%swap3A_904, %swap3A_905], %swap3A_908 {strides = array<i32>} : memref<48x128xf32, #tpu.memory_space<vmem>>, vector<1x16xf32>,
      %get3A_909 = arith.index_cast %scan3A_819 : i32 to index
      %get3A_910 = arith.constant 80 : index
      %get3A_911 = tpu.vector_load %arg15[%get3A_909, %get3A_910] {strides = array<i32>} : memref<48x128xf32, #tpu.memory_space<vmem>>, vector<1x16xf32>,
      %get3A_912 = vector.shape_cast %get3A_911 : vector<1x16xf32> to vector<16xf32>
      %mul3A_913 = arith.mulf %get3A_912, %get3A_93 : vector<16xf32>
      %get3A_914 = arith.index_cast %scan3A_819 : i32 to index
      %get3A_915 = arith.constant 80 : index
      %get3A_916 = tpu.vector_load %arg13[%get3A_914, %get3A_915] {strides = array<i32>} : memref<48x128xf32, #tpu.memory_space<vmem>>, vector<1x16xf32>,
      %get3A_917 = vector.shape_cast %get3A_916 : vector<1x16xf32> to vector<16xf32>
      %add3A_918 = arith.addf %mul3A_913, %get3A_917 : vector<16xf32>
      %max3A_919 = arith.constant 0.000000e+00 : f32
      %max3A_920 = vector.broadcast %max3A_919 : f32 to vector<16xf32>
      %max3A_921 = arith.maximumf %add3A_918, %max3A_920 : vector<16xf32>
      %swap3A_922 = arith.index_cast %scan3A_819 : i32 to index
      %swap3A_923 = arith.constant 80 : index
      %swap3A_924 = tpu.vector_load %arg17[%swap3A_922, %swap3A_923] {strides = array<i32>} : memref<48x128xf32, #tpu.memory_space<vmem>>, vector<1x16xf32>,
      %swap3A_925 = vector.shape_cast %swap3A_924 : vector<1x16xf32> to vector<16xf32>
      %swap3A_926 = vector.shape_cast %max3A_921 : vector<16xf32> to vector<1x16xf32>
      tpu.vector_store %arg17[%swap3A_922, %swap3A_923], %swap3A_926 {strides = array<i32>} : memref<48x128xf32, #tpu.memory_space<vmem>>, vector<1x16xf32>,
      %get3A_927 = arith.index_cast %scan3A_819 : i32 to index
      %get3A_928 = arith.constant 96 : index
      %get3A_929 = tpu.vector_load %arg15[%get3A_927, %get3A_928] {strides = array<i32>} : memref<48x128xf32, #tpu.memory_space<vmem>>, vector<1x16xf32>,
      %get3A_930 = vector.shape_cast %get3A_929 : vector<1x16xf32> to vector<16xf32>
      %mul3A_931 = arith.mulf %get3A_930, %get3A_98 : vector<16xf32>
      %get3A_932 = arith.index_cast %scan3A_819 : i32 to index
      %get3A_933 = arith.constant 96 : index
      %get3A_934 = tpu.vector_load %arg13[%get3A_932, %get3A_933] {strides = array<i32>} : memref<48x128xf32, #tpu.memory_space<vmem>>, vector<1x16xf32>,
      %get3A_935 = vector.shape_cast %get3A_934 : vector<1x16xf32> to vector<16xf32>
      %add3A_936 = arith.addf %mul3A_931, %get3A_935 : vector<16xf32>
      %max3A_937 = arith.constant 0.000000e+00 : f32
      %max3A_938 = vector.broadcast %max3A_937 : f32 to vector<16xf32>
      %max3A_939 = arith.maximumf %add3A_936, %max3A_938 : vector<16xf32>
      %swap3A_940 = arith.index_cast %scan3A_819 : i32 to index
      %swap3A_941 = arith.constant 96 : index
      %swap3A_942 = tpu.vector_load %arg17[%swap3A_940, %swap3A_941] {strides = array<i32>} : memref<48x128xf32, #tpu.memory_space<vmem>>, vector<1x16xf32>,
      %swap3A_943 = vector.shape_cast %swap3A_942 : vector<1x16xf32> to vector<16xf32>
      %swap3A_944 = vector.shape_cast %max3A_939 : vector<16xf32> to vector<1x16xf32>
      tpu.vector_store %arg17[%swap3A_940, %swap3A_941], %swap3A_944 {strides = array<i32>} : memref<48x128xf32, #tpu.memory_space<vmem>>, vector<1x16xf32>,
      %get3A_945 = arith.index_cast %scan3A_819 : i32 to index
      %get3A_946 = arith.constant 112 : index
      %get3A_947 = tpu.vector_load %arg15[%get3A_945, %get3A_946] {strides = array<i32>} : memref<48x128xf32, #tpu.memory_space<vmem>>, vector<1x16xf32>,
      %get3A_948 = vector.shape_cast %get3A_947 : vector<1x16xf32> to vector<16xf32>
      %mul3A_949 = arith.mulf %get3A_948, %get3A_103 : vector<16xf32>
      %get3A_950 = arith.index_cast %scan3A_819 : i32 to index
      %get3A_951 = arith.constant 112 : index
      %get3A_952 = tpu.vector_load %arg13[%get3A_950, %get3A_951] {strides = array<i32>} : memref<48x128xf32, #tpu.memory_space<vmem>>, vector<1x16xf32>,
      %get3A_953 = vector.shape_cast %get3A_952 : vector<1x16xf32> to vector<16xf32>
      %add3A_954 = arith.addf %mul3A_949, %get3A_953 : vector<16xf32>
      %max3A_955 = arith.constant 0.000000e+00 : f32
      %max3A_956 = vector.broadcast %max3A_955 : f32 to vector<16xf32>
      %max3A_957 = arith.maximumf %add3A_954, %max3A_956 : vector<16xf32>
      %swap3A_958 = arith.index_cast %scan3A_819 : i32 to index
      %swap3A_959 = arith.constant 112 : index
      %swap3A_960 = tpu.vector_load %arg17[%swap3A_958, %swap3A_959] {strides = array<i32>} : memref<48x128xf32, #tpu.memory_space<vmem>>, vector<1x16xf32>,
      %swap3A_961 = vector.shape_cast %swap3A_960 : vector<1x16xf32> to vector<16xf32>
      %swap3A_962 = vector.shape_cast %max3A_957 : vector<16xf32> to vector<1x16xf32>
      tpu.vector_store %arg17[%swap3A_958, %swap3A_959], %swap3A_962 {strides = array<i32>} : memref<48x128xf32, #tpu.memory_space<vmem>>, vector<1x16xf32>,
      %scan3A_963 = arith.constant 0 : i32
      scf.yield %scan3A_963 : i32
    }
    %scan3A_220 = arith.constant 48 : i32
    %add3A_221 = arith.constant 9840 : i32
    %add3A_222 = arith.addi %mul3A_2, %add3A_221 : i32
    %dma_wait3A_223 = tpu.memref_slice %arg3[%add3A_222] : memref<320000xi32, #tpu.memory_space<hbm>> -> memref<48xi32, #tpu.memory_space<hbm>>
    %dma_wait3A_224 = tpu.memref_slice %arg3[%add3A_222] : memref<320000xi32, #tpu.memory_space<hbm>> -> memref<48xi32, #tpu.memory_space<hbm>>
    tpu.wait_dma2 semaphore(%arg26 : memref<!tpu.dma_semaphore, #tpu.memory_space<semaphore_mem>>) src(%dma_wait3A_224 : memref<48xi32, #tpu.memory_space<hbm>>) dst(%arg11 : memref<48xi32, #tpu.memory_space<vmem>>)
    %dma_start3A_225 = arith.constant 0 : i32
    %dma_start3A_226 = arith.constant 0 : i32
    %dma_start3A_227 = tpu.memref_slice %arg22[%dma_start3A_225, %dma_start3A_226] : memref<10112x128xf32, #tpu.memory_space<vmem_shared>> -> memref<10112x128xf32, #tpu.memory_space<vmem_shared>>
    tpu.enqueue_indirect_dma source(%arg17 : memref<48x128xf32, #tpu.memory_space<vmem>>) target(%dma_start3A_227 : memref<10112x128xf32, #tpu.memory_space<vmem_shared>>) offsets(%arg11 : memref<48xi32, #tpu.memory_space<vmem>>) semaphore(%arg30 : memref<!tpu.dma_semaphore, #tpu.memory_space<semaphore_mem>>) {add = true}
    %add3A_228 = arith.constant 9936 : i32
    %add3A_229 = arith.addi %mul3A_2, %add3A_228 : i32
    %dma_wait3A_230 = tpu.memref_slice %arg2[%add3A_229] : memref<320000xi32, #tpu.memory_space<hbm>> -> memref<48xi32, #tpu.memory_space<hbm>>
    %dma_wait3A_231 = tpu.memref_slice %arg2[%add3A_229] : memref<320000xi32, #tpu.memory_space<hbm>> -> memref<48xi32, #tpu.memory_space<hbm>>
    tpu.wait_dma2 semaphore(%arg24 : memref<!tpu.dma_semaphore, #tpu.memory_space<semaphore_mem>>) src(%dma_wait3A_231 : memref<48xi32, #tpu.memory_space<hbm>>) dst(%arg9 : memref<48xi32, #tpu.memory_space<vmem>>)
    %dma_wait3A_232 = arith.constant 0 : i32
    %dma_wait3A_233 = arith.constant 0 : i32
    %dma_wait3A_234 = tpu.memref_slice %arg22[%dma_wait3A_232, %dma_wait3A_233] : memref<10112x128xf32, #tpu.memory_space<vmem_shared>> -> memref<48x128xf32, #tpu.memory_space<vmem_shared>>
    %dma_wait3A_235 = arith.constant 0 : i32
    %dma_wait3A_236 = arith.constant 0 : i32
    %dma_wait3A_237 = tpu.memref_slice %arg22[%dma_wait3A_235, %dma_wait3A_236] : memref<10112x128xf32, #tpu.memory_space<vmem_shared>> -> memref<48x128xf32, #tpu.memory_space<vmem_shared>>
    tpu.wait_dma2 semaphore(%arg30 : memref<!tpu.dma_semaphore, #tpu.memory_space<semaphore_mem>>) src(%arg17 : memref<48x128xf32, #tpu.memory_space<vmem>>) dst(%dma_wait3A_237 : memref<48x128xf32, #tpu.memory_space<vmem_shared>>)
    %add3A_238 = arith.constant 9936 : i32
    %add3A_239 = arith.addi %mul3A_2, %add3A_238 : i32
    %dma_start3A_240 = tpu.memref_slice %arg3[%add3A_239] : memref<320000xi32, #tpu.memory_space<hbm>> -> memref<48xi32, #tpu.memory_space<hbm>>
    %dma_start3A_241 = tpu.memref_slice %arg3[%add3A_239] : memref<320000xi32, #tpu.memory_space<hbm>> -> memref<48xi32, #tpu.memory_space<hbm>>
    tpu.enqueue_dma source(%dma_start3A_241 : memref<48xi32, #tpu.memory_space<hbm>>) target(%arg11 : memref<48xi32, #tpu.memory_space<vmem>>) target_semaphore(%arg26 : memref<!tpu.dma_semaphore, #tpu.memory_space<semaphore_mem>>)
    %dma_start3A_242 = arith.constant 0 : i32
    %dma_start3A_243 = arith.constant 0 : i32
    %dma_start3A_244 = tpu.memref_slice %arg4[%dma_start3A_242, %dma_start3A_243] : memref<10000x128xf32, #tpu.memory_space<hbm>> -> memref<10000x128xf32, #tpu.memory_space<hbm>>
    tpu.enqueue_indirect_dma source(%dma_start3A_244 : memref<10000x128xf32, #tpu.memory_space<hbm>>) target(%arg13 : memref<48x128xf32, #tpu.memory_space<vmem>>) offsets(%arg9 : memref<48xi32, #tpu.memory_space<vmem>>) semaphore(%arg28 : memref<!tpu.dma_semaphore, #tpu.memory_space<semaphore_mem>>)
    %add3A_245 = arith.constant 9936 : i32
    %add3A_246 = arith.addi %mul3A_2, %add3A_245 : i32
    %dma_start3A_247 = arith.constant 0 : i32
    %dma_start3A_248 = tpu.memref_slice %arg5[%add3A_246, %dma_start3A_247] : memref<320000x128xf32, #tpu.memory_space<hbm>> -> memref<48x128xf32, #tpu.memory_space<hbm>>
    %dma_start3A_249 = arith.constant 0 : i32
    %dma_start3A_250 = tpu.memref_slice %arg5[%add3A_246, %dma_start3A_249] : memref<320000x128xf32, #tpu.memory_space<hbm>> -> memref<48x128xf32, #tpu.memory_space<hbm>>
    tpu.enqueue_dma source(%dma_start3A_250 : memref<48x128xf32, #tpu.memory_space<hbm>>) target(%arg15 : memref<48x128xf32, #tpu.memory_space<vmem>>) target_semaphore(%arg28 : memref<!tpu.dma_semaphore, #tpu.memory_space<semaphore_mem>>)
    %dma_wait3A_251 = arith.constant 0 : i32
    %dma_wait3A_252 = arith.constant 0 : i32
    %dma_wait3A_253 = tpu.memref_slice %arg4[%dma_wait3A_251, %dma_wait3A_252] : memref<10000x128xf32, #tpu.memory_space<hbm>> -> memref<10000x128xf32, #tpu.memory_space<hbm>>
    tpu.wait_indirect_dma semaphore(%arg27 : memref<!tpu.dma_semaphore, #tpu.memory_space<semaphore_mem>>) src(%dma_wait3A_253 : memref<10000x128xf32, #tpu.memory_space<hbm>>) dst(%arg12 : memref<48x128xf32, #tpu.memory_space<vmem>>)
    %add3A_254 = arith.constant 9888 : i32
    %add3A_255 = arith.addi %mul3A_2, %add3A_254 : i32
    %dma_wait3A_256 = arith.constant 0 : i32
    %dma_wait3A_257 = tpu.memref_slice %arg5[%add3A_255, %dma_wait3A_256] : memref<320000x128xf32, #tpu.memory_space<hbm>> -> memref<48x128xf32, #tpu.memory_space<hbm>>
    %dma_wait3A_258 = arith.constant 0 : i32
    %dma_wait3A_259 = tpu.memref_slice %arg5[%add3A_255, %dma_wait3A_258] : memref<320000x128xf32, #tpu.memory_space<hbm>> -> memref<48x128xf32, #tpu.memory_space<hbm>>
    tpu.wait_dma2 semaphore(%arg27 : memref<!tpu.dma_semaphore, #tpu.memory_space<semaphore_mem>>) src(%dma_wait3A_259 : memref<48x128xf32, #tpu.memory_space<hbm>>) dst(%arg14 : memref<48x128xf32, #tpu.memory_space<vmem>>)
    %add3A_260 = arith.constant 9936 : i32
    %add3A_261 = arith.addi %mul3A_2, %add3A_260 : i32
    %dma_start3A_262 = tpu.memref_slice %arg2[%add3A_261] : memref<320000xi32, #tpu.memory_space<hbm>> -> memref<48xi32, #tpu.memory_space<hbm>>
    %dma_start3A_263 = tpu.memref_slice %arg2[%add3A_261] : memref<320000xi32, #tpu.memory_space<hbm>> -> memref<48xi32, #tpu.memory_space<hbm>>
    tpu.enqueue_dma source(%dma_start3A_263 : memref<48xi32, #tpu.memory_space<hbm>>) target(%arg8 : memref<48xi32, #tpu.memory_space<vmem>>) target_semaphore(%arg23 : memref<!tpu.dma_semaphore, #tpu.memory_space<semaphore_mem>>)
    %scan3A_264 = arith.constant 0 : i32
    %scan3A_265 = arith.constant 0 : i32
    %scan3A_266 = arith.constant 48 : i32
    %scan3A_267 = arith.addi %scan3A_265, %scan3A_266 : i32
    %scan3A_268 = arith.constant 1 : i32
    %scan3A_269 = scf.for %scan3A_819 = %scan3A_265 to %scan3A_267 step %scan3A_268 iter_args(%scan3A_820 = %scan3A_264) -> (i32)  : i32 {
      %get3A_821 = arith.index_cast %scan3A_819 : i32 to index
      %get3A_822 = arith.constant 0 : index
      %get3A_823 = tpu.vector_load %arg14[%get3A_821, %get3A_822] {strides = array<i32>} : memref<48x128xf32, #tpu.memory_space<vmem>>, vector<1x16xf32>,
      %get3A_824 = vector.shape_cast %get3A_823 : vector<1x16xf32> to vector<16xf32>
      %mul3A_825 = arith.mulf %get3A_824, %get3A_68 : vector<16xf32>
      %get3A_826 = arith.index_cast %scan3A_819 : i32 to index
      %get3A_827 = arith.constant 0 : index
      %get3A_828 = tpu.vector_load %arg12[%get3A_826, %get3A_827] {strides = array<i32>} : memref<48x128xf32, #tpu.memory_space<vmem>>, vector<1x16xf32>,
      %get3A_829 = vector.shape_cast %get3A_828 : vector<1x16xf32> to vector<16xf32>
      %add3A_830 = arith.addf %mul3A_825, %get3A_829 : vector<16xf32>
      %max3A = arith.constant 0.000000e+00 : f32
      %max3A_831 = vector.broadcast %max3A : f32 to vector<16xf32>
      %max3A_832 = arith.maximumf %add3A_830, %max3A_831 : vector<16xf32>
      %swap3A = arith.index_cast %scan3A_819 : i32 to index
      %swap3A_833 = arith.constant 0 : index
      %swap3A_834 = tpu.vector_load %arg16[%swap3A, %swap3A_833] {strides = array<i32>} : memref<48x128xf32, #tpu.memory_space<vmem>>, vector<1x16xf32>,
      %swap3A_835 = vector.shape_cast %swap3A_834 : vector<1x16xf32> to vector<16xf32>
      %swap3A_836 = vector.shape_cast %max3A_832 : vector<16xf32> to vector<1x16xf32>
      tpu.vector_store %arg16[%swap3A, %swap3A_833], %swap3A_836 {strides = array<i32>} : memref<48x128xf32, #tpu.memory_space<vmem>>, vector<1x16xf32>,
      %get3A_837 = arith.index_cast %scan3A_819 : i32 to index
      %get3A_838 = arith.constant 16 : index
      %get3A_839 = tpu.vector_load %arg14[%get3A_837, %get3A_838] {strides = array<i32>} : memref<48x128xf32, #tpu.memory_space<vmem>>, vector<1x16xf32>,
      %get3A_840 = vector.shape_cast %get3A_839 : vector<1x16xf32> to vector<16xf32>
      %mul3A_841 = arith.mulf %get3A_840, %get3A_73 : vector<16xf32>
      %get3A_842 = arith.index_cast %scan3A_819 : i32 to index
      %get3A_843 = arith.constant 16 : index
      %get3A_844 = tpu.vector_load %arg12[%get3A_842, %get3A_843] {strides = array<i32>} : memref<48x128xf32, #tpu.memory_space<vmem>>, vector<1x16xf32>,
      %get3A_845 = vector.shape_cast %get3A_844 : vector<1x16xf32> to vector<16xf32>
      %add3A_846 = arith.addf %mul3A_841, %get3A_845 : vector<16xf32>
      %max3A_847 = arith.constant 0.000000e+00 : f32
      %max3A_848 = vector.broadcast %max3A_847 : f32 to vector<16xf32>
      %max3A_849 = arith.maximumf %add3A_846, %max3A_848 : vector<16xf32>
      %swap3A_850 = arith.index_cast %scan3A_819 : i32 to index
      %swap3A_851 = arith.constant 16 : index
      %swap3A_852 = tpu.vector_load %arg16[%swap3A_850, %swap3A_851] {strides = array<i32>} : memref<48x128xf32, #tpu.memory_space<vmem>>, vector<1x16xf32>,
      %swap3A_853 = vector.shape_cast %swap3A_852 : vector<1x16xf32> to vector<16xf32>
      %swap3A_854 = vector.shape_cast %max3A_849 : vector<16xf32> to vector<1x16xf32>
      tpu.vector_store %arg16[%swap3A_850, %swap3A_851], %swap3A_854 {strides = array<i32>} : memref<48x128xf32, #tpu.memory_space<vmem>>, vector<1x16xf32>,
      %get3A_855 = arith.index_cast %scan3A_819 : i32 to index
      %get3A_856 = arith.constant 32 : index
      %get3A_857 = tpu.vector_load %arg14[%get3A_855, %get3A_856] {strides = array<i32>} : memref<48x128xf32, #tpu.memory_space<vmem>>, vector<1x16xf32>,
      %get3A_858 = vector.shape_cast %get3A_857 : vector<1x16xf32> to vector<16xf32>
      %mul3A_859 = arith.mulf %get3A_858, %get3A_78 : vector<16xf32>
      %get3A_860 = arith.index_cast %scan3A_819 : i32 to index
      %get3A_861 = arith.constant 32 : index
      %get3A_862 = tpu.vector_load %arg12[%get3A_860, %get3A_861] {strides = array<i32>} : memref<48x128xf32, #tpu.memory_space<vmem>>, vector<1x16xf32>,
      %get3A_863 = vector.shape_cast %get3A_862 : vector<1x16xf32> to vector<16xf32>
      %add3A_864 = arith.addf %mul3A_859, %get3A_863 : vector<16xf32>
      %max3A_865 = arith.constant 0.000000e+00 : f32
      %max3A_866 = vector.broadcast %max3A_865 : f32 to vector<16xf32>
      %max3A_867 = arith.maximumf %add3A_864, %max3A_866 : vector<16xf32>
      %swap3A_868 = arith.index_cast %scan3A_819 : i32 to index
      %swap3A_869 = arith.constant 32 : index
      %swap3A_870 = tpu.vector_load %arg16[%swap3A_868, %swap3A_869] {strides = array<i32>} : memref<48x128xf32, #tpu.memory_space<vmem>>, vector<1x16xf32>,
      %swap3A_871 = vector.shape_cast %swap3A_870 : vector<1x16xf32> to vector<16xf32>
      %swap3A_872 = vector.shape_cast %max3A_867 : vector<16xf32> to vector<1x16xf32>
      tpu.vector_store %arg16[%swap3A_868, %swap3A_869], %swap3A_872 {strides = array<i32>} : memref<48x128xf32, #tpu.memory_space<vmem>>, vector<1x16xf32>,
      %get3A_873 = arith.index_cast %scan3A_819 : i32 to index
      %get3A_874 = arith.constant 48 : index
      %get3A_875 = tpu.vector_load %arg14[%get3A_873, %get3A_874] {strides = array<i32>} : memref<48x128xf32, #tpu.memory_space<vmem>>, vector<1x16xf32>,
      %get3A_876 = vector.shape_cast %get3A_875 : vector<1x16xf32> to vector<16xf32>
      %mul3A_877 = arith.mulf %get3A_876, %get3A_83 : vector<16xf32>
      %get3A_878 = arith.index_cast %scan3A_819 : i32 to index
      %get3A_879 = arith.constant 48 : index
      %get3A_880 = tpu.vector_load %arg12[%get3A_878, %get3A_879] {strides = array<i32>} : memref<48x128xf32, #tpu.memory_space<vmem>>, vector<1x16xf32>,
      %get3A_881 = vector.shape_cast %get3A_880 : vector<1x16xf32> to vector<16xf32>
      %add3A_882 = arith.addf %mul3A_877, %get3A_881 : vector<16xf32>
      %max3A_883 = arith.constant 0.000000e+00 : f32
      %max3A_884 = vector.broadcast %max3A_883 : f32 to vector<16xf32>
      %max3A_885 = arith.maximumf %add3A_882, %max3A_884 : vector<16xf32>
      %swap3A_886 = arith.index_cast %scan3A_819 : i32 to index
      %swap3A_887 = arith.constant 48 : index
      %swap3A_888 = tpu.vector_load %arg16[%swap3A_886, %swap3A_887] {strides = array<i32>} : memref<48x128xf32, #tpu.memory_space<vmem>>, vector<1x16xf32>,
      %swap3A_889 = vector.shape_cast %swap3A_888 : vector<1x16xf32> to vector<16xf32>
      %swap3A_890 = vector.shape_cast %max3A_885 : vector<16xf32> to vector<1x16xf32>
      tpu.vector_store %arg16[%swap3A_886, %swap3A_887], %swap3A_890 {strides = array<i32>} : memref<48x128xf32, #tpu.memory_space<vmem>>, vector<1x16xf32>,
      %get3A_891 = arith.index_cast %scan3A_819 : i32 to index
      %get3A_892 = arith.constant 64 : index
      %get3A_893 = tpu.vector_load %arg14[%get3A_891, %get3A_892] {strides = array<i32>} : memref<48x128xf32, #tpu.memory_space<vmem>>, vector<1x16xf32>,
      %get3A_894 = vector.shape_cast %get3A_893 : vector<1x16xf32> to vector<16xf32>
      %mul3A_895 = arith.mulf %get3A_894, %get3A_88 : vector<16xf32>
      %get3A_896 = arith.index_cast %scan3A_819 : i32 to index
      %get3A_897 = arith.constant 64 : index
      %get3A_898 = tpu.vector_load %arg12[%get3A_896, %get3A_897] {strides = array<i32>} : memref<48x128xf32, #tpu.memory_space<vmem>>, vector<1x16xf32>,
      %get3A_899 = vector.shape_cast %get3A_898 : vector<1x16xf32> to vector<16xf32>
      %add3A_900 = arith.addf %mul3A_895, %get3A_899 : vector<16xf32>
      %max3A_901 = arith.constant 0.000000e+00 : f32
      %max3A_902 = vector.broadcast %max3A_901 : f32 to vector<16xf32>
      %max3A_903 = arith.maximumf %add3A_900, %max3A_902 : vector<16xf32>
      %swap3A_904 = arith.index_cast %scan3A_819 : i32 to index
      %swap3A_905 = arith.constant 64 : index
      %swap3A_906 = tpu.vector_load %arg16[%swap3A_904, %swap3A_905] {strides = array<i32>} : memref<48x128xf32, #tpu.memory_space<vmem>>, vector<1x16xf32>,
      %swap3A_907 = vector.shape_cast %swap3A_906 : vector<1x16xf32> to vector<16xf32>
      %swap3A_908 = vector.shape_cast %max3A_903 : vector<16xf32> to vector<1x16xf32>
      tpu.vector_store %arg16[%swap3A_904, %swap3A_905], %swap3A_908 {strides = array<i32>} : memref<48x128xf32, #tpu.memory_space<vmem>>, vector<1x16xf32>,
      %get3A_909 = arith.index_cast %scan3A_819 : i32 to index
      %get3A_910 = arith.constant 80 : index
      %get3A_911 = tpu.vector_load %arg14[%get3A_909, %get3A_910] {strides = array<i32>} : memref<48x128xf32, #tpu.memory_space<vmem>>, vector<1x16xf32>,
      %get3A_912 = vector.shape_cast %get3A_911 : vector<1x16xf32> to vector<16xf32>
      %mul3A_913 = arith.mulf %get3A_912, %get3A_93 : vector<16xf32>
      %get3A_914 = arith.index_cast %scan3A_819 : i32 to index
      %get3A_915 = arith.constant 80 : index
      %get3A_916 = tpu.vector_load %arg12[%get3A_914, %get3A_915] {strides = array<i32>} : memref<48x128xf32, #tpu.memory_space<vmem>>, vector<1x16xf32>,
      %get3A_917 = vector.shape_cast %get3A_916 : vector<1x16xf32> to vector<16xf32>
      %add3A_918 = arith.addf %mul3A_913, %get3A_917 : vector<16xf32>
      %max3A_919 = arith.constant 0.000000e+00 : f32
      %max3A_920 = vector.broadcast %max3A_919 : f32 to vector<16xf32>
      %max3A_921 = arith.maximumf %add3A_918, %max3A_920 : vector<16xf32>
      %swap3A_922 = arith.index_cast %scan3A_819 : i32 to index
      %swap3A_923 = arith.constant 80 : index
      %swap3A_924 = tpu.vector_load %arg16[%swap3A_922, %swap3A_923] {strides = array<i32>} : memref<48x128xf32, #tpu.memory_space<vmem>>, vector<1x16xf32>,
      %swap3A_925 = vector.shape_cast %swap3A_924 : vector<1x16xf32> to vector<16xf32>
      %swap3A_926 = vector.shape_cast %max3A_921 : vector<16xf32> to vector<1x16xf32>
      tpu.vector_store %arg16[%swap3A_922, %swap3A_923], %swap3A_926 {strides = array<i32>} : memref<48x128xf32, #tpu.memory_space<vmem>>, vector<1x16xf32>,
      %get3A_927 = arith.index_cast %scan3A_819 : i32 to index
      %get3A_928 = arith.constant 96 : index
      %get3A_929 = tpu.vector_load %arg14[%get3A_927, %get3A_928] {strides = array<i32>} : memref<48x128xf32, #tpu.memory_space<vmem>>, vector<1x16xf32>,
      %get3A_930 = vector.shape_cast %get3A_929 : vector<1x16xf32> to vector<16xf32>
      %mul3A_931 = arith.mulf %get3A_930, %get3A_98 : vector<16xf32>
      %get3A_932 = arith.index_cast %scan3A_819 : i32 to index
      %get3A_933 = arith.constant 96 : index
      %get3A_934 = tpu.vector_load %arg12[%get3A_932, %get3A_933] {strides = array<i32>} : memref<48x128xf32, #tpu.memory_space<vmem>>, vector<1x16xf32>,
      %get3A_935 = vector.shape_cast %get3A_934 : vector<1x16xf32> to vector<16xf32>
      %add3A_936 = arith.addf %mul3A_931, %get3A_935 : vector<16xf32>
      %max3A_937 = arith.constant 0.000000e+00 : f32
      %max3A_938 = vector.broadcast %max3A_937 : f32 to vector<16xf32>
      %max3A_939 = arith.maximumf %add3A_936, %max3A_938 : vector<16xf32>
      %swap3A_940 = arith.index_cast %scan3A_819 : i32 to index
      %swap3A_941 = arith.constant 96 : index
      %swap3A_942 = tpu.vector_load %arg16[%swap3A_940, %swap3A_941] {strides = array<i32>} : memref<48x128xf32, #tpu.memory_space<vmem>>, vector<1x16xf32>,
      %swap3A_943 = vector.shape_cast %swap3A_942 : vector<1x16xf32> to vector<16xf32>
      %swap3A_944 = vector.shape_cast %max3A_939 : vector<16xf32> to vector<1x16xf32>
      tpu.vector_store %arg16[%swap3A_940, %swap3A_941], %swap3A_944 {strides = array<i32>} : memref<48x128xf32, #tpu.memory_space<vmem>>, vector<1x16xf32>,
      %get3A_945 = arith.index_cast %scan3A_819 : i32 to index
      %get3A_946 = arith.constant 112 : index
      %get3A_947 = tpu.vector_load %arg14[%get3A_945, %get3A_946] {strides = array<i32>} : memref<48x128xf32, #tpu.memory_space<vmem>>, vector<1x16xf32>,
      %get3A_948 = vector.shape_cast %get3A_947 : vector<1x16xf32> to vector<16xf32>
      %mul3A_949 = arith.mulf %get3A_948, %get3A_103 : vector<16xf32>
      %get3A_950 = arith.index_cast %scan3A_819 : i32 to index
      %get3A_951 = arith.constant 112 : index
      %get3A_952 = tpu.vector_load %arg12[%get3A_950, %get3A_951] {strides = array<i32>} : memref<48x128xf32, #tpu.memory_space<vmem>>, vector<1x16xf32>,
      %get3A_953 = vector.shape_cast %get3A_952 : vector<1x16xf32> to vector<16xf32>
      %add3A_954 = arith.addf %mul3A_949, %get3A_953 : vector<16xf32>
      %max3A_955 = arith.constant 0.000000e+00 : f32
      %max3A_956 = vector.broadcast %max3A_955 : f32 to vector<16xf32>
      %max3A_957 = arith.maximumf %add3A_954, %max3A_956 : vector<16xf32>
      %swap3A_958 = arith.index_cast %scan3A_819 : i32 to index
      %swap3A_959 = arith.constant 112 : index
      %swap3A_960 = tpu.vector_load %arg16[%swap3A_958, %swap3A_959] {strides = array<i32>} : memref<48x128xf32, #tpu.memory_space<vmem>>, vector<1x16xf32>,
      %swap3A_961 = vector.shape_cast %swap3A_960 : vector<1x16xf32> to vector<16xf32>
      %swap3A_962 = vector.shape_cast %max3A_957 : vector<16xf32> to vector<1x16xf32>
      tpu.vector_store %arg16[%swap3A_958, %swap3A_959], %swap3A_962 {strides = array<i32>} : memref<48x128xf32, #tpu.memory_space<vmem>>, vector<1x16xf32>,
      %scan3A_963 = arith.constant 0 : i32
      scf.yield %scan3A_963 : i32
    }
    %scan3A_270 = arith.constant 48 : i32
    %add3A_271 = arith.constant 9888 : i32
    %add3A_272 = arith.addi %mul3A_2, %add3A_271 : i32
    %dma_wait3A_273 = tpu.memref_slice %arg3[%add3A_272] : memref<320000xi32, #tpu.memory_space<hbm>> -> memref<48xi32, #tpu.memory_space<hbm>>
    %dma_wait3A_274 = tpu.memref_slice %arg3[%add3A_272] : memref<320000xi32, #tpu.memory_space<hbm>> -> memref<48xi32, #tpu.memory_space<hbm>>
    tpu.wait_dma2 semaphore(%arg25 : memref<!tpu.dma_semaphore, #tpu.memory_space<semaphore_mem>>) src(%dma_wait3A_274 : memref<48xi32, #tpu.memory_space<hbm>>) dst(%arg10 : memref<48xi32, #tpu.memory_space<vmem>>)
    %dma_start3A_275 = arith.constant 0 : i32
    %dma_start3A_276 = arith.constant 0 : i32
    %dma_start3A_277 = tpu.memref_slice %arg22[%dma_start3A_275, %dma_start3A_276] : memref<10112x128xf32, #tpu.memory_space<vmem_shared>> -> memref<10112x128xf32, #tpu.memory_space<vmem_shared>>
    tpu.enqueue_indirect_dma source(%arg16 : memref<48x128xf32, #tpu.memory_space<vmem>>) target(%dma_start3A_277 : memref<10112x128xf32, #tpu.memory_space<vmem_shared>>) offsets(%arg10 : memref<48xi32, #tpu.memory_space<vmem>>) semaphore(%arg29 : memref<!tpu.dma_semaphore, #tpu.memory_space<semaphore_mem>>) {add = true}
    %add3A_278 = arith.constant 9936 : i32
    %add3A_279 = arith.addi %mul3A_2, %add3A_278 : i32
    %dma_wait3A_280 = tpu.memref_slice %arg2[%add3A_279] : memref<320000xi32, #tpu.memory_space<hbm>> -> memref<48xi32, #tpu.memory_space<hbm>>
    %dma_wait3A_281 = tpu.memref_slice %arg2[%add3A_279] : memref<320000xi32, #tpu.memory_space<hbm>> -> memref<48xi32, #tpu.memory_space<hbm>>
    tpu.wait_dma2 semaphore(%arg23 : memref<!tpu.dma_semaphore, #tpu.memory_space<semaphore_mem>>) src(%dma_wait3A_281 : memref<48xi32, #tpu.memory_space<hbm>>) dst(%arg8 : memref<48xi32, #tpu.memory_space<vmem>>)
    %dma_wait3A_282 = arith.constant 0 : i32
    %dma_wait3A_283 = arith.constant 0 : i32
    %dma_wait3A_284 = tpu.memref_slice %arg22[%dma_wait3A_282, %dma_wait3A_283] : memref<10112x128xf32, #tpu.memory_space<vmem_shared>> -> memref<48x128xf32, #tpu.memory_space<vmem_shared>>
    %dma_wait3A_285 = arith.constant 0 : i32
    %dma_wait3A_286 = arith.constant 0 : i32
    %dma_wait3A_287 = tpu.memref_slice %arg22[%dma_wait3A_285, %dma_wait3A_286] : memref<10112x128xf32, #tpu.memory_space<vmem_shared>> -> memref<48x128xf32, #tpu.memory_space<vmem_shared>>
    tpu.wait_dma2 semaphore(%arg29 : memref<!tpu.dma_semaphore, #tpu.memory_space<semaphore_mem>>) src(%arg16 : memref<48x128xf32, #tpu.memory_space<vmem>>) dst(%dma_wait3A_287 : memref<48x128xf32, #tpu.memory_space<vmem_shared>>)
    %add3A_288 = arith.constant 9936 : i32
    %add3A_289 = arith.addi %mul3A_2, %add3A_288 : i32
    %dma_start3A_290 = tpu.memref_slice %arg3[%add3A_289] : memref<320000xi32, #tpu.memory_space<hbm>> -> memref<48xi32, #tpu.memory_space<hbm>>
    %dma_start3A_291 = tpu.memref_slice %arg3[%add3A_289] : memref<320000xi32, #tpu.memory_space<hbm>> -> memref<48xi32, #tpu.memory_space<hbm>>
    tpu.enqueue_dma source(%dma_start3A_291 : memref<48xi32, #tpu.memory_space<hbm>>) target(%arg10 : memref<48xi32, #tpu.memory_space<vmem>>) target_semaphore(%arg25 : memref<!tpu.dma_semaphore, #tpu.memory_space<semaphore_mem>>)
    %dma_start3A_292 = arith.constant 0 : i32
    %dma_start3A_293 = arith.constant 0 : i32
    %dma_start3A_294 = tpu.memref_slice %arg4[%dma_start3A_292, %dma_start3A_293] : memref<10000x128xf32, #tpu.memory_space<hbm>> -> memref<10000x128xf32, #tpu.memory_space<hbm>>
    tpu.enqueue_indirect_dma source(%dma_start3A_294 : memref<10000x128xf32, #tpu.memory_space<hbm>>) target(%arg12 : memref<48x128xf32, #tpu.memory_space<vmem>>) offsets(%arg8 : memref<48xi32, #tpu.memory_space<vmem>>) semaphore(%arg27 : memref<!tpu.dma_semaphore, #tpu.memory_space<semaphore_mem>>)
    %add3A_295 = arith.constant 9936 : i32
    %add3A_296 = arith.addi %mul3A_2, %add3A_295 : i32
    %dma_start3A_297 = arith.constant 0 : i32
    %dma_start3A_298 = tpu.memref_slice %arg5[%add3A_296, %dma_start3A_297] : memref<320000x128xf32, #tpu.memory_space<hbm>> -> memref<48x128xf32, #tpu.memory_space<hbm>>
    %dma_start3A_299 = arith.constant 0 : i32
    %dma_start3A_300 = tpu.memref_slice %arg5[%add3A_296, %dma_start3A_299] : memref<320000x128xf32, #tpu.memory_space<hbm>> -> memref<48x128xf32, #tpu.memory_space<hbm>>
    tpu.enqueue_dma source(%dma_start3A_300 : memref<48x128xf32, #tpu.memory_space<hbm>>) target(%arg14 : memref<48x128xf32, #tpu.memory_space<vmem>>) target_semaphore(%arg27 : memref<!tpu.dma_semaphore, #tpu.memory_space<semaphore_mem>>)
    %dma_wait3A_301 = arith.constant 0 : i32
    %dma_wait3A_302 = arith.constant 0 : i32
    %dma_wait3A_303 = tpu.memref_slice %arg4[%dma_wait3A_301, %dma_wait3A_302] : memref<10000x128xf32, #tpu.memory_space<hbm>> -> memref<10000x128xf32, #tpu.memory_space<hbm>>
    tpu.wait_indirect_dma semaphore(%arg28 : memref<!tpu.dma_semaphore, #tpu.memory_space<semaphore_mem>>) src(%dma_wait3A_303 : memref<10000x128xf32, #tpu.memory_space<hbm>>) dst(%arg13 : memref<48x128xf32, #tpu.memory_space<vmem>>)
    %add3A_304 = arith.constant 9936 : i32
    %add3A_305 = arith.addi %mul3A_2, %add3A_304 : i32
    %dma_wait3A_306 = arith.constant 0 : i32
    %dma_wait3A_307 = tpu.memref_slice %arg5[%add3A_305, %dma_wait3A_306] : memref<320000x128xf32, #tpu.memory_space<hbm>> -> memref<48x128xf32, #tpu.memory_space<hbm>>
    %dma_wait3A_308 = arith.constant 0 : i32
    %dma_wait3A_309 = tpu.memref_slice %arg5[%add3A_305, %dma_wait3A_308] : memref<320000x128xf32, #tpu.memory_space<hbm>> -> memref<48x128xf32, #tpu.memory_space<hbm>>
    tpu.wait_dma2 semaphore(%arg28 : memref<!tpu.dma_semaphore, #tpu.memory_space<semaphore_mem>>) src(%dma_wait3A_309 : memref<48x128xf32, #tpu.memory_space<hbm>>) dst(%arg15 : memref<48x128xf32, #tpu.memory_space<vmem>>)
    %add3A_310 = arith.constant 9936 : i32
    %add3A_311 = arith.addi %mul3A_2, %add3A_310 : i32
    %dma_start3A_312 = tpu.memref_slice %arg2[%add3A_311] : memref<320000xi32, #tpu.memory_space<hbm>> -> memref<48xi32, #tpu.memory_space<hbm>>
    %dma_start3A_313 = tpu.memref_slice %arg2[%add3A_311] : memref<320000xi32, #tpu.memory_space<hbm>> -> memref<48xi32, #tpu.memory_space<hbm>>
    tpu.enqueue_dma source(%dma_start3A_313 : memref<48xi32, #tpu.memory_space<hbm>>) target(%arg9 : memref<48xi32, #tpu.memory_space<vmem>>) target_semaphore(%arg24 : memref<!tpu.dma_semaphore, #tpu.memory_space<semaphore_mem>>)
    %scan3A_314 = arith.constant 0 : i32
    %scan3A_315 = arith.constant 0 : i32
    %scan3A_316 = arith.constant 48 : i32
    %scan3A_317 = arith.addi %scan3A_315, %scan3A_316 : i32
    %scan3A_318 = arith.constant 1 : i32
    %scan3A_319 = scf.for %scan3A_819 = %scan3A_315 to %scan3A_317 step %scan3A_318 iter_args(%scan3A_820 = %scan3A_314) -> (i32)  : i32 {
      %get3A_821 = arith.index_cast %scan3A_819 : i32 to index
      %get3A_822 = arith.constant 0 : index
      %get3A_823 = tpu.vector_load %arg15[%get3A_821, %get3A_822] {strides = array<i32>} : memref<48x128xf32, #tpu.memory_space<vmem>>, vector<1x16xf32>,
      %get3A_824 = vector.shape_cast %get3A_823 : vector<1x16xf32> to vector<16xf32>
      %mul3A_825 = arith.mulf %get3A_824, %get3A_68 : vector<16xf32>
      %get3A_826 = arith.index_cast %scan3A_819 : i32 to index
      %get3A_827 = arith.constant 0 : index
      %get3A_828 = tpu.vector_load %arg13[%get3A_826, %get3A_827] {strides = array<i32>} : memref<48x128xf32, #tpu.memory_space<vmem>>, vector<1x16xf32>,
      %get3A_829 = vector.shape_cast %get3A_828 : vector<1x16xf32> to vector<16xf32>
      %add3A_830 = arith.addf %mul3A_825, %get3A_829 : vector<16xf32>
      %max3A = arith.constant 0.000000e+00 : f32
      %max3A_831 = vector.broadcast %max3A : f32 to vector<16xf32>
      %max3A_832 = arith.maximumf %add3A_830, %max3A_831 : vector<16xf32>
      %swap3A = arith.index_cast %scan3A_819 : i32 to index
      %swap3A_833 = arith.constant 0 : index
      %swap3A_834 = tpu.vector_load %arg17[%swap3A, %swap3A_833] {strides = array<i32>} : memref<48x128xf32, #tpu.memory_space<vmem>>, vector<1x16xf32>,
      %swap3A_835 = vector.shape_cast %swap3A_834 : vector<1x16xf32> to vector<16xf32>
      %swap3A_836 = vector.shape_cast %max3A_832 : vector<16xf32> to vector<1x16xf32>
      tpu.vector_store %arg17[%swap3A, %swap3A_833], %swap3A_836 {strides = array<i32>} : memref<48x128xf32, #tpu.memory_space<vmem>>, vector<1x16xf32>,
      %get3A_837 = arith.index_cast %scan3A_819 : i32 to index
      %get3A_838 = arith.constant 16 : index
      %get3A_839 = tpu.vector_load %arg15[%get3A_837, %get3A_838] {strides = array<i32>} : memref<48x128xf32, #tpu.memory_space<vmem>>, vector<1x16xf32>,
      %get3A_840 = vector.shape_cast %get3A_839 : vector<1x16xf32> to vector<16xf32>
      %mul3A_841 = arith.mulf %get3A_840, %get3A_73 : vector<16xf32>
      %get3A_842 = arith.index_cast %scan3A_819 : i32 to index
      %get3A_843 = arith.constant 16 : index
      %get3A_844 = tpu.vector_load %arg13[%get3A_842, %get3A_843] {strides = array<i32>} : memref<48x128xf32, #tpu.memory_space<vmem>>, vector<1x16xf32>,
      %get3A_845 = vector.shape_cast %get3A_844 : vector<1x16xf32> to vector<16xf32>
      %add3A_846 = arith.addf %mul3A_841, %get3A_845 : vector<16xf32>
      %max3A_847 = arith.constant 0.000000e+00 : f32
      %max3A_848 = vector.broadcast %max3A_847 : f32 to vector<16xf32>
      %max3A_849 = arith.maximumf %add3A_846, %max3A_848 : vector<16xf32>
      %swap3A_850 = arith.index_cast %scan3A_819 : i32 to index
      %swap3A_851 = arith.constant 16 : index
      %swap3A_852 = tpu.vector_load %arg17[%swap3A_850, %swap3A_851] {strides = array<i32>} : memref<48x128xf32, #tpu.memory_space<vmem>>, vector<1x16xf32>,
      %swap3A_853 = vector.shape_cast %swap3A_852 : vector<1x16xf32> to vector<16xf32>
      %swap3A_854 = vector.shape_cast %max3A_849 : vector<16xf32> to vector<1x16xf32>
      tpu.vector_store %arg17[%swap3A_850, %swap3A_851], %swap3A_854 {strides = array<i32>} : memref<48x128xf32, #tpu.memory_space<vmem>>, vector<1x16xf32>,
      %get3A_855 = arith.index_cast %scan3A_819 : i32 to index
      %get3A_856 = arith.constant 32 : index
      %get3A_857 = tpu.vector_load %arg15[%get3A_855, %get3A_856] {strides = array<i32>} : memref<48x128xf32, #tpu.memory_space<vmem>>, vector<1x16xf32>,
      %get3A_858 = vector.shape_cast %get3A_857 : vector<1x16xf32> to vector<16xf32>
      %mul3A_859 = arith.mulf %get3A_858, %get3A_78 : vector<16xf32>
      %get3A_860 = arith.index_cast %scan3A_819 : i32 to index
      %get3A_861 = arith.constant 32 : index
      %get3A_862 = tpu.vector_load %arg13[%get3A_860, %get3A_861] {strides = array<i32>} : memref<48x128xf32, #tpu.memory_space<vmem>>, vector<1x16xf32>,
      %get3A_863 = vector.shape_cast %get3A_862 : vector<1x16xf32> to vector<16xf32>
      %add3A_864 = arith.addf %mul3A_859, %get3A_863 : vector<16xf32>
      %max3A_865 = arith.constant 0.000000e+00 : f32
      %max3A_866 = vector.broadcast %max3A_865 : f32 to vector<16xf32>
      %max3A_867 = arith.maximumf %add3A_864, %max3A_866 : vector<16xf32>
      %swap3A_868 = arith.index_cast %scan3A_819 : i32 to index
      %swap3A_869 = arith.constant 32 : index
      %swap3A_870 = tpu.vector_load %arg17[%swap3A_868, %swap3A_869] {strides = array<i32>} : memref<48x128xf32, #tpu.memory_space<vmem>>, vector<1x16xf32>,
      %swap3A_871 = vector.shape_cast %swap3A_870 : vector<1x16xf32> to vector<16xf32>
      %swap3A_872 = vector.shape_cast %max3A_867 : vector<16xf32> to vector<1x16xf32>
      tpu.vector_store %arg17[%swap3A_868, %swap3A_869], %swap3A_872 {strides = array<i32>} : memref<48x128xf32, #tpu.memory_space<vmem>>, vector<1x16xf32>,
      %get3A_873 = arith.index_cast %scan3A_819 : i32 to index
      %get3A_874 = arith.constant 48 : index
      %get3A_875 = tpu.vector_load %arg15[%get3A_873, %get3A_874] {strides = array<i32>} : memref<48x128xf32, #tpu.memory_space<vmem>>, vector<1x16xf32>,
      %get3A_876 = vector.shape_cast %get3A_875 : vector<1x16xf32> to vector<16xf32>
      %mul3A_877 = arith.mulf %get3A_876, %get3A_83 : vector<16xf32>
      %get3A_878 = arith.index_cast %scan3A_819 : i32 to index
      %get3A_879 = arith.constant 48 : index
      %get3A_880 = tpu.vector_load %arg13[%get3A_878, %get3A_879] {strides = array<i32>} : memref<48x128xf32, #tpu.memory_space<vmem>>, vector<1x16xf32>,
      %get3A_881 = vector.shape_cast %get3A_880 : vector<1x16xf32> to vector<16xf32>
      %add3A_882 = arith.addf %mul3A_877, %get3A_881 : vector<16xf32>
      %max3A_883 = arith.constant 0.000000e+00 : f32
      %max3A_884 = vector.broadcast %max3A_883 : f32 to vector<16xf32>
      %max3A_885 = arith.maximumf %add3A_882, %max3A_884 : vector<16xf32>
      %swap3A_886 = arith.index_cast %scan3A_819 : i32 to index
      %swap3A_887 = arith.constant 48 : index
      %swap3A_888 = tpu.vector_load %arg17[%swap3A_886, %swap3A_887] {strides = array<i32>} : memref<48x128xf32, #tpu.memory_space<vmem>>, vector<1x16xf32>,
      %swap3A_889 = vector.shape_cast %swap3A_888 : vector<1x16xf32> to vector<16xf32>
      %swap3A_890 = vector.shape_cast %max3A_885 : vector<16xf32> to vector<1x16xf32>
      tpu.vector_store %arg17[%swap3A_886, %swap3A_887], %swap3A_890 {strides = array<i32>} : memref<48x128xf32, #tpu.memory_space<vmem>>, vector<1x16xf32>,
      %get3A_891 = arith.index_cast %scan3A_819 : i32 to index
      %get3A_892 = arith.constant 64 : index
      %get3A_893 = tpu.vector_load %arg15[%get3A_891, %get3A_892] {strides = array<i32>} : memref<48x128xf32, #tpu.memory_space<vmem>>, vector<1x16xf32>,
      %get3A_894 = vector.shape_cast %get3A_893 : vector<1x16xf32> to vector<16xf32>
      %mul3A_895 = arith.mulf %get3A_894, %get3A_88 : vector<16xf32>
      %get3A_896 = arith.index_cast %scan3A_819 : i32 to index
      %get3A_897 = arith.constant 64 : index
      %get3A_898 = tpu.vector_load %arg13[%get3A_896, %get3A_897] {strides = array<i32>} : memref<48x128xf32, #tpu.memory_space<vmem>>, vector<1x16xf32>,
      %get3A_899 = vector.shape_cast %get3A_898 : vector<1x16xf32> to vector<16xf32>
      %add3A_900 = arith.addf %mul3A_895, %get3A_899 : vector<16xf32>
      %max3A_901 = arith.constant 0.000000e+00 : f32
      %max3A_902 = vector.broadcast %max3A_901 : f32 to vector<16xf32>
      %max3A_903 = arith.maximumf %add3A_900, %max3A_902 : vector<16xf32>
      %swap3A_904 = arith.index_cast %scan3A_819 : i32 to index
      %swap3A_905 = arith.constant 64 : index
      %swap3A_906 = tpu.vector_load %arg17[%swap3A_904, %swap3A_905] {strides = array<i32>} : memref<48x128xf32, #tpu.memory_space<vmem>>, vector<1x16xf32>,
      %swap3A_907 = vector.shape_cast %swap3A_906 : vector<1x16xf32> to vector<16xf32>
      %swap3A_908 = vector.shape_cast %max3A_903 : vector<16xf32> to vector<1x16xf32>
      tpu.vector_store %arg17[%swap3A_904, %swap3A_905], %swap3A_908 {strides = array<i32>} : memref<48x128xf32, #tpu.memory_space<vmem>>, vector<1x16xf32>,
      %get3A_909 = arith.index_cast %scan3A_819 : i32 to index
      %get3A_910 = arith.constant 80 : index
      %get3A_911 = tpu.vector_load %arg15[%get3A_909, %get3A_910] {strides = array<i32>} : memref<48x128xf32, #tpu.memory_space<vmem>>, vector<1x16xf32>,
      %get3A_912 = vector.shape_cast %get3A_911 : vector<1x16xf32> to vector<16xf32>
      %mul3A_913 = arith.mulf %get3A_912, %get3A_93 : vector<16xf32>
      %get3A_914 = arith.index_cast %scan3A_819 : i32 to index
      %get3A_915 = arith.constant 80 : index
      %get3A_916 = tpu.vector_load %arg13[%get3A_914, %get3A_915] {strides = array<i32>} : memref<48x128xf32, #tpu.memory_space<vmem>>, vector<1x16xf32>,
      %get3A_917 = vector.shape_cast %get3A_916 : vector<1x16xf32> to vector<16xf32>
      %add3A_918 = arith.addf %mul3A_913, %get3A_917 : vector<16xf32>
      %max3A_919 = arith.constant 0.000000e+00 : f32
      %max3A_920 = vector.broadcast %max3A_919 : f32 to vector<16xf32>
      %max3A_921 = arith.maximumf %add3A_918, %max3A_920 : vector<16xf32>
      %swap3A_922 = arith.index_cast %scan3A_819 : i32 to index
      %swap3A_923 = arith.constant 80 : index
      %swap3A_924 = tpu.vector_load %arg17[%swap3A_922, %swap3A_923] {strides = array<i32>} : memref<48x128xf32, #tpu.memory_space<vmem>>, vector<1x16xf32>,
      %swap3A_925 = vector.shape_cast %swap3A_924 : vector<1x16xf32> to vector<16xf32>
      %swap3A_926 = vector.shape_cast %max3A_921 : vector<16xf32> to vector<1x16xf32>
      tpu.vector_store %arg17[%swap3A_922, %swap3A_923], %swap3A_926 {strides = array<i32>} : memref<48x128xf32, #tpu.memory_space<vmem>>, vector<1x16xf32>,
      %get3A_927 = arith.index_cast %scan3A_819 : i32 to index
      %get3A_928 = arith.constant 96 : index
      %get3A_929 = tpu.vector_load %arg15[%get3A_927, %get3A_928] {strides = array<i32>} : memref<48x128xf32, #tpu.memory_space<vmem>>, vector<1x16xf32>,
      %get3A_930 = vector.shape_cast %get3A_929 : vector<1x16xf32> to vector<16xf32>
      %mul3A_931 = arith.mulf %get3A_930, %get3A_98 : vector<16xf32>
      %get3A_932 = arith.index_cast %scan3A_819 : i32 to index
      %get3A_933 = arith.constant 96 : index
      %get3A_934 = tpu.vector_load %arg13[%get3A_932, %get3A_933] {strides = array<i32>} : memref<48x128xf32, #tpu.memory_space<vmem>>, vector<1x16xf32>,
      %get3A_935 = vector.shape_cast %get3A_934 : vector<1x16xf32> to vector<16xf32>
      %add3A_936 = arith.addf %mul3A_931, %get3A_935 : vector<16xf32>
      %max3A_937 = arith.constant 0.000000e+00 : f32
      %max3A_938 = vector.broadcast %max3A_937 : f32 to vector<16xf32>
      %max3A_939 = arith.maximumf %add3A_936, %max3A_938 : vector<16xf32>
      %swap3A_940 = arith.index_cast %scan3A_819 : i32 to index
      %swap3A_941 = arith.constant 96 : index
      %swap3A_942 = tpu.vector_load %arg17[%swap3A_940, %swap3A_941] {strides = array<i32>} : memref<48x128xf32, #tpu.memory_space<vmem>>, vector<1x16xf32>,
      %swap3A_943 = vector.shape_cast %swap3A_942 : vector<1x16xf32> to vector<16xf32>
      %swap3A_944 = vector.shape_cast %max3A_939 : vector<16xf32> to vector<1x16xf32>
      tpu.vector_store %arg17[%swap3A_940, %swap3A_941], %swap3A_944 {strides = array<i32>} : memref<48x128xf32, #tpu.memory_space<vmem>>, vector<1x16xf32>,
      %get3A_945 = arith.index_cast %scan3A_819 : i32 to index
      %get3A_946 = arith.constant 112 : index
      %get3A_947 = tpu.vector_load %arg15[%get3A_945, %get3A_946] {strides = array<i32>} : memref<48x128xf32, #tpu.memory_space<vmem>>, vector<1x16xf32>,
      %get3A_948 = vector.shape_cast %get3A_947 : vector<1x16xf32> to vector<16xf32>
      %mul3A_949 = arith.mulf %get3A_948, %get3A_103 : vector<16xf32>
      %get3A_950 = arith.index_cast %scan3A_819 : i32 to index
      %get3A_951 = arith.constant 112 : index
      %get3A_952 = tpu.vector_load %arg13[%get3A_950, %get3A_951] {strides = array<i32>} : memref<48x128xf32, #tpu.memory_space<vmem>>, vector<1x16xf32>,
      %get3A_953 = vector.shape_cast %get3A_952 : vector<1x16xf32> to vector<16xf32>
      %add3A_954 = arith.addf %mul3A_949, %get3A_953 : vector<16xf32>
      %max3A_955 = arith.constant 0.000000e+00 : f32
      %max3A_956 = vector.broadcast %max3A_955 : f32 to vector<16xf32>
      %max3A_957 = arith.maximumf %add3A_954, %max3A_956 : vector<16xf32>
      %swap3A_958 = arith.index_cast %scan3A_819 : i32 to index
      %swap3A_959 = arith.constant 112 : index
      %swap3A_960 = tpu.vector_load %arg17[%swap3A_958, %swap3A_959] {strides = array<i32>} : memref<48x128xf32, #tpu.memory_space<vmem>>, vector<1x16xf32>,
      %swap3A_961 = vector.shape_cast %swap3A_960 : vector<1x16xf32> to vector<16xf32>
      %swap3A_962 = vector.shape_cast %max3A_957 : vector<16xf32> to vector<1x16xf32>
      tpu.vector_store %arg17[%swap3A_958, %swap3A_959], %swap3A_962 {strides = array<i32>} : memref<48x128xf32, #tpu.memory_space<vmem>>, vector<1x16xf32>,
      %scan3A_963 = arith.constant 0 : i32
      scf.yield %scan3A_963 : i32
    }
    %scan3A_320 = arith.constant 48 : i32
    %add3A_321 = arith.constant 9936 : i32
    %add3A_322 = arith.addi %mul3A_2, %add3A_321 : i32
    %dma_wait3A_323 = tpu.memref_slice %arg3[%add3A_322] : memref<320000xi32, #tpu.memory_space<hbm>> -> memref<48xi32, #tpu.memory_space<hbm>>
    %dma_wait3A_324 = tpu.memref_slice %arg3[%add3A_322] : memref<320000xi32, #tpu.memory_space<hbm>> -> memref<48xi32, #tpu.memory_space<hbm>>
    tpu.wait_dma2 semaphore(%arg26 : memref<!tpu.dma_semaphore, #tpu.memory_space<semaphore_mem>>) src(%dma_wait3A_324 : memref<48xi32, #tpu.memory_space<hbm>>) dst(%arg11 : memref<48xi32, #tpu.memory_space<vmem>>)
    %dma_start3A_325 = arith.constant 0 : i32
    %dma_start3A_326 = arith.constant 0 : i32
    %dma_start3A_327 = tpu.memref_slice %arg22[%dma_start3A_325, %dma_start3A_326] : memref<10112x128xf32, #tpu.memory_space<vmem_shared>> -> memref<10112x128xf32, #tpu.memory_space<vmem_shared>>
    tpu.enqueue_indirect_dma source(%arg17 : memref<48x128xf32, #tpu.memory_space<vmem>>) target(%dma_start3A_327 : memref<10112x128xf32, #tpu.memory_space<vmem_shared>>) offsets(%arg11 : memref<48xi32, #tpu.memory_space<vmem>>) semaphore(%arg30 : memref<!tpu.dma_semaphore, #tpu.memory_space<semaphore_mem>>) {add = true}
    %dma_wait3A_328 = arith.constant 0 : i32
    %dma_wait3A_329 = arith.constant 0 : i32
    %dma_wait3A_330 = tpu.memref_slice %arg4[%dma_wait3A_328, %dma_wait3A_329] : memref<10000x128xf32, #tpu.memory_space<hbm>> -> memref<10000x128xf32, #tpu.memory_space<hbm>>
    tpu.wait_indirect_dma semaphore(%arg27 : memref<!tpu.dma_semaphore, #tpu.memory_space<semaphore_mem>>) src(%dma_wait3A_330 : memref<10000x128xf32, #tpu.memory_space<hbm>>) dst(%arg12 : memref<48x128xf32, #tpu.memory_space<vmem>>)
    %add3A_331 = arith.constant 9936 : i32
    %add3A_332 = arith.addi %mul3A_2, %add3A_331 : i32
    %dma_wait3A_333 = arith.constant 0 : i32
    %dma_wait3A_334 = tpu.memref_slice %arg5[%add3A_332, %dma_wait3A_333] : memref<320000x128xf32, #tpu.memory_space<hbm>> -> memref<48x128xf32, #tpu.memory_space<hbm>>
    %dma_wait3A_335 = arith.constant 0 : i32
    %dma_wait3A_336 = tpu.memref_slice %arg5[%add3A_332, %dma_wait3A_335] : memref<320000x128xf32, #tpu.memory_space<hbm>> -> memref<48x128xf32, #tpu.memory_space<hbm>>
    tpu.wait_dma2 semaphore(%arg27 : memref<!tpu.dma_semaphore, #tpu.memory_space<semaphore_mem>>) src(%dma_wait3A_336 : memref<48x128xf32, #tpu.memory_space<hbm>>) dst(%arg14 : memref<48x128xf32, #tpu.memory_space<vmem>>)
    %add3A_337 = arith.constant 9936 : i32
    %add3A_338 = arith.addi %mul3A_2, %add3A_337 : i32
    %dma_wait3A_339 = tpu.memref_slice %arg2[%add3A_338] : memref<320000xi32, #tpu.memory_space<hbm>> -> memref<48xi32, #tpu.memory_space<hbm>>
    %dma_wait3A_340 = tpu.memref_slice %arg2[%add3A_338] : memref<320000xi32, #tpu.memory_space<hbm>> -> memref<48xi32, #tpu.memory_space<hbm>>
    tpu.wait_dma2 semaphore(%arg24 : memref<!tpu.dma_semaphore, #tpu.memory_space<semaphore_mem>>) src(%dma_wait3A_340 : memref<48xi32, #tpu.memory_space<hbm>>) dst(%arg9 : memref<48xi32, #tpu.memory_space<vmem>>)
    %add3A_341 = arith.constant 9936 : i32
    %add3A_342 = arith.addi %mul3A_2, %add3A_341 : i32
    %dma_wait3A_343 = tpu.memref_slice %arg3[%add3A_342] : memref<320000xi32, #tpu.memory_space<hbm>> -> memref<48xi32, #tpu.memory_space<hbm>>
    %dma_wait3A_344 = tpu.memref_slice %arg3[%add3A_342] : memref<320000xi32, #tpu.memory_space<hbm>> -> memref<48xi32, #tpu.memory_space<hbm>>
    tpu.wait_dma2 semaphore(%arg25 : memref<!tpu.dma_semaphore, #tpu.memory_space<semaphore_mem>>) src(%dma_wait3A_344 : memref<48xi32, #tpu.memory_space<hbm>>) dst(%arg10 : memref<48xi32, #tpu.memory_space<vmem>>)
    %dma_wait3A_345 = arith.constant 0 : i32
    %dma_wait3A_346 = arith.constant 0 : i32
    %dma_wait3A_347 = tpu.memref_slice %arg22[%dma_wait3A_345, %dma_wait3A_346] : memref<10112x128xf32, #tpu.memory_space<vmem_shared>> -> memref<48x128xf32, #tpu.memory_space<vmem_shared>>
    %dma_wait3A_348 = arith.constant 0 : i32
    %dma_wait3A_349 = arith.constant 0 : i32
    %dma_wait3A_350 = tpu.memref_slice %arg22[%dma_wait3A_348, %dma_wait3A_349] : memref<10112x128xf32, #tpu.memory_space<vmem_shared>> -> memref<48x128xf32, #tpu.memory_space<vmem_shared>>
    tpu.wait_dma2 semaphore(%arg30 : memref<!tpu.dma_semaphore, #tpu.memory_space<semaphore_mem>>) src(%arg17 : memref<48x128xf32, #tpu.memory_space<vmem>>) dst(%dma_wait3A_350 : memref<48x128xf32, #tpu.memory_space<vmem_shared>>)
    %add3A_351 = arith.constant 9984 : i32
    %add3A_352 = arith.addi %mul3A_2, %add3A_351 : i32
    "tpu.region"() ({
      %run_scoped3A = tpu.sem_alloc : memref<!tpu.dma_semaphore, #tpu.memory_space<semaphore_mem>>
      %dma_start3A_819 = tpu.memref_slice %arg2[%add3A_352] : memref<320000xi32, #tpu.memory_space<hbm>> -> memref<16xi32, #tpu.memory_space<hbm>>
      %dma_start3A_820 = tpu.memref_slice %arg2[%add3A_352] : memref<320000xi32, #tpu.memory_space<hbm>> -> memref<16xi32, #tpu.memory_space<hbm>>
      tpu.enqueue_dma source(%dma_start3A_820 : memref<16xi32, #tpu.memory_space<hbm>>) target(%arg20 : memref<16xi32, #tpu.memory_space<vmem>>) target_semaphore(%run_scoped3A : memref<!tpu.dma_semaphore, #tpu.memory_space<semaphore_mem>>)
      %dma_wait3A_821 = tpu.memref_slice %arg2[%add3A_352] : memref<320000xi32, #tpu.memory_space<hbm>> -> memref<16xi32, #tpu.memory_space<hbm>>
      %dma_wait3A_822 = tpu.memref_slice %arg2[%add3A_352] : memref<320000xi32, #tpu.memory_space<hbm>> -> memref<16xi32, #tpu.memory_space<hbm>>
      tpu.wait_dma2 semaphore(%run_scoped3A : memref<!tpu.dma_semaphore, #tpu.memory_space<semaphore_mem>>) src(%dma_wait3A_822 : memref<16xi32, #tpu.memory_space<hbm>>) dst(%arg20 : memref<16xi32, #tpu.memory_space<vmem>>)
      tpu.yield
    }) : () -> ()
    %dma_start3A_353 = arith.constant 0 : i32
    %dma_start3A_354 = arith.constant 0 : i32
    %dma_start3A_355 = tpu.memref_slice %arg4[%dma_start3A_353, %dma_start3A_354] : memref<10000x128xf32, #tpu.memory_space<hbm>> -> memref<10000x128xf32, #tpu.memory_space<hbm>>
    tpu.enqueue_indirect_dma source(%dma_start3A_355 : memref<10000x128xf32, #tpu.memory_space<hbm>>) target(%arg18 : memref<16x128xf32, #tpu.memory_space<vmem>>) offsets(%arg20 : memref<16xi32, #tpu.memory_space<vmem>>) semaphore(%arg27 : memref<!tpu.dma_semaphore, #tpu.memory_space<semaphore_mem>>)
    %dma_wait3A_356 = arith.constant 0 : i32
    %dma_wait3A_357 = arith.constant 0 : i32
    %dma_wait3A_358 = tpu.memref_slice %arg4[%dma_wait3A_356, %dma_wait3A_357] : memref<10000x128xf32, #tpu.memory_space<hbm>> -> memref<10000x128xf32, #tpu.memory_space<hbm>>
    tpu.wait_indirect_dma semaphore(%arg27 : memref<!tpu.dma_semaphore, #tpu.memory_space<semaphore_mem>>) src(%dma_wait3A_358 : memref<10000x128xf32, #tpu.memory_space<hbm>>) dst(%arg18 : memref<16x128xf32, #tpu.memory_space<vmem>>)
    %add3A_359 = arith.constant 9984 : i32
    %add3A_360 = arith.addi %mul3A_2, %add3A_359 : i32
    "tpu.region"() ({
      %run_scoped3A = tpu.sem_alloc : memref<!tpu.dma_semaphore, #tpu.memory_space<semaphore_mem>>
      %dma_start3A_819 = arith.constant 0 : i32
      %dma_start3A_820 = tpu.memref_slice %arg5[%add3A_360, %dma_start3A_819] : memref<320000x128xf32, #tpu.memory_space<hbm>> -> memref<16x128xf32, #tpu.memory_space<hbm>>
      %dma_start3A_821 = arith.constant 0 : i32
      %dma_start3A_822 = tpu.memref_slice %arg5[%add3A_360, %dma_start3A_821] : memref<320000x128xf32, #tpu.memory_space<hbm>> -> memref<16x128xf32, #tpu.memory_space<hbm>>
      tpu.enqueue_dma source(%dma_start3A_822 : memref<16x128xf32, #tpu.memory_space<hbm>>) target(%arg19 : memref<16x128xf32, #tpu.memory_space<vmem>>) target_semaphore(%run_scoped3A : memref<!tpu.dma_semaphore, #tpu.memory_space<semaphore_mem>>)
      %dma_wait3A_823 = arith.constant 0 : i32
      %dma_wait3A_824 = tpu.memref_slice %arg5[%add3A_360, %dma_wait3A_823] : memref<320000x128xf32, #tpu.memory_space<hbm>> -> memref<16x128xf32, #tpu.memory_space<hbm>>
      %dma_wait3A_825 = arith.constant 0 : i32
      %dma_wait3A_826 = tpu.memref_slice %arg5[%add3A_360, %dma_wait3A_825] : memref<320000x128xf32, #tpu.memory_space<hbm>> -> memref<16x128xf32, #tpu.memory_space<hbm>>
      tpu.wait_dma2 semaphore(%run_scoped3A : memref<!tpu.dma_semaphore, #tpu.memory_space<semaphore_mem>>) src(%dma_wait3A_826 : memref<16x128xf32, #tpu.memory_space<hbm>>) dst(%arg19 : memref<16x128xf32, #tpu.memory_space<vmem>>)
      tpu.yield
    }) : () -> ()
    %scan3A_361 = arith.constant 0 : i32
    %scan3A_362 = arith.constant 0 : i32
    %scan3A_363 = arith.constant 16 : i32
    %scan3A_364 = arith.addi %scan3A_362, %scan3A_363 : i32
    %scan3A_365 = arith.constant 1 : i32
    %scan3A_366 = scf.for %scan3A_819 = %scan3A_362 to %scan3A_364 step %scan3A_365 iter_args(%scan3A_820 = %scan3A_361) -> (i32)  : i32 {
      %get3A_821 = arith.index_cast %scan3A_819 : i32 to index
      %get3A_822 = arith.constant 0 : index
      %get3A_823 = tpu.vector_load %arg19[%get3A_821, %get3A_822] {strides = array<i32>} : memref<16x128xf32, #tpu.memory_space<vmem>>, vector<1x16xf32>,
      %get3A_824 = vector.shape_cast %get3A_823 : vector<1x16xf32> to vector<16xf32>
      %mul3A_825 = arith.mulf %get3A_824, %get3A_68 : vector<16xf32>
      %get3A_826 = arith.index_cast %scan3A_819 : i32 to index
      %get3A_827 = arith.constant 0 : index
      %get3A_828 = tpu.vector_load %arg18[%get3A_826, %get3A_827] {strides = array<i32>} : memref<16x128xf32, #tpu.memory_space<vmem>>, vector<1x16xf32>,
      %get3A_829 = vector.shape_cast %get3A_828 : vector<1x16xf32> to vector<16xf32>
      %add3A_830 = arith.addf %mul3A_825, %get3A_829 : vector<16xf32>
      %max3A = arith.constant 0.000000e+00 : f32
      %max3A_831 = vector.broadcast %max3A : f32 to vector<16xf32>
      %max3A_832 = arith.maximumf %add3A_830, %max3A_831 : vector<16xf32>
      %swap3A = arith.index_cast %scan3A_819 : i32 to index
      %swap3A_833 = arith.constant 0 : index
      %swap3A_834 = tpu.vector_load %arg18[%swap3A, %swap3A_833] {strides = array<i32>} : memref<16x128xf32, #tpu.memory_space<vmem>>, vector<1x16xf32>,
      %swap3A_835 = vector.shape_cast %swap3A_834 : vector<1x16xf32> to vector<16xf32>
      %swap3A_836 = vector.shape_cast %max3A_832 : vector<16xf32> to vector<1x16xf32>
      tpu.vector_store %arg18[%swap3A, %swap3A_833], %swap3A_836 {strides = array<i32>} : memref<16x128xf32, #tpu.memory_space<vmem>>, vector<1x16xf32>,
      %get3A_837 = arith.index_cast %scan3A_819 : i32 to index
      %get3A_838 = arith.constant 16 : index
      %get3A_839 = tpu.vector_load %arg19[%get3A_837, %get3A_838] {strides = array<i32>} : memref<16x128xf32, #tpu.memory_space<vmem>>, vector<1x16xf32>,
      %get3A_840 = vector.shape_cast %get3A_839 : vector<1x16xf32> to vector<16xf32>
      %mul3A_841 = arith.mulf %get3A_840, %get3A_73 : vector<16xf32>
      %get3A_842 = arith.index_cast %scan3A_819 : i32 to index
      %get3A_843 = arith.constant 16 : index
      %get3A_844 = tpu.vector_load %arg18[%get3A_842, %get3A_843] {strides = array<i32>} : memref<16x128xf32, #tpu.memory_space<vmem>>, vector<1x16xf32>,
      %get3A_845 = vector.shape_cast %get3A_844 : vector<1x16xf32> to vector<16xf32>
      %add3A_846 = arith.addf %mul3A_841, %get3A_845 : vector<16xf32>
      %max3A_847 = arith.constant 0.000000e+00 : f32
      %max3A_848 = vector.broadcast %max3A_847 : f32 to vector<16xf32>
      %max3A_849 = arith.maximumf %add3A_846, %max3A_848 : vector<16xf32>
      %swap3A_850 = arith.index_cast %scan3A_819 : i32 to index
      %swap3A_851 = arith.constant 16 : index
      %swap3A_852 = tpu.vector_load %arg18[%swap3A_850, %swap3A_851] {strides = array<i32>} : memref<16x128xf32, #tpu.memory_space<vmem>>, vector<1x16xf32>,
      %swap3A_853 = vector.shape_cast %swap3A_852 : vector<1x16xf32> to vector<16xf32>
      %swap3A_854 = vector.shape_cast %max3A_849 : vector<16xf32> to vector<1x16xf32>
      tpu.vector_store %arg18[%swap3A_850, %swap3A_851], %swap3A_854 {strides = array<i32>} : memref<16x128xf32, #tpu.memory_space<vmem>>, vector<1x16xf32>,
      %get3A_855 = arith.index_cast %scan3A_819 : i32 to index
      %get3A_856 = arith.constant 32 : index
      %get3A_857 = tpu.vector_load %arg19[%get3A_855, %get3A_856] {strides = array<i32>} : memref<16x128xf32, #tpu.memory_space<vmem>>, vector<1x16xf32>,
      %get3A_858 = vector.shape_cast %get3A_857 : vector<1x16xf32> to vector<16xf32>
      %mul3A_859 = arith.mulf %get3A_858, %get3A_78 : vector<16xf32>
      %get3A_860 = arith.index_cast %scan3A_819 : i32 to index
      %get3A_861 = arith.constant 32 : index
      %get3A_862 = tpu.vector_load %arg18[%get3A_860, %get3A_861] {strides = array<i32>} : memref<16x128xf32, #tpu.memory_space<vmem>>, vector<1x16xf32>,
      %get3A_863 = vector.shape_cast %get3A_862 : vector<1x16xf32> to vector<16xf32>
      %add3A_864 = arith.addf %mul3A_859, %get3A_863 : vector<16xf32>
      %max3A_865 = arith.constant 0.000000e+00 : f32
      %max3A_866 = vector.broadcast %max3A_865 : f32 to vector<16xf32>
      %max3A_867 = arith.maximumf %add3A_864, %max3A_866 : vector<16xf32>
      %swap3A_868 = arith.index_cast %scan3A_819 : i32 to index
      %swap3A_869 = arith.constant 32 : index
      %swap3A_870 = tpu.vector_load %arg18[%swap3A_868, %swap3A_869] {strides = array<i32>} : memref<16x128xf32, #tpu.memory_space<vmem>>, vector<1x16xf32>,
      %swap3A_871 = vector.shape_cast %swap3A_870 : vector<1x16xf32> to vector<16xf32>
      %swap3A_872 = vector.shape_cast %max3A_867 : vector<16xf32> to vector<1x16xf32>
      tpu.vector_store %arg18[%swap3A_868, %swap3A_869], %swap3A_872 {strides = array<i32>} : memref<16x128xf32, #tpu.memory_space<vmem>>, vector<1x16xf32>,
      %get3A_873 = arith.index_cast %scan3A_819 : i32 to index
      %get3A_874 = arith.constant 48 : index
      %get3A_875 = tpu.vector_load %arg19[%get3A_873, %get3A_874] {strides = array<i32>} : memref<16x128xf32, #tpu.memory_space<vmem>>, vector<1x16xf32>,
      %get3A_876 = vector.shape_cast %get3A_875 : vector<1x16xf32> to vector<16xf32>
      %mul3A_877 = arith.mulf %get3A_876, %get3A_83 : vector<16xf32>
      %get3A_878 = arith.index_cast %scan3A_819 : i32 to index
      %get3A_879 = arith.constant 48 : index
      %get3A_880 = tpu.vector_load %arg18[%get3A_878, %get3A_879] {strides = array<i32>} : memref<16x128xf32, #tpu.memory_space<vmem>>, vector<1x16xf32>,
      %get3A_881 = vector.shape_cast %get3A_880 : vector<1x16xf32> to vector<16xf32>
      %add3A_882 = arith.addf %mul3A_877, %get3A_881 : vector<16xf32>
      %max3A_883 = arith.constant 0.000000e+00 : f32
      %max3A_884 = vector.broadcast %max3A_883 : f32 to vector<16xf32>
      %max3A_885 = arith.maximumf %add3A_882, %max3A_884 : vector<16xf32>
      %swap3A_886 = arith.index_cast %scan3A_819 : i32 to index
      %swap3A_887 = arith.constant 48 : index
      %swap3A_888 = tpu.vector_load %arg18[%swap3A_886, %swap3A_887] {strides = array<i32>} : memref<16x128xf32, #tpu.memory_space<vmem>>, vector<1x16xf32>,
      %swap3A_889 = vector.shape_cast %swap3A_888 : vector<1x16xf32> to vector<16xf32>
      %swap3A_890 = vector.shape_cast %max3A_885 : vector<16xf32> to vector<1x16xf32>
      tpu.vector_store %arg18[%swap3A_886, %swap3A_887], %swap3A_890 {strides = array<i32>} : memref<16x128xf32, #tpu.memory_space<vmem>>, vector<1x16xf32>,
      %get3A_891 = arith.index_cast %scan3A_819 : i32 to index
      %get3A_892 = arith.constant 64 : index
      %get3A_893 = tpu.vector_load %arg19[%get3A_891, %get3A_892] {strides = array<i32>} : memref<16x128xf32, #tpu.memory_space<vmem>>, vector<1x16xf32>,
      %get3A_894 = vector.shape_cast %get3A_893 : vector<1x16xf32> to vector<16xf32>
      %mul3A_895 = arith.mulf %get3A_894, %get3A_88 : vector<16xf32>
      %get3A_896 = arith.index_cast %scan3A_819 : i32 to index
      %get3A_897 = arith.constant 64 : index
      %get3A_898 = tpu.vector_load %arg18[%get3A_896, %get3A_897] {strides = array<i32>} : memref<16x128xf32, #tpu.memory_space<vmem>>, vector<1x16xf32>,
      %get3A_899 = vector.shape_cast %get3A_898 : vector<1x16xf32> to vector<16xf32>
      %add3A_900 = arith.addf %mul3A_895, %get3A_899 : vector<16xf32>
      %max3A_901 = arith.constant 0.000000e+00 : f32
      %max3A_902 = vector.broadcast %max3A_901 : f32 to vector<16xf32>
      %max3A_903 = arith.maximumf %add3A_900, %max3A_902 : vector<16xf32>
      %swap3A_904 = arith.index_cast %scan3A_819 : i32 to index
      %swap3A_905 = arith.constant 64 : index
      %swap3A_906 = tpu.vector_load %arg18[%swap3A_904, %swap3A_905] {strides = array<i32>} : memref<16x128xf32, #tpu.memory_space<vmem>>, vector<1x16xf32>,
      %swap3A_907 = vector.shape_cast %swap3A_906 : vector<1x16xf32> to vector<16xf32>
      %swap3A_908 = vector.shape_cast %max3A_903 : vector<16xf32> to vector<1x16xf32>
      tpu.vector_store %arg18[%swap3A_904, %swap3A_905], %swap3A_908 {strides = array<i32>} : memref<16x128xf32, #tpu.memory_space<vmem>>, vector<1x16xf32>,
      %get3A_909 = arith.index_cast %scan3A_819 : i32 to index
      %get3A_910 = arith.constant 80 : index
      %get3A_911 = tpu.vector_load %arg19[%get3A_909, %get3A_910] {strides = array<i32>} : memref<16x128xf32, #tpu.memory_space<vmem>>, vector<1x16xf32>,
      %get3A_912 = vector.shape_cast %get3A_911 : vector<1x16xf32> to vector<16xf32>
      %mul3A_913 = arith.mulf %get3A_912, %get3A_93 : vector<16xf32>
      %get3A_914 = arith.index_cast %scan3A_819 : i32 to index
      %get3A_915 = arith.constant 80 : index
      %get3A_916 = tpu.vector_load %arg18[%get3A_914, %get3A_915] {strides = array<i32>} : memref<16x128xf32, #tpu.memory_space<vmem>>, vector<1x16xf32>,
      %get3A_917 = vector.shape_cast %get3A_916 : vector<1x16xf32> to vector<16xf32>
      %add3A_918 = arith.addf %mul3A_913, %get3A_917 : vector<16xf32>
      %max3A_919 = arith.constant 0.000000e+00 : f32
      %max3A_920 = vector.broadcast %max3A_919 : f32 to vector<16xf32>
      %max3A_921 = arith.maximumf %add3A_918, %max3A_920 : vector<16xf32>
      %swap3A_922 = arith.index_cast %scan3A_819 : i32 to index
      %swap3A_923 = arith.constant 80 : index
      %swap3A_924 = tpu.vector_load %arg18[%swap3A_922, %swap3A_923] {strides = array<i32>} : memref<16x128xf32, #tpu.memory_space<vmem>>, vector<1x16xf32>,
      %swap3A_925 = vector.shape_cast %swap3A_924 : vector<1x16xf32> to vector<16xf32>
      %swap3A_926 = vector.shape_cast %max3A_921 : vector<16xf32> to vector<1x16xf32>
      tpu.vector_store %arg18[%swap3A_922, %swap3A_923], %swap3A_926 {strides = array<i32>} : memref<16x128xf32, #tpu.memory_space<vmem>>, vector<1x16xf32>,
      %get3A_927 = arith.index_cast %scan3A_819 : i32 to index
      %get3A_928 = arith.constant 96 : index
      %get3A_929 = tpu.vector_load %arg19[%get3A_927, %get3A_928] {strides = array<i32>} : memref<16x128xf32, #tpu.memory_space<vmem>>, vector<1x16xf32>,
      %get3A_930 = vector.shape_cast %get3A_929 : vector<1x16xf32> to vector<16xf32>
      %mul3A_931 = arith.mulf %get3A_930, %get3A_98 : vector<16xf32>
      %get3A_932 = arith.index_cast %scan3A_819 : i32 to index
      %get3A_933 = arith.constant 96 : index
      %get3A_934 = tpu.vector_load %arg18[%get3A_932, %get3A_933] {strides = array<i32>} : memref<16x128xf32, #tpu.memory_space<vmem>>, vector<1x16xf32>,
      %get3A_935 = vector.shape_cast %get3A_934 : vector<1x16xf32> to vector<16xf32>
      %add3A_936 = arith.addf %mul3A_931, %get3A_935 : vector<16xf32>
      %max3A_937 = arith.constant 0.000000e+00 : f32
      %max3A_938 = vector.broadcast %max3A_937 : f32 to vector<16xf32>
      %max3A_939 = arith.maximumf %add3A_936, %max3A_938 : vector<16xf32>
      %swap3A_940 = arith.index_cast %scan3A_819 : i32 to index
      %swap3A_941 = arith.constant 96 : index
      %swap3A_942 = tpu.vector_load %arg18[%swap3A_940, %swap3A_941] {strides = array<i32>} : memref<16x128xf32, #tpu.memory_space<vmem>>, vector<1x16xf32>,
      %swap3A_943 = vector.shape_cast %swap3A_942 : vector<1x16xf32> to vector<16xf32>
      %swap3A_944 = vector.shape_cast %max3A_939 : vector<16xf32> to vector<1x16xf32>
      tpu.vector_store %arg18[%swap3A_940, %swap3A_941], %swap3A_944 {strides = array<i32>} : memref<16x128xf32, #tpu.memory_space<vmem>>, vector<1x16xf32>,
      %get3A_945 = arith.index_cast %scan3A_819 : i32 to index
      %get3A_946 = arith.constant 112 : index
      %get3A_947 = tpu.vector_load %arg19[%get3A_945, %get3A_946] {strides = array<i32>} : memref<16x128xf32, #tpu.memory_space<vmem>>, vector<1x16xf32>,
      %get3A_948 = vector.shape_cast %get3A_947 : vector<1x16xf32> to vector<16xf32>
      %mul3A_949 = arith.mulf %get3A_948, %get3A_103 : vector<16xf32>
      %get3A_950 = arith.index_cast %scan3A_819 : i32 to index
      %get3A_951 = arith.constant 112 : index
      %get3A_952 = tpu.vector_load %arg18[%get3A_950, %get3A_951] {strides = array<i32>} : memref<16x128xf32, #tpu.memory_space<vmem>>, vector<1x16xf32>,
      %get3A_953 = vector.shape_cast %get3A_952 : vector<1x16xf32> to vector<16xf32>
      %add3A_954 = arith.addf %mul3A_949, %get3A_953 : vector<16xf32>
      %max3A_955 = arith.constant 0.000000e+00 : f32
      %max3A_956 = vector.broadcast %max3A_955 : f32 to vector<16xf32>
      %max3A_957 = arith.maximumf %add3A_954, %max3A_956 : vector<16xf32>
      %swap3A_958 = arith.index_cast %scan3A_819 : i32 to index
      %swap3A_959 = arith.constant 112 : index
      %swap3A_960 = tpu.vector_load %arg18[%swap3A_958, %swap3A_959] {strides = array<i32>} : memref<16x128xf32, #tpu.memory_space<vmem>>, vector<1x16xf32>,
      %swap3A_961 = vector.shape_cast %swap3A_960 : vector<1x16xf32> to vector<16xf32>
      %swap3A_962 = vector.shape_cast %max3A_957 : vector<16xf32> to vector<1x16xf32>
      tpu.vector_store %arg18[%swap3A_958, %swap3A_959], %swap3A_962 {strides = array<i32>} : memref<16x128xf32, #tpu.memory_space<vmem>>, vector<1x16xf32>,
      %scan3A_963 = arith.constant 0 : i32
      scf.yield %scan3A_963 : i32
    }
    %scan3A_367 = arith.constant 16 : i32
    %add3A_368 = arith.constant 9984 : i32
    %add3A_369 = arith.addi %mul3A_2, %add3A_368 : i32
    "tpu.region"() ({
      %run_scoped3A = tpu.sem_alloc : memref<!tpu.dma_semaphore, #tpu.memory_space<semaphore_mem>>
      %dma_start3A_819 = tpu.memref_slice %arg3[%add3A_369] : memref<320000xi32, #tpu.memory_space<hbm>> -> memref<16xi32, #tpu.memory_space<hbm>>
      %dma_start3A_820 = tpu.memref_slice %arg3[%add3A_369] : memref<320000xi32, #tpu.memory_space<hbm>> -> memref<16xi32, #tpu.memory_space<hbm>>
      tpu.enqueue_dma source(%dma_start3A_820 : memref<16xi32, #tpu.memory_space<hbm>>) target(%arg20 : memref<16xi32, #tpu.memory_space<vmem>>) target_semaphore(%run_scoped3A : memref<!tpu.dma_semaphore, #tpu.memory_space<semaphore_mem>>)
      %dma_wait3A_821 = tpu.memref_slice %arg3[%add3A_369] : memref<320000xi32, #tpu.memory_space<hbm>> -> memref<16xi32, #tpu.memory_space<hbm>>
      %dma_wait3A_822 = tpu.memref_slice %arg3[%add3A_369] : memref<320000xi32, #tpu.memory_space<hbm>> -> memref<16xi32, #tpu.memory_space<hbm>>
      tpu.wait_dma2 semaphore(%run_scoped3A : memref<!tpu.dma_semaphore, #tpu.memory_space<semaphore_mem>>) src(%dma_wait3A_822 : memref<16xi32, #tpu.memory_space<hbm>>) dst(%arg20 : memref<16xi32, #tpu.memory_space<vmem>>)
      tpu.yield
    }) : () -> ()
    "tpu.region"() ({
      %run_scoped3A = tpu.sem_alloc : memref<!tpu.dma_semaphore, #tpu.memory_space<semaphore_mem>>
      %dma_start3A_819 = arith.constant 0 : i32
      %dma_start3A_820 = arith.constant 0 : i32
      %dma_start3A_821 = tpu.memref_slice %arg22[%dma_start3A_819, %dma_start3A_820] : memref<10112x128xf32, #tpu.memory_space<vmem_shared>> -> memref<10112x128xf32, #tpu.memory_space<vmem_shared>>
      tpu.enqueue_indirect_dma source(%arg18 : memref<16x128xf32, #tpu.memory_space<vmem>>) target(%dma_start3A_821 : memref<10112x128xf32, #tpu.memory_space<vmem_shared>>) offsets(%arg20 : memref<16xi32, #tpu.memory_space<vmem>>) semaphore(%run_scoped3A : memref<!tpu.dma_semaphore, #tpu.memory_space<semaphore_mem>>) {add = true}
      %dma_wait3A_822 = arith.constant 0 : i32
      %dma_wait3A_823 = arith.constant 0 : i32
      %dma_wait3A_824 = tpu.memref_slice %arg22[%dma_wait3A_822, %dma_wait3A_823] : memref<10112x128xf32, #tpu.memory_space<vmem_shared>> -> memref<10112x128xf32, #tpu.memory_space<vmem_shared>>
      tpu.wait_indirect_dma semaphore(%run_scoped3A : memref<!tpu.dma_semaphore, #tpu.memory_space<semaphore_mem>>) src(%arg18 : memref<16x128xf32, #tpu.memory_space<vmem>>) dst(%dma_wait3A_824 : memref<10112x128xf32, #tpu.memory_space<vmem_shared>>)
      tpu.yield
    }) : () -> ()
    %barrier3A_370 = arith.constant 0 : index
    tpu.barrier barrier_id(%barrier3A_370)
    %mul3A_371 = arith.constant 632 : i32
    %mul3A_372 = arith.muli %arg1, %mul3A_371 : i32
    %add3A_373 = arith.constant 0 : i32
    %add3A_374 = arith.addi %mul3A_372, %add3A_373 : i32
    "tpu.region"() ({
      %run_scoped3A = tpu.sem_alloc : memref<!tpu.dma_semaphore, #tpu.memory_space<semaphore_mem>>
      %dma_start3A_819 = arith.constant 0 : i32
      %dma_start3A_820 = arith.constant 0 : i32
      %dma_start3A_821 = tpu.memref_slice %arg12[%dma_start3A_819, %dma_start3A_820] : memref<48x128xf32, #tpu.memory_space<vmem>> -> memref<48x128xf32, #tpu.memory_space<vmem>>
      %dma_start3A_822 = arith.constant 0 : i32
      %dma_start3A_823 = tpu.memref_slice %arg22[%add3A_374, %dma_start3A_822] : memref<10112x128xf32, #tpu.memory_space<vmem_shared>> -> memref<48x128xf32, #tpu.memory_space<vmem_shared>>
      %dma_start3A_824 = arith.constant 0 : i32
      %dma_start3A_825 = arith.constant 0 : i32
      %dma_start3A_826 = tpu.memref_slice %arg12[%dma_start3A_824, %dma_start3A_825] : memref<48x128xf32, #tpu.memory_space<vmem>> -> memref<48x128xf32, #tpu.memory_space<vmem>>
      %dma_start3A_827 = arith.constant 0 : i32
      %dma_start3A_828 = tpu.memref_slice %arg22[%add3A_374, %dma_start3A_827] : memref<10112x128xf32, #tpu.memory_space<vmem_shared>> -> memref<48x128xf32, #tpu.memory_space<vmem_shared>>
      tpu.enqueue_dma source(%dma_start3A_828 : memref<48x128xf32, #tpu.memory_space<vmem_shared>>) target(%dma_start3A_826 : memref<48x128xf32, #tpu.memory_space<vmem>>) target_semaphore(%run_scoped3A : memref<!tpu.dma_semaphore, #tpu.memory_space<semaphore_mem>>)
      %dma_wait3A_829 = arith.constant 0 : i32
      %dma_wait3A_830 = arith.constant 0 : i32
      %dma_wait3A_831 = tpu.memref_slice %arg12[%dma_wait3A_829, %dma_wait3A_830] : memref<48x128xf32, #tpu.memory_space<vmem>> -> memref<48x128xf32, #tpu.memory_space<vmem>>
      %dma_wait3A_832 = arith.constant 0 : i32
      %dma_wait3A_833 = tpu.memref_slice %arg22[%add3A_374, %dma_wait3A_832] : memref<10112x128xf32, #tpu.memory_space<vmem_shared>> -> memref<48x128xf32, #tpu.memory_space<vmem_shared>>
      %dma_wait3A_834 = arith.constant 0 : i32
      %dma_wait3A_835 = arith.constant 0 : i32
      %dma_wait3A_836 = tpu.memref_slice %arg12[%dma_wait3A_834, %dma_wait3A_835] : memref<48x128xf32, #tpu.memory_space<vmem>> -> memref<48x128xf32, #tpu.memory_space<vmem>>
      %dma_wait3A_837 = arith.constant 0 : i32
      %dma_wait3A_838 = tpu.memref_slice %arg22[%add3A_374, %dma_wait3A_837] : memref<10112x128xf32, #tpu.memory_space<vmem_shared>> -> memref<48x128xf32, #tpu.memory_space<vmem_shared>>
      tpu.wait_dma2 semaphore(%run_scoped3A : memref<!tpu.dma_semaphore, #tpu.memory_space<semaphore_mem>>) src(%dma_wait3A_838 : memref<48x128xf32, #tpu.memory_space<vmem_shared>>) dst(%dma_wait3A_836 : memref<48x128xf32, #tpu.memory_space<vmem>>)
      tpu.yield
    }) : () -> ()
    %dma_start3A_375 = arith.constant 0 : i32
    %dma_start3A_376 = arith.constant 0 : i32
    %dma_start3A_377 = tpu.memref_slice %arg12[%dma_start3A_375, %dma_start3A_376] : memref<48x128xf32, #tpu.memory_space<vmem>> -> memref<48x128xf32, #tpu.memory_space<vmem>>
    %dma_start3A_378 = arith.constant 0 : i32
    %dma_start3A_379 = tpu.memref_slice %arg7[%arg0, %add3A_374, %dma_start3A_378] : memref<2x10112x128xf32, #tpu.memory_space<hbm>> -> memref<1x48x128xf32, #tpu.memory_space<hbm>>
    %dma_start3A_380 = tpu.memref_squeeze %dma_start3A_379 : memref<1x48x128xf32, #tpu.memory_space<hbm>> -> memref<48x128xf32, #tpu.memory_space<hbm>>
    %dma_start3A_381 = arith.constant 0 : i32
    %dma_start3A_382 = tpu.memref_slice %arg7[%arg0, %add3A_374, %dma_start3A_381] : memref<2x10112x128xf32, #tpu.memory_space<hbm>> -> memref<1x48x128xf32, #tpu.memory_space<hbm>>
    %dma_start3A_383 = tpu.memref_squeeze %dma_start3A_382 : memref<1x48x128xf32, #tpu.memory_space<hbm>> -> memref<48x128xf32, #tpu.memory_space<hbm>>
    %dma_start3A_384 = arith.constant 0 : i32
    %dma_start3A_385 = arith.constant 0 : i32
    %dma_start3A_386 = tpu.memref_slice %arg12[%dma_start3A_384, %dma_start3A_385] : memref<48x128xf32, #tpu.memory_space<vmem>> -> memref<48x128xf32, #tpu.memory_space<vmem>>
    tpu.enqueue_dma source(%dma_start3A_386 : memref<48x128xf32, #tpu.memory_space<vmem>>) target(%dma_start3A_383 : memref<48x128xf32, #tpu.memory_space<hbm>>) target_semaphore(%arg29 : memref<!tpu.dma_semaphore, #tpu.memory_space<semaphore_mem>>)
    %mul3A_387 = arith.constant 632 : i32
    %mul3A_388 = arith.muli %arg1, %mul3A_387 : i32
    %add3A_389 = arith.constant 48 : i32
    %add3A_390 = arith.addi %mul3A_388, %add3A_389 : i32
    "tpu.region"() ({
      %run_scoped3A = tpu.sem_alloc : memref<!tpu.dma_semaphore, #tpu.memory_space<semaphore_mem>>
      %dma_start3A_819 = arith.constant 0 : i32
      %dma_start3A_820 = arith.constant 0 : i32
      %dma_start3A_821 = tpu.memref_slice %arg16[%dma_start3A_819, %dma_start3A_820] : memref<48x128xf32, #tpu.memory_space<vmem>> -> memref<48x128xf32, #tpu.memory_space<vmem>>
      %dma_start3A_822 = arith.constant 0 : i32
      %dma_start3A_823 = tpu.memref_slice %arg22[%add3A_390, %dma_start3A_822] : memref<10112x128xf32, #tpu.memory_space<vmem_shared>> -> memref<48x128xf32, #tpu.memory_space<vmem_shared>>
      %dma_start3A_824 = arith.constant 0 : i32
      %dma_start3A_825 = arith.constant 0 : i32
      %dma_start3A_826 = tpu.memref_slice %arg16[%dma_start3A_824, %dma_start3A_825] : memref<48x128xf32, #tpu.memory_space<vmem>> -> memref<48x128xf32, #tpu.memory_space<vmem>>
      %dma_start3A_827 = arith.constant 0 : i32
      %dma_start3A_828 = tpu.memref_slice %arg22[%add3A_390, %dma_start3A_827] : memref<10112x128xf32, #tpu.memory_space<vmem_shared>> -> memref<48x128xf32, #tpu.memory_space<vmem_shared>>
      tpu.enqueue_dma source(%dma_start3A_828 : memref<48x128xf32, #tpu.memory_space<vmem_shared>>) target(%dma_start3A_826 : memref<48x128xf32, #tpu.memory_space<vmem>>) target_semaphore(%run_scoped3A : memref<!tpu.dma_semaphore, #tpu.memory_space<semaphore_mem>>)
      %dma_wait3A_829 = arith.constant 0 : i32
      %dma_wait3A_830 = arith.constant 0 : i32
      %dma_wait3A_831 = tpu.memref_slice %arg16[%dma_wait3A_829, %dma_wait3A_830] : memref<48x128xf32, #tpu.memory_space<vmem>> -> memref<48x128xf32, #tpu.memory_space<vmem>>
      %dma_wait3A_832 = arith.constant 0 : i32
      %dma_wait3A_833 = tpu.memref_slice %arg22[%add3A_390, %dma_wait3A_832] : memref<10112x128xf32, #tpu.memory_space<vmem_shared>> -> memref<48x128xf32, #tpu.memory_space<vmem_shared>>
      %dma_wait3A_834 = arith.constant 0 : i32
      %dma_wait3A_835 = arith.constant 0 : i32
      %dma_wait3A_836 = tpu.memref_slice %arg16[%dma_wait3A_834, %dma_wait3A_835] : memref<48x128xf32, #tpu.memory_space<vmem>> -> memref<48x128xf32, #tpu.memory_space<vmem>>
      %dma_wait3A_837 = arith.constant 0 : i32
      %dma_wait3A_838 = tpu.memref_slice %arg22[%add3A_390, %dma_wait3A_837] : memref<10112x128xf32, #tpu.memory_space<vmem_shared>> -> memref<48x128xf32, #tpu.memory_space<vmem_shared>>
      tpu.wait_dma2 semaphore(%run_scoped3A : memref<!tpu.dma_semaphore, #tpu.memory_space<semaphore_mem>>) src(%dma_wait3A_838 : memref<48x128xf32, #tpu.memory_space<vmem_shared>>) dst(%dma_wait3A_836 : memref<48x128xf32, #tpu.memory_space<vmem>>)
      tpu.yield
    }) : () -> ()
    %mul3A_391 = arith.constant 632 : i32
    %mul3A_392 = arith.muli %arg1, %mul3A_391 : i32
    %add3A_393 = arith.constant 0 : i32
    %add3A_394 = arith.addi %mul3A_392, %add3A_393 : i32
    %dma_wait3A_395 = arith.constant 0 : i32
    %dma_wait3A_396 = arith.constant 0 : i32
    %dma_wait3A_397 = tpu.memref_slice %arg12[%dma_wait3A_395, %dma_wait3A_396] : memref<48x128xf32, #tpu.memory_space<vmem>> -> memref<48x128xf32, #tpu.memory_space<vmem>>
    %dma_wait3A_398 = arith.constant 0 : i32
    %dma_wait3A_399 = tpu.memref_slice %arg7[%arg0, %add3A_394, %dma_wait3A_398] : memref<2x10112x128xf32, #tpu.memory_space<hbm>> -> memref<1x48x128xf32, #tpu.memory_space<hbm>>
    %dma_wait3A_400 = tpu.memref_squeeze %dma_wait3A_399 : memref<1x48x128xf32, #tpu.memory_space<hbm>> -> memref<48x128xf32, #tpu.memory_space<hbm>>
    %dma_wait3A_401 = arith.constant 0 : i32
    %dma_wait3A_402 = tpu.memref_slice %arg7[%arg0, %add3A_394, %dma_wait3A_401] : memref<2x10112x128xf32, #tpu.memory_space<hbm>> -> memref<1x48x128xf32, #tpu.memory_space<hbm>>
    %dma_wait3A_403 = tpu.memref_squeeze %dma_wait3A_402 : memref<1x48x128xf32, #tpu.memory_space<hbm>> -> memref<48x128xf32, #tpu.memory_space<hbm>>
    %dma_wait3A_404 = arith.constant 0 : i32
    %dma_wait3A_405 = arith.constant 0 : i32
    %dma_wait3A_406 = tpu.memref_slice %arg12[%dma_wait3A_404, %dma_wait3A_405] : memref<48x128xf32, #tpu.memory_space<vmem>> -> memref<48x128xf32, #tpu.memory_space<vmem>>
    tpu.wait_dma2 semaphore(%arg29 : memref<!tpu.dma_semaphore, #tpu.memory_space<semaphore_mem>>) src(%dma_wait3A_406 : memref<48x128xf32, #tpu.memory_space<vmem>>) dst(%dma_wait3A_403 : memref<48x128xf32, #tpu.memory_space<hbm>>)
    %dma_start3A_407 = arith.constant 0 : i32
    %dma_start3A_408 = arith.constant 0 : i32
    %dma_start3A_409 = tpu.memref_slice %arg16[%dma_start3A_407, %dma_start3A_408] : memref<48x128xf32, #tpu.memory_space<vmem>> -> memref<48x128xf32, #tpu.memory_space<vmem>>
    %dma_start3A_410 = arith.constant 0 : i32
    %dma_start3A_411 = tpu.memref_slice %arg7[%arg0, %add3A_390, %dma_start3A_410] : memref<2x10112x128xf32, #tpu.memory_space<hbm>> -> memref<1x48x128xf32, #tpu.memory_space<hbm>>
    %dma_start3A_412 = tpu.memref_squeeze %dma_start3A_411 : memref<1x48x128xf32, #tpu.memory_space<hbm>> -> memref<48x128xf32, #tpu.memory_space<hbm>>
    %dma_start3A_413 = arith.constant 0 : i32
    %dma_start3A_414 = tpu.memref_slice %arg7[%arg0, %add3A_390, %dma_start3A_413] : memref<2x10112x128xf32, #tpu.memory_space<hbm>> -> memref<1x48x128xf32, #tpu.memory_space<hbm>>
    %dma_start3A_415 = tpu.memref_squeeze %dma_start3A_414 : memref<1x48x128xf32, #tpu.memory_space<hbm>> -> memref<48x128xf32, #tpu.memory_space<hbm>>
    %dma_start3A_416 = arith.constant 0 : i32
    %dma_start3A_417 = arith.constant 0 : i32
    %dma_start3A_418 = tpu.memref_slice %arg16[%dma_start3A_416, %dma_start3A_417] : memref<48x128xf32, #tpu.memory_space<vmem>> -> memref<48x128xf32, #tpu.memory_space<vmem>>
    tpu.enqueue_dma source(%dma_start3A_418 : memref<48x128xf32, #tpu.memory_space<vmem>>) target(%dma_start3A_415 : memref<48x128xf32, #tpu.memory_space<hbm>>) target_semaphore(%arg29 : memref<!tpu.dma_semaphore, #tpu.memory_space<semaphore_mem>>)
    %mul3A_419 = arith.constant 632 : i32
    %mul3A_420 = arith.muli %arg1, %mul3A_419 : i32
    %add3A_421 = arith.constant 96 : i32
    %add3A_422 = arith.addi %mul3A_420, %add3A_421 : i32
    "tpu.region"() ({
      %run_scoped3A = tpu.sem_alloc : memref<!tpu.dma_semaphore, #tpu.memory_space<semaphore_mem>>
      %dma_start3A_819 = arith.constant 0 : i32
      %dma_start3A_820 = arith.constant 0 : i32
      %dma_start3A_821 = tpu.memref_slice %arg12[%dma_start3A_819, %dma_start3A_820] : memref<48x128xf32, #tpu.memory_space<vmem>> -> memref<48x128xf32, #tpu.memory_space<vmem>>
      %dma_start3A_822 = arith.constant 0 : i32
      %dma_start3A_823 = tpu.memref_slice %arg22[%add3A_422, %dma_start3A_822] : memref<10112x128xf32, #tpu.memory_space<vmem_shared>> -> memref<48x128xf32, #tpu.memory_space<vmem_shared>>
      %dma_start3A_824 = arith.constant 0 : i32
      %dma_start3A_825 = arith.constant 0 : i32
      %dma_start3A_826 = tpu.memref_slice %arg12[%dma_start3A_824, %dma_start3A_825] : memref<48x128xf32, #tpu.memory_space<vmem>> -> memref<48x128xf32, #tpu.memory_space<vmem>>
      %dma_start3A_827 = arith.constant 0 : i32
      %dma_start3A_828 = tpu.memref_slice %arg22[%add3A_422, %dma_start3A_827] : memref<10112x128xf32, #tpu.memory_space<vmem_shared>> -> memref<48x128xf32, #tpu.memory_space<vmem_shared>>
      tpu.enqueue_dma source(%dma_start3A_828 : memref<48x128xf32, #tpu.memory_space<vmem_shared>>) target(%dma_start3A_826 : memref<48x128xf32, #tpu.memory_space<vmem>>) target_semaphore(%run_scoped3A : memref<!tpu.dma_semaphore, #tpu.memory_space<semaphore_mem>>)
      %dma_wait3A_829 = arith.constant 0 : i32
      %dma_wait3A_830 = arith.constant 0 : i32
      %dma_wait3A_831 = tpu.memref_slice %arg12[%dma_wait3A_829, %dma_wait3A_830] : memref<48x128xf32, #tpu.memory_space<vmem>> -> memref<48x128xf32, #tpu.memory_space<vmem>>
      %dma_wait3A_832 = arith.constant 0 : i32
      %dma_wait3A_833 = tpu.memref_slice %arg22[%add3A_422, %dma_wait3A_832] : memref<10112x128xf32, #tpu.memory_space<vmem_shared>> -> memref<48x128xf32, #tpu.memory_space<vmem_shared>>
      %dma_wait3A_834 = arith.constant 0 : i32
      %dma_wait3A_835 = arith.constant 0 : i32
      %dma_wait3A_836 = tpu.memref_slice %arg12[%dma_wait3A_834, %dma_wait3A_835] : memref<48x128xf32, #tpu.memory_space<vmem>> -> memref<48x128xf32, #tpu.memory_space<vmem>>
      %dma_wait3A_837 = arith.constant 0 : i32
      %dma_wait3A_838 = tpu.memref_slice %arg22[%add3A_422, %dma_wait3A_837] : memref<10112x128xf32, #tpu.memory_space<vmem_shared>> -> memref<48x128xf32, #tpu.memory_space<vmem_shared>>
      tpu.wait_dma2 semaphore(%run_scoped3A : memref<!tpu.dma_semaphore, #tpu.memory_space<semaphore_mem>>) src(%dma_wait3A_838 : memref<48x128xf32, #tpu.memory_space<vmem_shared>>) dst(%dma_wait3A_836 : memref<48x128xf32, #tpu.memory_space<vmem>>)
      tpu.yield
    }) : () -> ()
    %mul3A_423 = arith.constant 632 : i32
    %mul3A_424 = arith.muli %arg1, %mul3A_423 : i32
    %add3A_425 = arith.constant 48 : i32
    %add3A_426 = arith.addi %mul3A_424, %add3A_425 : i32
    %dma_wait3A_427 = arith.constant 0 : i32
    %dma_wait3A_428 = arith.constant 0 : i32
    %dma_wait3A_429 = tpu.memref_slice %arg16[%dma_wait3A_427, %dma_wait3A_428] : memref<48x128xf32, #tpu.memory_space<vmem>> -> memref<48x128xf32, #tpu.memory_space<vmem>>
    %dma_wait3A_430 = arith.constant 0 : i32
    %dma_wait3A_431 = tpu.memref_slice %arg7[%arg0, %add3A_426, %dma_wait3A_430] : memref<2x10112x128xf32, #tpu.memory_space<hbm>> -> memref<1x48x128xf32, #tpu.memory_space<hbm>>
    %dma_wait3A_432 = tpu.memref_squeeze %dma_wait3A_431 : memref<1x48x128xf32, #tpu.memory_space<hbm>> -> memref<48x128xf32, #tpu.memory_space<hbm>>
    %dma_wait3A_433 = arith.constant 0 : i32
    %dma_wait3A_434 = tpu.memref_slice %arg7[%arg0, %add3A_426, %dma_wait3A_433] : memref<2x10112x128xf32, #tpu.memory_space<hbm>> -> memref<1x48x128xf32, #tpu.memory_space<hbm>>
    %dma_wait3A_435 = tpu.memref_squeeze %dma_wait3A_434 : memref<1x48x128xf32, #tpu.memory_space<hbm>> -> memref<48x128xf32, #tpu.memory_space<hbm>>
    %dma_wait3A_436 = arith.constant 0 : i32
    %dma_wait3A_437 = arith.constant 0 : i32
    %dma_wait3A_438 = tpu.memref_slice %arg16[%dma_wait3A_436, %dma_wait3A_437] : memref<48x128xf32, #tpu.memory_space<vmem>> -> memref<48x128xf32, #tpu.memory_space<vmem>>
    tpu.wait_dma2 semaphore(%arg29 : memref<!tpu.dma_semaphore, #tpu.memory_space<semaphore_mem>>) src(%dma_wait3A_438 : memref<48x128xf32, #tpu.memory_space<vmem>>) dst(%dma_wait3A_435 : memref<48x128xf32, #tpu.memory_space<hbm>>)
    %dma_start3A_439 = arith.constant 0 : i32
    %dma_start3A_440 = arith.constant 0 : i32
    %dma_start3A_441 = tpu.memref_slice %arg12[%dma_start3A_439, %dma_start3A_440] : memref<48x128xf32, #tpu.memory_space<vmem>> -> memref<48x128xf32, #tpu.memory_space<vmem>>
    %dma_start3A_442 = arith.constant 0 : i32
    %dma_start3A_443 = tpu.memref_slice %arg7[%arg0, %add3A_422, %dma_start3A_442] : memref<2x10112x128xf32, #tpu.memory_space<hbm>> -> memref<1x48x128xf32, #tpu.memory_space<hbm>>
    %dma_start3A_444 = tpu.memref_squeeze %dma_start3A_443 : memref<1x48x128xf32, #tpu.memory_space<hbm>> -> memref<48x128xf32, #tpu.memory_space<hbm>>
    %dma_start3A_445 = arith.constant 0 : i32
    %dma_start3A_446 = tpu.memref_slice %arg7[%arg0, %add3A_422, %dma_start3A_445] : memref<2x10112x128xf32, #tpu.memory_space<hbm>> -> memref<1x48x128xf32, #tpu.memory_space<hbm>>
    %dma_start3A_447 = tpu.memref_squeeze %dma_start3A_446 : memref<1x48x128xf32, #tpu.memory_space<hbm>> -> memref<48x128xf32, #tpu.memory_space<hbm>>
    %dma_start3A_448 = arith.constant 0 : i32
    %dma_start3A_449 = arith.constant 0 : i32
    %dma_start3A_450 = tpu.memref_slice %arg12[%dma_start3A_448, %dma_start3A_449] : memref<48x128xf32, #tpu.memory_space<vmem>> -> memref<48x128xf32, #tpu.memory_space<vmem>>
    tpu.enqueue_dma source(%dma_start3A_450 : memref<48x128xf32, #tpu.memory_space<vmem>>) target(%dma_start3A_447 : memref<48x128xf32, #tpu.memory_space<hbm>>) target_semaphore(%arg29 : memref<!tpu.dma_semaphore, #tpu.memory_space<semaphore_mem>>)
    %mul3A_451 = arith.constant 632 : i32
    %mul3A_452 = arith.muli %arg1, %mul3A_451 : i32
    %add3A_453 = arith.constant 144 : i32
    %add3A_454 = arith.addi %mul3A_452, %add3A_453 : i32
    "tpu.region"() ({
      %run_scoped3A = tpu.sem_alloc : memref<!tpu.dma_semaphore, #tpu.memory_space<semaphore_mem>>
      %dma_start3A_819 = arith.constant 0 : i32
      %dma_start3A_820 = arith.constant 0 : i32
      %dma_start3A_821 = tpu.memref_slice %arg16[%dma_start3A_819, %dma_start3A_820] : memref<48x128xf32, #tpu.memory_space<vmem>> -> memref<48x128xf32, #tpu.memory_space<vmem>>
      %dma_start3A_822 = arith.constant 0 : i32
      %dma_start3A_823 = tpu.memref_slice %arg22[%add3A_454, %dma_start3A_822] : memref<10112x128xf32, #tpu.memory_space<vmem_shared>> -> memref<48x128xf32, #tpu.memory_space<vmem_shared>>
      %dma_start3A_824 = arith.constant 0 : i32
      %dma_start3A_825 = arith.constant 0 : i32
      %dma_start3A_826 = tpu.memref_slice %arg16[%dma_start3A_824, %dma_start3A_825] : memref<48x128xf32, #tpu.memory_space<vmem>> -> memref<48x128xf32, #tpu.memory_space<vmem>>
      %dma_start3A_827 = arith.constant 0 : i32
      %dma_start3A_828 = tpu.memref_slice %arg22[%add3A_454, %dma_start3A_827] : memref<10112x128xf32, #tpu.memory_space<vmem_shared>> -> memref<48x128xf32, #tpu.memory_space<vmem_shared>>
      tpu.enqueue_dma source(%dma_start3A_828 : memref<48x128xf32, #tpu.memory_space<vmem_shared>>) target(%dma_start3A_826 : memref<48x128xf32, #tpu.memory_space<vmem>>) target_semaphore(%run_scoped3A : memref<!tpu.dma_semaphore, #tpu.memory_space<semaphore_mem>>)
      %dma_wait3A_829 = arith.constant 0 : i32
      %dma_wait3A_830 = arith.constant 0 : i32
      %dma_wait3A_831 = tpu.memref_slice %arg16[%dma_wait3A_829, %dma_wait3A_830] : memref<48x128xf32, #tpu.memory_space<vmem>> -> memref<48x128xf32, #tpu.memory_space<vmem>>
      %dma_wait3A_832 = arith.constant 0 : i32
      %dma_wait3A_833 = tpu.memref_slice %arg22[%add3A_454, %dma_wait3A_832] : memref<10112x128xf32, #tpu.memory_space<vmem_shared>> -> memref<48x128xf32, #tpu.memory_space<vmem_shared>>
      %dma_wait3A_834 = arith.constant 0 : i32
      %dma_wait3A_835 = arith.constant 0 : i32
      %dma_wait3A_836 = tpu.memref_slice %arg16[%dma_wait3A_834, %dma_wait3A_835] : memref<48x128xf32, #tpu.memory_space<vmem>> -> memref<48x128xf32, #tpu.memory_space<vmem>>
      %dma_wait3A_837 = arith.constant 0 : i32
      %dma_wait3A_838 = tpu.memref_slice %arg22[%add3A_454, %dma_wait3A_837] : memref<10112x128xf32, #tpu.memory_space<vmem_shared>> -> memref<48x128xf32, #tpu.memory_space<vmem_shared>>
      tpu.wait_dma2 semaphore(%run_scoped3A : memref<!tpu.dma_semaphore, #tpu.memory_space<semaphore_mem>>) src(%dma_wait3A_838 : memref<48x128xf32, #tpu.memory_space<vmem_shared>>) dst(%dma_wait3A_836 : memref<48x128xf32, #tpu.memory_space<vmem>>)
      tpu.yield
    }) : () -> ()
    %mul3A_455 = arith.constant 632 : i32
    %mul3A_456 = arith.muli %arg1, %mul3A_455 : i32
    %add3A_457 = arith.constant 96 : i32
    %add3A_458 = arith.addi %mul3A_456, %add3A_457 : i32
    %dma_wait3A_459 = arith.constant 0 : i32
    %dma_wait3A_460 = arith.constant 0 : i32
    %dma_wait3A_461 = tpu.memref_slice %arg12[%dma_wait3A_459, %dma_wait3A_460] : memref<48x128xf32, #tpu.memory_space<vmem>> -> memref<48x128xf32, #tpu.memory_space<vmem>>
    %dma_wait3A_462 = arith.constant 0 : i32
    %dma_wait3A_463 = tpu.memref_slice %arg7[%arg0, %add3A_458, %dma_wait3A_462] : memref<2x10112x128xf32, #tpu.memory_space<hbm>> -> memref<1x48x128xf32, #tpu.memory_space<hbm>>
    %dma_wait3A_464 = tpu.memref_squeeze %dma_wait3A_463 : memref<1x48x128xf32, #tpu.memory_space<hbm>> -> memref<48x128xf32, #tpu.memory_space<hbm>>
    %dma_wait3A_465 = arith.constant 0 : i32
    %dma_wait3A_466 = tpu.memref_slice %arg7[%arg0, %add3A_458, %dma_wait3A_465] : memref<2x10112x128xf32, #tpu.memory_space<hbm>> -> memref<1x48x128xf32, #tpu.memory_space<hbm>>
    %dma_wait3A_467 = tpu.memref_squeeze %dma_wait3A_466 : memref<1x48x128xf32, #tpu.memory_space<hbm>> -> memref<48x128xf32, #tpu.memory_space<hbm>>
    %dma_wait3A_468 = arith.constant 0 : i32
    %dma_wait3A_469 = arith.constant 0 : i32
    %dma_wait3A_470 = tpu.memref_slice %arg12[%dma_wait3A_468, %dma_wait3A_469] : memref<48x128xf32, #tpu.memory_space<vmem>> -> memref<48x128xf32, #tpu.memory_space<vmem>>
    tpu.wait_dma2 semaphore(%arg29 : memref<!tpu.dma_semaphore, #tpu.memory_space<semaphore_mem>>) src(%dma_wait3A_470 : memref<48x128xf32, #tpu.memory_space<vmem>>) dst(%dma_wait3A_467 : memref<48x128xf32, #tpu.memory_space<hbm>>)
    %dma_start3A_471 = arith.constant 0 : i32
    %dma_start3A_472 = arith.constant 0 : i32
    %dma_start3A_473 = tpu.memref_slice %arg16[%dma_start3A_471, %dma_start3A_472] : memref<48x128xf32, #tpu.memory_space<vmem>> -> memref<48x128xf32, #tpu.memory_space<vmem>>
    %dma_start3A_474 = arith.constant 0 : i32
    %dma_start3A_475 = tpu.memref_slice %arg7[%arg0, %add3A_454, %dma_start3A_474] : memref<2x10112x128xf32, #tpu.memory_space<hbm>> -> memref<1x48x128xf32, #tpu.memory_space<hbm>>
    %dma_start3A_476 = tpu.memref_squeeze %dma_start3A_475 : memref<1x48x128xf32, #tpu.memory_space<hbm>> -> memref<48x128xf32, #tpu.memory_space<hbm>>
    %dma_start3A_477 = arith.constant 0 : i32
    %dma_start3A_478 = tpu.memref_slice %arg7[%arg0, %add3A_454, %dma_start3A_477] : memref<2x10112x128xf32, #tpu.memory_space<hbm>> -> memref<1x48x128xf32, #tpu.memory_space<hbm>>
    %dma_start3A_479 = tpu.memref_squeeze %dma_start3A_478 : memref<1x48x128xf32, #tpu.memory_space<hbm>> -> memref<48x128xf32, #tpu.memory_space<hbm>>
    %dma_start3A_480 = arith.constant 0 : i32
    %dma_start3A_481 = arith.constant 0 : i32
    %dma_start3A_482 = tpu.memref_slice %arg16[%dma_start3A_480, %dma_start3A_481] : memref<48x128xf32, #tpu.memory_space<vmem>> -> memref<48x128xf32, #tpu.memory_space<vmem>>
    tpu.enqueue_dma source(%dma_start3A_482 : memref<48x128xf32, #tpu.memory_space<vmem>>) target(%dma_start3A_479 : memref<48x128xf32, #tpu.memory_space<hbm>>) target_semaphore(%arg29 : memref<!tpu.dma_semaphore, #tpu.memory_space<semaphore_mem>>)
    %mul3A_483 = arith.constant 632 : i32
    %mul3A_484 = arith.muli %arg1, %mul3A_483 : i32
    %add3A_485 = arith.constant 192 : i32
    %add3A_486 = arith.addi %mul3A_484, %add3A_485 : i32
    "tpu.region"() ({
      %run_scoped3A = tpu.sem_alloc : memref<!tpu.dma_semaphore, #tpu.memory_space<semaphore_mem>>
      %dma_start3A_819 = arith.constant 0 : i32
      %dma_start3A_820 = arith.constant 0 : i32
      %dma_start3A_821 = tpu.memref_slice %arg12[%dma_start3A_819, %dma_start3A_820] : memref<48x128xf32, #tpu.memory_space<vmem>> -> memref<48x128xf32, #tpu.memory_space<vmem>>
      %dma_start3A_822 = arith.constant 0 : i32
      %dma_start3A_823 = tpu.memref_slice %arg22[%add3A_486, %dma_start3A_822] : memref<10112x128xf32, #tpu.memory_space<vmem_shared>> -> memref<48x128xf32, #tpu.memory_space<vmem_shared>>
      %dma_start3A_824 = arith.constant 0 : i32
      %dma_start3A_825 = arith.constant 0 : i32
      %dma_start3A_826 = tpu.memref_slice %arg12[%dma_start3A_824, %dma_start3A_825] : memref<48x128xf32, #tpu.memory_space<vmem>> -> memref<48x128xf32, #tpu.memory_space<vmem>>
      %dma_start3A_827 = arith.constant 0 : i32
      %dma_start3A_828 = tpu.memref_slice %arg22[%add3A_486, %dma_start3A_827] : memref<10112x128xf32, #tpu.memory_space<vmem_shared>> -> memref<48x128xf32, #tpu.memory_space<vmem_shared>>
      tpu.enqueue_dma source(%dma_start3A_828 : memref<48x128xf32, #tpu.memory_space<vmem_shared>>) target(%dma_start3A_826 : memref<48x128xf32, #tpu.memory_space<vmem>>) target_semaphore(%run_scoped3A : memref<!tpu.dma_semaphore, #tpu.memory_space<semaphore_mem>>)
      %dma_wait3A_829 = arith.constant 0 : i32
      %dma_wait3A_830 = arith.constant 0 : i32
      %dma_wait3A_831 = tpu.memref_slice %arg12[%dma_wait3A_829, %dma_wait3A_830] : memref<48x128xf32, #tpu.memory_space<vmem>> -> memref<48x128xf32, #tpu.memory_space<vmem>>
      %dma_wait3A_832 = arith.constant 0 : i32
      %dma_wait3A_833 = tpu.memref_slice %arg22[%add3A_486, %dma_wait3A_832] : memref<10112x128xf32, #tpu.memory_space<vmem_shared>> -> memref<48x128xf32, #tpu.memory_space<vmem_shared>>
      %dma_wait3A_834 = arith.constant 0 : i32
      %dma_wait3A_835 = arith.constant 0 : i32
      %dma_wait3A_836 = tpu.memref_slice %arg12[%dma_wait3A_834, %dma_wait3A_835] : memref<48x128xf32, #tpu.memory_space<vmem>> -> memref<48x128xf32, #tpu.memory_space<vmem>>
      %dma_wait3A_837 = arith.constant 0 : i32
      %dma_wait3A_838 = tpu.memref_slice %arg22[%add3A_486, %dma_wait3A_837] : memref<10112x128xf32, #tpu.memory_space<vmem_shared>> -> memref<48x128xf32, #tpu.memory_space<vmem_shared>>
      tpu.wait_dma2 semaphore(%run_scoped3A : memref<!tpu.dma_semaphore, #tpu.memory_space<semaphore_mem>>) src(%dma_wait3A_838 : memref<48x128xf32, #tpu.memory_space<vmem_shared>>) dst(%dma_wait3A_836 : memref<48x128xf32, #tpu.memory_space<vmem>>)
      tpu.yield
    }) : () -> ()
    %mul3A_487 = arith.constant 632 : i32
    %mul3A_488 = arith.muli %arg1, %mul3A_487 : i32
    %add3A_489 = arith.constant 144 : i32
    %add3A_490 = arith.addi %mul3A_488, %add3A_489 : i32
    %dma_wait3A_491 = arith.constant 0 : i32
    %dma_wait3A_492 = arith.constant 0 : i32
    %dma_wait3A_493 = tpu.memref_slice %arg16[%dma_wait3A_491, %dma_wait3A_492] : memref<48x128xf32, #tpu.memory_space<vmem>> -> memref<48x128xf32, #tpu.memory_space<vmem>>
    %dma_wait3A_494 = arith.constant 0 : i32
    %dma_wait3A_495 = tpu.memref_slice %arg7[%arg0, %add3A_490, %dma_wait3A_494] : memref<2x10112x128xf32, #tpu.memory_space<hbm>> -> memref<1x48x128xf32, #tpu.memory_space<hbm>>
    %dma_wait3A_496 = tpu.memref_squeeze %dma_wait3A_495 : memref<1x48x128xf32, #tpu.memory_space<hbm>> -> memref<48x128xf32, #tpu.memory_space<hbm>>
    %dma_wait3A_497 = arith.constant 0 : i32
    %dma_wait3A_498 = tpu.memref_slice %arg7[%arg0, %add3A_490, %dma_wait3A_497] : memref<2x10112x128xf32, #tpu.memory_space<hbm>> -> memref<1x48x128xf32, #tpu.memory_space<hbm>>
    %dma_wait3A_499 = tpu.memref_squeeze %dma_wait3A_498 : memref<1x48x128xf32, #tpu.memory_space<hbm>> -> memref<48x128xf32, #tpu.memory_space<hbm>>
    %dma_wait3A_500 = arith.constant 0 : i32
    %dma_wait3A_501 = arith.constant 0 : i32
    %dma_wait3A_502 = tpu.memref_slice %arg16[%dma_wait3A_500, %dma_wait3A_501] : memref<48x128xf32, #tpu.memory_space<vmem>> -> memref<48x128xf32, #tpu.memory_space<vmem>>
    tpu.wait_dma2 semaphore(%arg29 : memref<!tpu.dma_semaphore, #tpu.memory_space<semaphore_mem>>) src(%dma_wait3A_502 : memref<48x128xf32, #tpu.memory_space<vmem>>) dst(%dma_wait3A_499 : memref<48x128xf32, #tpu.memory_space<hbm>>)
    %dma_start3A_503 = arith.constant 0 : i32
    %dma_start3A_504 = arith.constant 0 : i32
    %dma_start3A_505 = tpu.memref_slice %arg12[%dma_start3A_503, %dma_start3A_504] : memref<48x128xf32, #tpu.memory_space<vmem>> -> memref<48x128xf32, #tpu.memory_space<vmem>>
    %dma_start3A_506 = arith.constant 0 : i32
    %dma_start3A_507 = tpu.memref_slice %arg7[%arg0, %add3A_486, %dma_start3A_506] : memref<2x10112x128xf32, #tpu.memory_space<hbm>> -> memref<1x48x128xf32, #tpu.memory_space<hbm>>
    %dma_start3A_508 = tpu.memref_squeeze %dma_start3A_507 : memref<1x48x128xf32, #tpu.memory_space<hbm>> -> memref<48x128xf32, #tpu.memory_space<hbm>>
    %dma_start3A_509 = arith.constant 0 : i32
    %dma_start3A_510 = tpu.memref_slice %arg7[%arg0, %add3A_486, %dma_start3A_509] : memref<2x10112x128xf32, #tpu.memory_space<hbm>> -> memref<1x48x128xf32, #tpu.memory_space<hbm>>
    %dma_start3A_511 = tpu.memref_squeeze %dma_start3A_510 : memref<1x48x128xf32, #tpu.memory_space<hbm>> -> memref<48x128xf32, #tpu.memory_space<hbm>>
    %dma_start3A_512 = arith.constant 0 : i32
    %dma_start3A_513 = arith.constant 0 : i32
    %dma_start3A_514 = tpu.memref_slice %arg12[%dma_start3A_512, %dma_start3A_513] : memref<48x128xf32, #tpu.memory_space<vmem>> -> memref<48x128xf32, #tpu.memory_space<vmem>>
    tpu.enqueue_dma source(%dma_start3A_514 : memref<48x128xf32, #tpu.memory_space<vmem>>) target(%dma_start3A_511 : memref<48x128xf32, #tpu.memory_space<hbm>>) target_semaphore(%arg29 : memref<!tpu.dma_semaphore, #tpu.memory_space<semaphore_mem>>)
    %mul3A_515 = arith.constant 632 : i32
    %mul3A_516 = arith.muli %arg1, %mul3A_515 : i32
    %add3A_517 = arith.constant 240 : i32
    %add3A_518 = arith.addi %mul3A_516, %add3A_517 : i32
    "tpu.region"() ({
      %run_scoped3A = tpu.sem_alloc : memref<!tpu.dma_semaphore, #tpu.memory_space<semaphore_mem>>
      %dma_start3A_819 = arith.constant 0 : i32
      %dma_start3A_820 = arith.constant 0 : i32
      %dma_start3A_821 = tpu.memref_slice %arg16[%dma_start3A_819, %dma_start3A_820] : memref<48x128xf32, #tpu.memory_space<vmem>> -> memref<48x128xf32, #tpu.memory_space<vmem>>
      %dma_start3A_822 = arith.constant 0 : i32
      %dma_start3A_823 = tpu.memref_slice %arg22[%add3A_518, %dma_start3A_822] : memref<10112x128xf32, #tpu.memory_space<vmem_shared>> -> memref<48x128xf32, #tpu.memory_space<vmem_shared>>
      %dma_start3A_824 = arith.constant 0 : i32
      %dma_start3A_825 = arith.constant 0 : i32
      %dma_start3A_826 = tpu.memref_slice %arg16[%dma_start3A_824, %dma_start3A_825] : memref<48x128xf32, #tpu.memory_space<vmem>> -> memref<48x128xf32, #tpu.memory_space<vmem>>
      %dma_start3A_827 = arith.constant 0 : i32
      %dma_start3A_828 = tpu.memref_slice %arg22[%add3A_518, %dma_start3A_827] : memref<10112x128xf32, #tpu.memory_space<vmem_shared>> -> memref<48x128xf32, #tpu.memory_space<vmem_shared>>
      tpu.enqueue_dma source(%dma_start3A_828 : memref<48x128xf32, #tpu.memory_space<vmem_shared>>) target(%dma_start3A_826 : memref<48x128xf32, #tpu.memory_space<vmem>>) target_semaphore(%run_scoped3A : memref<!tpu.dma_semaphore, #tpu.memory_space<semaphore_mem>>)
      %dma_wait3A_829 = arith.constant 0 : i32
      %dma_wait3A_830 = arith.constant 0 : i32
      %dma_wait3A_831 = tpu.memref_slice %arg16[%dma_wait3A_829, %dma_wait3A_830] : memref<48x128xf32, #tpu.memory_space<vmem>> -> memref<48x128xf32, #tpu.memory_space<vmem>>
      %dma_wait3A_832 = arith.constant 0 : i32
      %dma_wait3A_833 = tpu.memref_slice %arg22[%add3A_518, %dma_wait3A_832] : memref<10112x128xf32, #tpu.memory_space<vmem_shared>> -> memref<48x128xf32, #tpu.memory_space<vmem_shared>>
      %dma_wait3A_834 = arith.constant 0 : i32
      %dma_wait3A_835 = arith.constant 0 : i32
      %dma_wait3A_836 = tpu.memref_slice %arg16[%dma_wait3A_834, %dma_wait3A_835] : memref<48x128xf32, #tpu.memory_space<vmem>> -> memref<48x128xf32, #tpu.memory_space<vmem>>
      %dma_wait3A_837 = arith.constant 0 : i32
      %dma_wait3A_838 = tpu.memref_slice %arg22[%add3A_518, %dma_wait3A_837] : memref<10112x128xf32, #tpu.memory_space<vmem_shared>> -> memref<48x128xf32, #tpu.memory_space<vmem_shared>>
      tpu.wait_dma2 semaphore(%run_scoped3A : memref<!tpu.dma_semaphore, #tpu.memory_space<semaphore_mem>>) src(%dma_wait3A_838 : memref<48x128xf32, #tpu.memory_space<vmem_shared>>) dst(%dma_wait3A_836 : memref<48x128xf32, #tpu.memory_space<vmem>>)
      tpu.yield
    }) : () -> ()
    %mul3A_519 = arith.constant 632 : i32
    %mul3A_520 = arith.muli %arg1, %mul3A_519 : i32
    %add3A_521 = arith.constant 192 : i32
    %add3A_522 = arith.addi %mul3A_520, %add3A_521 : i32
    %dma_wait3A_523 = arith.constant 0 : i32
    %dma_wait3A_524 = arith.constant 0 : i32
    %dma_wait3A_525 = tpu.memref_slice %arg12[%dma_wait3A_523, %dma_wait3A_524] : memref<48x128xf32, #tpu.memory_space<vmem>> -> memref<48x128xf32, #tpu.memory_space<vmem>>
    %dma_wait3A_526 = arith.constant 0 : i32
    %dma_wait3A_527 = tpu.memref_slice %arg7[%arg0, %add3A_522, %dma_wait3A_526] : memref<2x10112x128xf32, #tpu.memory_space<hbm>> -> memref<1x48x128xf32, #tpu.memory_space<hbm>>
    %dma_wait3A_528 = tpu.memref_squeeze %dma_wait3A_527 : memref<1x48x128xf32, #tpu.memory_space<hbm>> -> memref<48x128xf32, #tpu.memory_space<hbm>>
    %dma_wait3A_529 = arith.constant 0 : i32
    %dma_wait3A_530 = tpu.memref_slice %arg7[%arg0, %add3A_522, %dma_wait3A_529] : memref<2x10112x128xf32, #tpu.memory_space<hbm>> -> memref<1x48x128xf32, #tpu.memory_space<hbm>>
    %dma_wait3A_531 = tpu.memref_squeeze %dma_wait3A_530 : memref<1x48x128xf32, #tpu.memory_space<hbm>> -> memref<48x128xf32, #tpu.memory_space<hbm>>
    %dma_wait3A_532 = arith.constant 0 : i32
    %dma_wait3A_533 = arith.constant 0 : i32
    %dma_wait3A_534 = tpu.memref_slice %arg12[%dma_wait3A_532, %dma_wait3A_533] : memref<48x128xf32, #tpu.memory_space<vmem>> -> memref<48x128xf32, #tpu.memory_space<vmem>>
    tpu.wait_dma2 semaphore(%arg29 : memref<!tpu.dma_semaphore, #tpu.memory_space<semaphore_mem>>) src(%dma_wait3A_534 : memref<48x128xf32, #tpu.memory_space<vmem>>) dst(%dma_wait3A_531 : memref<48x128xf32, #tpu.memory_space<hbm>>)
    %dma_start3A_535 = arith.constant 0 : i32
    %dma_start3A_536 = arith.constant 0 : i32
    %dma_start3A_537 = tpu.memref_slice %arg16[%dma_start3A_535, %dma_start3A_536] : memref<48x128xf32, #tpu.memory_space<vmem>> -> memref<48x128xf32, #tpu.memory_space<vmem>>
    %dma_start3A_538 = arith.constant 0 : i32
    %dma_start3A_539 = tpu.memref_slice %arg7[%arg0, %add3A_518, %dma_start3A_538] : memref<2x10112x128xf32, #tpu.memory_space<hbm>> -> memref<1x48x128xf32, #tpu.memory_space<hbm>>
    %dma_start3A_540 = tpu.memref_squeeze %dma_start3A_539 : memref<1x48x128xf32, #tpu.memory_space<hbm>> -> memref<48x128xf32, #tpu.memory_space<hbm>>
    %dma_start3A_541 = arith.constant 0 : i32
    %dma_start3A_542 = tpu.memref_slice %arg7[%arg0, %add3A_518, %dma_start3A_541] : memref<2x10112x128xf32, #tpu.memory_space<hbm>> -> memref<1x48x128xf32, #tpu.memory_space<hbm>>
    %dma_start3A_543 = tpu.memref_squeeze %dma_start3A_542 : memref<1x48x128xf32, #tpu.memory_space<hbm>> -> memref<48x128xf32, #tpu.memory_space<hbm>>
    %dma_start3A_544 = arith.constant 0 : i32
    %dma_start3A_545 = arith.constant 0 : i32
    %dma_start3A_546 = tpu.memref_slice %arg16[%dma_start3A_544, %dma_start3A_545] : memref<48x128xf32, #tpu.memory_space<vmem>> -> memref<48x128xf32, #tpu.memory_space<vmem>>
    tpu.enqueue_dma source(%dma_start3A_546 : memref<48x128xf32, #tpu.memory_space<vmem>>) target(%dma_start3A_543 : memref<48x128xf32, #tpu.memory_space<hbm>>) target_semaphore(%arg29 : memref<!tpu.dma_semaphore, #tpu.memory_space<semaphore_mem>>)
    %mul3A_547 = arith.constant 632 : i32
    %mul3A_548 = arith.muli %arg1, %mul3A_547 : i32
    %add3A_549 = arith.constant 288 : i32
    %add3A_550 = arith.addi %mul3A_548, %add3A_549 : i32
    "tpu.region"() ({
      %run_scoped3A = tpu.sem_alloc : memref<!tpu.dma_semaphore, #tpu.memory_space<semaphore_mem>>
      %dma_start3A_819 = arith.constant 0 : i32
      %dma_start3A_820 = arith.constant 0 : i32
      %dma_start3A_821 = tpu.memref_slice %arg12[%dma_start3A_819, %dma_start3A_820] : memref<48x128xf32, #tpu.memory_space<vmem>> -> memref<48x128xf32, #tpu.memory_space<vmem>>
      %dma_start3A_822 = arith.constant 0 : i32
      %dma_start3A_823 = tpu.memref_slice %arg22[%add3A_550, %dma_start3A_822] : memref<10112x128xf32, #tpu.memory_space<vmem_shared>> -> memref<48x128xf32, #tpu.memory_space<vmem_shared>>
      %dma_start3A_824 = arith.constant 0 : i32
      %dma_start3A_825 = arith.constant 0 : i32
      %dma_start3A_826 = tpu.memref_slice %arg12[%dma_start3A_824, %dma_start3A_825] : memref<48x128xf32, #tpu.memory_space<vmem>> -> memref<48x128xf32, #tpu.memory_space<vmem>>
      %dma_start3A_827 = arith.constant 0 : i32
      %dma_start3A_828 = tpu.memref_slice %arg22[%add3A_550, %dma_start3A_827] : memref<10112x128xf32, #tpu.memory_space<vmem_shared>> -> memref<48x128xf32, #tpu.memory_space<vmem_shared>>
      tpu.enqueue_dma source(%dma_start3A_828 : memref<48x128xf32, #tpu.memory_space<vmem_shared>>) target(%dma_start3A_826 : memref<48x128xf32, #tpu.memory_space<vmem>>) target_semaphore(%run_scoped3A : memref<!tpu.dma_semaphore, #tpu.memory_space<semaphore_mem>>)
      %dma_wait3A_829 = arith.constant 0 : i32
      %dma_wait3A_830 = arith.constant 0 : i32
      %dma_wait3A_831 = tpu.memref_slice %arg12[%dma_wait3A_829, %dma_wait3A_830] : memref<48x128xf32, #tpu.memory_space<vmem>> -> memref<48x128xf32, #tpu.memory_space<vmem>>
      %dma_wait3A_832 = arith.constant 0 : i32
      %dma_wait3A_833 = tpu.memref_slice %arg22[%add3A_550, %dma_wait3A_832] : memref<10112x128xf32, #tpu.memory_space<vmem_shared>> -> memref<48x128xf32, #tpu.memory_space<vmem_shared>>
      %dma_wait3A_834 = arith.constant 0 : i32
      %dma_wait3A_835 = arith.constant 0 : i32
      %dma_wait3A_836 = tpu.memref_slice %arg12[%dma_wait3A_834, %dma_wait3A_835] : memref<48x128xf32, #tpu.memory_space<vmem>> -> memref<48x128xf32, #tpu.memory_space<vmem>>
      %dma_wait3A_837 = arith.constant 0 : i32
      %dma_wait3A_838 = tpu.memref_slice %arg22[%add3A_550, %dma_wait3A_837] : memref<10112x128xf32, #tpu.memory_space<vmem_shared>> -> memref<48x128xf32, #tpu.memory_space<vmem_shared>>
      tpu.wait_dma2 semaphore(%run_scoped3A : memref<!tpu.dma_semaphore, #tpu.memory_space<semaphore_mem>>) src(%dma_wait3A_838 : memref<48x128xf32, #tpu.memory_space<vmem_shared>>) dst(%dma_wait3A_836 : memref<48x128xf32, #tpu.memory_space<vmem>>)
      tpu.yield
    }) : () -> ()
    %mul3A_551 = arith.constant 632 : i32
    %mul3A_552 = arith.muli %arg1, %mul3A_551 : i32
    %add3A_553 = arith.constant 240 : i32
    %add3A_554 = arith.addi %mul3A_552, %add3A_553 : i32
    %dma_wait3A_555 = arith.constant 0 : i32
    %dma_wait3A_556 = arith.constant 0 : i32
    %dma_wait3A_557 = tpu.memref_slice %arg16[%dma_wait3A_555, %dma_wait3A_556] : memref<48x128xf32, #tpu.memory_space<vmem>> -> memref<48x128xf32, #tpu.memory_space<vmem>>
    %dma_wait3A_558 = arith.constant 0 : i32
    %dma_wait3A_559 = tpu.memref_slice %arg7[%arg0, %add3A_554, %dma_wait3A_558] : memref<2x10112x128xf32, #tpu.memory_space<hbm>> -> memref<1x48x128xf32, #tpu.memory_space<hbm>>
    %dma_wait3A_560 = tpu.memref_squeeze %dma_wait3A_559 : memref<1x48x128xf32, #tpu.memory_space<hbm>> -> memref<48x128xf32, #tpu.memory_space<hbm>>
    %dma_wait3A_561 = arith.constant 0 : i32
    %dma_wait3A_562 = tpu.memref_slice %arg7[%arg0, %add3A_554, %dma_wait3A_561] : memref<2x10112x128xf32, #tpu.memory_space<hbm>> -> memref<1x48x128xf32, #tpu.memory_space<hbm>>
    %dma_wait3A_563 = tpu.memref_squeeze %dma_wait3A_562 : memref<1x48x128xf32, #tpu.memory_space<hbm>> -> memref<48x128xf32, #tpu.memory_space<hbm>>
    %dma_wait3A_564 = arith.constant 0 : i32
    %dma_wait3A_565 = arith.constant 0 : i32
    %dma_wait3A_566 = tpu.memref_slice %arg16[%dma_wait3A_564, %dma_wait3A_565] : memref<48x128xf32, #tpu.memory_space<vmem>> -> memref<48x128xf32, #tpu.memory_space<vmem>>
    tpu.wait_dma2 semaphore(%arg29 : memref<!tpu.dma_semaphore, #tpu.memory_space<semaphore_mem>>) src(%dma_wait3A_566 : memref<48x128xf32, #tpu.memory_space<vmem>>) dst(%dma_wait3A_563 : memref<48x128xf32, #tpu.memory_space<hbm>>)
    %dma_start3A_567 = arith.constant 0 : i32
    %dma_start3A_568 = arith.constant 0 : i32
    %dma_start3A_569 = tpu.memref_slice %arg12[%dma_start3A_567, %dma_start3A_568] : memref<48x128xf32, #tpu.memory_space<vmem>> -> memref<48x128xf32, #tpu.memory_space<vmem>>
    %dma_start3A_570 = arith.constant 0 : i32
    %dma_start3A_571 = tpu.memref_slice %arg7[%arg0, %add3A_550, %dma_start3A_570] : memref<2x10112x128xf32, #tpu.memory_space<hbm>> -> memref<1x48x128xf32, #tpu.memory_space<hbm>>
    %dma_start3A_572 = tpu.memref_squeeze %dma_start3A_571 : memref<1x48x128xf32, #tpu.memory_space<hbm>> -> memref<48x128xf32, #tpu.memory_space<hbm>>
    %dma_start3A_573 = arith.constant 0 : i32
    %dma_start3A_574 = tpu.memref_slice %arg7[%arg0, %add3A_550, %dma_start3A_573] : memref<2x10112x128xf32, #tpu.memory_space<hbm>> -> memref<1x48x128xf32, #tpu.memory_space<hbm>>
    %dma_start3A_575 = tpu.memref_squeeze %dma_start3A_574 : memref<1x48x128xf32, #tpu.memory_space<hbm>> -> memref<48x128xf32, #tpu.memory_space<hbm>>
    %dma_start3A_576 = arith.constant 0 : i32
    %dma_start3A_577 = arith.constant 0 : i32
    %dma_start3A_578 = tpu.memref_slice %arg12[%dma_start3A_576, %dma_start3A_577] : memref<48x128xf32, #tpu.memory_space<vmem>> -> memref<48x128xf32, #tpu.memory_space<vmem>>
    tpu.enqueue_dma source(%dma_start3A_578 : memref<48x128xf32, #tpu.memory_space<vmem>>) target(%dma_start3A_575 : memref<48x128xf32, #tpu.memory_space<hbm>>) target_semaphore(%arg29 : memref<!tpu.dma_semaphore, #tpu.memory_space<semaphore_mem>>)
    %mul3A_579 = arith.constant 632 : i32
    %mul3A_580 = arith.muli %arg1, %mul3A_579 : i32
    %add3A_581 = arith.constant 336 : i32
    %add3A_582 = arith.addi %mul3A_580, %add3A_581 : i32
    "tpu.region"() ({
      %run_scoped3A = tpu.sem_alloc : memref<!tpu.dma_semaphore, #tpu.memory_space<semaphore_mem>>
      %dma_start3A_819 = arith.constant 0 : i32
      %dma_start3A_820 = arith.constant 0 : i32
      %dma_start3A_821 = tpu.memref_slice %arg16[%dma_start3A_819, %dma_start3A_820] : memref<48x128xf32, #tpu.memory_space<vmem>> -> memref<48x128xf32, #tpu.memory_space<vmem>>
      %dma_start3A_822 = arith.constant 0 : i32
      %dma_start3A_823 = tpu.memref_slice %arg22[%add3A_582, %dma_start3A_822] : memref<10112x128xf32, #tpu.memory_space<vmem_shared>> -> memref<48x128xf32, #tpu.memory_space<vmem_shared>>
      %dma_start3A_824 = arith.constant 0 : i32
      %dma_start3A_825 = arith.constant 0 : i32
      %dma_start3A_826 = tpu.memref_slice %arg16[%dma_start3A_824, %dma_start3A_825] : memref<48x128xf32, #tpu.memory_space<vmem>> -> memref<48x128xf32, #tpu.memory_space<vmem>>
      %dma_start3A_827 = arith.constant 0 : i32
      %dma_start3A_828 = tpu.memref_slice %arg22[%add3A_582, %dma_start3A_827] : memref<10112x128xf32, #tpu.memory_space<vmem_shared>> -> memref<48x128xf32, #tpu.memory_space<vmem_shared>>
      tpu.enqueue_dma source(%dma_start3A_828 : memref<48x128xf32, #tpu.memory_space<vmem_shared>>) target(%dma_start3A_826 : memref<48x128xf32, #tpu.memory_space<vmem>>) target_semaphore(%run_scoped3A : memref<!tpu.dma_semaphore, #tpu.memory_space<semaphore_mem>>)
      %dma_wait3A_829 = arith.constant 0 : i32
      %dma_wait3A_830 = arith.constant 0 : i32
      %dma_wait3A_831 = tpu.memref_slice %arg16[%dma_wait3A_829, %dma_wait3A_830] : memref<48x128xf32, #tpu.memory_space<vmem>> -> memref<48x128xf32, #tpu.memory_space<vmem>>
      %dma_wait3A_832 = arith.constant 0 : i32
      %dma_wait3A_833 = tpu.memref_slice %arg22[%add3A_582, %dma_wait3A_832] : memref<10112x128xf32, #tpu.memory_space<vmem_shared>> -> memref<48x128xf32, #tpu.memory_space<vmem_shared>>
      %dma_wait3A_834 = arith.constant 0 : i32
      %dma_wait3A_835 = arith.constant 0 : i32
      %dma_wait3A_836 = tpu.memref_slice %arg16[%dma_wait3A_834, %dma_wait3A_835] : memref<48x128xf32, #tpu.memory_space<vmem>> -> memref<48x128xf32, #tpu.memory_space<vmem>>
      %dma_wait3A_837 = arith.constant 0 : i32
      %dma_wait3A_838 = tpu.memref_slice %arg22[%add3A_582, %dma_wait3A_837] : memref<10112x128xf32, #tpu.memory_space<vmem_shared>> -> memref<48x128xf32, #tpu.memory_space<vmem_shared>>
      tpu.wait_dma2 semaphore(%run_scoped3A : memref<!tpu.dma_semaphore, #tpu.memory_space<semaphore_mem>>) src(%dma_wait3A_838 : memref<48x128xf32, #tpu.memory_space<vmem_shared>>) dst(%dma_wait3A_836 : memref<48x128xf32, #tpu.memory_space<vmem>>)
      tpu.yield
    }) : () -> ()
    %mul3A_583 = arith.constant 632 : i32
    %mul3A_584 = arith.muli %arg1, %mul3A_583 : i32
    %add3A_585 = arith.constant 288 : i32
    %add3A_586 = arith.addi %mul3A_584, %add3A_585 : i32
    %dma_wait3A_587 = arith.constant 0 : i32
    %dma_wait3A_588 = arith.constant 0 : i32
    %dma_wait3A_589 = tpu.memref_slice %arg12[%dma_wait3A_587, %dma_wait3A_588] : memref<48x128xf32, #tpu.memory_space<vmem>> -> memref<48x128xf32, #tpu.memory_space<vmem>>
    %dma_wait3A_590 = arith.constant 0 : i32
    %dma_wait3A_591 = tpu.memref_slice %arg7[%arg0, %add3A_586, %dma_wait3A_590] : memref<2x10112x128xf32, #tpu.memory_space<hbm>> -> memref<1x48x128xf32, #tpu.memory_space<hbm>>
    %dma_wait3A_592 = tpu.memref_squeeze %dma_wait3A_591 : memref<1x48x128xf32, #tpu.memory_space<hbm>> -> memref<48x128xf32, #tpu.memory_space<hbm>>
    %dma_wait3A_593 = arith.constant 0 : i32
    %dma_wait3A_594 = tpu.memref_slice %arg7[%arg0, %add3A_586, %dma_wait3A_593] : memref<2x10112x128xf32, #tpu.memory_space<hbm>> -> memref<1x48x128xf32, #tpu.memory_space<hbm>>
    %dma_wait3A_595 = tpu.memref_squeeze %dma_wait3A_594 : memref<1x48x128xf32, #tpu.memory_space<hbm>> -> memref<48x128xf32, #tpu.memory_space<hbm>>
    %dma_wait3A_596 = arith.constant 0 : i32
    %dma_wait3A_597 = arith.constant 0 : i32
    %dma_wait3A_598 = tpu.memref_slice %arg12[%dma_wait3A_596, %dma_wait3A_597] : memref<48x128xf32, #tpu.memory_space<vmem>> -> memref<48x128xf32, #tpu.memory_space<vmem>>
    tpu.wait_dma2 semaphore(%arg29 : memref<!tpu.dma_semaphore, #tpu.memory_space<semaphore_mem>>) src(%dma_wait3A_598 : memref<48x128xf32, #tpu.memory_space<vmem>>) dst(%dma_wait3A_595 : memref<48x128xf32, #tpu.memory_space<hbm>>)
    %dma_start3A_599 = arith.constant 0 : i32
    %dma_start3A_600 = arith.constant 0 : i32
    %dma_start3A_601 = tpu.memref_slice %arg16[%dma_start3A_599, %dma_start3A_600] : memref<48x128xf32, #tpu.memory_space<vmem>> -> memref<48x128xf32, #tpu.memory_space<vmem>>
    %dma_start3A_602 = arith.constant 0 : i32
    %dma_start3A_603 = tpu.memref_slice %arg7[%arg0, %add3A_582, %dma_start3A_602] : memref<2x10112x128xf32, #tpu.memory_space<hbm>> -> memref<1x48x128xf32, #tpu.memory_space<hbm>>
    %dma_start3A_604 = tpu.memref_squeeze %dma_start3A_603 : memref<1x48x128xf32, #tpu.memory_space<hbm>> -> memref<48x128xf32, #tpu.memory_space<hbm>>
    %dma_start3A_605 = arith.constant 0 : i32
    %dma_start3A_606 = tpu.memref_slice %arg7[%arg0, %add3A_582, %dma_start3A_605] : memref<2x10112x128xf32, #tpu.memory_space<hbm>> -> memref<1x48x128xf32, #tpu.memory_space<hbm>>
    %dma_start3A_607 = tpu.memref_squeeze %dma_start3A_606 : memref<1x48x128xf32, #tpu.memory_space<hbm>> -> memref<48x128xf32, #tpu.memory_space<hbm>>
    %dma_start3A_608 = arith.constant 0 : i32
    %dma_start3A_609 = arith.constant 0 : i32
    %dma_start3A_610 = tpu.memref_slice %arg16[%dma_start3A_608, %dma_start3A_609] : memref<48x128xf32, #tpu.memory_space<vmem>> -> memref<48x128xf32, #tpu.memory_space<vmem>>
    tpu.enqueue_dma source(%dma_start3A_610 : memref<48x128xf32, #tpu.memory_space<vmem>>) target(%dma_start3A_607 : memref<48x128xf32, #tpu.memory_space<hbm>>) target_semaphore(%arg29 : memref<!tpu.dma_semaphore, #tpu.memory_space<semaphore_mem>>)
    %mul3A_611 = arith.constant 632 : i32
    %mul3A_612 = arith.muli %arg1, %mul3A_611 : i32
    %add3A_613 = arith.constant 384 : i32
    %add3A_614 = arith.addi %mul3A_612, %add3A_613 : i32
    "tpu.region"() ({
      %run_scoped3A = tpu.sem_alloc : memref<!tpu.dma_semaphore, #tpu.memory_space<semaphore_mem>>
      %dma_start3A_819 = arith.constant 0 : i32
      %dma_start3A_820 = arith.constant 0 : i32
      %dma_start3A_821 = tpu.memref_slice %arg12[%dma_start3A_819, %dma_start3A_820] : memref<48x128xf32, #tpu.memory_space<vmem>> -> memref<48x128xf32, #tpu.memory_space<vmem>>
      %dma_start3A_822 = arith.constant 0 : i32
      %dma_start3A_823 = tpu.memref_slice %arg22[%add3A_614, %dma_start3A_822] : memref<10112x128xf32, #tpu.memory_space<vmem_shared>> -> memref<48x128xf32, #tpu.memory_space<vmem_shared>>
      %dma_start3A_824 = arith.constant 0 : i32
      %dma_start3A_825 = arith.constant 0 : i32
      %dma_start3A_826 = tpu.memref_slice %arg12[%dma_start3A_824, %dma_start3A_825] : memref<48x128xf32, #tpu.memory_space<vmem>> -> memref<48x128xf32, #tpu.memory_space<vmem>>
      %dma_start3A_827 = arith.constant 0 : i32
      %dma_start3A_828 = tpu.memref_slice %arg22[%add3A_614, %dma_start3A_827] : memref<10112x128xf32, #tpu.memory_space<vmem_shared>> -> memref<48x128xf32, #tpu.memory_space<vmem_shared>>
      tpu.enqueue_dma source(%dma_start3A_828 : memref<48x128xf32, #tpu.memory_space<vmem_shared>>) target(%dma_start3A_826 : memref<48x128xf32, #tpu.memory_space<vmem>>) target_semaphore(%run_scoped3A : memref<!tpu.dma_semaphore, #tpu.memory_space<semaphore_mem>>)
      %dma_wait3A_829 = arith.constant 0 : i32
      %dma_wait3A_830 = arith.constant 0 : i32
      %dma_wait3A_831 = tpu.memref_slice %arg12[%dma_wait3A_829, %dma_wait3A_830] : memref<48x128xf32, #tpu.memory_space<vmem>> -> memref<48x128xf32, #tpu.memory_space<vmem>>
      %dma_wait3A_832 = arith.constant 0 : i32
      %dma_wait3A_833 = tpu.memref_slice %arg22[%add3A_614, %dma_wait3A_832] : memref<10112x128xf32, #tpu.memory_space<vmem_shared>> -> memref<48x128xf32, #tpu.memory_space<vmem_shared>>
      %dma_wait3A_834 = arith.constant 0 : i32
      %dma_wait3A_835 = arith.constant 0 : i32
      %dma_wait3A_836 = tpu.memref_slice %arg12[%dma_wait3A_834, %dma_wait3A_835] : memref<48x128xf32, #tpu.memory_space<vmem>> -> memref<48x128xf32, #tpu.memory_space<vmem>>
      %dma_wait3A_837 = arith.constant 0 : i32
      %dma_wait3A_838 = tpu.memref_slice %arg22[%add3A_614, %dma_wait3A_837] : memref<10112x128xf32, #tpu.memory_space<vmem_shared>> -> memref<48x128xf32, #tpu.memory_space<vmem_shared>>
      tpu.wait_dma2 semaphore(%run_scoped3A : memref<!tpu.dma_semaphore, #tpu.memory_space<semaphore_mem>>) src(%dma_wait3A_838 : memref<48x128xf32, #tpu.memory_space<vmem_shared>>) dst(%dma_wait3A_836 : memref<48x128xf32, #tpu.memory_space<vmem>>)
      tpu.yield
    }) : () -> ()
    %mul3A_615 = arith.constant 632 : i32
    %mul3A_616 = arith.muli %arg1, %mul3A_615 : i32
    %add3A_617 = arith.constant 336 : i32
    %add3A_618 = arith.addi %mul3A_616, %add3A_617 : i32
    %dma_wait3A_619 = arith.constant 0 : i32
    %dma_wait3A_620 = arith.constant 0 : i32
    %dma_wait3A_621 = tpu.memref_slice %arg16[%dma_wait3A_619, %dma_wait3A_620] : memref<48x128xf32, #tpu.memory_space<vmem>> -> memref<48x128xf32, #tpu.memory_space<vmem>>
    %dma_wait3A_622 = arith.constant 0 : i32
    %dma_wait3A_623 = tpu.memref_slice %arg7[%arg0, %add3A_618, %dma_wait3A_622] : memref<2x10112x128xf32, #tpu.memory_space<hbm>> -> memref<1x48x128xf32, #tpu.memory_space<hbm>>
    %dma_wait3A_624 = tpu.memref_squeeze %dma_wait3A_623 : memref<1x48x128xf32, #tpu.memory_space<hbm>> -> memref<48x128xf32, #tpu.memory_space<hbm>>
    %dma_wait3A_625 = arith.constant 0 : i32
    %dma_wait3A_626 = tpu.memref_slice %arg7[%arg0, %add3A_618, %dma_wait3A_625] : memref<2x10112x128xf32, #tpu.memory_space<hbm>> -> memref<1x48x128xf32, #tpu.memory_space<hbm>>
    %dma_wait3A_627 = tpu.memref_squeeze %dma_wait3A_626 : memref<1x48x128xf32, #tpu.memory_space<hbm>> -> memref<48x128xf32, #tpu.memory_space<hbm>>
    %dma_wait3A_628 = arith.constant 0 : i32
    %dma_wait3A_629 = arith.constant 0 : i32
    %dma_wait3A_630 = tpu.memref_slice %arg16[%dma_wait3A_628, %dma_wait3A_629] : memref<48x128xf32, #tpu.memory_space<vmem>> -> memref<48x128xf32, #tpu.memory_space<vmem>>
    tpu.wait_dma2 semaphore(%arg29 : memref<!tpu.dma_semaphore, #tpu.memory_space<semaphore_mem>>) src(%dma_wait3A_630 : memref<48x128xf32, #tpu.memory_space<vmem>>) dst(%dma_wait3A_627 : memref<48x128xf32, #tpu.memory_space<hbm>>)
    %dma_start3A_631 = arith.constant 0 : i32
    %dma_start3A_632 = arith.constant 0 : i32
    %dma_start3A_633 = tpu.memref_slice %arg12[%dma_start3A_631, %dma_start3A_632] : memref<48x128xf32, #tpu.memory_space<vmem>> -> memref<48x128xf32, #tpu.memory_space<vmem>>
    %dma_start3A_634 = arith.constant 0 : i32
    %dma_start3A_635 = tpu.memref_slice %arg7[%arg0, %add3A_614, %dma_start3A_634] : memref<2x10112x128xf32, #tpu.memory_space<hbm>> -> memref<1x48x128xf32, #tpu.memory_space<hbm>>
    %dma_start3A_636 = tpu.memref_squeeze %dma_start3A_635 : memref<1x48x128xf32, #tpu.memory_space<hbm>> -> memref<48x128xf32, #tpu.memory_space<hbm>>
    %dma_start3A_637 = arith.constant 0 : i32
    %dma_start3A_638 = tpu.memref_slice %arg7[%arg0, %add3A_614, %dma_start3A_637] : memref<2x10112x128xf32, #tpu.memory_space<hbm>> -> memref<1x48x128xf32, #tpu.memory_space<hbm>>
    %dma_start3A_639 = tpu.memref_squeeze %dma_start3A_638 : memref<1x48x128xf32, #tpu.memory_space<hbm>> -> memref<48x128xf32, #tpu.memory_space<hbm>>
    %dma_start3A_640 = arith.constant 0 : i32
    %dma_start3A_641 = arith.constant 0 : i32
    %dma_start3A_642 = tpu.memref_slice %arg12[%dma_start3A_640, %dma_start3A_641] : memref<48x128xf32, #tpu.memory_space<vmem>> -> memref<48x128xf32, #tpu.memory_space<vmem>>
    tpu.enqueue_dma source(%dma_start3A_642 : memref<48x128xf32, #tpu.memory_space<vmem>>) target(%dma_start3A_639 : memref<48x128xf32, #tpu.memory_space<hbm>>) target_semaphore(%arg29 : memref<!tpu.dma_semaphore, #tpu.memory_space<semaphore_mem>>)
    %mul3A_643 = arith.constant 632 : i32
    %mul3A_644 = arith.muli %arg1, %mul3A_643 : i32
    %add3A_645 = arith.constant 432 : i32
    %add3A_646 = arith.addi %mul3A_644, %add3A_645 : i32
    "tpu.region"() ({
      %run_scoped3A = tpu.sem_alloc : memref<!tpu.dma_semaphore, #tpu.memory_space<semaphore_mem>>
      %dma_start3A_819 = arith.constant 0 : i32
      %dma_start3A_820 = arith.constant 0 : i32
      %dma_start3A_821 = tpu.memref_slice %arg16[%dma_start3A_819, %dma_start3A_820] : memref<48x128xf32, #tpu.memory_space<vmem>> -> memref<48x128xf32, #tpu.memory_space<vmem>>
      %dma_start3A_822 = arith.constant 0 : i32
      %dma_start3A_823 = tpu.memref_slice %arg22[%add3A_646, %dma_start3A_822] : memref<10112x128xf32, #tpu.memory_space<vmem_shared>> -> memref<48x128xf32, #tpu.memory_space<vmem_shared>>
      %dma_start3A_824 = arith.constant 0 : i32
      %dma_start3A_825 = arith.constant 0 : i32
      %dma_start3A_826 = tpu.memref_slice %arg16[%dma_start3A_824, %dma_start3A_825] : memref<48x128xf32, #tpu.memory_space<vmem>> -> memref<48x128xf32, #tpu.memory_space<vmem>>
      %dma_start3A_827 = arith.constant 0 : i32
      %dma_start3A_828 = tpu.memref_slice %arg22[%add3A_646, %dma_start3A_827] : memref<10112x128xf32, #tpu.memory_space<vmem_shared>> -> memref<48x128xf32, #tpu.memory_space<vmem_shared>>
      tpu.enqueue_dma source(%dma_start3A_828 : memref<48x128xf32, #tpu.memory_space<vmem_shared>>) target(%dma_start3A_826 : memref<48x128xf32, #tpu.memory_space<vmem>>) target_semaphore(%run_scoped3A : memref<!tpu.dma_semaphore, #tpu.memory_space<semaphore_mem>>)
      %dma_wait3A_829 = arith.constant 0 : i32
      %dma_wait3A_830 = arith.constant 0 : i32
      %dma_wait3A_831 = tpu.memref_slice %arg16[%dma_wait3A_829, %dma_wait3A_830] : memref<48x128xf32, #tpu.memory_space<vmem>> -> memref<48x128xf32, #tpu.memory_space<vmem>>
      %dma_wait3A_832 = arith.constant 0 : i32
      %dma_wait3A_833 = tpu.memref_slice %arg22[%add3A_646, %dma_wait3A_832] : memref<10112x128xf32, #tpu.memory_space<vmem_shared>> -> memref<48x128xf32, #tpu.memory_space<vmem_shared>>
      %dma_wait3A_834 = arith.constant 0 : i32
      %dma_wait3A_835 = arith.constant 0 : i32
      %dma_wait3A_836 = tpu.memref_slice %arg16[%dma_wait3A_834, %dma_wait3A_835] : memref<48x128xf32, #tpu.memory_space<vmem>> -> memref<48x128xf32, #tpu.memory_space<vmem>>
      %dma_wait3A_837 = arith.constant 0 : i32
      %dma_wait3A_838 = tpu.memref_slice %arg22[%add3A_646, %dma_wait3A_837] : memref<10112x128xf32, #tpu.memory_space<vmem_shared>> -> memref<48x128xf32, #tpu.memory_space<vmem_shared>>
      tpu.wait_dma2 semaphore(%run_scoped3A : memref<!tpu.dma_semaphore, #tpu.memory_space<semaphore_mem>>) src(%dma_wait3A_838 : memref<48x128xf32, #tpu.memory_space<vmem_shared>>) dst(%dma_wait3A_836 : memref<48x128xf32, #tpu.memory_space<vmem>>)
      tpu.yield
    }) : () -> ()
    %mul3A_647 = arith.constant 632 : i32
    %mul3A_648 = arith.muli %arg1, %mul3A_647 : i32
    %add3A_649 = arith.constant 384 : i32
    %add3A_650 = arith.addi %mul3A_648, %add3A_649 : i32
    %dma_wait3A_651 = arith.constant 0 : i32
    %dma_wait3A_652 = arith.constant 0 : i32
    %dma_wait3A_653 = tpu.memref_slice %arg12[%dma_wait3A_651, %dma_wait3A_652] : memref<48x128xf32, #tpu.memory_space<vmem>> -> memref<48x128xf32, #tpu.memory_space<vmem>>
    %dma_wait3A_654 = arith.constant 0 : i32
    %dma_wait3A_655 = tpu.memref_slice %arg7[%arg0, %add3A_650, %dma_wait3A_654] : memref<2x10112x128xf32, #tpu.memory_space<hbm>> -> memref<1x48x128xf32, #tpu.memory_space<hbm>>
    %dma_wait3A_656 = tpu.memref_squeeze %dma_wait3A_655 : memref<1x48x128xf32, #tpu.memory_space<hbm>> -> memref<48x128xf32, #tpu.memory_space<hbm>>
    %dma_wait3A_657 = arith.constant 0 : i32
    %dma_wait3A_658 = tpu.memref_slice %arg7[%arg0, %add3A_650, %dma_wait3A_657] : memref<2x10112x128xf32, #tpu.memory_space<hbm>> -> memref<1x48x128xf32, #tpu.memory_space<hbm>>
    %dma_wait3A_659 = tpu.memref_squeeze %dma_wait3A_658 : memref<1x48x128xf32, #tpu.memory_space<hbm>> -> memref<48x128xf32, #tpu.memory_space<hbm>>
    %dma_wait3A_660 = arith.constant 0 : i32
    %dma_wait3A_661 = arith.constant 0 : i32
    %dma_wait3A_662 = tpu.memref_slice %arg12[%dma_wait3A_660, %dma_wait3A_661] : memref<48x128xf32, #tpu.memory_space<vmem>> -> memref<48x128xf32, #tpu.memory_space<vmem>>
    tpu.wait_dma2 semaphore(%arg29 : memref<!tpu.dma_semaphore, #tpu.memory_space<semaphore_mem>>) src(%dma_wait3A_662 : memref<48x128xf32, #tpu.memory_space<vmem>>) dst(%dma_wait3A_659 : memref<48x128xf32, #tpu.memory_space<hbm>>)
    %dma_start3A_663 = arith.constant 0 : i32
    %dma_start3A_664 = arith.constant 0 : i32
    %dma_start3A_665 = tpu.memref_slice %arg16[%dma_start3A_663, %dma_start3A_664] : memref<48x128xf32, #tpu.memory_space<vmem>> -> memref<48x128xf32, #tpu.memory_space<vmem>>
    %dma_start3A_666 = arith.constant 0 : i32
    %dma_start3A_667 = tpu.memref_slice %arg7[%arg0, %add3A_646, %dma_start3A_666] : memref<2x10112x128xf32, #tpu.memory_space<hbm>> -> memref<1x48x128xf32, #tpu.memory_space<hbm>>
    %dma_start3A_668 = tpu.memref_squeeze %dma_start3A_667 : memref<1x48x128xf32, #tpu.memory_space<hbm>> -> memref<48x128xf32, #tpu.memory_space<hbm>>
    %dma_start3A_669 = arith.constant 0 : i32
    %dma_start3A_670 = tpu.memref_slice %arg7[%arg0, %add3A_646, %dma_start3A_669] : memref<2x10112x128xf32, #tpu.memory_space<hbm>> -> memref<1x48x128xf32, #tpu.memory_space<hbm>>
    %dma_start3A_671 = tpu.memref_squeeze %dma_start3A_670 : memref<1x48x128xf32, #tpu.memory_space<hbm>> -> memref<48x128xf32, #tpu.memory_space<hbm>>
    %dma_start3A_672 = arith.constant 0 : i32
    %dma_start3A_673 = arith.constant 0 : i32
    %dma_start3A_674 = tpu.memref_slice %arg16[%dma_start3A_672, %dma_start3A_673] : memref<48x128xf32, #tpu.memory_space<vmem>> -> memref<48x128xf32, #tpu.memory_space<vmem>>
    tpu.enqueue_dma source(%dma_start3A_674 : memref<48x128xf32, #tpu.memory_space<vmem>>) target(%dma_start3A_671 : memref<48x128xf32, #tpu.memory_space<hbm>>) target_semaphore(%arg29 : memref<!tpu.dma_semaphore, #tpu.memory_space<semaphore_mem>>)
    %mul3A_675 = arith.constant 632 : i32
    %mul3A_676 = arith.muli %arg1, %mul3A_675 : i32
    %add3A_677 = arith.constant 480 : i32
    %add3A_678 = arith.addi %mul3A_676, %add3A_677 : i32
    "tpu.region"() ({
      %run_scoped3A = tpu.sem_alloc : memref<!tpu.dma_semaphore, #tpu.memory_space<semaphore_mem>>
      %dma_start3A_819 = arith.constant 0 : i32
      %dma_start3A_820 = arith.constant 0 : i32
      %dma_start3A_821 = tpu.memref_slice %arg12[%dma_start3A_819, %dma_start3A_820] : memref<48x128xf32, #tpu.memory_space<vmem>> -> memref<48x128xf32, #tpu.memory_space<vmem>>
      %dma_start3A_822 = arith.constant 0 : i32
      %dma_start3A_823 = tpu.memref_slice %arg22[%add3A_678, %dma_start3A_822] : memref<10112x128xf32, #tpu.memory_space<vmem_shared>> -> memref<48x128xf32, #tpu.memory_space<vmem_shared>>
      %dma_start3A_824 = arith.constant 0 : i32
      %dma_start3A_825 = arith.constant 0 : i32
      %dma_start3A_826 = tpu.memref_slice %arg12[%dma_start3A_824, %dma_start3A_825] : memref<48x128xf32, #tpu.memory_space<vmem>> -> memref<48x128xf32, #tpu.memory_space<vmem>>
      %dma_start3A_827 = arith.constant 0 : i32
      %dma_start3A_828 = tpu.memref_slice %arg22[%add3A_678, %dma_start3A_827] : memref<10112x128xf32, #tpu.memory_space<vmem_shared>> -> memref<48x128xf32, #tpu.memory_space<vmem_shared>>
      tpu.enqueue_dma source(%dma_start3A_828 : memref<48x128xf32, #tpu.memory_space<vmem_shared>>) target(%dma_start3A_826 : memref<48x128xf32, #tpu.memory_space<vmem>>) target_semaphore(%run_scoped3A : memref<!tpu.dma_semaphore, #tpu.memory_space<semaphore_mem>>)
      %dma_wait3A_829 = arith.constant 0 : i32
      %dma_wait3A_830 = arith.constant 0 : i32
      %dma_wait3A_831 = tpu.memref_slice %arg12[%dma_wait3A_829, %dma_wait3A_830] : memref<48x128xf32, #tpu.memory_space<vmem>> -> memref<48x128xf32, #tpu.memory_space<vmem>>
      %dma_wait3A_832 = arith.constant 0 : i32
      %dma_wait3A_833 = tpu.memref_slice %arg22[%add3A_678, %dma_wait3A_832] : memref<10112x128xf32, #tpu.memory_space<vmem_shared>> -> memref<48x128xf32, #tpu.memory_space<vmem_shared>>
      %dma_wait3A_834 = arith.constant 0 : i32
      %dma_wait3A_835 = arith.constant 0 : i32
      %dma_wait3A_836 = tpu.memref_slice %arg12[%dma_wait3A_834, %dma_wait3A_835] : memref<48x128xf32, #tpu.memory_space<vmem>> -> memref<48x128xf32, #tpu.memory_space<vmem>>
      %dma_wait3A_837 = arith.constant 0 : i32
      %dma_wait3A_838 = tpu.memref_slice %arg22[%add3A_678, %dma_wait3A_837] : memref<10112x128xf32, #tpu.memory_space<vmem_shared>> -> memref<48x128xf32, #tpu.memory_space<vmem_shared>>
      tpu.wait_dma2 semaphore(%run_scoped3A : memref<!tpu.dma_semaphore, #tpu.memory_space<semaphore_mem>>) src(%dma_wait3A_838 : memref<48x128xf32, #tpu.memory_space<vmem_shared>>) dst(%dma_wait3A_836 : memref<48x128xf32, #tpu.memory_space<vmem>>)
      tpu.yield
    }) : () -> ()
    %mul3A_679 = arith.constant 632 : i32
    %mul3A_680 = arith.muli %arg1, %mul3A_679 : i32
    %add3A_681 = arith.constant 432 : i32
    %add3A_682 = arith.addi %mul3A_680, %add3A_681 : i32
    %dma_wait3A_683 = arith.constant 0 : i32
    %dma_wait3A_684 = arith.constant 0 : i32
    %dma_wait3A_685 = tpu.memref_slice %arg16[%dma_wait3A_683, %dma_wait3A_684] : memref<48x128xf32, #tpu.memory_space<vmem>> -> memref<48x128xf32, #tpu.memory_space<vmem>>
    %dma_wait3A_686 = arith.constant 0 : i32
    %dma_wait3A_687 = tpu.memref_slice %arg7[%arg0, %add3A_682, %dma_wait3A_686] : memref<2x10112x128xf32, #tpu.memory_space<hbm>> -> memref<1x48x128xf32, #tpu.memory_space<hbm>>
    %dma_wait3A_688 = tpu.memref_squeeze %dma_wait3A_687 : memref<1x48x128xf32, #tpu.memory_space<hbm>> -> memref<48x128xf32, #tpu.memory_space<hbm>>
    %dma_wait3A_689 = arith.constant 0 : i32
    %dma_wait3A_690 = tpu.memref_slice %arg7[%arg0, %add3A_682, %dma_wait3A_689] : memref<2x10112x128xf32, #tpu.memory_space<hbm>> -> memref<1x48x128xf32, #tpu.memory_space<hbm>>
    %dma_wait3A_691 = tpu.memref_squeeze %dma_wait3A_690 : memref<1x48x128xf32, #tpu.memory_space<hbm>> -> memref<48x128xf32, #tpu.memory_space<hbm>>
    %dma_wait3A_692 = arith.constant 0 : i32
    %dma_wait3A_693 = arith.constant 0 : i32
    %dma_wait3A_694 = tpu.memref_slice %arg16[%dma_wait3A_692, %dma_wait3A_693] : memref<48x128xf32, #tpu.memory_space<vmem>> -> memref<48x128xf32, #tpu.memory_space<vmem>>
    tpu.wait_dma2 semaphore(%arg29 : memref<!tpu.dma_semaphore, #tpu.memory_space<semaphore_mem>>) src(%dma_wait3A_694 : memref<48x128xf32, #tpu.memory_space<vmem>>) dst(%dma_wait3A_691 : memref<48x128xf32, #tpu.memory_space<hbm>>)
    %dma_start3A_695 = arith.constant 0 : i32
    %dma_start3A_696 = arith.constant 0 : i32
    %dma_start3A_697 = tpu.memref_slice %arg12[%dma_start3A_695, %dma_start3A_696] : memref<48x128xf32, #tpu.memory_space<vmem>> -> memref<48x128xf32, #tpu.memory_space<vmem>>
    %dma_start3A_698 = arith.constant 0 : i32
    %dma_start3A_699 = tpu.memref_slice %arg7[%arg0, %add3A_678, %dma_start3A_698] : memref<2x10112x128xf32, #tpu.memory_space<hbm>> -> memref<1x48x128xf32, #tpu.memory_space<hbm>>
    %dma_start3A_700 = tpu.memref_squeeze %dma_start3A_699 : memref<1x48x128xf32, #tpu.memory_space<hbm>> -> memref<48x128xf32, #tpu.memory_space<hbm>>
    %dma_start3A_701 = arith.constant 0 : i32
    %dma_start3A_702 = tpu.memref_slice %arg7[%arg0, %add3A_678, %dma_start3A_701] : memref<2x10112x128xf32, #tpu.memory_space<hbm>> -> memref<1x48x128xf32, #tpu.memory_space<hbm>>
    %dma_start3A_703 = tpu.memref_squeeze %dma_start3A_702 : memref<1x48x128xf32, #tpu.memory_space<hbm>> -> memref<48x128xf32, #tpu.memory_space<hbm>>
    %dma_start3A_704 = arith.constant 0 : i32
    %dma_start3A_705 = arith.constant 0 : i32
    %dma_start3A_706 = tpu.memref_slice %arg12[%dma_start3A_704, %dma_start3A_705] : memref<48x128xf32, #tpu.memory_space<vmem>> -> memref<48x128xf32, #tpu.memory_space<vmem>>
    tpu.enqueue_dma source(%dma_start3A_706 : memref<48x128xf32, #tpu.memory_space<vmem>>) target(%dma_start3A_703 : memref<48x128xf32, #tpu.memory_space<hbm>>) target_semaphore(%arg29 : memref<!tpu.dma_semaphore, #tpu.memory_space<semaphore_mem>>)
    %mul3A_707 = arith.constant 632 : i32
    %mul3A_708 = arith.muli %arg1, %mul3A_707 : i32
    %add3A_709 = arith.constant 528 : i32
    %add3A_710 = arith.addi %mul3A_708, %add3A_709 : i32
    "tpu.region"() ({
      %run_scoped3A = tpu.sem_alloc : memref<!tpu.dma_semaphore, #tpu.memory_space<semaphore_mem>>
      %dma_start3A_819 = arith.constant 0 : i32
      %dma_start3A_820 = arith.constant 0 : i32
      %dma_start3A_821 = tpu.memref_slice %arg16[%dma_start3A_819, %dma_start3A_820] : memref<48x128xf32, #tpu.memory_space<vmem>> -> memref<48x128xf32, #tpu.memory_space<vmem>>
      %dma_start3A_822 = arith.constant 0 : i32
      %dma_start3A_823 = tpu.memref_slice %arg22[%add3A_710, %dma_start3A_822] : memref<10112x128xf32, #tpu.memory_space<vmem_shared>> -> memref<48x128xf32, #tpu.memory_space<vmem_shared>>
      %dma_start3A_824 = arith.constant 0 : i32
      %dma_start3A_825 = arith.constant 0 : i32
      %dma_start3A_826 = tpu.memref_slice %arg16[%dma_start3A_824, %dma_start3A_825] : memref<48x128xf32, #tpu.memory_space<vmem>> -> memref<48x128xf32, #tpu.memory_space<vmem>>
      %dma_start3A_827 = arith.constant 0 : i32
      %dma_start3A_828 = tpu.memref_slice %arg22[%add3A_710, %dma_start3A_827] : memref<10112x128xf32, #tpu.memory_space<vmem_shared>> -> memref<48x128xf32, #tpu.memory_space<vmem_shared>>
      tpu.enqueue_dma source(%dma_start3A_828 : memref<48x128xf32, #tpu.memory_space<vmem_shared>>) target(%dma_start3A_826 : memref<48x128xf32, #tpu.memory_space<vmem>>) target_semaphore(%run_scoped3A : memref<!tpu.dma_semaphore, #tpu.memory_space<semaphore_mem>>)
      %dma_wait3A_829 = arith.constant 0 : i32
      %dma_wait3A_830 = arith.constant 0 : i32
      %dma_wait3A_831 = tpu.memref_slice %arg16[%dma_wait3A_829, %dma_wait3A_830] : memref<48x128xf32, #tpu.memory_space<vmem>> -> memref<48x128xf32, #tpu.memory_space<vmem>>
      %dma_wait3A_832 = arith.constant 0 : i32
      %dma_wait3A_833 = tpu.memref_slice %arg22[%add3A_710, %dma_wait3A_832] : memref<10112x128xf32, #tpu.memory_space<vmem_shared>> -> memref<48x128xf32, #tpu.memory_space<vmem_shared>>
      %dma_wait3A_834 = arith.constant 0 : i32
      %dma_wait3A_835 = arith.constant 0 : i32
      %dma_wait3A_836 = tpu.memref_slice %arg16[%dma_wait3A_834, %dma_wait3A_835] : memref<48x128xf32, #tpu.memory_space<vmem>> -> memref<48x128xf32, #tpu.memory_space<vmem>>
      %dma_wait3A_837 = arith.constant 0 : i32
      %dma_wait3A_838 = tpu.memref_slice %arg22[%add3A_710, %dma_wait3A_837] : memref<10112x128xf32, #tpu.memory_space<vmem_shared>> -> memref<48x128xf32, #tpu.memory_space<vmem_shared>>
      tpu.wait_dma2 semaphore(%run_scoped3A : memref<!tpu.dma_semaphore, #tpu.memory_space<semaphore_mem>>) src(%dma_wait3A_838 : memref<48x128xf32, #tpu.memory_space<vmem_shared>>) dst(%dma_wait3A_836 : memref<48x128xf32, #tpu.memory_space<vmem>>)
      tpu.yield
    }) : () -> ()
    %mul3A_711 = arith.constant 632 : i32
    %mul3A_712 = arith.muli %arg1, %mul3A_711 : i32
    %add3A_713 = arith.constant 480 : i32
    %add3A_714 = arith.addi %mul3A_712, %add3A_713 : i32
    %dma_wait3A_715 = arith.constant 0 : i32
    %dma_wait3A_716 = arith.constant 0 : i32
    %dma_wait3A_717 = tpu.memref_slice %arg12[%dma_wait3A_715, %dma_wait3A_716] : memref<48x128xf32, #tpu.memory_space<vmem>> -> memref<48x128xf32, #tpu.memory_space<vmem>>
    %dma_wait3A_718 = arith.constant 0 : i32
    %dma_wait3A_719 = tpu.memref_slice %arg7[%arg0, %add3A_714, %dma_wait3A_718] : memref<2x10112x128xf32, #tpu.memory_space<hbm>> -> memref<1x48x128xf32, #tpu.memory_space<hbm>>
    %dma_wait3A_720 = tpu.memref_squeeze %dma_wait3A_719 : memref<1x48x128xf32, #tpu.memory_space<hbm>> -> memref<48x128xf32, #tpu.memory_space<hbm>>
    %dma_wait3A_721 = arith.constant 0 : i32
    %dma_wait3A_722 = tpu.memref_slice %arg7[%arg0, %add3A_714, %dma_wait3A_721] : memref<2x10112x128xf32, #tpu.memory_space<hbm>> -> memref<1x48x128xf32, #tpu.memory_space<hbm>>
    %dma_wait3A_723 = tpu.memref_squeeze %dma_wait3A_722 : memref<1x48x128xf32, #tpu.memory_space<hbm>> -> memref<48x128xf32, #tpu.memory_space<hbm>>
    %dma_wait3A_724 = arith.constant 0 : i32
    %dma_wait3A_725 = arith.constant 0 : i32
    %dma_wait3A_726 = tpu.memref_slice %arg12[%dma_wait3A_724, %dma_wait3A_725] : memref<48x128xf32, #tpu.memory_space<vmem>> -> memref<48x128xf32, #tpu.memory_space<vmem>>
    tpu.wait_dma2 semaphore(%arg29 : memref<!tpu.dma_semaphore, #tpu.memory_space<semaphore_mem>>) src(%dma_wait3A_726 : memref<48x128xf32, #tpu.memory_space<vmem>>) dst(%dma_wait3A_723 : memref<48x128xf32, #tpu.memory_space<hbm>>)
    %dma_start3A_727 = arith.constant 0 : i32
    %dma_start3A_728 = arith.constant 0 : i32
    %dma_start3A_729 = tpu.memref_slice %arg16[%dma_start3A_727, %dma_start3A_728] : memref<48x128xf32, #tpu.memory_space<vmem>> -> memref<48x128xf32, #tpu.memory_space<vmem>>
    %dma_start3A_730 = arith.constant 0 : i32
    %dma_start3A_731 = tpu.memref_slice %arg7[%arg0, %add3A_710, %dma_start3A_730] : memref<2x10112x128xf32, #tpu.memory_space<hbm>> -> memref<1x48x128xf32, #tpu.memory_space<hbm>>
    %dma_start3A_732 = tpu.memref_squeeze %dma_start3A_731 : memref<1x48x128xf32, #tpu.memory_space<hbm>> -> memref<48x128xf32, #tpu.memory_space<hbm>>
    %dma_start3A_733 = arith.constant 0 : i32
    %dma_start3A_734 = tpu.memref_slice %arg7[%arg0, %add3A_710, %dma_start3A_733] : memref<2x10112x128xf32, #tpu.memory_space<hbm>> -> memref<1x48x128xf32, #tpu.memory_space<hbm>>
    %dma_start3A_735 = tpu.memref_squeeze %dma_start3A_734 : memref<1x48x128xf32, #tpu.memory_space<hbm>> -> memref<48x128xf32, #tpu.memory_space<hbm>>
    %dma_start3A_736 = arith.constant 0 : i32
    %dma_start3A_737 = arith.constant 0 : i32
    %dma_start3A_738 = tpu.memref_slice %arg16[%dma_start3A_736, %dma_start3A_737] : memref<48x128xf32, #tpu.memory_space<vmem>> -> memref<48x128xf32, #tpu.memory_space<vmem>>
    tpu.enqueue_dma source(%dma_start3A_738 : memref<48x128xf32, #tpu.memory_space<vmem>>) target(%dma_start3A_735 : memref<48x128xf32, #tpu.memory_space<hbm>>) target_semaphore(%arg29 : memref<!tpu.dma_semaphore, #tpu.memory_space<semaphore_mem>>)
    %mul3A_739 = arith.constant 632 : i32
    %mul3A_740 = arith.muli %arg1, %mul3A_739 : i32
    %add3A_741 = arith.constant 576 : i32
    %add3A_742 = arith.addi %mul3A_740, %add3A_741 : i32
    "tpu.region"() ({
      %run_scoped3A = tpu.sem_alloc : memref<!tpu.dma_semaphore, #tpu.memory_space<semaphore_mem>>
      %dma_start3A_819 = arith.constant 0 : i32
      %dma_start3A_820 = arith.constant 0 : i32
      %dma_start3A_821 = tpu.memref_slice %arg12[%dma_start3A_819, %dma_start3A_820] : memref<48x128xf32, #tpu.memory_space<vmem>> -> memref<48x128xf32, #tpu.memory_space<vmem>>
      %dma_start3A_822 = arith.constant 0 : i32
      %dma_start3A_823 = tpu.memref_slice %arg22[%add3A_742, %dma_start3A_822] : memref<10112x128xf32, #tpu.memory_space<vmem_shared>> -> memref<48x128xf32, #tpu.memory_space<vmem_shared>>
      %dma_start3A_824 = arith.constant 0 : i32
      %dma_start3A_825 = arith.constant 0 : i32
      %dma_start3A_826 = tpu.memref_slice %arg12[%dma_start3A_824, %dma_start3A_825] : memref<48x128xf32, #tpu.memory_space<vmem>> -> memref<48x128xf32, #tpu.memory_space<vmem>>
      %dma_start3A_827 = arith.constant 0 : i32
      %dma_start3A_828 = tpu.memref_slice %arg22[%add3A_742, %dma_start3A_827] : memref<10112x128xf32, #tpu.memory_space<vmem_shared>> -> memref<48x128xf32, #tpu.memory_space<vmem_shared>>
      tpu.enqueue_dma source(%dma_start3A_828 : memref<48x128xf32, #tpu.memory_space<vmem_shared>>) target(%dma_start3A_826 : memref<48x128xf32, #tpu.memory_space<vmem>>) target_semaphore(%run_scoped3A : memref<!tpu.dma_semaphore, #tpu.memory_space<semaphore_mem>>)
      %dma_wait3A_829 = arith.constant 0 : i32
      %dma_wait3A_830 = arith.constant 0 : i32
      %dma_wait3A_831 = tpu.memref_slice %arg12[%dma_wait3A_829, %dma_wait3A_830] : memref<48x128xf32, #tpu.memory_space<vmem>> -> memref<48x128xf32, #tpu.memory_space<vmem>>
      %dma_wait3A_832 = arith.constant 0 : i32
      %dma_wait3A_833 = tpu.memref_slice %arg22[%add3A_742, %dma_wait3A_832] : memref<10112x128xf32, #tpu.memory_space<vmem_shared>> -> memref<48x128xf32, #tpu.memory_space<vmem_shared>>
      %dma_wait3A_834 = arith.constant 0 : i32
      %dma_wait3A_835 = arith.constant 0 : i32
      %dma_wait3A_836 = tpu.memref_slice %arg12[%dma_wait3A_834, %dma_wait3A_835] : memref<48x128xf32, #tpu.memory_space<vmem>> -> memref<48x128xf32, #tpu.memory_space<vmem>>
      %dma_wait3A_837 = arith.constant 0 : i32
      %dma_wait3A_838 = tpu.memref_slice %arg22[%add3A_742, %dma_wait3A_837] : memref<10112x128xf32, #tpu.memory_space<vmem_shared>> -> memref<48x128xf32, #tpu.memory_space<vmem_shared>>
      tpu.wait_dma2 semaphore(%run_scoped3A : memref<!tpu.dma_semaphore, #tpu.memory_space<semaphore_mem>>) src(%dma_wait3A_838 : memref<48x128xf32, #tpu.memory_space<vmem_shared>>) dst(%dma_wait3A_836 : memref<48x128xf32, #tpu.memory_space<vmem>>)
      tpu.yield
    }) : () -> ()
    %mul3A_743 = arith.constant 632 : i32
    %mul3A_744 = arith.muli %arg1, %mul3A_743 : i32
    %add3A_745 = arith.constant 528 : i32
    %add3A_746 = arith.addi %mul3A_744, %add3A_745 : i32
    %dma_wait3A_747 = arith.constant 0 : i32
    %dma_wait3A_748 = arith.constant 0 : i32
    %dma_wait3A_749 = tpu.memref_slice %arg16[%dma_wait3A_747, %dma_wait3A_748] : memref<48x128xf32, #tpu.memory_space<vmem>> -> memref<48x128xf32, #tpu.memory_space<vmem>>
    %dma_wait3A_750 = arith.constant 0 : i32
    %dma_wait3A_751 = tpu.memref_slice %arg7[%arg0, %add3A_746, %dma_wait3A_750] : memref<2x10112x128xf32, #tpu.memory_space<hbm>> -> memref<1x48x128xf32, #tpu.memory_space<hbm>>
    %dma_wait3A_752 = tpu.memref_squeeze %dma_wait3A_751 : memref<1x48x128xf32, #tpu.memory_space<hbm>> -> memref<48x128xf32, #tpu.memory_space<hbm>>
    %dma_wait3A_753 = arith.constant 0 : i32
    %dma_wait3A_754 = tpu.memref_slice %arg7[%arg0, %add3A_746, %dma_wait3A_753] : memref<2x10112x128xf32, #tpu.memory_space<hbm>> -> memref<1x48x128xf32, #tpu.memory_space<hbm>>
    %dma_wait3A_755 = tpu.memref_squeeze %dma_wait3A_754 : memref<1x48x128xf32, #tpu.memory_space<hbm>> -> memref<48x128xf32, #tpu.memory_space<hbm>>
    %dma_wait3A_756 = arith.constant 0 : i32
    %dma_wait3A_757 = arith.constant 0 : i32
    %dma_wait3A_758 = tpu.memref_slice %arg16[%dma_wait3A_756, %dma_wait3A_757] : memref<48x128xf32, #tpu.memory_space<vmem>> -> memref<48x128xf32, #tpu.memory_space<vmem>>
    tpu.wait_dma2 semaphore(%arg29 : memref<!tpu.dma_semaphore, #tpu.memory_space<semaphore_mem>>) src(%dma_wait3A_758 : memref<48x128xf32, #tpu.memory_space<vmem>>) dst(%dma_wait3A_755 : memref<48x128xf32, #tpu.memory_space<hbm>>)
    %dma_start3A_759 = arith.constant 0 : i32
    %dma_start3A_760 = arith.constant 0 : i32
    %dma_start3A_761 = tpu.memref_slice %arg12[%dma_start3A_759, %dma_start3A_760] : memref<48x128xf32, #tpu.memory_space<vmem>> -> memref<48x128xf32, #tpu.memory_space<vmem>>
    %dma_start3A_762 = arith.constant 0 : i32
    %dma_start3A_763 = tpu.memref_slice %arg7[%arg0, %add3A_742, %dma_start3A_762] : memref<2x10112x128xf32, #tpu.memory_space<hbm>> -> memref<1x48x128xf32, #tpu.memory_space<hbm>>
    %dma_start3A_764 = tpu.memref_squeeze %dma_start3A_763 : memref<1x48x128xf32, #tpu.memory_space<hbm>> -> memref<48x128xf32, #tpu.memory_space<hbm>>
    %dma_start3A_765 = arith.constant 0 : i32
    %dma_start3A_766 = tpu.memref_slice %arg7[%arg0, %add3A_742, %dma_start3A_765] : memref<2x10112x128xf32, #tpu.memory_space<hbm>> -> memref<1x48x128xf32, #tpu.memory_space<hbm>>
    %dma_start3A_767 = tpu.memref_squeeze %dma_start3A_766 : memref<1x48x128xf32, #tpu.memory_space<hbm>> -> memref<48x128xf32, #tpu.memory_space<hbm>>
    %dma_start3A_768 = arith.constant 0 : i32
    %dma_start3A_769 = arith.constant 0 : i32
    %dma_start3A_770 = tpu.memref_slice %arg12[%dma_start3A_768, %dma_start3A_769] : memref<48x128xf32, #tpu.memory_space<vmem>> -> memref<48x128xf32, #tpu.memory_space<vmem>>
    tpu.enqueue_dma source(%dma_start3A_770 : memref<48x128xf32, #tpu.memory_space<vmem>>) target(%dma_start3A_767 : memref<48x128xf32, #tpu.memory_space<hbm>>) target_semaphore(%arg29 : memref<!tpu.dma_semaphore, #tpu.memory_space<semaphore_mem>>)
    %mul3A_771 = arith.constant 632 : i32
    %mul3A_772 = arith.muli %arg1, %mul3A_771 : i32
    %add3A_773 = arith.constant 624 : i32
    %add3A_774 = arith.addi %mul3A_772, %add3A_773 : i32
    "tpu.region"() ({
      %run_scoped3A = tpu.sem_alloc : memref<!tpu.dma_semaphore, #tpu.memory_space<semaphore_mem>>
      %dma_start3A_819 = arith.constant 0 : i32
      %dma_start3A_820 = arith.constant 0 : i32
      %dma_start3A_821 = tpu.memref_slice %arg16[%dma_start3A_819, %dma_start3A_820] : memref<48x128xf32, #tpu.memory_space<vmem>> -> memref<8x128xf32, #tpu.memory_space<vmem>>
      %dma_start3A_822 = arith.constant 0 : i32
      %dma_start3A_823 = tpu.memref_slice %arg22[%add3A_774, %dma_start3A_822] : memref<10112x128xf32, #tpu.memory_space<vmem_shared>> -> memref<8x128xf32, #tpu.memory_space<vmem_shared>>
      %dma_start3A_824 = arith.constant 0 : i32
      %dma_start3A_825 = arith.constant 0 : i32
      %dma_start3A_826 = tpu.memref_slice %arg16[%dma_start3A_824, %dma_start3A_825] : memref<48x128xf32, #tpu.memory_space<vmem>> -> memref<8x128xf32, #tpu.memory_space<vmem>>
      %dma_start3A_827 = arith.constant 0 : i32
      %dma_start3A_828 = tpu.memref_slice %arg22[%add3A_774, %dma_start3A_827] : memref<10112x128xf32, #tpu.memory_space<vmem_shared>> -> memref<8x128xf32, #tpu.memory_space<vmem_shared>>
      tpu.enqueue_dma source(%dma_start3A_828 : memref<8x128xf32, #tpu.memory_space<vmem_shared>>) target(%dma_start3A_826 : memref<8x128xf32, #tpu.memory_space<vmem>>) target_semaphore(%run_scoped3A : memref<!tpu.dma_semaphore, #tpu.memory_space<semaphore_mem>>)
      %dma_wait3A_829 = arith.constant 0 : i32
      %dma_wait3A_830 = arith.constant 0 : i32
      %dma_wait3A_831 = tpu.memref_slice %arg16[%dma_wait3A_829, %dma_wait3A_830] : memref<48x128xf32, #tpu.memory_space<vmem>> -> memref<8x128xf32, #tpu.memory_space<vmem>>
      %dma_wait3A_832 = arith.constant 0 : i32
      %dma_wait3A_833 = tpu.memref_slice %arg22[%add3A_774, %dma_wait3A_832] : memref<10112x128xf32, #tpu.memory_space<vmem_shared>> -> memref<8x128xf32, #tpu.memory_space<vmem_shared>>
      %dma_wait3A_834 = arith.constant 0 : i32
      %dma_wait3A_835 = arith.constant 0 : i32
      %dma_wait3A_836 = tpu.memref_slice %arg16[%dma_wait3A_834, %dma_wait3A_835] : memref<48x128xf32, #tpu.memory_space<vmem>> -> memref<8x128xf32, #tpu.memory_space<vmem>>
      %dma_wait3A_837 = arith.constant 0 : i32
      %dma_wait3A_838 = tpu.memref_slice %arg22[%add3A_774, %dma_wait3A_837] : memref<10112x128xf32, #tpu.memory_space<vmem_shared>> -> memref<8x128xf32, #tpu.memory_space<vmem_shared>>
      tpu.wait_dma2 semaphore(%run_scoped3A : memref<!tpu.dma_semaphore, #tpu.memory_space<semaphore_mem>>) src(%dma_wait3A_838 : memref<8x128xf32, #tpu.memory_space<vmem_shared>>) dst(%dma_wait3A_836 : memref<8x128xf32, #tpu.memory_space<vmem>>)
      tpu.yield
    }) : () -> ()
    %mul3A_775 = arith.constant 632 : i32
    %mul3A_776 = arith.muli %arg1, %mul3A_775 : i32
    %add3A_777 = arith.constant 576 : i32
    %add3A_778 = arith.addi %mul3A_776, %add3A_777 : i32
    %dma_wait3A_779 = arith.constant 0 : i32
    %dma_wait3A_780 = arith.constant 0 : i32
    %dma_wait3A_781 = tpu.memref_slice %arg12[%dma_wait3A_779, %dma_wait3A_780] : memref<48x128xf32, #tpu.memory_space<vmem>> -> memref<48x128xf32, #tpu.memory_space<vmem>>
    %dma_wait3A_782 = arith.constant 0 : i32
    %dma_wait3A_783 = tpu.memref_slice %arg7[%arg0, %add3A_778, %dma_wait3A_782] : memref<2x10112x128xf32, #tpu.memory_space<hbm>> -> memref<1x48x128xf32, #tpu.memory_space<hbm>>
    %dma_wait3A_784 = tpu.memref_squeeze %dma_wait3A_783 : memref<1x48x128xf32, #tpu.memory_space<hbm>> -> memref<48x128xf32, #tpu.memory_space<hbm>>
    %dma_wait3A_785 = arith.constant 0 : i32
    %dma_wait3A_786 = tpu.memref_slice %arg7[%arg0, %add3A_778, %dma_wait3A_785] : memref<2x10112x128xf32, #tpu.memory_space<hbm>> -> memref<1x48x128xf32, #tpu.memory_space<hbm>>
    %dma_wait3A_787 = tpu.memref_squeeze %dma_wait3A_786 : memref<1x48x128xf32, #tpu.memory_space<hbm>> -> memref<48x128xf32, #tpu.memory_space<hbm>>
    %dma_wait3A_788 = arith.constant 0 : i32
    %dma_wait3A_789 = arith.constant 0 : i32
    %dma_wait3A_790 = tpu.memref_slice %arg12[%dma_wait3A_788, %dma_wait3A_789] : memref<48x128xf32, #tpu.memory_space<vmem>> -> memref<48x128xf32, #tpu.memory_space<vmem>>
    tpu.wait_dma2 semaphore(%arg29 : memref<!tpu.dma_semaphore, #tpu.memory_space<semaphore_mem>>) src(%dma_wait3A_790 : memref<48x128xf32, #tpu.memory_space<vmem>>) dst(%dma_wait3A_787 : memref<48x128xf32, #tpu.memory_space<hbm>>)
    %dma_start3A_791 = arith.constant 0 : i32
    %dma_start3A_792 = arith.constant 0 : i32
    %dma_start3A_793 = tpu.memref_slice %arg16[%dma_start3A_791, %dma_start3A_792] : memref<48x128xf32, #tpu.memory_space<vmem>> -> memref<8x128xf32, #tpu.memory_space<vmem>>
    %dma_start3A_794 = arith.constant 0 : i32
    %dma_start3A_795 = tpu.memref_slice %arg7[%arg0, %add3A_774, %dma_start3A_794] : memref<2x10112x128xf32, #tpu.memory_space<hbm>> -> memref<1x8x128xf32, #tpu.memory_space<hbm>>
    %dma_start3A_796 = tpu.memref_squeeze %dma_start3A_795 : memref<1x8x128xf32, #tpu.memory_space<hbm>> -> memref<8x128xf32, #tpu.memory_space<hbm>>
    %dma_start3A_797 = arith.constant 0 : i32
    %dma_start3A_798 = tpu.memref_slice %arg7[%arg0, %add3A_774, %dma_start3A_797] : memref<2x10112x128xf32, #tpu.memory_space<hbm>> -> memref<1x8x128xf32, #tpu.memory_space<hbm>>
    %dma_start3A_799 = tpu.memref_squeeze %dma_start3A_798 : memref<1x8x128xf32, #tpu.memory_space<hbm>> -> memref<8x128xf32, #tpu.memory_space<hbm>>
    %dma_start3A_800 = arith.constant 0 : i32
    %dma_start3A_801 = arith.constant 0 : i32
    %dma_start3A_802 = tpu.memref_slice %arg16[%dma_start3A_800, %dma_start3A_801] : memref<48x128xf32, #tpu.memory_space<vmem>> -> memref<8x128xf32, #tpu.memory_space<vmem>>
    tpu.enqueue_dma source(%dma_start3A_802 : memref<8x128xf32, #tpu.memory_space<vmem>>) target(%dma_start3A_799 : memref<8x128xf32, #tpu.memory_space<hbm>>) target_semaphore(%arg29 : memref<!tpu.dma_semaphore, #tpu.memory_space<semaphore_mem>>)
    %mul3A_803 = arith.constant 632 : i32
    %mul3A_804 = arith.muli %arg1, %mul3A_803 : i32
    %add3A_805 = arith.constant 624 : i32
    %add3A_806 = arith.addi %mul3A_804, %add3A_805 : i32
    %dma_wait3A_807 = arith.constant 0 : i32
    %dma_wait3A_808 = arith.constant 0 : i32
    %dma_wait3A_809 = tpu.memref_slice %arg16[%dma_wait3A_807, %dma_wait3A_808] : memref<48x128xf32, #tpu.memory_space<vmem>> -> memref<8x128xf32, #tpu.memory_space<vmem>>
    %dma_wait3A_810 = arith.constant 0 : i32
    %dma_wait3A_811 = tpu.memref_slice %arg7[%arg0, %add3A_806, %dma_wait3A_810] : memref<2x10112x128xf32, #tpu.memory_space<hbm>> -> memref<1x8x128xf32, #tpu.memory_space<hbm>>
    %dma_wait3A_812 = tpu.memref_squeeze %dma_wait3A_811 : memref<1x8x128xf32, #tpu.memory_space<hbm>> -> memref<8x128xf32, #tpu.memory_space<hbm>>
    %dma_wait3A_813 = arith.constant 0 : i32
    %dma_wait3A_814 = tpu.memref_slice %arg7[%arg0, %add3A_806, %dma_wait3A_813] : memref<2x10112x128xf32, #tpu.memory_space<hbm>> -> memref<1x8x128xf32, #tpu.memory_space<hbm>>
    %dma_wait3A_815 = tpu.memref_squeeze %dma_wait3A_814 : memref<1x8x128xf32, #tpu.memory_space<hbm>> -> memref<8x128xf32, #tpu.memory_space<hbm>>
    %dma_wait3A_816 = arith.constant 0 : i32
    %dma_wait3A_817 = arith.constant 0 : i32
    %dma_wait3A_818 = tpu.memref_slice %arg16[%dma_wait3A_816, %dma_wait3A_817] : memref<48x128xf32, #tpu.memory_space<vmem>> -> memref<8x128xf32, #tpu.memory_space<vmem>>
    tpu.wait_dma2 semaphore(%arg29 : memref<!tpu.dma_semaphore, #tpu.memory_space<semaphore_mem>>) src(%dma_wait3A_818 : memref<8x128xf32, #tpu.memory_space<vmem>>) dst(%dma_wait3A_815 : memref<8x128xf32, #tpu.memory_space<hbm>>)
    return
  }
}

#map = affine_map<(d0, d1) -> (0)>
#map1 = affine_map<(d0, d1) -> (0, 0)>
module attributes {stable_mosaic.version = 14 : i64} {
  func.func @pass_a(%arg0: i32, %arg1: i32, %arg2: memref<320000xi32, #tpu.memory_space<hbm>>, %arg3: memref<10000x128xf32, #tpu.memory_space<hbm>>, %arg4: memref<320000x128xf32, #tpu.memory_space<hbm>>, %arg5: memref<8192xf32, #tpu.memory_space<hbm>>, %arg6: memref<200xi32, #tpu.memory_space<vmem>>, %arg7: memref<200xi32, #tpu.memory_space<vmem>>, %arg8: memref<200x128xf32, #tpu.memory_space<vmem>>, %arg9: memref<200x128xf32, #tpu.memory_space<vmem>>, %arg10: memref<200x128xf32, #tpu.memory_space<vmem>>, %arg11: memref<200x128xf32, #tpu.memory_space<vmem>>, %arg12: memref<8x128xf32, #tpu.memory_space<vmem>>, %arg13: memref<8x128xf32, #tpu.memory_space<vmem>>, %arg14: memref<8xi32, #tpu.memory_space<vmem>>, %arg15: memref<256xf32, #tpu.memory_space<vmem>>, %arg16: memref<!tpu.dma_semaphore, #tpu.memory_space<semaphore_mem>>, %arg17: memref<!tpu.dma_semaphore, #tpu.memory_space<semaphore_mem>>, %arg18: memref<!tpu.dma_semaphore, #tpu.memory_space<semaphore_mem>>, %arg19: memref<!tpu.dma_semaphore, #tpu.memory_space<semaphore_mem>>) attributes {dimension_semantics = [#tpu.dimension_semantics<core_parallel>, #tpu.dimension_semantics<subcore_parallel>], iteration_bounds = array<i64: 2, 16>, scalar_prefetch = 0 : i64, scratch_operands = 14 : i64, tpu.core_type = #tpu.core_type<sc_vector_subcore>, window_params = [{transform_indices = #map}, {transform_indices = #map1}, {transform_indices = #map1}, {transform_indices = #map}]} {
    %mul3A = arith.constant 2 : i32
    %mul3A_0 = arith.muli %arg1, %mul3A : i32
    %add3A = arith.addi %mul3A_0, %arg0 : i32
    %mul3A_1 = arith.constant 10000 : i32
    %mul3A_2 = arith.muli %add3A, %mul3A_1 : i32
    %broadcast_in_dim3A = arith.constant 0.000000e+00 : f32
    %broadcast_in_dim3A_3 = vector.broadcast %broadcast_in_dim3A : f32 to vector<16xf32>
    %add3A_4 = arith.constant 0 : i32
    %add3A_5 = arith.addi %mul3A_2, %add3A_4 : i32
    %dma_start3A = tpu.memref_slice %arg2[%add3A_5] : memref<320000xi32, #tpu.memory_space<hbm>> -> memref<200xi32, #tpu.memory_space<hbm>>
    %dma_start3A_6 = tpu.memref_slice %arg2[%add3A_5] : memref<320000xi32, #tpu.memory_space<hbm>> -> memref<200xi32, #tpu.memory_space<hbm>>
    tpu.enqueue_dma source(%dma_start3A_6 : memref<200xi32, #tpu.memory_space<hbm>>) target(%arg6 : memref<200xi32, #tpu.memory_space<vmem>>) target_semaphore(%arg16 : memref<!tpu.dma_semaphore, #tpu.memory_space<semaphore_mem>>)
    %add3A_7 = arith.constant 0 : i32
    %add3A_8 = arith.addi %mul3A_2, %add3A_7 : i32
    %dma_wait3A = tpu.memref_slice %arg2[%add3A_8] : memref<320000xi32, #tpu.memory_space<hbm>> -> memref<200xi32, #tpu.memory_space<hbm>>
    %dma_wait3A_9 = tpu.memref_slice %arg2[%add3A_8] : memref<320000xi32, #tpu.memory_space<hbm>> -> memref<200xi32, #tpu.memory_space<hbm>>
    tpu.wait_dma2 semaphore(%arg16 : memref<!tpu.dma_semaphore, #tpu.memory_space<semaphore_mem>>) src(%dma_wait3A_9 : memref<200xi32, #tpu.memory_space<hbm>>) dst(%arg6 : memref<200xi32, #tpu.memory_space<vmem>>)
    %dma_start3A_10 = arith.constant 0 : i32
    %dma_start3A_11 = arith.constant 0 : i32
    %dma_start3A_12 = tpu.memref_slice %arg3[%dma_start3A_10, %dma_start3A_11] : memref<10000x128xf32, #tpu.memory_space<hbm>> -> memref<10000x128xf32, #tpu.memory_space<hbm>>
    tpu.enqueue_indirect_dma source(%dma_start3A_12 : memref<10000x128xf32, #tpu.memory_space<hbm>>) target(%arg8 : memref<200x128xf32, #tpu.memory_space<vmem>>) offsets(%arg6 : memref<200xi32, #tpu.memory_space<vmem>>) semaphore(%arg18 : memref<!tpu.dma_semaphore, #tpu.memory_space<semaphore_mem>>)
    %add3A_13 = arith.constant 0 : i32
    %add3A_14 = arith.addi %mul3A_2, %add3A_13 : i32
    %dma_start3A_15 = arith.constant 0 : i32
    %dma_start3A_16 = tpu.memref_slice %arg4[%add3A_14, %dma_start3A_15] : memref<320000x128xf32, #tpu.memory_space<hbm>> -> memref<200x128xf32, #tpu.memory_space<hbm>>
    %dma_start3A_17 = arith.constant 0 : i32
    %dma_start3A_18 = tpu.memref_slice %arg4[%add3A_14, %dma_start3A_17] : memref<320000x128xf32, #tpu.memory_space<hbm>> -> memref<200x128xf32, #tpu.memory_space<hbm>>
    tpu.enqueue_dma source(%dma_start3A_18 : memref<200x128xf32, #tpu.memory_space<hbm>>) target(%arg10 : memref<200x128xf32, #tpu.memory_space<vmem>>) target_semaphore(%arg18 : memref<!tpu.dma_semaphore, #tpu.memory_space<semaphore_mem>>)
    %add3A_19 = arith.constant 200 : i32
    %add3A_20 = arith.addi %mul3A_2, %add3A_19 : i32
    %dma_start3A_21 = tpu.memref_slice %arg2[%add3A_20] : memref<320000xi32, #tpu.memory_space<hbm>> -> memref<200xi32, #tpu.memory_space<hbm>>
    %dma_start3A_22 = tpu.memref_slice %arg2[%add3A_20] : memref<320000xi32, #tpu.memory_space<hbm>> -> memref<200xi32, #tpu.memory_space<hbm>>
    tpu.enqueue_dma source(%dma_start3A_22 : memref<200xi32, #tpu.memory_space<hbm>>) target(%arg7 : memref<200xi32, #tpu.memory_space<vmem>>) target_semaphore(%arg17 : memref<!tpu.dma_semaphore, #tpu.memory_space<semaphore_mem>>)
    %scan3A = arith.constant 0 : i32
    %scan3A_23 = arith.constant 24 : i32
    %scan3A_24 = arith.addi %scan3A, %scan3A_23 : i32
    %scan3A_25 = arith.constant 1 : i32
    %scan3A_26:16 = scf.for %scan3A_138 = %scan3A to %scan3A_24 step %scan3A_25 iter_args(%scan3A_139 = %broadcast_in_dim3A_3, %scan3A_140 = %broadcast_in_dim3A_3, %scan3A_141 = %broadcast_in_dim3A_3, %scan3A_142 = %broadcast_in_dim3A_3, %scan3A_143 = %broadcast_in_dim3A_3, %scan3A_144 = %broadcast_in_dim3A_3, %scan3A_145 = %broadcast_in_dim3A_3, %scan3A_146 = %broadcast_in_dim3A_3, %scan3A_147 = %broadcast_in_dim3A_3, %scan3A_148 = %broadcast_in_dim3A_3, %scan3A_149 = %broadcast_in_dim3A_3, %scan3A_150 = %broadcast_in_dim3A_3, %scan3A_151 = %broadcast_in_dim3A_3, %scan3A_152 = %broadcast_in_dim3A_3, %scan3A_153 = %broadcast_in_dim3A_3, %scan3A_154 = %broadcast_in_dim3A_3) -> (vector<16xf32>, vector<16xf32>, vector<16xf32>, vector<16xf32>, vector<16xf32>, vector<16xf32>, vector<16xf32>, vector<16xf32>, vector<16xf32>, vector<16xf32>, vector<16xf32>, vector<16xf32>, vector<16xf32>, vector<16xf32>, vector<16xf32>, vector<16xf32>)  : i32 {
      %mul3A_155 = arith.constant 2 : i32
      %mul3A_156 = arith.muli %mul3A_155, %scan3A_138 : i32
      %add3A_157 = arith.constant 0 : i32
      %add3A_158 = arith.addi %mul3A_156, %add3A_157 : i32
      %add3A_159 = arith.constant 1 : i32
      %add3A_160 = arith.addi %add3A_158, %add3A_159 : i32
      %mul3A_161 = arith.constant 200 : i32
      %mul3A_162 = arith.muli %add3A_160, %mul3A_161 : i32
      %add3A_163 = arith.addi %mul3A_2, %mul3A_162 : i32
      %dma_wait3A_164 = tpu.memref_slice %arg2[%add3A_163] : memref<320000xi32, #tpu.memory_space<hbm>> -> memref<200xi32, #tpu.memory_space<hbm>>
      %dma_wait3A_165 = tpu.memref_slice %arg2[%add3A_163] : memref<320000xi32, #tpu.memory_space<hbm>> -> memref<200xi32, #tpu.memory_space<hbm>>
      tpu.wait_dma2 semaphore(%arg17 : memref<!tpu.dma_semaphore, #tpu.memory_space<semaphore_mem>>) src(%dma_wait3A_165 : memref<200xi32, #tpu.memory_space<hbm>>) dst(%arg7 : memref<200xi32, #tpu.memory_space<vmem>>)
      %add3A_166 = arith.constant 1 : i32
      %add3A_167 = arith.addi %add3A_158, %add3A_166 : i32
      %dma_start3A_168 = arith.constant 0 : i32
      %dma_start3A_169 = arith.constant 0 : i32
      %dma_start3A_170 = tpu.memref_slice %arg3[%dma_start3A_168, %dma_start3A_169] : memref<10000x128xf32, #tpu.memory_space<hbm>> -> memref<10000x128xf32, #tpu.memory_space<hbm>>
      tpu.enqueue_indirect_dma source(%dma_start3A_170 : memref<10000x128xf32, #tpu.memory_space<hbm>>) target(%arg9 : memref<200x128xf32, #tpu.memory_space<vmem>>) offsets(%arg7 : memref<200xi32, #tpu.memory_space<vmem>>) semaphore(%arg19 : memref<!tpu.dma_semaphore, #tpu.memory_space<semaphore_mem>>)
      %mul3A_171 = arith.constant 200 : i32
      %mul3A_172 = arith.muli %add3A_167, %mul3A_171 : i32
      %add3A_173 = arith.addi %mul3A_2, %mul3A_172 : i32
      %dma_start3A_174 = arith.constant 0 : i32
      %dma_start3A_175 = tpu.memref_slice %arg4[%add3A_173, %dma_start3A_174] : memref<320000x128xf32, #tpu.memory_space<hbm>> -> memref<200x128xf32, #tpu.memory_space<hbm>>
      %dma_start3A_176 = arith.constant 0 : i32
      %dma_start3A_177 = tpu.memref_slice %arg4[%add3A_173, %dma_start3A_176] : memref<320000x128xf32, #tpu.memory_space<hbm>> -> memref<200x128xf32, #tpu.memory_space<hbm>>
      tpu.enqueue_dma source(%dma_start3A_177 : memref<200x128xf32, #tpu.memory_space<hbm>>) target(%arg11 : memref<200x128xf32, #tpu.memory_space<vmem>>) target_semaphore(%arg19 : memref<!tpu.dma_semaphore, #tpu.memory_space<semaphore_mem>>)
      %dma_wait3A_178 = arith.constant 0 : i32
      %dma_wait3A_179 = arith.constant 0 : i32
      %dma_wait3A_180 = tpu.memref_slice %arg3[%dma_wait3A_178, %dma_wait3A_179] : memref<10000x128xf32, #tpu.memory_space<hbm>> -> memref<10000x128xf32, #tpu.memory_space<hbm>>
      tpu.wait_indirect_dma semaphore(%arg18 : memref<!tpu.dma_semaphore, #tpu.memory_space<semaphore_mem>>) src(%dma_wait3A_180 : memref<10000x128xf32, #tpu.memory_space<hbm>>) dst(%arg8 : memref<200x128xf32, #tpu.memory_space<vmem>>)
      %mul3A_181 = arith.constant 200 : i32
      %mul3A_182 = arith.muli %add3A_158, %mul3A_181 : i32
      %add3A_183 = arith.addi %mul3A_2, %mul3A_182 : i32
      %dma_wait3A_184 = arith.constant 0 : i32
      %dma_wait3A_185 = tpu.memref_slice %arg4[%add3A_183, %dma_wait3A_184] : memref<320000x128xf32, #tpu.memory_space<hbm>> -> memref<200x128xf32, #tpu.memory_space<hbm>>
      %dma_wait3A_186 = arith.constant 0 : i32
      %dma_wait3A_187 = tpu.memref_slice %arg4[%add3A_183, %dma_wait3A_186] : memref<320000x128xf32, #tpu.memory_space<hbm>> -> memref<200x128xf32, #tpu.memory_space<hbm>>
      tpu.wait_dma2 semaphore(%arg18 : memref<!tpu.dma_semaphore, #tpu.memory_space<semaphore_mem>>) src(%dma_wait3A_187 : memref<200x128xf32, #tpu.memory_space<hbm>>) dst(%arg10 : memref<200x128xf32, #tpu.memory_space<vmem>>)
      %add3A_188 = arith.constant 2 : i32
      %add3A_189 = arith.addi %add3A_158, %add3A_188 : i32
      %mul3A_190 = arith.constant 200 : i32
      %mul3A_191 = arith.muli %add3A_189, %mul3A_190 : i32
      %add3A_192 = arith.addi %mul3A_2, %mul3A_191 : i32
      %dma_start3A_193 = tpu.memref_slice %arg2[%add3A_192] : memref<320000xi32, #tpu.memory_space<hbm>> -> memref<200xi32, #tpu.memory_space<hbm>>
      %dma_start3A_194 = tpu.memref_slice %arg2[%add3A_192] : memref<320000xi32, #tpu.memory_space<hbm>> -> memref<200xi32, #tpu.memory_space<hbm>>
      tpu.enqueue_dma source(%dma_start3A_194 : memref<200xi32, #tpu.memory_space<hbm>>) target(%arg6 : memref<200xi32, #tpu.memory_space<vmem>>) target_semaphore(%arg16 : memref<!tpu.dma_semaphore, #tpu.memory_space<semaphore_mem>>)
      %scan3A_195 = arith.constant 0 : i32
      %scan3A_196 = arith.constant 200 : i32
      %scan3A_197 = arith.addi %scan3A_195, %scan3A_196 : i32
      %scan3A_198 = arith.constant 1 : i32
      %scan3A_199:16 = scf.for %scan3A_247 = %scan3A_195 to %scan3A_197 step %scan3A_198 iter_args(%scan3A_248 = %scan3A_139, %scan3A_249 = %scan3A_140, %scan3A_250 = %scan3A_141, %scan3A_251 = %scan3A_142, %scan3A_252 = %scan3A_143, %scan3A_253 = %scan3A_144, %scan3A_254 = %scan3A_145, %scan3A_255 = %scan3A_146, %scan3A_256 = %scan3A_147, %scan3A_257 = %scan3A_148, %scan3A_258 = %scan3A_149, %scan3A_259 = %scan3A_150, %scan3A_260 = %scan3A_151, %scan3A_261 = %scan3A_152, %scan3A_262 = %scan3A_153, %scan3A_263 = %scan3A_154) -> (vector<16xf32>, vector<16xf32>, vector<16xf32>, vector<16xf32>, vector<16xf32>, vector<16xf32>, vector<16xf32>, vector<16xf32>, vector<16xf32>, vector<16xf32>, vector<16xf32>, vector<16xf32>, vector<16xf32>, vector<16xf32>, vector<16xf32>, vector<16xf32>)  : i32 {
        %get3A = arith.index_cast %scan3A_247 : i32 to index
        %get3A_264 = arith.constant 0 : index
        %get3A_265 = tpu.vector_load %arg8[%get3A, %get3A_264] {strides = array<i32>} : memref<200x128xf32, #tpu.memory_space<vmem>>, vector<1x16xf32>,
        %get3A_266 = vector.shape_cast %get3A_265 : vector<1x16xf32> to vector<16xf32>
        %get3A_267 = arith.index_cast %scan3A_247 : i32 to index
        %get3A_268 = arith.constant 0 : index
        %get3A_269 = tpu.vector_load %arg10[%get3A_267, %get3A_268] {strides = array<i32>} : memref<200x128xf32, #tpu.memory_space<vmem>>, vector<1x16xf32>,
        %get3A_270 = vector.shape_cast %get3A_269 : vector<1x16xf32> to vector<16xf32>
        %add3A_271 = arith.addf %get3A_266, %get3A_270 : vector<16xf32>
        %add3A_272 = arith.addf %scan3A_248, %add3A_271 : vector<16xf32>
        %mul3A_273 = arith.mulf %add3A_271, %add3A_271 : vector<16xf32>
        %add3A_274 = arith.addf %scan3A_256, %mul3A_273 : vector<16xf32>
        %get3A_275 = arith.index_cast %scan3A_247 : i32 to index
        %get3A_276 = arith.constant 16 : index
        %get3A_277 = tpu.vector_load %arg8[%get3A_275, %get3A_276] {strides = array<i32>} : memref<200x128xf32, #tpu.memory_space<vmem>>, vector<1x16xf32>,
        %get3A_278 = vector.shape_cast %get3A_277 : vector<1x16xf32> to vector<16xf32>
        %get3A_279 = arith.index_cast %scan3A_247 : i32 to index
        %get3A_280 = arith.constant 16 : index
        %get3A_281 = tpu.vector_load %arg10[%get3A_279, %get3A_280] {strides = array<i32>} : memref<200x128xf32, #tpu.memory_space<vmem>>, vector<1x16xf32>,
        %get3A_282 = vector.shape_cast %get3A_281 : vector<1x16xf32> to vector<16xf32>
        %add3A_283 = arith.addf %get3A_278, %get3A_282 : vector<16xf32>
        %add3A_284 = arith.addf %scan3A_249, %add3A_283 : vector<16xf32>
        %mul3A_285 = arith.mulf %add3A_283, %add3A_283 : vector<16xf32>
        %add3A_286 = arith.addf %scan3A_257, %mul3A_285 : vector<16xf32>
        %get3A_287 = arith.index_cast %scan3A_247 : i32 to index
        %get3A_288 = arith.constant 32 : index
        %get3A_289 = tpu.vector_load %arg8[%get3A_287, %get3A_288] {strides = array<i32>} : memref<200x128xf32, #tpu.memory_space<vmem>>, vector<1x16xf32>,
        %get3A_290 = vector.shape_cast %get3A_289 : vector<1x16xf32> to vector<16xf32>
        %get3A_291 = arith.index_cast %scan3A_247 : i32 to index
        %get3A_292 = arith.constant 32 : index
        %get3A_293 = tpu.vector_load %arg10[%get3A_291, %get3A_292] {strides = array<i32>} : memref<200x128xf32, #tpu.memory_space<vmem>>, vector<1x16xf32>,
        %get3A_294 = vector.shape_cast %get3A_293 : vector<1x16xf32> to vector<16xf32>
        %add3A_295 = arith.addf %get3A_290, %get3A_294 : vector<16xf32>
        %add3A_296 = arith.addf %scan3A_250, %add3A_295 : vector<16xf32>
        %mul3A_297 = arith.mulf %add3A_295, %add3A_295 : vector<16xf32>
        %add3A_298 = arith.addf %scan3A_258, %mul3A_297 : vector<16xf32>
        %get3A_299 = arith.index_cast %scan3A_247 : i32 to index
        %get3A_300 = arith.constant 48 : index
        %get3A_301 = tpu.vector_load %arg8[%get3A_299, %get3A_300] {strides = array<i32>} : memref<200x128xf32, #tpu.memory_space<vmem>>, vector<1x16xf32>,
        %get3A_302 = vector.shape_cast %get3A_301 : vector<1x16xf32> to vector<16xf32>
        %get3A_303 = arith.index_cast %scan3A_247 : i32 to index
        %get3A_304 = arith.constant 48 : index
        %get3A_305 = tpu.vector_load %arg10[%get3A_303, %get3A_304] {strides = array<i32>} : memref<200x128xf32, #tpu.memory_space<vmem>>, vector<1x16xf32>,
        %get3A_306 = vector.shape_cast %get3A_305 : vector<1x16xf32> to vector<16xf32>
        %add3A_307 = arith.addf %get3A_302, %get3A_306 : vector<16xf32>
        %add3A_308 = arith.addf %scan3A_251, %add3A_307 : vector<16xf32>
        %mul3A_309 = arith.mulf %add3A_307, %add3A_307 : vector<16xf32>
        %add3A_310 = arith.addf %scan3A_259, %mul3A_309 : vector<16xf32>
        %get3A_311 = arith.index_cast %scan3A_247 : i32 to index
        %get3A_312 = arith.constant 64 : index
        %get3A_313 = tpu.vector_load %arg8[%get3A_311, %get3A_312] {strides = array<i32>} : memref<200x128xf32, #tpu.memory_space<vmem>>, vector<1x16xf32>,
        %get3A_314 = vector.shape_cast %get3A_313 : vector<1x16xf32> to vector<16xf32>
        %get3A_315 = arith.index_cast %scan3A_247 : i32 to index
        %get3A_316 = arith.constant 64 : index
        %get3A_317 = tpu.vector_load %arg10[%get3A_315, %get3A_316] {strides = array<i32>} : memref<200x128xf32, #tpu.memory_space<vmem>>, vector<1x16xf32>,
        %get3A_318 = vector.shape_cast %get3A_317 : vector<1x16xf32> to vector<16xf32>
        %add3A_319 = arith.addf %get3A_314, %get3A_318 : vector<16xf32>
        %add3A_320 = arith.addf %scan3A_252, %add3A_319 : vector<16xf32>
        %mul3A_321 = arith.mulf %add3A_319, %add3A_319 : vector<16xf32>
        %add3A_322 = arith.addf %scan3A_260, %mul3A_321 : vector<16xf32>
        %get3A_323 = arith.index_cast %scan3A_247 : i32 to index
        %get3A_324 = arith.constant 80 : index
        %get3A_325 = tpu.vector_load %arg8[%get3A_323, %get3A_324] {strides = array<i32>} : memref<200x128xf32, #tpu.memory_space<vmem>>, vector<1x16xf32>,
        %get3A_326 = vector.shape_cast %get3A_325 : vector<1x16xf32> to vector<16xf32>
        %get3A_327 = arith.index_cast %scan3A_247 : i32 to index
        %get3A_328 = arith.constant 80 : index
        %get3A_329 = tpu.vector_load %arg10[%get3A_327, %get3A_328] {strides = array<i32>} : memref<200x128xf32, #tpu.memory_space<vmem>>, vector<1x16xf32>,
        %get3A_330 = vector.shape_cast %get3A_329 : vector<1x16xf32> to vector<16xf32>
        %add3A_331 = arith.addf %get3A_326, %get3A_330 : vector<16xf32>
        %add3A_332 = arith.addf %scan3A_253, %add3A_331 : vector<16xf32>
        %mul3A_333 = arith.mulf %add3A_331, %add3A_331 : vector<16xf32>
        %add3A_334 = arith.addf %scan3A_261, %mul3A_333 : vector<16xf32>
        %get3A_335 = arith.index_cast %scan3A_247 : i32 to index
        %get3A_336 = arith.constant 96 : index
        %get3A_337 = tpu.vector_load %arg8[%get3A_335, %get3A_336] {strides = array<i32>} : memref<200x128xf32, #tpu.memory_space<vmem>>, vector<1x16xf32>,
        %get3A_338 = vector.shape_cast %get3A_337 : vector<1x16xf32> to vector<16xf32>
        %get3A_339 = arith.index_cast %scan3A_247 : i32 to index
        %get3A_340 = arith.constant 96 : index
        %get3A_341 = tpu.vector_load %arg10[%get3A_339, %get3A_340] {strides = array<i32>} : memref<200x128xf32, #tpu.memory_space<vmem>>, vector<1x16xf32>,
        %get3A_342 = vector.shape_cast %get3A_341 : vector<1x16xf32> to vector<16xf32>
        %add3A_343 = arith.addf %get3A_338, %get3A_342 : vector<16xf32>
        %add3A_344 = arith.addf %scan3A_254, %add3A_343 : vector<16xf32>
        %mul3A_345 = arith.mulf %add3A_343, %add3A_343 : vector<16xf32>
        %add3A_346 = arith.addf %scan3A_262, %mul3A_345 : vector<16xf32>
        %get3A_347 = arith.index_cast %scan3A_247 : i32 to index
        %get3A_348 = arith.constant 112 : index
        %get3A_349 = tpu.vector_load %arg8[%get3A_347, %get3A_348] {strides = array<i32>} : memref<200x128xf32, #tpu.memory_space<vmem>>, vector<1x16xf32>,
        %get3A_350 = vector.shape_cast %get3A_349 : vector<1x16xf32> to vector<16xf32>
        %get3A_351 = arith.index_cast %scan3A_247 : i32 to index
        %get3A_352 = arith.constant 112 : index
        %get3A_353 = tpu.vector_load %arg10[%get3A_351, %get3A_352] {strides = array<i32>} : memref<200x128xf32, #tpu.memory_space<vmem>>, vector<1x16xf32>,
        %get3A_354 = vector.shape_cast %get3A_353 : vector<1x16xf32> to vector<16xf32>
        %add3A_355 = arith.addf %get3A_350, %get3A_354 : vector<16xf32>
        %add3A_356 = arith.addf %scan3A_255, %add3A_355 : vector<16xf32>
        %mul3A_357 = arith.mulf %add3A_355, %add3A_355 : vector<16xf32>
        %add3A_358 = arith.addf %scan3A_263, %mul3A_357 : vector<16xf32>
        scf.yield %add3A_272, %add3A_284, %add3A_296, %add3A_308, %add3A_320, %add3A_332, %add3A_344, %add3A_356, %add3A_274, %add3A_286, %add3A_298, %add3A_310, %add3A_322, %add3A_334, %add3A_346, %add3A_358 : vector<16xf32>, vector<16xf32>, vector<16xf32>, vector<16xf32>, vector<16xf32>, vector<16xf32>, vector<16xf32>, vector<16xf32>, vector<16xf32>, vector<16xf32>, vector<16xf32>, vector<16xf32>, vector<16xf32>, vector<16xf32>, vector<16xf32>, vector<16xf32>
      }
      %scan3A_200 = arith.constant 200 : i32
      %mul3A_201 = arith.constant 2 : i32
      %mul3A_202 = arith.muli %mul3A_201, %scan3A_138 : i32
      %add3A_203 = arith.constant 1 : i32
      %add3A_204 = arith.addi %mul3A_202, %add3A_203 : i32
      %add3A_205 = arith.constant 1 : i32
      %add3A_206 = arith.addi %add3A_204, %add3A_205 : i32
      %mul3A_207 = arith.constant 200 : i32
      %mul3A_208 = arith.muli %add3A_206, %mul3A_207 : i32
      %add3A_209 = arith.addi %mul3A_2, %mul3A_208 : i32
      %dma_wait3A_210 = tpu.memref_slice %arg2[%add3A_209] : memref<320000xi32, #tpu.memory_space<hbm>> -> memref<200xi32, #tpu.memory_space<hbm>>
      %dma_wait3A_211 = tpu.memref_slice %arg2[%add3A_209] : memref<320000xi32, #tpu.memory_space<hbm>> -> memref<200xi32, #tpu.memory_space<hbm>>
      tpu.wait_dma2 semaphore(%arg16 : memref<!tpu.dma_semaphore, #tpu.memory_space<semaphore_mem>>) src(%dma_wait3A_211 : memref<200xi32, #tpu.memory_space<hbm>>) dst(%arg6 : memref<200xi32, #tpu.memory_space<vmem>>)
      %add3A_212 = arith.constant 1 : i32
      %add3A_213 = arith.addi %add3A_204, %add3A_212 : i32
      %dma_start3A_214 = arith.constant 0 : i32
      %dma_start3A_215 = arith.constant 0 : i32
      %dma_start3A_216 = tpu.memref_slice %arg3[%dma_start3A_214, %dma_start3A_215] : memref<10000x128xf32, #tpu.memory_space<hbm>> -> memref<10000x128xf32, #tpu.memory_space<hbm>>
      tpu.enqueue_indirect_dma source(%dma_start3A_216 : memref<10000x128xf32, #tpu.memory_space<hbm>>) target(%arg8 : memref<200x128xf32, #tpu.memory_space<vmem>>) offsets(%arg6 : memref<200xi32, #tpu.memory_space<vmem>>) semaphore(%arg18 : memref<!tpu.dma_semaphore, #tpu.memory_space<semaphore_mem>>)
      %mul3A_217 = arith.constant 200 : i32
      %mul3A_218 = arith.muli %add3A_213, %mul3A_217 : i32
      %add3A_219 = arith.addi %mul3A_2, %mul3A_218 : i32
      %dma_start3A_220 = arith.constant 0 : i32
      %dma_start3A_221 = tpu.memref_slice %arg4[%add3A_219, %dma_start3A_220] : memref<320000x128xf32, #tpu.memory_space<hbm>> -> memref<200x128xf32, #tpu.memory_space<hbm>>
      %dma_start3A_222 = arith.constant 0 : i32
      %dma_start3A_223 = tpu.memref_slice %arg4[%add3A_219, %dma_start3A_222] : memref<320000x128xf32, #tpu.memory_space<hbm>> -> memref<200x128xf32, #tpu.memory_space<hbm>>
      tpu.enqueue_dma source(%dma_start3A_223 : memref<200x128xf32, #tpu.memory_space<hbm>>) target(%arg10 : memref<200x128xf32, #tpu.memory_space<vmem>>) target_semaphore(%arg18 : memref<!tpu.dma_semaphore, #tpu.memory_space<semaphore_mem>>)
      %dma_wait3A_224 = arith.constant 0 : i32
      %dma_wait3A_225 = arith.constant 0 : i32
      %dma_wait3A_226 = tpu.memref_slice %arg3[%dma_wait3A_224, %dma_wait3A_225] : memref<10000x128xf32, #tpu.memory_space<hbm>> -> memref<10000x128xf32, #tpu.memory_space<hbm>>
      tpu.wait_indirect_dma semaphore(%arg19 : memref<!tpu.dma_semaphore, #tpu.memory_space<semaphore_mem>>) src(%dma_wait3A_226 : memref<10000x128xf32, #tpu.memory_space<hbm>>) dst(%arg9 : memref<200x128xf32, #tpu.memory_space<vmem>>)
      %mul3A_227 = arith.constant 200 : i32
      %mul3A_228 = arith.muli %add3A_204, %mul3A_227 : i32
      %add3A_229 = arith.addi %mul3A_2, %mul3A_228 : i32
      %dma_wait3A_230 = arith.constant 0 : i32
      %dma_wait3A_231 = tpu.memref_slice %arg4[%add3A_229, %dma_wait3A_230] : memref<320000x128xf32, #tpu.memory_space<hbm>> -> memref<200x128xf32, #tpu.memory_space<hbm>>
      %dma_wait3A_232 = arith.constant 0 : i32
      %dma_wait3A_233 = tpu.memref_slice %arg4[%add3A_229, %dma_wait3A_232] : memref<320000x128xf32, #tpu.memory_space<hbm>> -> memref<200x128xf32, #tpu.memory_space<hbm>>
      tpu.wait_dma2 semaphore(%arg19 : memref<!tpu.dma_semaphore, #tpu.memory_space<semaphore_mem>>) src(%dma_wait3A_233 : memref<200x128xf32, #tpu.memory_space<hbm>>) dst(%arg11 : memref<200x128xf32, #tpu.memory_space<vmem>>)
      %add3A_234 = arith.constant 2 : i32
      %add3A_235 = arith.addi %add3A_204, %add3A_234 : i32
      %mul3A_236 = arith.constant 200 : i32
      %mul3A_237 = arith.muli %add3A_235, %mul3A_236 : i32
      %add3A_238 = arith.addi %mul3A_2, %mul3A_237 : i32
      %dma_start3A_239 = tpu.memref_slice %arg2[%add3A_238] : memref<320000xi32, #tpu.memory_space<hbm>> -> memref<200xi32, #tpu.memory_space<hbm>>
      %dma_start3A_240 = tpu.memref_slice %arg2[%add3A_238] : memref<320000xi32, #tpu.memory_space<hbm>> -> memref<200xi32, #tpu.memory_space<hbm>>
      tpu.enqueue_dma source(%dma_start3A_240 : memref<200xi32, #tpu.memory_space<hbm>>) target(%arg7 : memref<200xi32, #tpu.memory_space<vmem>>) target_semaphore(%arg17 : memref<!tpu.dma_semaphore, #tpu.memory_space<semaphore_mem>>)
      %scan3A_241 = arith.constant 0 : i32
      %scan3A_242 = arith.constant 200 : i32
      %scan3A_243 = arith.addi %scan3A_241, %scan3A_242 : i32
      %scan3A_244 = arith.constant 1 : i32
      %scan3A_245:16 = scf.for %scan3A_247 = %scan3A_241 to %scan3A_243 step %scan3A_244 iter_args(%scan3A_248 = %scan3A_199#0, %scan3A_249 = %scan3A_199#1, %scan3A_250 = %scan3A_199#2, %scan3A_251 = %scan3A_199#3, %scan3A_252 = %scan3A_199#4, %scan3A_253 = %scan3A_199#5, %scan3A_254 = %scan3A_199#6, %scan3A_255 = %scan3A_199#7, %scan3A_256 = %scan3A_199#8, %scan3A_257 = %scan3A_199#9, %scan3A_258 = %scan3A_199#10, %scan3A_259 = %scan3A_199#11, %scan3A_260 = %scan3A_199#12, %scan3A_261 = %scan3A_199#13, %scan3A_262 = %scan3A_199#14, %scan3A_263 = %scan3A_199#15) -> (vector<16xf32>, vector<16xf32>, vector<16xf32>, vector<16xf32>, vector<16xf32>, vector<16xf32>, vector<16xf32>, vector<16xf32>, vector<16xf32>, vector<16xf32>, vector<16xf32>, vector<16xf32>, vector<16xf32>, vector<16xf32>, vector<16xf32>, vector<16xf32>)  : i32 {
        %get3A = arith.index_cast %scan3A_247 : i32 to index
        %get3A_264 = arith.constant 0 : index
        %get3A_265 = tpu.vector_load %arg9[%get3A, %get3A_264] {strides = array<i32>} : memref<200x128xf32, #tpu.memory_space<vmem>>, vector<1x16xf32>,
        %get3A_266 = vector.shape_cast %get3A_265 : vector<1x16xf32> to vector<16xf32>
        %get3A_267 = arith.index_cast %scan3A_247 : i32 to index
        %get3A_268 = arith.constant 0 : index
        %get3A_269 = tpu.vector_load %arg11[%get3A_267, %get3A_268] {strides = array<i32>} : memref<200x128xf32, #tpu.memory_space<vmem>>, vector<1x16xf32>,
        %get3A_270 = vector.shape_cast %get3A_269 : vector<1x16xf32> to vector<16xf32>
        %add3A_271 = arith.addf %get3A_266, %get3A_270 : vector<16xf32>
        %add3A_272 = arith.addf %scan3A_248, %add3A_271 : vector<16xf32>
        %mul3A_273 = arith.mulf %add3A_271, %add3A_271 : vector<16xf32>
        %add3A_274 = arith.addf %scan3A_256, %mul3A_273 : vector<16xf32>
        %get3A_275 = arith.index_cast %scan3A_247 : i32 to index
        %get3A_276 = arith.constant 16 : index
        %get3A_277 = tpu.vector_load %arg9[%get3A_275, %get3A_276] {strides = array<i32>} : memref<200x128xf32, #tpu.memory_space<vmem>>, vector<1x16xf32>,
        %get3A_278 = vector.shape_cast %get3A_277 : vector<1x16xf32> to vector<16xf32>
        %get3A_279 = arith.index_cast %scan3A_247 : i32 to index
        %get3A_280 = arith.constant 16 : index
        %get3A_281 = tpu.vector_load %arg11[%get3A_279, %get3A_280] {strides = array<i32>} : memref<200x128xf32, #tpu.memory_space<vmem>>, vector<1x16xf32>,
        %get3A_282 = vector.shape_cast %get3A_281 : vector<1x16xf32> to vector<16xf32>
        %add3A_283 = arith.addf %get3A_278, %get3A_282 : vector<16xf32>
        %add3A_284 = arith.addf %scan3A_249, %add3A_283 : vector<16xf32>
        %mul3A_285 = arith.mulf %add3A_283, %add3A_283 : vector<16xf32>
        %add3A_286 = arith.addf %scan3A_257, %mul3A_285 : vector<16xf32>
        %get3A_287 = arith.index_cast %scan3A_247 : i32 to index
        %get3A_288 = arith.constant 32 : index
        %get3A_289 = tpu.vector_load %arg9[%get3A_287, %get3A_288] {strides = array<i32>} : memref<200x128xf32, #tpu.memory_space<vmem>>, vector<1x16xf32>,
        %get3A_290 = vector.shape_cast %get3A_289 : vector<1x16xf32> to vector<16xf32>
        %get3A_291 = arith.index_cast %scan3A_247 : i32 to index
        %get3A_292 = arith.constant 32 : index
        %get3A_293 = tpu.vector_load %arg11[%get3A_291, %get3A_292] {strides = array<i32>} : memref<200x128xf32, #tpu.memory_space<vmem>>, vector<1x16xf32>,
        %get3A_294 = vector.shape_cast %get3A_293 : vector<1x16xf32> to vector<16xf32>
        %add3A_295 = arith.addf %get3A_290, %get3A_294 : vector<16xf32>
        %add3A_296 = arith.addf %scan3A_250, %add3A_295 : vector<16xf32>
        %mul3A_297 = arith.mulf %add3A_295, %add3A_295 : vector<16xf32>
        %add3A_298 = arith.addf %scan3A_258, %mul3A_297 : vector<16xf32>
        %get3A_299 = arith.index_cast %scan3A_247 : i32 to index
        %get3A_300 = arith.constant 48 : index
        %get3A_301 = tpu.vector_load %arg9[%get3A_299, %get3A_300] {strides = array<i32>} : memref<200x128xf32, #tpu.memory_space<vmem>>, vector<1x16xf32>,
        %get3A_302 = vector.shape_cast %get3A_301 : vector<1x16xf32> to vector<16xf32>
        %get3A_303 = arith.index_cast %scan3A_247 : i32 to index
        %get3A_304 = arith.constant 48 : index
        %get3A_305 = tpu.vector_load %arg11[%get3A_303, %get3A_304] {strides = array<i32>} : memref<200x128xf32, #tpu.memory_space<vmem>>, vector<1x16xf32>,
        %get3A_306 = vector.shape_cast %get3A_305 : vector<1x16xf32> to vector<16xf32>
        %add3A_307 = arith.addf %get3A_302, %get3A_306 : vector<16xf32>
        %add3A_308 = arith.addf %scan3A_251, %add3A_307 : vector<16xf32>
        %mul3A_309 = arith.mulf %add3A_307, %add3A_307 : vector<16xf32>
        %add3A_310 = arith.addf %scan3A_259, %mul3A_309 : vector<16xf32>
        %get3A_311 = arith.index_cast %scan3A_247 : i32 to index
        %get3A_312 = arith.constant 64 : index
        %get3A_313 = tpu.vector_load %arg9[%get3A_311, %get3A_312] {strides = array<i32>} : memref<200x128xf32, #tpu.memory_space<vmem>>, vector<1x16xf32>,
        %get3A_314 = vector.shape_cast %get3A_313 : vector<1x16xf32> to vector<16xf32>
        %get3A_315 = arith.index_cast %scan3A_247 : i32 to index
        %get3A_316 = arith.constant 64 : index
        %get3A_317 = tpu.vector_load %arg11[%get3A_315, %get3A_316] {strides = array<i32>} : memref<200x128xf32, #tpu.memory_space<vmem>>, vector<1x16xf32>,
        %get3A_318 = vector.shape_cast %get3A_317 : vector<1x16xf32> to vector<16xf32>
        %add3A_319 = arith.addf %get3A_314, %get3A_318 : vector<16xf32>
        %add3A_320 = arith.addf %scan3A_252, %add3A_319 : vector<16xf32>
        %mul3A_321 = arith.mulf %add3A_319, %add3A_319 : vector<16xf32>
        %add3A_322 = arith.addf %scan3A_260, %mul3A_321 : vector<16xf32>
        %get3A_323 = arith.index_cast %scan3A_247 : i32 to index
        %get3A_324 = arith.constant 80 : index
        %get3A_325 = tpu.vector_load %arg9[%get3A_323, %get3A_324] {strides = array<i32>} : memref<200x128xf32, #tpu.memory_space<vmem>>, vector<1x16xf32>,
        %get3A_326 = vector.shape_cast %get3A_325 : vector<1x16xf32> to vector<16xf32>
        %get3A_327 = arith.index_cast %scan3A_247 : i32 to index
        %get3A_328 = arith.constant 80 : index
        %get3A_329 = tpu.vector_load %arg11[%get3A_327, %get3A_328] {strides = array<i32>} : memref<200x128xf32, #tpu.memory_space<vmem>>, vector<1x16xf32>,
        %get3A_330 = vector.shape_cast %get3A_329 : vector<1x16xf32> to vector<16xf32>
        %add3A_331 = arith.addf %get3A_326, %get3A_330 : vector<16xf32>
        %add3A_332 = arith.addf %scan3A_253, %add3A_331 : vector<16xf32>
        %mul3A_333 = arith.mulf %add3A_331, %add3A_331 : vector<16xf32>
        %add3A_334 = arith.addf %scan3A_261, %mul3A_333 : vector<16xf32>
        %get3A_335 = arith.index_cast %scan3A_247 : i32 to index
        %get3A_336 = arith.constant 96 : index
        %get3A_337 = tpu.vector_load %arg9[%get3A_335, %get3A_336] {strides = array<i32>} : memref<200x128xf32, #tpu.memory_space<vmem>>, vector<1x16xf32>,
        %get3A_338 = vector.shape_cast %get3A_337 : vector<1x16xf32> to vector<16xf32>
        %get3A_339 = arith.index_cast %scan3A_247 : i32 to index
        %get3A_340 = arith.constant 96 : index
        %get3A_341 = tpu.vector_load %arg11[%get3A_339, %get3A_340] {strides = array<i32>} : memref<200x128xf32, #tpu.memory_space<vmem>>, vector<1x16xf32>,
        %get3A_342 = vector.shape_cast %get3A_341 : vector<1x16xf32> to vector<16xf32>
        %add3A_343 = arith.addf %get3A_338, %get3A_342 : vector<16xf32>
        %add3A_344 = arith.addf %scan3A_254, %add3A_343 : vector<16xf32>
        %mul3A_345 = arith.mulf %add3A_343, %add3A_343 : vector<16xf32>
        %add3A_346 = arith.addf %scan3A_262, %mul3A_345 : vector<16xf32>
        %get3A_347 = arith.index_cast %scan3A_247 : i32 to index
        %get3A_348 = arith.constant 112 : index
        %get3A_349 = tpu.vector_load %arg9[%get3A_347, %get3A_348] {strides = array<i32>} : memref<200x128xf32, #tpu.memory_space<vmem>>, vector<1x16xf32>,
        %get3A_350 = vector.shape_cast %get3A_349 : vector<1x16xf32> to vector<16xf32>
        %get3A_351 = arith.index_cast %scan3A_247 : i32 to index
        %get3A_352 = arith.constant 112 : index
        %get3A_353 = tpu.vector_load %arg11[%get3A_351, %get3A_352] {strides = array<i32>} : memref<200x128xf32, #tpu.memory_space<vmem>>, vector<1x16xf32>,
        %get3A_354 = vector.shape_cast %get3A_353 : vector<1x16xf32> to vector<16xf32>
        %add3A_355 = arith.addf %get3A_350, %get3A_354 : vector<16xf32>
        %add3A_356 = arith.addf %scan3A_255, %add3A_355 : vector<16xf32>
        %mul3A_357 = arith.mulf %add3A_355, %add3A_355 : vector<16xf32>
        %add3A_358 = arith.addf %scan3A_263, %mul3A_357 : vector<16xf32>
        scf.yield %add3A_272, %add3A_284, %add3A_296, %add3A_308, %add3A_320, %add3A_332, %add3A_344, %add3A_356, %add3A_274, %add3A_286, %add3A_298, %add3A_310, %add3A_322, %add3A_334, %add3A_346, %add3A_358 : vector<16xf32>, vector<16xf32>, vector<16xf32>, vector<16xf32>, vector<16xf32>, vector<16xf32>, vector<16xf32>, vector<16xf32>, vector<16xf32>, vector<16xf32>, vector<16xf32>, vector<16xf32>, vector<16xf32>, vector<16xf32>, vector<16xf32>, vector<16xf32>
      }
      %scan3A_246 = arith.constant 200 : i32
      scf.yield %scan3A_245#0, %scan3A_245#1, %scan3A_245#2, %scan3A_245#3, %scan3A_245#4, %scan3A_245#5, %scan3A_245#6, %scan3A_245#7, %scan3A_245#8, %scan3A_245#9, %scan3A_245#10, %scan3A_245#11, %scan3A_245#12, %scan3A_245#13, %scan3A_245#14, %scan3A_245#15 : vector<16xf32>, vector<16xf32>, vector<16xf32>, vector<16xf32>, vector<16xf32>, vector<16xf32>, vector<16xf32>, vector<16xf32>, vector<16xf32>, vector<16xf32>, vector<16xf32>, vector<16xf32>, vector<16xf32>, vector<16xf32>, vector<16xf32>, vector<16xf32>
    }
    %scan3A_27 = arith.constant 24 : i32
    %add3A_28 = arith.constant 9800 : i32
    %add3A_29 = arith.addi %mul3A_2, %add3A_28 : i32
    %dma_wait3A_30 = tpu.memref_slice %arg2[%add3A_29] : memref<320000xi32, #tpu.memory_space<hbm>> -> memref<200xi32, #tpu.memory_space<hbm>>
    %dma_wait3A_31 = tpu.memref_slice %arg2[%add3A_29] : memref<320000xi32, #tpu.memory_space<hbm>> -> memref<200xi32, #tpu.memory_space<hbm>>
    tpu.wait_dma2 semaphore(%arg17 : memref<!tpu.dma_semaphore, #tpu.memory_space<semaphore_mem>>) src(%dma_wait3A_31 : memref<200xi32, #tpu.memory_space<hbm>>) dst(%arg7 : memref<200xi32, #tpu.memory_space<vmem>>)
    %dma_start3A_32 = arith.constant 0 : i32
    %dma_start3A_33 = arith.constant 0 : i32
    %dma_start3A_34 = tpu.memref_slice %arg3[%dma_start3A_32, %dma_start3A_33] : memref<10000x128xf32, #tpu.memory_space<hbm>> -> memref<10000x128xf32, #tpu.memory_space<hbm>>
    tpu.enqueue_indirect_dma source(%dma_start3A_34 : memref<10000x128xf32, #tpu.memory_space<hbm>>) target(%arg9 : memref<200x128xf32, #tpu.memory_space<vmem>>) offsets(%arg7 : memref<200xi32, #tpu.memory_space<vmem>>) semaphore(%arg19 : memref<!tpu.dma_semaphore, #tpu.memory_space<semaphore_mem>>)
    %add3A_35 = arith.constant 9800 : i32
    %add3A_36 = arith.addi %mul3A_2, %add3A_35 : i32
    %dma_start3A_37 = arith.constant 0 : i32
    %dma_start3A_38 = tpu.memref_slice %arg4[%add3A_36, %dma_start3A_37] : memref<320000x128xf32, #tpu.memory_space<hbm>> -> memref<200x128xf32, #tpu.memory_space<hbm>>
    %dma_start3A_39 = arith.constant 0 : i32
    %dma_start3A_40 = tpu.memref_slice %arg4[%add3A_36, %dma_start3A_39] : memref<320000x128xf32, #tpu.memory_space<hbm>> -> memref<200x128xf32, #tpu.memory_space<hbm>>
    tpu.enqueue_dma source(%dma_start3A_40 : memref<200x128xf32, #tpu.memory_space<hbm>>) target(%arg11 : memref<200x128xf32, #tpu.memory_space<vmem>>) target_semaphore(%arg19 : memref<!tpu.dma_semaphore, #tpu.memory_space<semaphore_mem>>)
    %dma_wait3A_41 = arith.constant 0 : i32
    %dma_wait3A_42 = arith.constant 0 : i32
    %dma_wait3A_43 = tpu.memref_slice %arg3[%dma_wait3A_41, %dma_wait3A_42] : memref<10000x128xf32, #tpu.memory_space<hbm>> -> memref<10000x128xf32, #tpu.memory_space<hbm>>
    tpu.wait_indirect_dma semaphore(%arg18 : memref<!tpu.dma_semaphore, #tpu.memory_space<semaphore_mem>>) src(%dma_wait3A_43 : memref<10000x128xf32, #tpu.memory_space<hbm>>) dst(%arg8 : memref<200x128xf32, #tpu.memory_space<vmem>>)
    %add3A_44 = arith.constant 9600 : i32
    %add3A_45 = arith.addi %mul3A_2, %add3A_44 : i32
    %dma_wait3A_46 = arith.constant 0 : i32
    %dma_wait3A_47 = tpu.memref_slice %arg4[%add3A_45, %dma_wait3A_46] : memref<320000x128xf32, #tpu.memory_space<hbm>> -> memref<200x128xf32, #tpu.memory_space<hbm>>
    %dma_wait3A_48 = arith.constant 0 : i32
    %dma_wait3A_49 = tpu.memref_slice %arg4[%add3A_45, %dma_wait3A_48] : memref<320000x128xf32, #tpu.memory_space<hbm>> -> memref<200x128xf32, #tpu.memory_space<hbm>>
    tpu.wait_dma2 semaphore(%arg18 : memref<!tpu.dma_semaphore, #tpu.memory_space<semaphore_mem>>) src(%dma_wait3A_49 : memref<200x128xf32, #tpu.memory_space<hbm>>) dst(%arg10 : memref<200x128xf32, #tpu.memory_space<vmem>>)
    %scan3A_50 = arith.constant 0 : i32
    %scan3A_51 = arith.constant 200 : i32
    %scan3A_52 = arith.addi %scan3A_50, %scan3A_51 : i32
    %scan3A_53 = arith.constant 1 : i32
    %scan3A_54:16 = scf.for %scan3A_138 = %scan3A_50 to %scan3A_52 step %scan3A_53 iter_args(%scan3A_139 = %scan3A_26#0, %scan3A_140 = %scan3A_26#1, %scan3A_141 = %scan3A_26#2, %scan3A_142 = %scan3A_26#3, %scan3A_143 = %scan3A_26#4, %scan3A_144 = %scan3A_26#5, %scan3A_145 = %scan3A_26#6, %scan3A_146 = %scan3A_26#7, %scan3A_147 = %scan3A_26#8, %scan3A_148 = %scan3A_26#9, %scan3A_149 = %scan3A_26#10, %scan3A_150 = %scan3A_26#11, %scan3A_151 = %scan3A_26#12, %scan3A_152 = %scan3A_26#13, %scan3A_153 = %scan3A_26#14, %scan3A_154 = %scan3A_26#15) -> (vector<16xf32>, vector<16xf32>, vector<16xf32>, vector<16xf32>, vector<16xf32>, vector<16xf32>, vector<16xf32>, vector<16xf32>, vector<16xf32>, vector<16xf32>, vector<16xf32>, vector<16xf32>, vector<16xf32>, vector<16xf32>, vector<16xf32>, vector<16xf32>)  : i32 {
      %get3A = arith.index_cast %scan3A_138 : i32 to index
      %get3A_155 = arith.constant 0 : index
      %get3A_156 = tpu.vector_load %arg8[%get3A, %get3A_155] {strides = array<i32>} : memref<200x128xf32, #tpu.memory_space<vmem>>, vector<1x16xf32>,
      %get3A_157 = vector.shape_cast %get3A_156 : vector<1x16xf32> to vector<16xf32>
      %get3A_158 = arith.index_cast %scan3A_138 : i32 to index
      %get3A_159 = arith.constant 0 : index
      %get3A_160 = tpu.vector_load %arg10[%get3A_158, %get3A_159] {strides = array<i32>} : memref<200x128xf32, #tpu.memory_space<vmem>>, vector<1x16xf32>,
      %get3A_161 = vector.shape_cast %get3A_160 : vector<1x16xf32> to vector<16xf32>
      %add3A_162 = arith.addf %get3A_157, %get3A_161 : vector<16xf32>
      %add3A_163 = arith.addf %scan3A_139, %add3A_162 : vector<16xf32>
      %mul3A_164 = arith.mulf %add3A_162, %add3A_162 : vector<16xf32>
      %add3A_165 = arith.addf %scan3A_147, %mul3A_164 : vector<16xf32>
      %get3A_166 = arith.index_cast %scan3A_138 : i32 to index
      %get3A_167 = arith.constant 16 : index
      %get3A_168 = tpu.vector_load %arg8[%get3A_166, %get3A_167] {strides = array<i32>} : memref<200x128xf32, #tpu.memory_space<vmem>>, vector<1x16xf32>,
      %get3A_169 = vector.shape_cast %get3A_168 : vector<1x16xf32> to vector<16xf32>
      %get3A_170 = arith.index_cast %scan3A_138 : i32 to index
      %get3A_171 = arith.constant 16 : index
      %get3A_172 = tpu.vector_load %arg10[%get3A_170, %get3A_171] {strides = array<i32>} : memref<200x128xf32, #tpu.memory_space<vmem>>, vector<1x16xf32>,
      %get3A_173 = vector.shape_cast %get3A_172 : vector<1x16xf32> to vector<16xf32>
      %add3A_174 = arith.addf %get3A_169, %get3A_173 : vector<16xf32>
      %add3A_175 = arith.addf %scan3A_140, %add3A_174 : vector<16xf32>
      %mul3A_176 = arith.mulf %add3A_174, %add3A_174 : vector<16xf32>
      %add3A_177 = arith.addf %scan3A_148, %mul3A_176 : vector<16xf32>
      %get3A_178 = arith.index_cast %scan3A_138 : i32 to index
      %get3A_179 = arith.constant 32 : index
      %get3A_180 = tpu.vector_load %arg8[%get3A_178, %get3A_179] {strides = array<i32>} : memref<200x128xf32, #tpu.memory_space<vmem>>, vector<1x16xf32>,
      %get3A_181 = vector.shape_cast %get3A_180 : vector<1x16xf32> to vector<16xf32>
      %get3A_182 = arith.index_cast %scan3A_138 : i32 to index
      %get3A_183 = arith.constant 32 : index
      %get3A_184 = tpu.vector_load %arg10[%get3A_182, %get3A_183] {strides = array<i32>} : memref<200x128xf32, #tpu.memory_space<vmem>>, vector<1x16xf32>,
      %get3A_185 = vector.shape_cast %get3A_184 : vector<1x16xf32> to vector<16xf32>
      %add3A_186 = arith.addf %get3A_181, %get3A_185 : vector<16xf32>
      %add3A_187 = arith.addf %scan3A_141, %add3A_186 : vector<16xf32>
      %mul3A_188 = arith.mulf %add3A_186, %add3A_186 : vector<16xf32>
      %add3A_189 = arith.addf %scan3A_149, %mul3A_188 : vector<16xf32>
      %get3A_190 = arith.index_cast %scan3A_138 : i32 to index
      %get3A_191 = arith.constant 48 : index
      %get3A_192 = tpu.vector_load %arg8[%get3A_190, %get3A_191] {strides = array<i32>} : memref<200x128xf32, #tpu.memory_space<vmem>>, vector<1x16xf32>,
      %get3A_193 = vector.shape_cast %get3A_192 : vector<1x16xf32> to vector<16xf32>
      %get3A_194 = arith.index_cast %scan3A_138 : i32 to index
      %get3A_195 = arith.constant 48 : index
      %get3A_196 = tpu.vector_load %arg10[%get3A_194, %get3A_195] {strides = array<i32>} : memref<200x128xf32, #tpu.memory_space<vmem>>, vector<1x16xf32>,
      %get3A_197 = vector.shape_cast %get3A_196 : vector<1x16xf32> to vector<16xf32>
      %add3A_198 = arith.addf %get3A_193, %get3A_197 : vector<16xf32>
      %add3A_199 = arith.addf %scan3A_142, %add3A_198 : vector<16xf32>
      %mul3A_200 = arith.mulf %add3A_198, %add3A_198 : vector<16xf32>
      %add3A_201 = arith.addf %scan3A_150, %mul3A_200 : vector<16xf32>
      %get3A_202 = arith.index_cast %scan3A_138 : i32 to index
      %get3A_203 = arith.constant 64 : index
      %get3A_204 = tpu.vector_load %arg8[%get3A_202, %get3A_203] {strides = array<i32>} : memref<200x128xf32, #tpu.memory_space<vmem>>, vector<1x16xf32>,
      %get3A_205 = vector.shape_cast %get3A_204 : vector<1x16xf32> to vector<16xf32>
      %get3A_206 = arith.index_cast %scan3A_138 : i32 to index
      %get3A_207 = arith.constant 64 : index
      %get3A_208 = tpu.vector_load %arg10[%get3A_206, %get3A_207] {strides = array<i32>} : memref<200x128xf32, #tpu.memory_space<vmem>>, vector<1x16xf32>,
      %get3A_209 = vector.shape_cast %get3A_208 : vector<1x16xf32> to vector<16xf32>
      %add3A_210 = arith.addf %get3A_205, %get3A_209 : vector<16xf32>
      %add3A_211 = arith.addf %scan3A_143, %add3A_210 : vector<16xf32>
      %mul3A_212 = arith.mulf %add3A_210, %add3A_210 : vector<16xf32>
      %add3A_213 = arith.addf %scan3A_151, %mul3A_212 : vector<16xf32>
      %get3A_214 = arith.index_cast %scan3A_138 : i32 to index
      %get3A_215 = arith.constant 80 : index
      %get3A_216 = tpu.vector_load %arg8[%get3A_214, %get3A_215] {strides = array<i32>} : memref<200x128xf32, #tpu.memory_space<vmem>>, vector<1x16xf32>,
      %get3A_217 = vector.shape_cast %get3A_216 : vector<1x16xf32> to vector<16xf32>
      %get3A_218 = arith.index_cast %scan3A_138 : i32 to index
      %get3A_219 = arith.constant 80 : index
      %get3A_220 = tpu.vector_load %arg10[%get3A_218, %get3A_219] {strides = array<i32>} : memref<200x128xf32, #tpu.memory_space<vmem>>, vector<1x16xf32>,
      %get3A_221 = vector.shape_cast %get3A_220 : vector<1x16xf32> to vector<16xf32>
      %add3A_222 = arith.addf %get3A_217, %get3A_221 : vector<16xf32>
      %add3A_223 = arith.addf %scan3A_144, %add3A_222 : vector<16xf32>
      %mul3A_224 = arith.mulf %add3A_222, %add3A_222 : vector<16xf32>
      %add3A_225 = arith.addf %scan3A_152, %mul3A_224 : vector<16xf32>
      %get3A_226 = arith.index_cast %scan3A_138 : i32 to index
      %get3A_227 = arith.constant 96 : index
      %get3A_228 = tpu.vector_load %arg8[%get3A_226, %get3A_227] {strides = array<i32>} : memref<200x128xf32, #tpu.memory_space<vmem>>, vector<1x16xf32>,
      %get3A_229 = vector.shape_cast %get3A_228 : vector<1x16xf32> to vector<16xf32>
      %get3A_230 = arith.index_cast %scan3A_138 : i32 to index
      %get3A_231 = arith.constant 96 : index
      %get3A_232 = tpu.vector_load %arg10[%get3A_230, %get3A_231] {strides = array<i32>} : memref<200x128xf32, #tpu.memory_space<vmem>>, vector<1x16xf32>,
      %get3A_233 = vector.shape_cast %get3A_232 : vector<1x16xf32> to vector<16xf32>
      %add3A_234 = arith.addf %get3A_229, %get3A_233 : vector<16xf32>
      %add3A_235 = arith.addf %scan3A_145, %add3A_234 : vector<16xf32>
      %mul3A_236 = arith.mulf %add3A_234, %add3A_234 : vector<16xf32>
      %add3A_237 = arith.addf %scan3A_153, %mul3A_236 : vector<16xf32>
      %get3A_238 = arith.index_cast %scan3A_138 : i32 to index
      %get3A_239 = arith.constant 112 : index
      %get3A_240 = tpu.vector_load %arg8[%get3A_238, %get3A_239] {strides = array<i32>} : memref<200x128xf32, #tpu.memory_space<vmem>>, vector<1x16xf32>,
      %get3A_241 = vector.shape_cast %get3A_240 : vector<1x16xf32> to vector<16xf32>
      %get3A_242 = arith.index_cast %scan3A_138 : i32 to index
      %get3A_243 = arith.constant 112 : index
      %get3A_244 = tpu.vector_load %arg10[%get3A_242, %get3A_243] {strides = array<i32>} : memref<200x128xf32, #tpu.memory_space<vmem>>, vector<1x16xf32>,
      %get3A_245 = vector.shape_cast %get3A_244 : vector<1x16xf32> to vector<16xf32>
      %add3A_246 = arith.addf %get3A_241, %get3A_245 : vector<16xf32>
      %add3A_247 = arith.addf %scan3A_146, %add3A_246 : vector<16xf32>
      %mul3A_248 = arith.mulf %add3A_246, %add3A_246 : vector<16xf32>
      %add3A_249 = arith.addf %scan3A_154, %mul3A_248 : vector<16xf32>
      scf.yield %add3A_163, %add3A_175, %add3A_187, %add3A_199, %add3A_211, %add3A_223, %add3A_235, %add3A_247, %add3A_165, %add3A_177, %add3A_189, %add3A_201, %add3A_213, %add3A_225, %add3A_237, %add3A_249 : vector<16xf32>, vector<16xf32>, vector<16xf32>, vector<16xf32>, vector<16xf32>, vector<16xf32>, vector<16xf32>, vector<16xf32>, vector<16xf32>, vector<16xf32>, vector<16xf32>, vector<16xf32>, vector<16xf32>, vector<16xf32>, vector<16xf32>, vector<16xf32>
    }
    %scan3A_55 = arith.constant 200 : i32
    %dma_wait3A_56 = arith.constant 0 : i32
    %dma_wait3A_57 = arith.constant 0 : i32
    %dma_wait3A_58 = tpu.memref_slice %arg3[%dma_wait3A_56, %dma_wait3A_57] : memref<10000x128xf32, #tpu.memory_space<hbm>> -> memref<10000x128xf32, #tpu.memory_space<hbm>>
    tpu.wait_indirect_dma semaphore(%arg19 : memref<!tpu.dma_semaphore, #tpu.memory_space<semaphore_mem>>) src(%dma_wait3A_58 : memref<10000x128xf32, #tpu.memory_space<hbm>>) dst(%arg9 : memref<200x128xf32, #tpu.memory_space<vmem>>)
    %add3A_59 = arith.constant 9800 : i32
    %add3A_60 = arith.addi %mul3A_2, %add3A_59 : i32
    %dma_wait3A_61 = arith.constant 0 : i32
    %dma_wait3A_62 = tpu.memref_slice %arg4[%add3A_60, %dma_wait3A_61] : memref<320000x128xf32, #tpu.memory_space<hbm>> -> memref<200x128xf32, #tpu.memory_space<hbm>>
    %dma_wait3A_63 = arith.constant 0 : i32
    %dma_wait3A_64 = tpu.memref_slice %arg4[%add3A_60, %dma_wait3A_63] : memref<320000x128xf32, #tpu.memory_space<hbm>> -> memref<200x128xf32, #tpu.memory_space<hbm>>
    tpu.wait_dma2 semaphore(%arg19 : memref<!tpu.dma_semaphore, #tpu.memory_space<semaphore_mem>>) src(%dma_wait3A_64 : memref<200x128xf32, #tpu.memory_space<hbm>>) dst(%arg11 : memref<200x128xf32, #tpu.memory_space<vmem>>)
    %scan3A_65 = arith.constant 0 : i32
    %scan3A_66 = arith.constant 200 : i32
    %scan3A_67 = arith.addi %scan3A_65, %scan3A_66 : i32
    %scan3A_68 = arith.constant 1 : i32
    %scan3A_69:16 = scf.for %scan3A_138 = %scan3A_65 to %scan3A_67 step %scan3A_68 iter_args(%scan3A_139 = %scan3A_54#0, %scan3A_140 = %scan3A_54#1, %scan3A_141 = %scan3A_54#2, %scan3A_142 = %scan3A_54#3, %scan3A_143 = %scan3A_54#4, %scan3A_144 = %scan3A_54#5, %scan3A_145 = %scan3A_54#6, %scan3A_146 = %scan3A_54#7, %scan3A_147 = %scan3A_54#8, %scan3A_148 = %scan3A_54#9, %scan3A_149 = %scan3A_54#10, %scan3A_150 = %scan3A_54#11, %scan3A_151 = %scan3A_54#12, %scan3A_152 = %scan3A_54#13, %scan3A_153 = %scan3A_54#14, %scan3A_154 = %scan3A_54#15) -> (vector<16xf32>, vector<16xf32>, vector<16xf32>, vector<16xf32>, vector<16xf32>, vector<16xf32>, vector<16xf32>, vector<16xf32>, vector<16xf32>, vector<16xf32>, vector<16xf32>, vector<16xf32>, vector<16xf32>, vector<16xf32>, vector<16xf32>, vector<16xf32>)  : i32 {
      %get3A = arith.index_cast %scan3A_138 : i32 to index
      %get3A_155 = arith.constant 0 : index
      %get3A_156 = tpu.vector_load %arg9[%get3A, %get3A_155] {strides = array<i32>} : memref<200x128xf32, #tpu.memory_space<vmem>>, vector<1x16xf32>,
      %get3A_157 = vector.shape_cast %get3A_156 : vector<1x16xf32> to vector<16xf32>
      %get3A_158 = arith.index_cast %scan3A_138 : i32 to index
      %get3A_159 = arith.constant 0 : index
      %get3A_160 = tpu.vector_load %arg11[%get3A_158, %get3A_159] {strides = array<i32>} : memref<200x128xf32, #tpu.memory_space<vmem>>, vector<1x16xf32>,
      %get3A_161 = vector.shape_cast %get3A_160 : vector<1x16xf32> to vector<16xf32>
      %add3A_162 = arith.addf %get3A_157, %get3A_161 : vector<16xf32>
      %add3A_163 = arith.addf %scan3A_139, %add3A_162 : vector<16xf32>
      %mul3A_164 = arith.mulf %add3A_162, %add3A_162 : vector<16xf32>
      %add3A_165 = arith.addf %scan3A_147, %mul3A_164 : vector<16xf32>
      %get3A_166 = arith.index_cast %scan3A_138 : i32 to index
      %get3A_167 = arith.constant 16 : index
      %get3A_168 = tpu.vector_load %arg9[%get3A_166, %get3A_167] {strides = array<i32>} : memref<200x128xf32, #tpu.memory_space<vmem>>, vector<1x16xf32>,
      %get3A_169 = vector.shape_cast %get3A_168 : vector<1x16xf32> to vector<16xf32>
      %get3A_170 = arith.index_cast %scan3A_138 : i32 to index
      %get3A_171 = arith.constant 16 : index
      %get3A_172 = tpu.vector_load %arg11[%get3A_170, %get3A_171] {strides = array<i32>} : memref<200x128xf32, #tpu.memory_space<vmem>>, vector<1x16xf32>,
      %get3A_173 = vector.shape_cast %get3A_172 : vector<1x16xf32> to vector<16xf32>
      %add3A_174 = arith.addf %get3A_169, %get3A_173 : vector<16xf32>
      %add3A_175 = arith.addf %scan3A_140, %add3A_174 : vector<16xf32>
      %mul3A_176 = arith.mulf %add3A_174, %add3A_174 : vector<16xf32>
      %add3A_177 = arith.addf %scan3A_148, %mul3A_176 : vector<16xf32>
      %get3A_178 = arith.index_cast %scan3A_138 : i32 to index
      %get3A_179 = arith.constant 32 : index
      %get3A_180 = tpu.vector_load %arg9[%get3A_178, %get3A_179] {strides = array<i32>} : memref<200x128xf32, #tpu.memory_space<vmem>>, vector<1x16xf32>,
      %get3A_181 = vector.shape_cast %get3A_180 : vector<1x16xf32> to vector<16xf32>
      %get3A_182 = arith.index_cast %scan3A_138 : i32 to index
      %get3A_183 = arith.constant 32 : index
      %get3A_184 = tpu.vector_load %arg11[%get3A_182, %get3A_183] {strides = array<i32>} : memref<200x128xf32, #tpu.memory_space<vmem>>, vector<1x16xf32>,
      %get3A_185 = vector.shape_cast %get3A_184 : vector<1x16xf32> to vector<16xf32>
      %add3A_186 = arith.addf %get3A_181, %get3A_185 : vector<16xf32>
      %add3A_187 = arith.addf %scan3A_141, %add3A_186 : vector<16xf32>
      %mul3A_188 = arith.mulf %add3A_186, %add3A_186 : vector<16xf32>
      %add3A_189 = arith.addf %scan3A_149, %mul3A_188 : vector<16xf32>
      %get3A_190 = arith.index_cast %scan3A_138 : i32 to index
      %get3A_191 = arith.constant 48 : index
      %get3A_192 = tpu.vector_load %arg9[%get3A_190, %get3A_191] {strides = array<i32>} : memref<200x128xf32, #tpu.memory_space<vmem>>, vector<1x16xf32>,
      %get3A_193 = vector.shape_cast %get3A_192 : vector<1x16xf32> to vector<16xf32>
      %get3A_194 = arith.index_cast %scan3A_138 : i32 to index
      %get3A_195 = arith.constant 48 : index
      %get3A_196 = tpu.vector_load %arg11[%get3A_194, %get3A_195] {strides = array<i32>} : memref<200x128xf32, #tpu.memory_space<vmem>>, vector<1x16xf32>,
      %get3A_197 = vector.shape_cast %get3A_196 : vector<1x16xf32> to vector<16xf32>
      %add3A_198 = arith.addf %get3A_193, %get3A_197 : vector<16xf32>
      %add3A_199 = arith.addf %scan3A_142, %add3A_198 : vector<16xf32>
      %mul3A_200 = arith.mulf %add3A_198, %add3A_198 : vector<16xf32>
      %add3A_201 = arith.addf %scan3A_150, %mul3A_200 : vector<16xf32>
      %get3A_202 = arith.index_cast %scan3A_138 : i32 to index
      %get3A_203 = arith.constant 64 : index
      %get3A_204 = tpu.vector_load %arg9[%get3A_202, %get3A_203] {strides = array<i32>} : memref<200x128xf32, #tpu.memory_space<vmem>>, vector<1x16xf32>,
      %get3A_205 = vector.shape_cast %get3A_204 : vector<1x16xf32> to vector<16xf32>
      %get3A_206 = arith.index_cast %scan3A_138 : i32 to index
      %get3A_207 = arith.constant 64 : index
      %get3A_208 = tpu.vector_load %arg11[%get3A_206, %get3A_207] {strides = array<i32>} : memref<200x128xf32, #tpu.memory_space<vmem>>, vector<1x16xf32>,
      %get3A_209 = vector.shape_cast %get3A_208 : vector<1x16xf32> to vector<16xf32>
      %add3A_210 = arith.addf %get3A_205, %get3A_209 : vector<16xf32>
      %add3A_211 = arith.addf %scan3A_143, %add3A_210 : vector<16xf32>
      %mul3A_212 = arith.mulf %add3A_210, %add3A_210 : vector<16xf32>
      %add3A_213 = arith.addf %scan3A_151, %mul3A_212 : vector<16xf32>
      %get3A_214 = arith.index_cast %scan3A_138 : i32 to index
      %get3A_215 = arith.constant 80 : index
      %get3A_216 = tpu.vector_load %arg9[%get3A_214, %get3A_215] {strides = array<i32>} : memref<200x128xf32, #tpu.memory_space<vmem>>, vector<1x16xf32>,
      %get3A_217 = vector.shape_cast %get3A_216 : vector<1x16xf32> to vector<16xf32>
      %get3A_218 = arith.index_cast %scan3A_138 : i32 to index
      %get3A_219 = arith.constant 80 : index
      %get3A_220 = tpu.vector_load %arg11[%get3A_218, %get3A_219] {strides = array<i32>} : memref<200x128xf32, #tpu.memory_space<vmem>>, vector<1x16xf32>,
      %get3A_221 = vector.shape_cast %get3A_220 : vector<1x16xf32> to vector<16xf32>
      %add3A_222 = arith.addf %get3A_217, %get3A_221 : vector<16xf32>
      %add3A_223 = arith.addf %scan3A_144, %add3A_222 : vector<16xf32>
      %mul3A_224 = arith.mulf %add3A_222, %add3A_222 : vector<16xf32>
      %add3A_225 = arith.addf %scan3A_152, %mul3A_224 : vector<16xf32>
      %get3A_226 = arith.index_cast %scan3A_138 : i32 to index
      %get3A_227 = arith.constant 96 : index
      %get3A_228 = tpu.vector_load %arg9[%get3A_226, %get3A_227] {strides = array<i32>} : memref<200x128xf32, #tpu.memory_space<vmem>>, vector<1x16xf32>,
      %get3A_229 = vector.shape_cast %get3A_228 : vector<1x16xf32> to vector<16xf32>
      %get3A_230 = arith.index_cast %scan3A_138 : i32 to index
      %get3A_231 = arith.constant 96 : index
      %get3A_232 = tpu.vector_load %arg11[%get3A_230, %get3A_231] {strides = array<i32>} : memref<200x128xf32, #tpu.memory_space<vmem>>, vector<1x16xf32>,
      %get3A_233 = vector.shape_cast %get3A_232 : vector<1x16xf32> to vector<16xf32>
      %add3A_234 = arith.addf %get3A_229, %get3A_233 : vector<16xf32>
      %add3A_235 = arith.addf %scan3A_145, %add3A_234 : vector<16xf32>
      %mul3A_236 = arith.mulf %add3A_234, %add3A_234 : vector<16xf32>
      %add3A_237 = arith.addf %scan3A_153, %mul3A_236 : vector<16xf32>
      %get3A_238 = arith.index_cast %scan3A_138 : i32 to index
      %get3A_239 = arith.constant 112 : index
      %get3A_240 = tpu.vector_load %arg9[%get3A_238, %get3A_239] {strides = array<i32>} : memref<200x128xf32, #tpu.memory_space<vmem>>, vector<1x16xf32>,
      %get3A_241 = vector.shape_cast %get3A_240 : vector<1x16xf32> to vector<16xf32>
      %get3A_242 = arith.index_cast %scan3A_138 : i32 to index
      %get3A_243 = arith.constant 112 : index
      %get3A_244 = tpu.vector_load %arg11[%get3A_242, %get3A_243] {strides = array<i32>} : memref<200x128xf32, #tpu.memory_space<vmem>>, vector<1x16xf32>,
      %get3A_245 = vector.shape_cast %get3A_244 : vector<1x16xf32> to vector<16xf32>
      %add3A_246 = arith.addf %get3A_241, %get3A_245 : vector<16xf32>
      %add3A_247 = arith.addf %scan3A_146, %add3A_246 : vector<16xf32>
      %mul3A_248 = arith.mulf %add3A_246, %add3A_246 : vector<16xf32>
      %add3A_249 = arith.addf %scan3A_154, %mul3A_248 : vector<16xf32>
      scf.yield %add3A_163, %add3A_175, %add3A_187, %add3A_199, %add3A_211, %add3A_223, %add3A_235, %add3A_247, %add3A_165, %add3A_177, %add3A_189, %add3A_201, %add3A_213, %add3A_225, %add3A_237, %add3A_249 : vector<16xf32>, vector<16xf32>, vector<16xf32>, vector<16xf32>, vector<16xf32>, vector<16xf32>, vector<16xf32>, vector<16xf32>, vector<16xf32>, vector<16xf32>, vector<16xf32>, vector<16xf32>, vector<16xf32>, vector<16xf32>, vector<16xf32>, vector<16xf32>
    }
    %scan3A_70 = arith.constant 200 : i32
    %swap3A = arith.constant 0 : index
    %swap3A_71 = tpu.vector_load %arg15[%swap3A] {strides = array<i32>} : memref<256xf32, #tpu.memory_space<vmem>>, vector<16xf32>,
    %swap3A_72 = vector.shape_cast %swap3A_71 : vector<16xf32> to vector<16xf32>
    %swap3A_73 = vector.shape_cast %scan3A_69#0 : vector<16xf32> to vector<16xf32>
    tpu.vector_store %arg15[%swap3A], %swap3A_73 {strides = array<i32>} : memref<256xf32, #tpu.memory_space<vmem>>, vector<16xf32>,
    %swap3A_74 = arith.constant 16 : index
    %swap3A_75 = tpu.vector_load %arg15[%swap3A_74] {strides = array<i32>} : memref<256xf32, #tpu.memory_space<vmem>>, vector<16xf32>,
    %swap3A_76 = vector.shape_cast %swap3A_75 : vector<16xf32> to vector<16xf32>
    %swap3A_77 = vector.shape_cast %scan3A_69#1 : vector<16xf32> to vector<16xf32>
    tpu.vector_store %arg15[%swap3A_74], %swap3A_77 {strides = array<i32>} : memref<256xf32, #tpu.memory_space<vmem>>, vector<16xf32>,
    %swap3A_78 = arith.constant 32 : index
    %swap3A_79 = tpu.vector_load %arg15[%swap3A_78] {strides = array<i32>} : memref<256xf32, #tpu.memory_space<vmem>>, vector<16xf32>,
    %swap3A_80 = vector.shape_cast %swap3A_79 : vector<16xf32> to vector<16xf32>
    %swap3A_81 = vector.shape_cast %scan3A_69#2 : vector<16xf32> to vector<16xf32>
    tpu.vector_store %arg15[%swap3A_78], %swap3A_81 {strides = array<i32>} : memref<256xf32, #tpu.memory_space<vmem>>, vector<16xf32>,
    %swap3A_82 = arith.constant 48 : index
    %swap3A_83 = tpu.vector_load %arg15[%swap3A_82] {strides = array<i32>} : memref<256xf32, #tpu.memory_space<vmem>>, vector<16xf32>,
    %swap3A_84 = vector.shape_cast %swap3A_83 : vector<16xf32> to vector<16xf32>
    %swap3A_85 = vector.shape_cast %scan3A_69#3 : vector<16xf32> to vector<16xf32>
    tpu.vector_store %arg15[%swap3A_82], %swap3A_85 {strides = array<i32>} : memref<256xf32, #tpu.memory_space<vmem>>, vector<16xf32>,
    %swap3A_86 = arith.constant 64 : index
    %swap3A_87 = tpu.vector_load %arg15[%swap3A_86] {strides = array<i32>} : memref<256xf32, #tpu.memory_space<vmem>>, vector<16xf32>,
    %swap3A_88 = vector.shape_cast %swap3A_87 : vector<16xf32> to vector<16xf32>
    %swap3A_89 = vector.shape_cast %scan3A_69#4 : vector<16xf32> to vector<16xf32>
    tpu.vector_store %arg15[%swap3A_86], %swap3A_89 {strides = array<i32>} : memref<256xf32, #tpu.memory_space<vmem>>, vector<16xf32>,
    %swap3A_90 = arith.constant 80 : index
    %swap3A_91 = tpu.vector_load %arg15[%swap3A_90] {strides = array<i32>} : memref<256xf32, #tpu.memory_space<vmem>>, vector<16xf32>,
    %swap3A_92 = vector.shape_cast %swap3A_91 : vector<16xf32> to vector<16xf32>
    %swap3A_93 = vector.shape_cast %scan3A_69#5 : vector<16xf32> to vector<16xf32>
    tpu.vector_store %arg15[%swap3A_90], %swap3A_93 {strides = array<i32>} : memref<256xf32, #tpu.memory_space<vmem>>, vector<16xf32>,
    %swap3A_94 = arith.constant 96 : index
    %swap3A_95 = tpu.vector_load %arg15[%swap3A_94] {strides = array<i32>} : memref<256xf32, #tpu.memory_space<vmem>>, vector<16xf32>,
    %swap3A_96 = vector.shape_cast %swap3A_95 : vector<16xf32> to vector<16xf32>
    %swap3A_97 = vector.shape_cast %scan3A_69#6 : vector<16xf32> to vector<16xf32>
    tpu.vector_store %arg15[%swap3A_94], %swap3A_97 {strides = array<i32>} : memref<256xf32, #tpu.memory_space<vmem>>, vector<16xf32>,
    %swap3A_98 = arith.constant 112 : index
    %swap3A_99 = tpu.vector_load %arg15[%swap3A_98] {strides = array<i32>} : memref<256xf32, #tpu.memory_space<vmem>>, vector<16xf32>,
    %swap3A_100 = vector.shape_cast %swap3A_99 : vector<16xf32> to vector<16xf32>
    %swap3A_101 = vector.shape_cast %scan3A_69#7 : vector<16xf32> to vector<16xf32>
    tpu.vector_store %arg15[%swap3A_98], %swap3A_101 {strides = array<i32>} : memref<256xf32, #tpu.memory_space<vmem>>, vector<16xf32>,
    %swap3A_102 = arith.constant 128 : index
    %swap3A_103 = tpu.vector_load %arg15[%swap3A_102] {strides = array<i32>} : memref<256xf32, #tpu.memory_space<vmem>>, vector<16xf32>,
    %swap3A_104 = vector.shape_cast %swap3A_103 : vector<16xf32> to vector<16xf32>
    %swap3A_105 = vector.shape_cast %scan3A_69#8 : vector<16xf32> to vector<16xf32>
    tpu.vector_store %arg15[%swap3A_102], %swap3A_105 {strides = array<i32>} : memref<256xf32, #tpu.memory_space<vmem>>, vector<16xf32>,
    %swap3A_106 = arith.constant 144 : index
    %swap3A_107 = tpu.vector_load %arg15[%swap3A_106] {strides = array<i32>} : memref<256xf32, #tpu.memory_space<vmem>>, vector<16xf32>,
    %swap3A_108 = vector.shape_cast %swap3A_107 : vector<16xf32> to vector<16xf32>
    %swap3A_109 = vector.shape_cast %scan3A_69#9 : vector<16xf32> to vector<16xf32>
    tpu.vector_store %arg15[%swap3A_106], %swap3A_109 {strides = array<i32>} : memref<256xf32, #tpu.memory_space<vmem>>, vector<16xf32>,
    %swap3A_110 = arith.constant 160 : index
    %swap3A_111 = tpu.vector_load %arg15[%swap3A_110] {strides = array<i32>} : memref<256xf32, #tpu.memory_space<vmem>>, vector<16xf32>,
    %swap3A_112 = vector.shape_cast %swap3A_111 : vector<16xf32> to vector<16xf32>
    %swap3A_113 = vector.shape_cast %scan3A_69#10 : vector<16xf32> to vector<16xf32>
    tpu.vector_store %arg15[%swap3A_110], %swap3A_113 {strides = array<i32>} : memref<256xf32, #tpu.memory_space<vmem>>, vector<16xf32>,
    %swap3A_114 = arith.constant 176 : index
    %swap3A_115 = tpu.vector_load %arg15[%swap3A_114] {strides = array<i32>} : memref<256xf32, #tpu.memory_space<vmem>>, vector<16xf32>,
    %swap3A_116 = vector.shape_cast %swap3A_115 : vector<16xf32> to vector<16xf32>
    %swap3A_117 = vector.shape_cast %scan3A_69#11 : vector<16xf32> to vector<16xf32>
    tpu.vector_store %arg15[%swap3A_114], %swap3A_117 {strides = array<i32>} : memref<256xf32, #tpu.memory_space<vmem>>, vector<16xf32>,
    %swap3A_118 = arith.constant 192 : index
    %swap3A_119 = tpu.vector_load %arg15[%swap3A_118] {strides = array<i32>} : memref<256xf32, #tpu.memory_space<vmem>>, vector<16xf32>,
    %swap3A_120 = vector.shape_cast %swap3A_119 : vector<16xf32> to vector<16xf32>
    %swap3A_121 = vector.shape_cast %scan3A_69#12 : vector<16xf32> to vector<16xf32>
    tpu.vector_store %arg15[%swap3A_118], %swap3A_121 {strides = array<i32>} : memref<256xf32, #tpu.memory_space<vmem>>, vector<16xf32>,
    %swap3A_122 = arith.constant 208 : index
    %swap3A_123 = tpu.vector_load %arg15[%swap3A_122] {strides = array<i32>} : memref<256xf32, #tpu.memory_space<vmem>>, vector<16xf32>,
    %swap3A_124 = vector.shape_cast %swap3A_123 : vector<16xf32> to vector<16xf32>
    %swap3A_125 = vector.shape_cast %scan3A_69#13 : vector<16xf32> to vector<16xf32>
    tpu.vector_store %arg15[%swap3A_122], %swap3A_125 {strides = array<i32>} : memref<256xf32, #tpu.memory_space<vmem>>, vector<16xf32>,
    %swap3A_126 = arith.constant 224 : index
    %swap3A_127 = tpu.vector_load %arg15[%swap3A_126] {strides = array<i32>} : memref<256xf32, #tpu.memory_space<vmem>>, vector<16xf32>,
    %swap3A_128 = vector.shape_cast %swap3A_127 : vector<16xf32> to vector<16xf32>
    %swap3A_129 = vector.shape_cast %scan3A_69#14 : vector<16xf32> to vector<16xf32>
    tpu.vector_store %arg15[%swap3A_126], %swap3A_129 {strides = array<i32>} : memref<256xf32, #tpu.memory_space<vmem>>, vector<16xf32>,
    %swap3A_130 = arith.constant 240 : index
    %swap3A_131 = tpu.vector_load %arg15[%swap3A_130] {strides = array<i32>} : memref<256xf32, #tpu.memory_space<vmem>>, vector<16xf32>,
    %swap3A_132 = vector.shape_cast %swap3A_131 : vector<16xf32> to vector<16xf32>
    %swap3A_133 = vector.shape_cast %scan3A_69#15 : vector<16xf32> to vector<16xf32>
    tpu.vector_store %arg15[%swap3A_130], %swap3A_133 {strides = array<i32>} : memref<256xf32, #tpu.memory_space<vmem>>, vector<16xf32>,
    %mul3A_134 = arith.constant 2 : i32
    %mul3A_135 = arith.muli %add3A, %mul3A_134 : i32
    %mul3A_136 = arith.constant 128 : i32
    %mul3A_137 = arith.muli %mul3A_135, %mul3A_136 : i32
    "tpu.region"() ({
      %run_scoped3A = tpu.sem_alloc : memref<!tpu.dma_semaphore, #tpu.memory_space<semaphore_mem>>
      %dma_start3A_138 = tpu.memref_slice %arg5[%mul3A_137] : memref<8192xf32, #tpu.memory_space<hbm>> -> memref<256xf32, #tpu.memory_space<hbm>>
      %dma_start3A_139 = tpu.memref_slice %arg5[%mul3A_137] : memref<8192xf32, #tpu.memory_space<hbm>> -> memref<256xf32, #tpu.memory_space<hbm>>
      tpu.enqueue_dma source(%arg15 : memref<256xf32, #tpu.memory_space<vmem>>) target(%dma_start3A_139 : memref<256xf32, #tpu.memory_space<hbm>>) target_semaphore(%run_scoped3A : memref<!tpu.dma_semaphore, #tpu.memory_space<semaphore_mem>>)
      %dma_wait3A_140 = tpu.memref_slice %arg5[%mul3A_137] : memref<8192xf32, #tpu.memory_space<hbm>> -> memref<256xf32, #tpu.memory_space<hbm>>
      %dma_wait3A_141 = tpu.memref_slice %arg5[%mul3A_137] : memref<8192xf32, #tpu.memory_space<hbm>> -> memref<256xf32, #tpu.memory_space<hbm>>
      tpu.wait_dma2 semaphore(%run_scoped3A : memref<!tpu.dma_semaphore, #tpu.memory_space<semaphore_mem>>) src(%arg15 : memref<256xf32, #tpu.memory_space<vmem>>) dst(%dma_wait3A_141 : memref<256xf32, #tpu.memory_space<hbm>>)
      tpu.yield
    }) : () -> ()
    return
  }
}

module attributes {stable_mosaic.version = 14 : i64} {
  func.func @_a2_body(%arg0: i32, %arg1: memref<16x6400xf32, #tpu.memory_space<vmem>>, %arg2: memref<16x128xf32, #tpu.memory_space<vmem>>, %arg3: memref<1x128xf32, #tpu.memory_space<vmem>>, %arg4: memref<6400x128xf32, #tpu.memory_space<vmem>>) attributes {dimension_semantics = [#tpu.dimension_semantics<arbitrary>], iteration_bounds = array<i64: 50>, scalar_prefetch = 0 : i64, scratch_operands = 0 : i64, tpu.core_type = #tpu.core_type<tc>, window_params = [{transform_indices = @transform_0, window_bounds = array<i64: 16, 6400>}, {pipeline_mode = #tpu.pipeline_mode<synchronous>, transform_indices = @transform_1, window_bounds = array<i64: 16, 128>}, {pipeline_mode = #tpu.pipeline_mode<synchronous>, transform_indices = @transform_2, window_bounds = array<i64: 1, 128>}, {transform_indices = @transform_3, window_bounds = array<i64: 6400, 128>}]} {
    %get3A = arith.constant 0 : index
    %get3A_0 = arith.constant 0 : index
    %get3A_1 = vector.load %arg1[%get3A, %get3A_0] : memref<16x6400xf32, #tpu.memory_space<vmem>>, vector<16x6400xf32>
    %get3A_2 = arith.constant 0 : index
    %get3A_3 = arith.constant 0 : index
    %get3A_4 = vector.load %arg2[%get3A_2, %get3A_3] : memref<16x128xf32, #tpu.memory_space<vmem>>, vector<16x128xf32>
    %dot_general3A = arith.constant dense<0.000000e+00> : vector<6400x128xf32>
    %dot_general3A_5 = tpu.matmul %get3A_1, %get3A_4, %dot_general3A {dimension_numbers = #tpu.dot_dimension_numbers<[0], [0], [1], [1], [0, 1, 1, 1], [], []>, transpose_lhs_hint = false} : vector<16x6400xf32>, vector<16x128xf32>, vector<6400x128xf32> -> vector<6400x128xf32>
    %get3A_6 = arith.constant 0 : index
    %get3A_7 = arith.constant 0 : index
    %get3A_8 = vector.load %arg3[%get3A_6, %get3A_7] : memref<1x128xf32, #tpu.memory_space<vmem>>, vector<1x128xf32>
    %add3A = vector.broadcast %get3A_8 : vector<1x128xf32> to vector<6400x128xf32>
    %add3A_9 = arith.addf %dot_general3A_5, %add3A : vector<6400x128xf32>
    %swap3A = arith.constant 0 : index
    %swap3A_10 = arith.constant 0 : index
    %swap3A_11 = vector.load %arg4[%swap3A, %swap3A_10] : memref<6400x128xf32, #tpu.memory_space<vmem>>, vector<6400x128xf32>
    tpu.vector_store %arg4[%swap3A, %swap3A_10], %add3A_9 {strides = array<i32>} : memref<6400x128xf32, #tpu.memory_space<vmem>>, vector<6400x128xf32>,
    return
  }
  func.func @transform_0(%arg0: i32) -> (i32, i32) {
    %c0_i32 = arith.constant 0 : i32
    %c0_i32_0 = arith.constant 0 : i32
    return %c0_i32, %arg0 : i32, i32
  }
  func.func @transform_1(%arg0: i32) -> (i32, i32) {
    %c0_i32 = arith.constant 0 : i32
    %c0_i32_0 = arith.constant 0 : i32
    %c0_i32_1 = arith.constant 0 : i32
    return %c0_i32, %c0_i32_0 : i32, i32
  }
  func.func @transform_2(%arg0: i32) -> (i32, i32) {
    %c0_i32 = arith.constant 0 : i32
    %c0_i32_0 = arith.constant 0 : i32
    %c0_i32_1 = arith.constant 0 : i32
    return %c0_i32, %c0_i32_0 : i32, i32
  }
  func.func @transform_3(%arg0: i32) -> (i32, i32) {
    %c0_i32 = arith.constant 0 : i32
    %c0_i32_0 = arith.constant 0 : i32
    return %arg0, %c0_i32 : i32, i32
  }
}

module attributes {stable_mosaic.version = 14 : i64} {
  func.func @_t_body(%arg0: i32, %arg1: memref<32x256xf32, #tpu.memory_space<vmem>>, %arg2: memref<1x128xf32, #tpu.memory_space<vmem>>, %arg3: memref<1x128xf32, #tpu.memory_space<vmem>>, %arg4: memref<1000x128xf32, #tpu.memory_space<vmem>>, %arg5: memref<1000x128xf32, #tpu.memory_space<vmem>>, %arg6: memref<1000x128xf32, #tpu.memory_space<vmem>>, %arg7: memref<2x128xf32, #tpu.memory_space<vmem>>) attributes {dimension_semantics = [#tpu.dimension_semantics<arbitrary>], iteration_bounds = array<i64: 10>, scalar_prefetch = 0 : i64, scratch_operands = 0 : i64, tpu.core_type = #tpu.core_type<tc>, window_params = [{pipeline_mode = #tpu.pipeline_mode<synchronous>, transform_indices = @transform_0, window_bounds = array<i64: 32, 256>}, {pipeline_mode = #tpu.pipeline_mode<synchronous>, transform_indices = @transform_1, window_bounds = array<i64: 1, 128>}, {pipeline_mode = #tpu.pipeline_mode<synchronous>, transform_indices = @transform_2, window_bounds = array<i64: 1, 128>}, {transform_indices = @transform_3, window_bounds = array<i64: 1000, 128>}, {transform_indices = @transform_4, window_bounds = array<i64: 1000, 128>}, {transform_indices = @transform_5, window_bounds = array<i64: 1000, 128>}, {pipeline_mode = #tpu.pipeline_mode<synchronous>, transform_indices = @transform_6, window_bounds = array<i64: 2, 128>}]} {
    %get3A = arith.constant 0 : index
    %get3A_0 = arith.constant 0 : index
    %get3A_1 = vector.load %arg1[%get3A, %get3A_0] : memref<32x256xf32, #tpu.memory_space<vmem>>, vector<32x256xf32>
    %slice3A = vector.extract_strided_slice %get3A_1 {offsets = [0, 0], sizes = [32, 128], strides = [1, 1]} : vector<32x256xf32> to vector<32x128xf32>
    %reduce_sum3A = arith.constant dense<0.000000e+00> : vector<128xf32>
    %reduce_sum3A_2 = vector.multi_reduction <add>, %slice3A, %reduce_sum3A [0] : vector<32x128xf32> to vector<128xf32>
    %broadcast_in_dim3A = vector.shape_cast %reduce_sum3A_2 : vector<128xf32> to vector<1x128xf32>
    %div3A = arith.constant 3.200000e+05 : f32
    %div3A_3 = vector.broadcast %div3A : f32 to vector<1x128xf32>
    %div3A_4 = arith.divf %broadcast_in_dim3A, %div3A_3 : vector<1x128xf32>
    %slice3A_5 = vector.extract_strided_slice %get3A_1 {offsets = [0, 128], sizes = [32, 128], strides = [1, 1]} : vector<32x256xf32> to vector<32x128xf32>
    %reduce_sum3A_6 = arith.constant dense<0.000000e+00> : vector<128xf32>
    %reduce_sum3A_7 = vector.multi_reduction <add>, %slice3A_5, %reduce_sum3A_6 [0] : vector<32x128xf32> to vector<128xf32>
    %broadcast_in_dim3A_8 = vector.shape_cast %reduce_sum3A_7 : vector<128xf32> to vector<1x128xf32>
    %div3A_9 = arith.constant 3.200000e+05 : f32
    %div3A_10 = vector.broadcast %div3A_9 : f32 to vector<1x128xf32>
    %div3A_11 = arith.divf %broadcast_in_dim3A_8, %div3A_10 : vector<1x128xf32>
    %mul3A = arith.mulf %div3A_4, %div3A_4 : vector<1x128xf32>
    %sub3A = arith.subf %div3A_11, %mul3A : vector<1x128xf32>
    %get3A_12 = arith.constant 0 : index
    %get3A_13 = arith.constant 0 : index
    %get3A_14 = vector.load %arg2[%get3A_12, %get3A_13] : memref<1x128xf32, #tpu.memory_space<vmem>>, vector<1x128xf32>
    %add3A = arith.constant 9.99999974E-6 : f32
    %add3A_15 = vector.broadcast %add3A : f32 to vector<1x128xf32>
    %add3A_16 = arith.addf %sub3A, %add3A_15 : vector<1x128xf32>
    %sqrt3A = math.sqrt %add3A_16 : vector<1x128xf32>
    %div3A_17 = arith.divf %get3A_14, %sqrt3A : vector<1x128xf32>
    %get3A_18 = arith.constant 0 : index
    %get3A_19 = arith.constant 0 : index
    %get3A_20 = vector.load %arg3[%get3A_18, %get3A_19] : memref<1x128xf32, #tpu.memory_space<vmem>>, vector<1x128xf32>
    %mul3A_21 = arith.mulf %div3A_4, %div3A_17 : vector<1x128xf32>
    %sub3A_22 = arith.subf %get3A_20, %mul3A_21 : vector<1x128xf32>
    %get3A_23 = arith.constant 0 : index
    %get3A_24 = arith.constant 0 : index
    %get3A_25 = vector.load %arg4[%get3A_23, %get3A_24] : memref<1000x128xf32, #tpu.memory_space<vmem>>, vector<1000x128xf32>
    %mul3A_26 = vector.broadcast %div3A_17 : vector<1x128xf32> to vector<1000x128xf32>
    %mul3A_27 = arith.mulf %get3A_25, %mul3A_26 : vector<1000x128xf32>
    %get3A_28 = arith.constant 0 : index
    %get3A_29 = arith.constant 0 : index
    %get3A_30 = vector.load %arg5[%get3A_28, %get3A_29] : memref<1000x128xf32, #tpu.memory_space<vmem>>, vector<1000x128xf32>
    %add3A_31 = arith.addf %mul3A_27, %get3A_30 : vector<1000x128xf32>
    %add3A_32 = vector.broadcast %sub3A_22 : vector<1x128xf32> to vector<1000x128xf32>
    %add3A_33 = arith.addf %add3A_31, %add3A_32 : vector<1000x128xf32>
    %swap3A = arith.constant 0 : index
    %swap3A_34 = arith.constant 0 : index
    %swap3A_35 = vector.load %arg6[%swap3A, %swap3A_34] : memref<1000x128xf32, #tpu.memory_space<vmem>>, vector<1000x128xf32>
    tpu.vector_store %arg6[%swap3A, %swap3A_34], %add3A_33 {strides = array<i32>} : memref<1000x128xf32, #tpu.memory_space<vmem>>, vector<1000x128xf32>,
    %swap3A_36 = arith.constant 0 : index
    %swap3A_37 = arith.constant 0 : index
    %swap3A_38 = vector.load %arg7[%swap3A_36, %swap3A_37] : memref<2x128xf32, #tpu.memory_space<vmem>>, vector<1x128xf32>
    tpu.vector_store %arg7[%swap3A_36, %swap3A_37], %div3A_17 {strides = array<i32>} : memref<2x128xf32, #tpu.memory_space<vmem>>, vector<1x128xf32>,
    %swap3A_39 = arith.constant 1 : index
    %swap3A_40 = arith.constant 0 : index
    %swap3A_41 = vector.load %arg7[%swap3A_39, %swap3A_40] : memref<2x128xf32, #tpu.memory_space<vmem>>, vector<1x128xf32>
    tpu.vector_store %arg7[%swap3A_39, %swap3A_40], %sub3A_22 {strides = array<i32>} : memref<2x128xf32, #tpu.memory_space<vmem>>, vector<1x128xf32>,
    return
  }
  func.func @transform_0(%arg0: i32) -> (i32, i32) {
    %c0_i32 = arith.constant 0 : i32
    %c0_i32_0 = arith.constant 0 : i32
    %c0_i32_1 = arith.constant 0 : i32
    return %c0_i32, %c0_i32_0 : i32, i32
  }
  func.func @transform_1(%arg0: i32) -> (i32, i32) {
    %c0_i32 = arith.constant 0 : i32
    %c0_i32_0 = arith.constant 0 : i32
    %c0_i32_1 = arith.constant 0 : i32
    return %c0_i32, %c0_i32_0 : i32, i32
  }
  func.func @transform_2(%arg0: i32) -> (i32, i32) {
    %c0_i32 = arith.constant 0 : i32
    %c0_i32_0 = arith.constant 0 : i32
    %c0_i32_1 = arith.constant 0 : i32
    return %c0_i32, %c0_i32_0 : i32, i32
  }
  func.func @transform_3(%arg0: i32) -> (i32, i32) {
    %c0_i32 = arith.constant 0 : i32
    %c0_i32_0 = arith.constant 0 : i32
    return %arg0, %c0_i32 : i32, i32
  }
  func.func @transform_4(%arg0: i32) -> (i32, i32) {
    %c0_i32 = arith.constant 0 : i32
    %c0_i32_0 = arith.constant 0 : i32
    return %arg0, %c0_i32 : i32, i32
  }
  func.func @transform_5(%arg0: i32) -> (i32, i32) {
    %c0_i32 = arith.constant 0 : i32
    %c0_i32_0 = arith.constant 0 : i32
    return %arg0, %c0_i32 : i32, i32
  }
  func.func @transform_6(%arg0: i32) -> (i32, i32) {
    %c0_i32 = arith.constant 0 : i32
    %c0_i32_0 = arith.constant 0 : i32
    %c0_i32_1 = arith.constant 0 : i32
    return %c0_i32, %c0_i32_0 : i32, i32
  }
}

module attributes {stable_mosaic.version = 14 : i64} {
  func.func @_a1_body(%arg0: i32, %arg1: memref<1000x128xf32, #tpu.memory_space<vmem>>, %arg2: memref<1000x128xf32, #tpu.memory_space<vmem>>, %arg3: memref<128x128xf32, #tpu.memory_space<vmem>>, %arg4: memref<128x128xf32, #tpu.memory_space<vmem>>, %arg5: memref<1000x128xf32, #tpu.memory_space<vmem>>) attributes {dimension_semantics = [#tpu.dimension_semantics<arbitrary>], iteration_bounds = array<i64: 10>, scalar_prefetch = 0 : i64, scratch_operands = 0 : i64, tpu.core_type = #tpu.core_type<tc>, window_params = [{transform_indices = @transform_0, window_bounds = array<i64: 1000, 128>}, {transform_indices = @transform_1, window_bounds = array<i64: 1000, 128>}, {pipeline_mode = #tpu.pipeline_mode<synchronous>, transform_indices = @transform_2, window_bounds = array<i64: 128, 128>}, {pipeline_mode = #tpu.pipeline_mode<synchronous>, transform_indices = @transform_3, window_bounds = array<i64: 128, 128>}, {transform_indices = @transform_4, window_bounds = array<i64: 1000, 128>}]} {
    %get3A = arith.constant 0 : index
    %get3A_0 = arith.constant 0 : index
    %get3A_1 = vector.load %arg1[%get3A, %get3A_0] : memref<1000x128xf32, #tpu.memory_space<vmem>>, vector<1000x128xf32>
    %get3A_2 = arith.constant 0 : index
    %get3A_3 = arith.constant 0 : index
    %get3A_4 = vector.load %arg3[%get3A_2, %get3A_3] : memref<128x128xf32, #tpu.memory_space<vmem>>, vector<128x128xf32>
    %dot_general3A = arith.constant dense<0.000000e+00> : vector<1000x128xf32>
    %dot_general3A_5 = tpu.matmul %get3A_1, %get3A_4, %dot_general3A {dimension_numbers = #tpu.dot_dimension_numbers<[1], [0], [0], [1], [0, 0, 1, 1], [], []>, transpose_lhs_hint = false} : vector<1000x128xf32>, vector<128x128xf32>, vector<1000x128xf32> -> vector<1000x128xf32>
    %get3A_6 = arith.constant 0 : index
    %get3A_7 = arith.constant 0 : index
    %get3A_8 = vector.load %arg2[%get3A_6, %get3A_7] : memref<1000x128xf32, #tpu.memory_space<vmem>>, vector<1000x128xf32>
    %get3A_9 = arith.constant 0 : index
    %get3A_10 = arith.constant 0 : index
    %get3A_11 = vector.load %arg4[%get3A_9, %get3A_10] : memref<128x128xf32, #tpu.memory_space<vmem>>, vector<128x128xf32>
    %dot_general3A_12 = arith.constant dense<0.000000e+00> : vector<1000x128xf32>
    %dot_general3A_13 = tpu.matmul %get3A_8, %get3A_11, %dot_general3A_12 {dimension_numbers = #tpu.dot_dimension_numbers<[1], [0], [0], [1], [0, 0, 1, 1], [], []>, transpose_lhs_hint = false} : vector<1000x128xf32>, vector<128x128xf32>, vector<1000x128xf32> -> vector<1000x128xf32>
    %add3A = arith.addf %dot_general3A_5, %dot_general3A_13 : vector<1000x128xf32>
    %swap3A = arith.constant 0 : index
    %swap3A_14 = arith.constant 0 : index
    %swap3A_15 = vector.load %arg5[%swap3A, %swap3A_14] : memref<1000x128xf32, #tpu.memory_space<vmem>>, vector<1000x128xf32>
    tpu.vector_store %arg5[%swap3A, %swap3A_14], %add3A {strides = array<i32>} : memref<1000x128xf32, #tpu.memory_space<vmem>>, vector<1000x128xf32>,
    return
  }
  func.func @transform_0(%arg0: i32) -> (i32, i32) {
    %c0_i32 = arith.constant 0 : i32
    %c0_i32_0 = arith.constant 0 : i32
    return %arg0, %c0_i32 : i32, i32
  }
  func.func @transform_1(%arg0: i32) -> (i32, i32) {
    %c0_i32 = arith.constant 0 : i32
    %c0_i32_0 = arith.constant 0 : i32
    return %arg0, %c0_i32 : i32, i32
  }
  func.func @transform_2(%arg0: i32) -> (i32, i32) {
    %c0_i32 = arith.constant 0 : i32
    %c0_i32_0 = arith.constant 0 : i32
    %c0_i32_1 = arith.constant 0 : i32
    return %c0_i32, %c0_i32_0 : i32, i32
  }
  func.func @transform_3(%arg0: i32) -> (i32, i32) {
    %c0_i32 = arith.constant 0 : i32
    %c0_i32_0 = arith.constant 0 : i32
    %c0_i32_1 = arith.constant 0 : i32
    return %c0_i32, %c0_i32_0 : i32, i32
  }
  func.func @transform_4(%arg0: i32) -> (i32, i32) {
    %c0_i32 = arith.constant 0 : i32
    %c0_i32_0 = arith.constant 0 : i32
    return %arg0, %c0_i32 : i32, i32
  }
}

module attributes {stable_mosaic.version = 14 : i64} {
  func.func @_e_body(%arg0: i32, %arg1: memref<632x128xf32, #tpu.memory_space<vmem>>, %arg2: memref<632x128xf32, #tpu.memory_space<vmem>>, %arg3: memref<128x128xf32, #tpu.memory_space<vmem>>, %arg4: memref<1x128xf32, #tpu.memory_space<vmem>>, %arg5: memref<1x128xf32, #tpu.memory_space<vmem>>, %arg6: memref<1x128xf32, #tpu.memory_space<vmem>>, %arg7: memref<1000x128xf32, #tpu.memory_space<vmem>>, %arg8: memref<1000x128xf32, #tpu.memory_space<vmem>>, %arg9: memref<10112x128xf32, #tpu.memory_space<vmem>>, %arg10: memref<2x128xf32, #tpu.memory_space<vmem>>, %arg11: memref<2x128xf32, #tpu.memory_space<vmem>>) attributes {dimension_semantics = [#tpu.dimension_semantics<arbitrary>], iteration_bounds = array<i64: 26>, scalar_prefetch = 0 : i64, scratch_operands = 3 : i64, tpu.core_type = #tpu.core_type<tc>, window_params = [{transform_indices = @transform_0, window_bounds = array<i64: 632, 128>}, {transform_indices = @transform_1, window_bounds = array<i64: 632, 128>}, {pipeline_mode = #tpu.pipeline_mode<synchronous>, transform_indices = @transform_2, window_bounds = array<i64: 128, 128>}, {pipeline_mode = #tpu.pipeline_mode<synchronous>, transform_indices = @transform_3, window_bounds = array<i64: 1, 128>}, {pipeline_mode = #tpu.pipeline_mode<synchronous>, transform_indices = @transform_4, window_bounds = array<i64: 1, 128>}, {pipeline_mode = #tpu.pipeline_mode<synchronous>, transform_indices = @transform_5, window_bounds = array<i64: 1, 128>}, {transform_indices = @transform_6, window_bounds = array<i64: 1000, 128>}, {transform_indices = @transform_7, window_bounds = array<i64: 1000, 128>}]} {
    %eq3A = arith.constant 0 : i32
    %eq3A_0 = arith.cmpi eq, %arg0, %eq3A : i32
    %convert_element_type3A = arith.extui %eq3A_0 : i1 to i32
    %cond3A = arith.constant 0 : i32
    %cond3A_1 = arith.cmpi ne, %convert_element_type3A, %cond3A : i32
    scf.if %cond3A_1 {
      %broadcast_in_dim3A = arith.constant 0.000000e+00 : f32
      %broadcast_in_dim3A_15 = vector.broadcast %broadcast_in_dim3A : f32 to vector<2x128xf32>
      %swap3A = arith.constant 0 : index
      %swap3A_16 = arith.constant 0 : index
      %swap3A_17 = vector.load %arg10[%swap3A, %swap3A_16] : memref<2x128xf32, #tpu.memory_space<vmem>>, vector<2x128xf32>
      tpu.vector_store %arg10[%swap3A, %swap3A_16], %broadcast_in_dim3A_15 {strides = array<i32>} : memref<2x128xf32, #tpu.memory_space<vmem>>, vector<2x128xf32>,
    } else {
    }
    %lt3A = arith.constant 16 : i32
    %lt3A_2 = arith.cmpi slt, %arg0, %lt3A : i32
    %convert_element_type3A_3 = arith.extui %lt3A_2 : i1 to i32
    %cond3A_4 = arith.constant 0 : i32
    %cond3A_5 = arith.cmpi ne, %convert_element_type3A_3, %cond3A_4 : i32
    scf.if %cond3A_5 {
      %get3A = arith.constant 0 : index
      %get3A_15 = arith.constant 0 : index
      %get3A_16 = vector.load %arg1[%get3A, %get3A_15] : memref<632x128xf32, #tpu.memory_space<vmem>>, vector<632x128xf32>
      %get3A_17 = arith.constant 0 : index
      %get3A_18 = arith.constant 0 : index
      %get3A_19 = vector.load %arg2[%get3A_17, %get3A_18] : memref<632x128xf32, #tpu.memory_space<vmem>>, vector<632x128xf32>
      %add3A = arith.addf %get3A_16, %get3A_19 : vector<632x128xf32>
      %get3A_20 = arith.constant 0 : index
      %get3A_21 = arith.constant 0 : index
      %get3A_22 = vector.load %arg3[%get3A_20, %get3A_21] : memref<128x128xf32, #tpu.memory_space<vmem>>, vector<128x128xf32>
      %dot_general3A = arith.constant dense<0.000000e+00> : vector<632x128xf32>
      %dot_general3A_23 = tpu.matmul %add3A, %get3A_22, %dot_general3A {dimension_numbers = #tpu.dot_dimension_numbers<[1], [0], [0], [1], [0, 0, 1, 1], [], []>, transpose_lhs_hint = false} : vector<632x128xf32>, vector<128x128xf32>, vector<632x128xf32> -> vector<632x128xf32>
      %get3A_24 = arith.constant 0 : index
      %get3A_25 = arith.constant 0 : index
      %get3A_26 = vector.load %arg4[%get3A_24, %get3A_25] : memref<1x128xf32, #tpu.memory_space<vmem>>, vector<1x128xf32>
      %add3A_27 = vector.broadcast %get3A_26 : vector<1x128xf32> to vector<632x128xf32>
      %add3A_28 = arith.addf %dot_general3A_23, %add3A_27 : vector<632x128xf32>
      %mul3A = arith.constant 632 : i32
      %mul3A_29 = arith.muli %arg0, %mul3A : i32
      %swap3A = arith.index_cast %mul3A_29 : i32 to index
      %swap3A_30 = arith.constant 0 : index
      %swap3A_31 = vector.load %arg9[%swap3A, %swap3A_30] : memref<10112x128xf32, #tpu.memory_space<vmem>>, vector<632x128xf32>
      tpu.vector_store %arg9[%swap3A, %swap3A_30], %add3A_28 {strides = array<i32>} : memref<10112x128xf32, #tpu.memory_space<vmem>>, vector<632x128xf32>,
      %iota3A = tpu.iota {dimensions = array<i32: 0>} : vector<632x1xi32>
      %mul3A_32 = arith.constant 632 : i32
      %mul3A_33 = arith.muli %arg0, %mul3A_32 : i32
      %add3A_34 = vector.broadcast %mul3A_33 : i32 to vector<632x1xi32>
      %add3A_35 = arith.addi %iota3A, %add3A_34 : vector<632x1xi32>
      %lt3A_36 = arith.constant 10000 : i32
      %lt3A_37 = vector.broadcast %lt3A_36 : i32 to vector<632x1xi32>
      %lt3A_38 = arith.cmpi slt, %add3A_35, %lt3A_37 : vector<632x1xi32>
      %jit3A = arith.constant 0.000000e+00 : f32
      %broadcast_in_dim3A = vector.shape_cast %lt3A_38 : vector<632x1xi1> to vector<632x1xi1>
      %broadcast_in_dim3A_39 = vector.broadcast %broadcast_in_dim3A : vector<632x1xi1> to vector<632x128xi1>
      %broadcast_in_dim3A_40 = vector.broadcast %jit3A : f32 to vector<632x128xf32>
      %select_n3A = arith.select %broadcast_in_dim3A_39, %add3A_28, %broadcast_in_dim3A_40 : vector<632x128xi1>, vector<632x128xf32>
      %get3A_41 = arith.constant 0 : index
      %get3A_42 = arith.constant 0 : index
      %get3A_43 = vector.load %arg10[%get3A_41, %get3A_42] : memref<2x128xf32, #tpu.memory_space<vmem>>, vector<1x128xf32>
      %reduce_sum3A = arith.constant dense<0.000000e+00> : vector<128xf32>
      %reduce_sum3A_44 = vector.multi_reduction <add>, %select_n3A, %reduce_sum3A [0] : vector<632x128xf32> to vector<128xf32>
      %broadcast_in_dim3A_45 = vector.shape_cast %reduce_sum3A_44 : vector<128xf32> to vector<1x128xf32>
      %add3A_46 = arith.addf %get3A_43, %broadcast_in_dim3A_45 : vector<1x128xf32>
      %swap3A_47 = arith.constant 0 : index
      %swap3A_48 = arith.constant 0 : index
      %swap3A_49 = vector.load %arg10[%swap3A_47, %swap3A_48] : memref<2x128xf32, #tpu.memory_space<vmem>>, vector<1x128xf32>
      tpu.vector_store %arg10[%swap3A_47, %swap3A_48], %add3A_46 {strides = array<i32>} : memref<2x128xf32, #tpu.memory_space<vmem>>, vector<1x128xf32>,
      %get3A_50 = arith.constant 1 : index
      %get3A_51 = arith.constant 0 : index
      %get3A_52 = vector.load %arg10[%get3A_50, %get3A_51] : memref<2x128xf32, #tpu.memory_space<vmem>>, vector<1x128xf32>
      %mul3A_53 = arith.mulf %select_n3A, %select_n3A : vector<632x128xf32>
      %reduce_sum3A_54 = arith.constant dense<0.000000e+00> : vector<128xf32>
      %reduce_sum3A_55 = vector.multi_reduction <add>, %mul3A_53, %reduce_sum3A_54 [0] : vector<632x128xf32> to vector<128xf32>
      %broadcast_in_dim3A_56 = vector.shape_cast %reduce_sum3A_55 : vector<128xf32> to vector<1x128xf32>
      %add3A_57 = arith.addf %get3A_52, %broadcast_in_dim3A_56 : vector<1x128xf32>
      %swap3A_58 = arith.constant 1 : index
      %swap3A_59 = arith.constant 0 : index
      %swap3A_60 = vector.load %arg10[%swap3A_58, %swap3A_59] : memref<2x128xf32, #tpu.memory_space<vmem>>, vector<1x128xf32>
      tpu.vector_store %arg10[%swap3A_58, %swap3A_59], %add3A_57 {strides = array<i32>} : memref<2x128xf32, #tpu.memory_space<vmem>>, vector<1x128xf32>,
    } else {
    }
    %eq3A_6 = arith.constant 16 : i32
    %eq3A_7 = arith.cmpi eq, %arg0, %eq3A_6 : i32
    %convert_element_type3A_8 = arith.extui %eq3A_7 : i1 to i32
    %cond3A_9 = arith.constant 0 : i32
    %cond3A_10 = arith.cmpi ne, %convert_element_type3A_8, %cond3A_9 : i32
    scf.if %cond3A_10 {
      %get3A = arith.constant 0 : index
      %get3A_15 = arith.constant 0 : index
      %get3A_16 = vector.load %arg10[%get3A, %get3A_15] : memref<2x128xf32, #tpu.memory_space<vmem>>, vector<1x128xf32>
      %div3A = arith.constant 1.000000e+04 : f32
      %div3A_17 = vector.broadcast %div3A : f32 to vector<1x128xf32>
      %div3A_18 = arith.divf %get3A_16, %div3A_17 : vector<1x128xf32>
      %get3A_19 = arith.constant 1 : index
      %get3A_20 = arith.constant 0 : index
      %get3A_21 = vector.load %arg10[%get3A_19, %get3A_20] : memref<2x128xf32, #tpu.memory_space<vmem>>, vector<1x128xf32>
      %div3A_22 = arith.constant 1.000000e+04 : f32
      %div3A_23 = vector.broadcast %div3A_22 : f32 to vector<1x128xf32>
      %div3A_24 = arith.divf %get3A_21, %div3A_23 : vector<1x128xf32>
      %mul3A = arith.mulf %div3A_18, %div3A_18 : vector<1x128xf32>
      %sub3A = arith.subf %div3A_24, %mul3A : vector<1x128xf32>
      %get3A_25 = arith.constant 0 : index
      %get3A_26 = arith.constant 0 : index
      %get3A_27 = vector.load %arg5[%get3A_25, %get3A_26] : memref<1x128xf32, #tpu.memory_space<vmem>>, vector<1x128xf32>
      %add3A = arith.constant 9.99999974E-6 : f32
      %add3A_28 = vector.broadcast %add3A : f32 to vector<1x128xf32>
      %add3A_29 = arith.addf %sub3A, %add3A_28 : vector<1x128xf32>
      %sqrt3A = math.sqrt %add3A_29 : vector<1x128xf32>
      %div3A_30 = arith.divf %get3A_27, %sqrt3A : vector<1x128xf32>
      %swap3A = arith.constant 0 : index
      %swap3A_31 = arith.constant 0 : index
      %swap3A_32 = vector.load %arg11[%swap3A, %swap3A_31] : memref<2x128xf32, #tpu.memory_space<vmem>>, vector<1x128xf32>
      tpu.vector_store %arg11[%swap3A, %swap3A_31], %div3A_30 {strides = array<i32>} : memref<2x128xf32, #tpu.memory_space<vmem>>, vector<1x128xf32>,
      %get3A_33 = arith.constant 0 : index
      %get3A_34 = arith.constant 0 : index
      %get3A_35 = vector.load %arg6[%get3A_33, %get3A_34] : memref<1x128xf32, #tpu.memory_space<vmem>>, vector<1x128xf32>
      %mul3A_36 = arith.mulf %div3A_18, %div3A_30 : vector<1x128xf32>
      %sub3A_37 = arith.subf %get3A_35, %mul3A_36 : vector<1x128xf32>
      %swap3A_38 = arith.constant 1 : index
      %swap3A_39 = arith.constant 0 : index
      %swap3A_40 = vector.load %arg11[%swap3A_38, %swap3A_39] : memref<2x128xf32, #tpu.memory_space<vmem>>, vector<1x128xf32>
      tpu.vector_store %arg11[%swap3A_38, %swap3A_39], %sub3A_37 {strides = array<i32>} : memref<2x128xf32, #tpu.memory_space<vmem>>, vector<1x128xf32>,
    } else {
    }
    %ge3A = arith.constant 16 : i32
    %ge3A_11 = arith.cmpi sge, %arg0, %ge3A : i32
    %convert_element_type3A_12 = arith.extui %ge3A_11 : i1 to i32
    %cond3A_13 = arith.constant 0 : i32
    %cond3A_14 = arith.cmpi ne, %convert_element_type3A_12, %cond3A_13 : i32
    scf.if %cond3A_14 {
      %sub3A = arith.constant 16 : i32
      %sub3A_15 = arith.subi %arg0, %sub3A : i32
      %mul3A = arith.constant 1000 : i32
      %mul3A_16 = arith.muli %sub3A_15, %mul3A : i32
      %get3A = arith.index_cast %mul3A_16 : i32 to index
      %get3A_17 = arith.constant 0 : index
      %get3A_18 = vector.load %arg9[%get3A, %get3A_17] : memref<10112x128xf32, #tpu.memory_space<vmem>>, vector<1000x128xf32>
      %get3A_19 = arith.constant 0 : index
      %get3A_20 = arith.constant 0 : index
      %get3A_21 = vector.load %arg11[%get3A_19, %get3A_20] : memref<2x128xf32, #tpu.memory_space<vmem>>, vector<1x128xf32>
      %mul3A_22 = vector.broadcast %get3A_21 : vector<1x128xf32> to vector<1000x128xf32>
      %mul3A_23 = arith.mulf %get3A_18, %mul3A_22 : vector<1000x128xf32>
      %get3A_24 = arith.constant 1 : index
      %get3A_25 = arith.constant 0 : index
      %get3A_26 = vector.load %arg11[%get3A_24, %get3A_25] : memref<2x128xf32, #tpu.memory_space<vmem>>, vector<1x128xf32>
      %add3A = vector.broadcast %get3A_26 : vector<1x128xf32> to vector<1000x128xf32>
      %add3A_27 = arith.addf %mul3A_23, %add3A : vector<1000x128xf32>
      %get3A_28 = arith.constant 0 : index
      %get3A_29 = arith.constant 0 : index
      %get3A_30 = vector.load %arg7[%get3A_28, %get3A_29] : memref<1000x128xf32, #tpu.memory_space<vmem>>, vector<1000x128xf32>
      %add3A_31 = arith.addf %add3A_27, %get3A_30 : vector<1000x128xf32>
      %max3A = arith.constant 0.000000e+00 : f32
      %max3A_32 = vector.broadcast %max3A : f32 to vector<1000x128xf32>
      %max3A_33 = arith.maximumf %add3A_31, %max3A_32 : vector<1000x128xf32>
      %swap3A = arith.constant 0 : index
      %swap3A_34 = arith.constant 0 : index
      %swap3A_35 = vector.load %arg8[%swap3A, %swap3A_34] : memref<1000x128xf32, #tpu.memory_space<vmem>>, vector<1000x128xf32>
      tpu.vector_store %arg8[%swap3A, %swap3A_34], %max3A_33 {strides = array<i32>} : memref<1000x128xf32, #tpu.memory_space<vmem>>, vector<1000x128xf32>,
    } else {
    }
    return
  }
  func.func @transform_0(%arg0: i32) -> (i32, i32) {
    %min3A = arith.constant 15 : i32
    %min3A_0 = arith.minsi %arg0, %min3A : i32
    %c0_i32 = arith.constant 0 : i32
    %c0_i32_1 = arith.constant 0 : i32
    return %min3A_0, %c0_i32 : i32, i32
  }
  func.func @transform_1(%arg0: i32) -> (i32, i32) {
    %min3A = arith.constant 15 : i32
    %min3A_0 = arith.minsi %arg0, %min3A : i32
    %add3A = arith.constant 16 : i32
    %add3A_1 = arith.addi %min3A_0, %add3A : i32
    %c0_i32 = arith.constant 0 : i32
    %c0_i32_2 = arith.constant 0 : i32
    return %add3A_1, %c0_i32 : i32, i32
  }
  func.func @transform_2(%arg0: i32) -> (i32, i32) {
    %c0_i32 = arith.constant 0 : i32
    %c0_i32_0 = arith.constant 0 : i32
    %c0_i32_1 = arith.constant 0 : i32
    return %c0_i32, %c0_i32_0 : i32, i32
  }
  func.func @transform_3(%arg0: i32) -> (i32, i32) {
    %c0_i32 = arith.constant 0 : i32
    %c0_i32_0 = arith.constant 0 : i32
    %c0_i32_1 = arith.constant 0 : i32
    return %c0_i32, %c0_i32_0 : i32, i32
  }
  func.func @transform_4(%arg0: i32) -> (i32, i32) {
    %c0_i32 = arith.constant 0 : i32
    %c0_i32_0 = arith.constant 0 : i32
    %c0_i32_1 = arith.constant 0 : i32
    return %c0_i32, %c0_i32_0 : i32, i32
  }
  func.func @transform_5(%arg0: i32) -> (i32, i32) {
    %c0_i32 = arith.constant 0 : i32
    %c0_i32_0 = arith.constant 0 : i32
    %c0_i32_1 = arith.constant 0 : i32
    return %c0_i32, %c0_i32_0 : i32, i32
  }
  func.func @transform_6(%arg0: i32) -> (i32, i32) {
    %sub3A = arith.constant 16 : i32
    %sub3A_0 = arith.subi %arg0, %sub3A : i32
    %max3A = arith.constant 0 : i32
    %max3A_1 = arith.maxsi %sub3A_0, %max3A : i32
    %c0_i32 = arith.constant 0 : i32
    %c0_i32_2 = arith.constant 0 : i32
    return %max3A_1, %c0_i32 : i32, i32
  }
  func.func @transform_7(%arg0: i32) -> (i32, i32) {
    %sub3A = arith.constant 16 : i32
    %sub3A_0 = arith.subi %arg0, %sub3A : i32
    %max3A = arith.constant 0 : i32
    %max3A_1 = arith.maxsi %sub3A_0, %max3A : i32
    %c0_i32 = arith.constant 0 : i32
    %c0_i32_2 = arith.constant 0 : i32
    return %max3A_1, %c0_i32 : i32, i32
  }
}

</mosaic_0001>

<sc_bundles>
// kernel: kernel.11.cloned.1.call-start
scs
__scs_entry_jumppad:
0x0: {  	(pc) =	sbr.rel $0x88, $3  }
0x1: {  	(tag) =	ssettag $0x0;
	lr =	simm.s32 $0x1  }
0x2: {  	[smem:$0x3F95] =	sst lr;
	_ =	strace $0xD0000000  }
0x3: {  	_ = 	snop  }
0x4: {  	_ = 	snop  }
0x5: {  	_ = 	snop  }
0x6: {  	_ = 	snop  }
0x7: {  	_ = 	snop  }
__scs_overlays_trampoline_lowered:
0x8: {  	[smem:$0x3FA4] =	sst s0  }
0x9: {  	[smem:$0x3FA5] =	sst s1  }
0xa: {  	[smem:$0x3FA6] =	sst s2  }
0xb: {  	[smem:$0x3FA7] =	sst s3  }
0xc: {  	[smem:$0x3FA8] =	sst s4  }
0xd: {  	[smem:$0x3FA9] =	sst s5  }
0xe: {  	[smem:$0x3FAA] =	sst s6  }
0xf: {  	[smem:$0x3FAB] =	sst s7  }
0x10: {  	[smem:$0x3FAC] =	sst s8  }
0x11: {  	[smem:$0x3FAD] =	sst s9;
	s0 =	simm.s32 @!p0 $0x0  }
0x12: {  	s1 =	sld [smem:$0x3F93];
	s0 =	simm.s32 @p0 $0x1  }
0x13: {  	[smem:$0x3FAE] =	sst s0;
	s0 =	simm.s32 @!p1 $0x0  }
0x14: {  	s2 =	sld [smem:$0x3F92];
	s0 =	simm.s32 @p1 $0x1  }
0x15: {  	[smem:$0x3FAF] =	sst s0;
	s0 =	simm.s32 @!p2 $0x0  }
0x16: {  	s3 =	sld [smem:$0x3FDB];
	s0 =	simm.s32 @p2 $0x1  }
0x17: {  	s4 =	simm.s32 $0x1BF5;
	[smem:$0x3FB1] =	sst s0  }
0x18: {  	s0 =	sld [smem:$0x3F94];
	_ =	swait.ge [sflag:s4], $0x0  }
0x19: {  	s7 =	sld [smem:$0x3F95]  }
0x1a: {  	s8 =	sadd.s32 $0xFFFFE003, lr  }
0x1b: {  	s9 =	sadd.s32 $0xFFFFFEF7, lr;
	s5 =	simm.s32 $0xFFFFFFFF;
	p2 =	slt.u32 s8, $0xFFFFF086  }
0x1c: {  	p1 =	slt.u32 s9, $0xF7A;
	s5 =	simm.s32 @!p2 $0x0  }
0x1d: {  	s5 =	simm.s32 @p1 $0x1;
	p0 =	seq.s32 s7, s2  }
0x1e: {  	s7 =	smul.u32 @!p0 $0xF7A, s2;
	p2 =	seq.s32 @!p0 s5, $0x0  }
0x1f: {  	s9 =	smul.u32 $0xF7A, s1;
	s8 =	simm.s32 @!p0 $0x1BF5;
	p2 =	por !p2, p0  }
0x20: {  	[sflag:s8] =	ssyncset.s32 @!p0 $0xFFFFF086;
	s6 =	sadd.s32 @!p0 s3, s7;
	s7 =	simm.s32 @!p0 $0x108  }
0x21: {  	s3 =	sadd.s32 s3, s9;
	s6 =	sadd.s32 @!p0 $0x88, s6;
	s7 =	simm.s32 @p2 $0x1082  }
0x22: {  	[simem:s7], [sflag:s8] =	dma.local @!p0 [hbm:s6], $0xF7A  }
0x23: {  	s9 =	sor.u32 $0xD0000000, s2;
	s6 =	simm.s32 $0x108;
	_ =	swait.ge @!p0 [sflag:s8], $0x0  }
0x24: {  	s3 =	sadd.s32 $0x88, s3;
	s6 =	simm.s32 @!p1 $0x1082;
	[sflag:s4] =	ssyncset.s32 $0xFFFFF086  }
0x25: {  	[simem:s6], [sflag:s4] =	dma.local [hbm:s3], $0xF7A  }
0x26: {  	[smem:$0x3F95] =	sst s1;
	(tag) =	ssettag s2;
	_ =	strace s9  }
0x27: {  	s1 =	sld [smem:$0x3FA5]  }
0x28: {  	s2 =	sld [smem:$0x3FA6]  }
0x29: {  	s4 =	sld [smem:$0x3FA8]  }
0x2a: {  	p0 =	seq.s32 s5, $0x0;
	s5 =	sld [smem:$0x3FA9]  }
0x2b: {  	s6 =	sld [smem:$0x3FAA]  }
0x2c: {  	s7 =	sld [smem:$0x3FAB]  }
0x2d: {  	s3 =	simm.s32 $0x108;
	s8 =	sld [smem:$0x3FAC]  }
0x2e: {  	s3 =	simm.s32 @!p0 $0x1082;
	s9 =	sld [smem:$0x3FAD]  }
0x2f: {  	lr =	sadd.s32 s0, s3;
	s0 =	sld [smem:$0x3FA4]  }
0x30: {  	s3 =	sld [smem:$0x3FA7]  }
0x31: {  	[smem:$0x3FB0] =	sst s10  }
0x32: {  	s10 =	sld [smem:$0x3FAE];
	_ =	sdelay $0x3  }
0x33: {  	p0 =	seq.s32 s10, $0x1;
	s10 =	sld [smem:$0x3FB0];
	_ =	sdelay $0x3  }
0x34: {  	[smem:$0x3FB0] =	sst s10  }
0x35: {  	s10 =	sld [smem:$0x3FAF];
	_ =	sdelay $0x3  }
0x36: {  	p1 =	seq.s32 s10, $0x1;
	s10 =	sld [smem:$0x3FB0];
	_ =	sdelay $0x3  }
0x37: {  	[smem:$0x3FB0] =	sst s10  }
0x38: {  	s10 =	sld [smem:$0x3FB1]  }
0x39: {  	_ = 	snop;
	(pc) =	sbr.ind lr, $3  }
0x3a: {  	_ = 	snop  }
0x3b: {  	_ = 	snop  }
0x3c: {  	p2 =	seq.s32 s10, $0x1;
	s10 =	sld [smem:$0x3FB0]  }
0x3d: {  	_ =	shalt  }
0x3e: {  	_ =	shalt  }
0x3f: {  	_ =	shalt  }
0x40: {  	_ =	shalt  }
0x41: {  	_ =	shalt  }
0x42: {  	_ =	shalt  }
0x43: {  	_ =	shalt  }
0x44: {  	_ =	shalt  }
0x45: {  	_ =	shalt  }
0x46: {  	_ =	shalt  }
0x47: {  	_ =	shalt  }
0x48: {  	_ =	shalt  }
0x49: {  	_ =	shalt  }
0x4a: {  	_ =	shalt  }
0x4b: {  	_ =	shalt  }
0x4c: {  	_ =	shalt  }
0x4d: {  	_ =	shalt  }
0x4e: {  	_ =	shalt  }
0x4f: {  	_ =	shalt  }
0x50: {  	_ =	shalt  }
0x51: {  	_ =	shalt  }
0x52: {  	_ =	shalt  }
0x53: {  	_ =	shalt  }
0x54: {  	_ =	shalt  }
0x55: {  	_ =	shalt  }
0x56: {  	_ =	shalt  }
0x57: {  	_ =	shalt  }
0x58: {  	_ =	shalt  }
0x59: {  	_ =	shalt  }
0x5a: {  	_ =	shalt  }
0x5b: {  	_ =	shalt  }
0x5c: {  	_ =	shalt  }
0x5d: {  	_ =	shalt  }
0x5e: {  	_ =	shalt  }
0x5f: {  	_ =	shalt  }
0x60: {  	_ =	shalt  }
0x61: {  	_ =	shalt  }
0x62: {  	_ =	shalt  }
0x63: {  	_ =	shalt  }
0x64: {  	_ =	shalt  }
0x65: {  	_ =	shalt  }
0x66: {  	_ =	shalt  }
0x67: {  	_ =	shalt  }
0x68: {  	_ =	shalt  }
0x69: {  	_ =	shalt  }
0x6a: {  	_ =	shalt  }
0x6b: {  	_ =	shalt  }
0x6c: {  	_ =	shalt  }
0x6d: {  	_ =	shalt  }
0x6e: {  	_ =	shalt  }
0x6f: {  	_ =	shalt  }
0x70: {  	_ =	shalt  }
0x71: {  	_ =	shalt  }
0x72: {  	_ =	shalt  }
0x73: {  	_ =	shalt  }
0x74: {  	_ =	shalt  }
0x75: {  	_ =	shalt  }
0x76: {  	_ =	shalt  }
0x77: {  	_ =	shalt  }
0x78: {  	_ =	shalt  }
0x79: {  	_ =	shalt  }
0x7a: {  	_ =	shalt  }
0x7b: {  	_ =	shalt  }
0x7c: {  	_ =	shalt  }
0x7d: {  	_ =	shalt  }
0x7e: {  	_ =	shalt  }
0x7f: {  	_ =	shalt  }
0x80: {  	_ =	shalt  }
0x81: {  	_ =	shalt  }
0x82: {  	_ =	shalt  }
0x83: {  	_ =	shalt  }
0x84: {  	_ =	shalt  }
0x85: {  	_ =	shalt  }
0x86: {  	_ =	shalt  }
0x87: {  	_ =	shalt  }
.Lfunc_end0:
.L_simem_size_0:
called_computation.1_lowered:
.L_overlay_start_0:
0x88: {  	s2 =	sld [smem:$0x3FD9]  }
0x89: {  	s3 =	sld [smem:$0x3FFE];
	_ =	sdelay $0x1  }
0x8a: {  	s1 =	srdreg.scid  }
0x8b: {  	s0 =	sand.u32 $0x1, s1  }
0x8c: {  	s17 =	sshll.u32 s0, $0xA;
	s2 =	sadd.s32 s3, s2  }
0x8d: {  	s2 =	sadd.s32 s2, s17  }
0x8e: {  	[smem:$0x3FBC] =	sst s2  }
0x8f: {  	_ = 	snop  }
0x90: {  	s2 =	sld [smem:$0x3FD0];
	(tm) =	ssettm $0x1  }
0x91: {  	s18 =	sld [smem:$0x3FFB];
	_ =	sdelay $0x3  }
0x92: {  	_ =	strace s18  }
0x93: {  	s3 =	sld [smem:$0x3FFC];
	_ =	sdelay $0x3  }
0x94: {  	_ =	strace s3  }
0x95: {  	s3 =	sld [smem:$0x3FFD];
	_ =	sdelay $0x3  }
0x96: {  	_ =	strace s3  }
0x97: {  	_ =	strace $0x8FFFFFFF  }
0x98: {  	s19 =	sld [smem:$0x3FDB];
	_ =	sdelay $0x1  }
0x99: {  	s4 =	simm.s32 $_scs_section_size  }
0x9a: {  	s5 =	simm.s32 $_size__tile_overlayer_lowered;
	s6 =	simm.s32 $_tile_overlayer_lowered  }
0x9b: {  	s22 =	simm.s32 $0x1BFF;
	s21 =	sshll.u32 s6, $0x1;
	s3 =	sadd.s32 s4, s19  }
0x9c: {  	s7 =	simm.s32 $0x0;
	s20 =	sshll.u32 s5, $0x1;
	s5 =	sadd.s32 s21, s3  }
0x9d: {  	[timem:s7], [sflag:s22] =	dma.local [hbm:s5], s20  }
0x9e: {  	_ =	swait.ge [sflag:s22], s20  }
0x9f: {  	s4 =	ssub.s32 $0x0, s20;
	[sflag:s22] =	ssyncset.done $0x0  }
0xa0: {  	[sflag:s22] =	ssyncadd.s32 s4;
	_ =	sdelay $0x1  }
0xa1: {  	s23 =	simm.s32 $0x1B8B  }
0xa2: {  	_ =	swait.ge [sflag:s23], $0x1  }
0xa3: {  	[sflag:s23] =	ssyncset.done $0x0  }
0xa4: {  	s25 =	simm.s32 $0x1B8E;
	s24 =	sld [smem:$0x3FFE];
	[sflag:s23] =	ssyncadd.s32 $0xFFFFFFFF  }
0xa5: {  	s26 =	simm.s32 $execute0_lowered;
	[smem:$0x3FD2] =	sst s25  }
0xa6: {  	s5 =	sshll.u32 s26, $0x1;
	_ =	strace $0x80000049;
	[dreg:$0x1] =	wrdreg $0xFFFFFFFF  }
0xa7: {  	s28 =	simm.s32 $_size_execute0_lowered;
	s3 =	sadd.s32 s3, s5;
	[dreg:$0x0] =	wrdreg $0x0  }
0xa8: {  	s5 =	sshll.u32 s28, $0x1;
	[dreg:$0x2] =	wrdreg s3  }
0xa9: {  	[dreg:$0x3] =	wrdreg s5  }
0xaa: {  	[dreg:$0x4] =	wrdreg $0xC0  }
0xab: {  	_ =	task [dreg:s7], $0x5FFFF  }
0xac: {  	[dreg:$0x1] =	wrdreg $0xFFFFFFFF  }
0xad: {  	[dreg:$0x0] =	wrdreg $0x60  }
0xae: {  	[dreg:$0x2] =	wrdreg s24  }
0xaf: {  	[dreg:$0x3] =	wrdreg s2  }
0xb0: {  	[dreg:$0x4] =	wrdreg $0xA3800  }
0xb1: {  	[dreg:$0x5] =	wrdreg $0x9  }
0xb2: {  	_ =	task.clear_ibuf [dreg:s7], $0x6FFFF;
	_ =	strace $0x90000049  }
0xb3: {  	s29 =	simm.s32 $0x9;
	_ =	strace $0x8000004B  }
0xb4: {  	_ =	swait.ge [sflag:s29], $0x1  }
0xb5: {  	[sflag:s29] =	ssyncadd.s32 $0xFFFFFFFF  }
0xb6: {  	_ =	strace $0x9000004B  }
0xb7: {  	_ =	sfence  }
0xb8: {  	s30 =	sld [smem:$0x0];
	_ =	sdelay $0x2  }
0xb9: {  	s31 =	sshll.u32 s1, $0xD;
	s1 =	sshrl.u32 s1, $0x2  }
0xba: {  	s3 =	sand.u32 $0x4000, s31;
	s1 =	sadd.s32 s1, s30  }
0xbb: {  	s0 =	sor.u32 s3, s0;
	s1 =	sshll.u32 s1, $0x11  }
0xbc: {  	s0 =	sor.u32 s1, s0  }
0xbd: {  	s0 =	sadd.s32 $0x8F2B, s0  }
0xbe: {  	[sflag:s0] =	ssyncadd.remote.s32 $0x1  }
0xbf: {  	_ =	sfence.sel $0xFFFF  }
0xc0: {  	[dreg:$0x0] =	wrdreg $0xFFFFFFFF;
	(pc) =	sbr.abs _section_cstart, $3  }
0xc1: {  	[dreg:$0x1] =	wrdreg $0xFFFFFFFF  }
0xc2: {  	_ =	task.clear_ibuf [dreg:s7], $0x2FFFF;
	_ =	strace $0x9FFFFFFF  }
0xc3: {  	(tm) =	ssettm $0x7FFFFFFF  }
tec
execute0_lowered:
.L_overlay_start_1:
0x0: {  	(tag) =	ssettag $0x1  }
0x1: {  	s0 =	srdreg.scid  }
0x2: {  	s2 =	rddreg [dreg:$0x0];
	s1 =	simm.s32 $0x0;
	s21 =	stileid.u32  }
0x3: {  	s3 =	sand.u32 $0x1, s0;
	[smem:$0x7FF] =	sst s1;
	s15 =	smul.u32 $0x13C00, s21  }
0x4: {  	s18 =	sadd.s32 $0x4F8800, s2;
	s22 =	sshll.u32 s21, $0x1;
	s21 =	smul.u32 $0x4F000, s21  }
0x5: {  	s0 =	ssub.s32 $0x2, s3;
	s1 =	sor.u32 s3, s22;
	s16 =	smul.u32 $0x13C000, s3  }
0x6: {  	s20 =	sshrl.u32 s0, $0x1;
	s4 =	sadd.s32 $0x1800, s15;
	s5 =	sadd.s32 $0x3000, s15  }
0x7: {  	s6 =	sadd.s32 $0x4800, s15;
	s7 =	sadd.s32 $0x6000, s15;
	s8 =	sadd.s32 $0x7800, s15  }
0x8: {  	s9 =	sadd.s32 $0x9000, s15;
	s10 =	sadd.s32 $0xA800, s15;
	s14 =	sadd.s32 $0xC000, s15  }
0x9: {  	s17 =	sadd.s32 $0xD800, s15;
	s11 =	sadd.s32 $0xF000, s15;
	s12 =	sadd.s32 $0x10800, s15  }
0xa: {  	s13 =	sadd.s32 $0x12000, s15;
	s3 =	sadd.s32 $0x13800, s15;
	s0 =	ssub.s32 s0, s20  }
0xb: {  	s19 =	sadd.s32 s15, s16;
	s24 =	sadd.s32 s16, s4;
	s26 =	sadd.s32 s16, s5  }
0xc: {  	s22 =	sadd.s32 s16, s6;
	s23 =	sshrl.u32 s19, $0x3;
	s25 =	sshrl.u32 s24, $0x3  }
0xd: {  	s20 =	sshrl.u32 s26, $0x3;
	s24 =	sadd.s32 s16, s7;
	s26 =	sadd.s32 s16, s8  }
0xe: {  	s15 =	sadd.s32 s18, s23;
	s23 =	sshrl.u32 s22, $0x3;
	s22 =	sadd.s32 s16, s9  }
0xf: {  	[dreg:$0x4] =	wrdreg s15;
	s15 =	sadd.s32 s18, s25;
	s25 =	sshrl.u32 s24, $0x3  }
0x10: {  	s24 =	sadd.s32 s16, s10;
	[dreg:$0x5] =	wrdreg s15;
	s15 =	sadd.s32 s18, s20  }
0x11: {  	s20 =	sshrl.u32 s26, $0x3;
	s26 =	sadd.s32 s16, s14;
	[dreg:$0x6] =	wrdreg s15  }
0x12: {  	s15 =	sadd.s32 s18, s23;
	s23 =	sshrl.u32 s22, $0x3;
	s22 =	sadd.s32 s16, s17  }
0x13: {  	[dreg:$0x7] =	wrdreg s15;
	s15 =	sadd.s32 s18, s25;
	s25 =	sshrl.u32 s24, $0x3  }
0x14: {  	[dreg:$0x8] =	wrdreg s15;
	s15 =	sadd.s32 s18, s20;
	s20 =	sshrl.u32 s26, $0x3  }
0x15: {  	[dreg:$0x9] =	wrdreg s15;
	s15 =	sadd.s32 s18, s23;
	s23 =	sshrl.u32 s22, $0x3  }
0x16: {  	s22 =	sadd.s32 s16, s13;
	[dreg:$0xa] =	wrdreg s15;
	s15 =	sadd.s32 s18, s25  }
0x17: {  	s19 =	sshrl.u32 s22, $0x3;
	[dreg:$0xb] =	wrdreg s15;
	s15 =	sadd.s32 s18, s20  }
0x18: {  	s24 =	sadd.s32 s16, s11;
	s19 =	sadd.s32 s18, s19;
	[dreg:$0xc] =	wrdreg s15  }
0x19: {  	s25 =	sshrl.u32 s24, $0x3;
	s15 =	sadd.s32 s18, s23;
	[dreg:$0x10] =	wrdreg s19  }
0x1a: {  	s26 =	sadd.s32 s16, s12;
	[dreg:$0xd] =	wrdreg s15;
	s15 =	sadd.s32 s18, s25  }
0x1b: {  	s24 =	sshrl.u32 s21, $0x2;
	s20 =	sshrl.u32 s26, $0x3;
	[dreg:$0xe] =	wrdreg s15  }
0x1c: {  	s15 =	sadd.s32 s18, s20;
	s20 =	sadd.s32 s16, s3;
	s16 =	rddreg [dreg:$0x2]  }
0x1d: {  	s21 =	sadd.s32 $0x16600, s2;
	[dreg:$0xf] =	wrdreg s15;
	s23 =	sshrl.u32 s20, $0x3  }
0x1e: {  	s19 =	sadd.s32 $0xC800, s2;
	s15 =	rddreg [dreg:$0x1];
	s18 =	sadd.s32 s18, s23  }
0x1f: {  	s20 =	sadd.s32 $0x2A00, s2;
	s2 =	sadd.s32 $0x4F8600, s2;
	[dreg:$0x11] =	wrdreg s18  }
0x20: {  	s25 =	sadd.s32 s8, s16;
	_ =	strace $0x8000004A;
	[dreg:$0x12] =	wrdreg s2  }
0x21: {  	s26 =	sadd.s32 s10, s16;
	[dreg:$0x18] =	wrdreg s25  }
0x22: {  	s23 =	sadd.s32 s4, s16;
	s4 =	sadd.s32 s14, s16;
	[dreg:$0x1a] =	wrdreg s26  }
0x23: {  	s28 =	sadd.s32 s5, s16;
	s5 =	sadd.s32 s17, s16;
	[dreg:$0x1b] =	wrdreg s4  }
0x24: {  	s29 =	sadd.s32 s7, s16;
	s7 =	sadd.s32 s11, s16;
	[dreg:$0x1c] =	wrdreg s5  }
0x25: {  	s8 =	sadd.s32 s12, s16;
	[dreg:$0x1d] =	wrdreg s7  }
0x26: {  	s10 =	sadd.s32 s13, s16;
	[dreg:$0x1e] =	wrdreg s8  }
0x27: {  	s3 =	sadd.s32 s3, s16;
	[dreg:$0x1f] =	wrdreg s10  }
0x28: {  	s0 =	smax.u32 s0, $0x1;
	[smem:$0x7ED] =	sst s3  }
0x29: {  	s22 =	sadd.s32 s24, s16;
	[smem:$0x7FD] =	sst s0  }
0x2a: {  	[dreg:$0x13] =	wrdreg s22  }
0x2b: {  	s30 =	simm.s32 $0x5;
	s31 =	simm.s32 $0x3;
	[dreg:$0x14] =	wrdreg s23  }
0x2c: {  	s6 =	sadd.s32 s6, s16;
	s2 =	smul.u32 $0x2710, s1;
	[dreg:$0x15] =	wrdreg s28  }
0x2d: {  	s9 =	sadd.s32 s9, s16;
	s1 =	smul.u32 $0x27100, s1;
	[dreg:$0x16] =	wrdreg s6  }
0x2e: {  	s0 =	simm.s32 $0x7;
	s3 =	simm.s32 $0x4;
	[dreg:$0x17] =	wrdreg s29  }
0x2f: {  	[dreg:$0x19] =	wrdreg s9;
	s11 =	sshrl.u32 s2, $0x3;
	s12 =	sadd.s32 $0x30, s2  }
0x30: {  	s1 =	sadd.s32 s21, s1;
	s26 =	sadd.s32 $0x26A0, s2;
	s5 =	sadd.s32 $0x26D0, s2  }
0x31: {  	s7 =	sadd.s32 $0x90, s2;
	s8 =	sadd.s32 $0xC0, s2;
	s13 =	sadd.s32 s19, s11  }
0x32: {  	s14 =	sshrl.u32 s12, $0x3;
	s4 =	sadd.s32 s20, s11;
	[smem:$0x7F0] =	sst s1  }
0x33: {  	s24 =	sshll.u32 s12, $0x4;
	s11 =	sadd.s32 $0x60, s2;
	[smem:$0x7EE] =	sst s13  }
0x34: {  	s10 =	sshll.u32 s26, $0x4;
	[smem:$0x7EF] =	sst s4;
	s17 =	sadd.s32 s19, s14  }
0x35: {  	s12 =	sshrl.u32 s5, $0x3;
	s18 =	sadd.s32 s20, s14;
	[smem:$0x7F1] =	sst s17  }
0x36: {  	s1 =	sadd.s32 s21, s24;
	s25 =	sshrl.u32 s11, $0x3;
	[smem:$0x7F2] =	sst s18  }
0x37: {  	s4 =	sshrl.u32 s26, $0x3;
	s13 =	sadd.s32 s19, s12;
	[smem:$0x7F3] =	sst s1  }
0x38: {  	s14 =	sadd.s32 s20, s12;
	s12 =	simm.s32 $0x1;
	[smem:$0x7F7] =	sst s13  }
0x39: {  	s1 =	sadd.s32 s19, s25;
	[smem:$0x7F8] =	sst s14;
	s17 =	sadd.s32 $0x2700, s2  }
0x3a: {  	s18 =	sshll.u32 s5, $0x4;
	s13 =	simm.s32 $0x100;
	s14 =	simm.s32 $0x6200  }
0x3b: {  	s5 =	simm.s32 $0x8;
	[smem:$0x7F4] =	sst s1;
	s1 =	sadd.s32 s20, s4  }
0x3c: {  	s24 =	sshrl.u32 s17, $0x3;
	s2 =	sadd.s32 s21, s18;
	s18 =	simm.s32 $0x200  }
0x3d: {  	s4 =	simm.s32 $0x0;
	[smem:$0x7F5] =	sst s1;
	s1 =	sadd.s32 s21, s10  }
0x3e: {  	[smem:$0x7F9] =	sst s2;
	s25 =	sadd.s32 s19, s24;
	s26 =	sadd.s32 s20, s24  }
0x3f: {  	s10 =	simm.s32 $0x9;
	s24 =	simm.s32 $0x80;
	[smem:$0x7F6] =	sst s1  }
0x40: {  	s2 =	simm.s32 $0x6;
	s1 =	sshll.u32 s17, $0x4;
	[smem:$0x7FB] =	sst s25  }
0x41: {  	[smem:$0x7FC] =	sst s26;
	s17 =	simm.s32 $0x30;
	s1 =	sadd.s32 s21, s1  }
0x42: {  	v0 =	vimm.f32 $0.0e+00;
	s25 =	simm.s32 $0x2;
	s26 =	simm.s32 $0x180;
	[smem:$0x7FA] =	sst s1  }
.LBB2_1:
0x43: {  	[smem:$0x7EC] =	sst s4;
	s1 =	simm.s32 $0x0;
	s4 =	simm.s32 $0x200  }
.LBB2_2:
0x44: {  	p0 =	sne.s32 s4, $0x5E00;
	[tilespmem:s1+$0x270] =	vst v0  }
0x45: {  	[tilespmem:s1+$0x200] =	vst v0  }
0x46: {  	[tilespmem:s1+$0x210] =	vst v0  }
.Ltmp0:
0x47: {  	[tilespmem:s1+$0x220] =	vst v0;
	(pc) =	sbr.rel @p0 .LBB2_2-.Ltmp0, $4  }
0x48: {  	[tilespmem:s1+$0x230] =	vst v0  }
0x49: {  	[tilespmem:s1+$0x240] =	vst v0  }
0x4a: {  	[tilespmem:s1+$0x250] =	vst v0  }
0x4b: {  	[tilespmem:s1+$0x260] =	vst v0;
	s1 =	sshra.s32 s4, $0x2;
	s4 =	sadd.s32 $0x200, s4  }
0x4c: {  	[tilespmem:s1+$0x270] =	vst v0  }
0x4d: {  	[tilespmem:s1+$0x200] =	vst v0  }
0x4e: {  	[tilespmem:s1+$0x210] =	vst v0  }
0x4f: {  	[tilespmem:s1+$0x220] =	vst v0  }
0x50: {  	[tilespmem:s1+$0x230] =	vst v0  }
0x51: {  	[tilespmem:s1+$0x240] =	vst v0  }
0x52: {  	[tilespmem:s1+$0x250] =	vst v0  }
0x53: {  	[tilespmem:s1+$0x260] =	vst v0  }
0x54: {  	[spmem:s22] =	stream.linear.scatter [tilespmem:s18], [sflag:$0x9], $0x1800, $0x38;
	[tilespmem:$0x1DF80] =	vst v63  }
0x55: {  	_ =	swait.ge [sflag:s10], $0x1800  }
0x56: {  	[sflag:s10] =	ssyncset.done $0x0  }
0x57: {  	[sflag:s10] =	ssyncadd.s32 $0xFFFFE800  }
0x58: {  	[spmem:s23] =	stream.linear.scatter [tilespmem:s18], [sflag:$0x9], $0x1800, $0x38;
	[tilespmem:$0x1DF80] =	vst v63  }
0x59: {  	_ =	swait.ge [sflag:s10], $0x1800  }
0x5a: {  	[sflag:s10] =	ssyncset.done $0x0  }
0x5b: {  	[sflag:s10] =	ssyncadd.s32 $0xFFFFE800  }
0x5c: {  	[spmem:s28] =	stream.linear.scatter [tilespmem:s18], [sflag:$0x9], $0x1800, $0x38;
	[tilespmem:$0x1DF80] =	vst v63  }
0x5d: {  	_ =	swait.ge [sflag:s10], $0x1800  }
0x5e: {  	[sflag:s10] =	ssyncset.done $0x0  }
0x5f: {  	[sflag:s10] =	ssyncadd.s32 $0xFFFFE800  }
0x60: {  	[spmem:s6] =	stream.linear.scatter [tilespmem:s18], [sflag:$0x9], $0x1800, $0x38;
	[tilespmem:$0x1DF80] =	vst v63  }
0x61: {  	_ =	swait.ge [sflag:s10], $0x1800  }
0x62: {  	[sflag:s10] =	ssyncset.done $0x0  }
0x63: {  	[sflag:s10] =	ssyncadd.s32 $0xFFFFE800  }
0x64: {  	[spmem:s29] =	stream.linear.scatter [tilespmem:s18], [sflag:$0x9], $0x1800, $0x38;
	[tilespmem:$0x1DF80] =	vst v63  }
0x65: {  	_ =	swait.ge [sflag:s10], $0x1800  }
0x66: {  	[sflag:s10] =	ssyncset.done $0x0  }
0x67: {  	s6 =	rddreg [dreg:$0x18];
	[sflag:s10] =	ssyncadd.s32 $0xFFFFE800  }
0x68: {  	[spmem:s6] =	stream.linear.scatter [tilespmem:s18], [sflag:$0x9], $0x1800, $0x38;
	[tilespmem:$0x1DF80] =	vst v63  }
0x69: {  	_ =	swait.ge [sflag:s10], $0x1800  }
0x6a: {  	[sflag:s10] =	ssyncset.done $0x0  }
0x6b: {  	[sflag:s10] =	ssyncadd.s32 $0xFFFFE800  }
0x6c: {  	[spmem:s9] =	stream.linear.scatter [tilespmem:s18], [sflag:$0x9], $0x1800, $0x38;
	[tilespmem:$0x1DF80] =	vst v63  }
0x6d: {  	_ =	swait.ge [sflag:s10], $0x1800  }
0x6e: {  	[sflag:s10] =	ssyncset.done $0x0  }
0x6f: {  	s9 =	rddreg [dreg:$0x1a];
	[sflag:s10] =	ssyncadd.s32 $0xFFFFE800  }
0x70: {  	[spmem:s9] =	stream.linear.scatter [tilespmem:s18], [sflag:$0x9], $0x1800, $0x38;
	[tilespmem:$0x1DF80] =	vst v63  }
0x71: {  	_ =	swait.ge [sflag:s10], $0x1800  }
0x72: {  	[sflag:s10] =	ssyncset.done $0x0  }
0x73: {  	s22 =	rddreg [dreg:$0x1b];
	[sflag:s10] =	ssyncadd.s32 $0xFFFFE800  }
0x74: {  	[spmem:s22] =	stream.linear.scatter [tilespmem:s18], [sflag:$0x9], $0x1800, $0x38;
	[tilespmem:$0x1DF80] =	vst v63  }
0x75: {  	_ =	swait.ge [sflag:s10], $0x1800  }
0x76: {  	[sflag:s10] =	ssyncset.done $0x0  }
0x77: {  	s23 =	rddreg [dreg:$0x1c];
	[sflag:s10] =	ssyncadd.s32 $0xFFFFE800  }
0x78: {  	[spmem:s23] =	stream.linear.scatter [tilespmem:s18], [sflag:$0x9], $0x1800, $0x38;
	[tilespmem:$0x1DF80] =	vst v63  }
0x79: {  	_ =	swait.ge [sflag:s10], $0x1800  }
0x7a: {  	[sflag:s10] =	ssyncset.done $0x0  }
0x7b: {  	s28 =	rddreg [dreg:$0x1d];
	[sflag:s10] =	ssyncadd.s32 $0xFFFFE800  }
0x7c: {  	[spmem:s28] =	stream.linear.scatter [tilespmem:s18], [sflag:$0x9], $0x1800, $0x38;
	[tilespmem:$0x1DF80] =	vst v63  }
0x7d: {  	_ =	swait.ge [sflag:s10], $0x1800  }
0x7e: {  	[sflag:s10] =	ssyncset.done $0x0  }
0x7f: {  	s29 =	rddreg [dreg:$0x1e];
	[sflag:s10] =	ssyncadd.s32 $0xFFFFE800  }
0x80: {  	[spmem:s29] =	stream.linear.scatter [tilespmem:s18], [sflag:$0x9], $0x1800, $0x38;
	[tilespmem:$0x1DF80] =	vst v63  }
0x81: {  	_ =	swait.ge [sflag:s10], $0x1800  }
0x82: {  	[sflag:s10] =	ssyncset.done $0x0  }
0x83: {  	s4 =	rddreg [dreg:$0x1f];
	[sflag:s10] =	ssyncadd.s32 $0xFFFFE800  }
0x84: {  	[spmem:s4] =	stream.linear.scatter [tilespmem:s18], [sflag:$0x9], $0x1800, $0x38;
	[tilespmem:$0x1DF80] =	vst v63  }
0x85: {  	_ =	swait.ge [sflag:s10], $0x1800  }
0x86: {  	s6 =	sld [smem:$0x7ED]  }
0x87: {  	[sflag:s10] =	ssyncset.done $0x0  }
0x88: {  	[sflag:s10] =	ssyncadd.s32 $0xFFFFE800  }
0x89: {  	[spmem:s6] =	stream.linear.scatter [tilespmem:s18], [sflag:$0x9], $0x400, $0x38;
	[tilespmem:$0x1DF80] =	vst v63  }
0x8a: {  	_ =	swait.ge [sflag:s10], $0x400  }
0x8b: {  	[sflag:s10] =	ssyncset.done $0x0  }
0x8c: {  	[sflag:s10] =	ssyncadd.s32 $0xFFFFFC00  }
0x8d: {  	[bflag:$0x0] =	sbarrier.arrive $0xFFFF  }
0x8e: {  	s1 =	simm.s32 $0x0;
	s9 =	simm.s32 $0xA280;
	s4 =	rddreg [dreg:$0x12]  }
0x8f: {  	[tilespmem:s9], [sflag:$0x9] =	stream.linear.gather [hbm4b:s4+s1], $0x100, $0x38;
	[tilespmem:$0x1DF80] =	vst v63  }
0x90: {  	_ =	swait.ge [sflag:s10], $0x100  }
0x91: {  	[sflag:s10] =	ssyncset.done $0x0  }
0x92: {  	[sflag:s10] =	ssyncadd.s32 $0xFFFFFF00  }
0x93: {  	v7 =	vld [tilespmem:$0xA280]  }
0x94: {  	v8 =	vld [tilespmem:$0xA290]  }
0x95: {  	v6 =	vld [tilespmem:$0xA2A0]  }
0x96: {  	v5 =	vld [tilespmem:$0xA2B0]  }
0x97: {  	s22 =	sld [smem:$0x7EE];
	v4 =	vld [tilespmem:$0xA2C0]  }
0x98: {  	v3 =	vld [tilespmem:$0xA2D0]  }
0x99: {  	v2 =	vld [tilespmem:$0xA2E0]  }
0x9a: {  	v1 =	vld [tilespmem:$0xA2F0];
	[tilespmem:s1], [sflag:$0x1] =	stream.linear.gather [hbm4b:s22+s1], $0x30, $0x38  }
0x9b: {  	_ =	swait.ge [sflag:s12], $0x30  }
0x9c: {  	s23 =	sld [smem:$0x7EF]  }
0x9d: {  	[sflag:s12] =	ssyncset.done $0x0  }
0x9e: {  	[sflag:s12] =	ssyncadd.s32 $0xFFFFFFD0  }
0x9f: {  	[tilespmem:s13], [sflag:$0x3] =	stream.linear.gather [hbm4b:s23+s1], $0x30, $0x38;
	[tilespmem:$0x1DF80] =	vst v63  }
0xa0: {  	s28 =	sld [smem:$0x7F0]  }
0xa1: {  	[tilespmem:s18], [sflag:$0x5] =	stream.indirect.gather [hbm4b:s15+s17], $0x80, s1, s17, $0xb8;
	[tilespmem:$0x1DF80] =	vst v63  }
0xa2: {  	s29 =	simm.s32 $0x3200;
	s6 =	sld [smem:$0x7F1]  }
0xa3: {  	[tilespmem:s29], [sflag:$0x5] =	stream.linear.gather [hbm4b:s28+s1], $0x1800, $0x38;
	[tilespmem:$0x1DF80] =	vst v63  }
0xa4: {  	_ = 	snop  }
0xa5: {  	[tilespmem:s24], [sflag:$0x2] =	stream.linear.gather [hbm4b:s6+s1], $0x30, $0x38;
	[tilespmem:$0x1DF80] =	vst v63  }
0xa6: {  	_ =	swait.ge [sflag:s25], $0x30  }
0xa7: {  	s9 =	sld [smem:$0x7F2]  }
0xa8: {  	[sflag:s25] =	ssyncset.done $0x0  }
0xa9: {  	[sflag:s25] =	ssyncadd.s32 $0xFFFFFFD0  }
0xaa: {  	[tilespmem:s26], [sflag:$0x4] =	stream.linear.gather [hbm4b:s9+s1], $0x30, $0x38;
	[tilespmem:$0x1DF80] =	vst v63  }
0xab: {  	s22 =	simm.s32 $0x1A00;
	s23 =	sld [smem:$0x7F3]  }
0xac: {  	[tilespmem:s22], [sflag:$0x6] =	stream.indirect.gather [hbm4b:s15+s17], $0x80, s24, s17, $0xb8;
	[tilespmem:$0x1DF80] =	vst v63  }
0xad: {  	s28 =	simm.s32 $0x4A00  }
0xae: {  	[tilespmem:s28], [sflag:$0x6] =	stream.linear.gather [hbm4b:s23+s1], $0x1800, $0x38;
	[tilespmem:$0x1DF80] =	vst v63  }
0xaf: {  	_ =	swait.ge [sflag:s30], $0x1800  }
0xb0: {  	[sflag:s30] =	ssyncset.done $0x0  }
0xb1: {  	[sflag:s30] =	ssyncadd.s32 $0xFFFFE800  }
0xb2: {  	_ =	swait.ge [sflag:s30], $0x1800  }
0xb3: {  	s29 =	sld [smem:$0x7F4]  }
0xb4: {  	[sflag:s30] =	ssyncset.done $0x0  }
0xb5: {  	[sflag:s30] =	ssyncadd.s32 $0xFFFFE800  }
0xb6: {  	[tilespmem:s1], [sflag:$0x1] =	stream.linear.gather [hbm4b:s29+s1], $0x30, $0x38;
	[tilespmem:$0x1DF80] =	vst v63  }
0xb7: {  	s1 =	simm.s32 $0x0  }
0xb8: {  	v9 =	vld [tilespmem:s1+$0x3270]  }
0xb9: {  	v10 =	vld [tilespmem:s1+$0x3200]  }
0xba: {  	v11 =	vld [tilespmem:s1+$0x270]  }
0xbb: {  	v12 =	vld [tilespmem:s1+$0x3210]  }
0xbc: {  	v13 =	vld [tilespmem:s1+$0x3220]  }
0xbd: {  	v14 =	vld [tilespmem:s1+$0x3230]  }
0xbe: {  	v15 =	vld [tilespmem:s1+$0x3240]  }
0xbf: {  	v20 =	vld [tilespmem:s1+$0x3250];
	v9 =	vmul.f32 v9, v1  }
0xc0: {  	v21 =	vld [tilespmem:s1+$0x3260]  }
0xc1: {  	v19 =	vld [tilespmem:s1+$0x200];
	v9 =	vadd.f32 v11, v9  }
0xc2: {  	v22 =	vld [tilespmem:s1+$0x210]  }
0xc3: {  	v18 =	vld [tilespmem:s1+$0x220];
	v9 =	vmax.f32 v9, $0.0e+00  }
0xc4: {  	v16 =	vld [tilespmem:s1+$0x230];
	[tilespmem:s1+$0x6270] =	vst v9;
	v9 =	vmul.f32 v10, v7  }
0xc5: {  	v23 =	vmul.f32 v12, v8;
	v17 =	vmul.f32 v13, v6;
	v13 =	vld [tilespmem:s1+$0x240]  }
0xc6: {  	v14 =	vmul.f32 v14, v5;
	v12 =	vld [tilespmem:s1+$0x250];
	v11 =	vmul.f32 v15, v4;
	v19 =	vadd.f32 v19, v9  }
0xc7: {  	s4 =	simm.s32 $0x400;
	s6 =	simm.s32 $0x80;
	v15 =	vld [tilespmem:s1+$0x260];
	v10 =	vmul.f32 v20, v3;
	v20 =	vadd.f32 v22, v23;
	v9 =	vmul.f32 v21, v2  }
.LBB2_4:
0xc8: {  	p0 =	sne.s32 s4, $0x5E00;
	v21 =	vld [tilespmem:s6+$0x3270];
	v19 =	vmax.f32 v19, $0.0e+00;
	v17 =	vadd.f32 v18, v17  }
0xc9: {  	v18 =	vld [tilespmem:s6+$0x3200];
	[tilespmem:s1+$0x6200] =	vst v19;
	v19 =	vmax.f32 v20, $0.0e+00;
	v14 =	vadd.f32 v16, v14  }
0xca: {  	v16 =	vld [tilespmem:s6+$0x270];
	[tilespmem:s1+$0x6210] =	vst v19;
	v17 =	vmax.f32 v17, $0.0e+00;
	v11 =	vadd.f32 v13, v11  }
0xcb: {  	v13 =	vld [tilespmem:s6+$0x3210];
	[tilespmem:s1+$0x6220] =	vst v17;
	v14 =	vmax.f32 v14, $0.0e+00;
	v10 =	vadd.f32 v12, v10  }
0xcc: {  	v12 =	vld [tilespmem:s6+$0x3220];
	[tilespmem:s1+$0x6230] =	vst v14;
	v11 =	vmax.f32 v11, $0.0e+00;
	v9 =	vadd.f32 v15, v9  }
0xcd: {  	v14 =	vld [tilespmem:s6+$0x3230];
	v15 =	vmul.f32 v21, v1;
	[tilespmem:s1+$0x6240] =	vst v11;
	v10 =	vmax.f32 v10, $0.0e+00  }
0xce: {  	v19 =	vmul.f32 v18, v7;
	v11 =	vld [tilespmem:s6+$0x3240];
	[tilespmem:s1+$0x6250] =	vst v10;
	v9 =	vmax.f32 v9, $0.0e+00  }
0xcf: {  	v10 =	vld [tilespmem:s6+$0x3250];
	v15 =	vadd.f32 v16, v15;
	[tilespmem:s1+$0x6260] =	vst v9;
	s1 =	smov.u32 s6  }
0xd0: {  	v20 =	vmul.f32 v13, v8;
	v9 =	vld [tilespmem:s1+$0x3260]  }
0xd1: {  	v21 =	vld [tilespmem:s1+$0x200];
	v17 =	vmul.f32 v12, v6;
	v12 =	vmax.f32 v15, $0.0e+00  }
0xd2: {  	v15 =	vld [tilespmem:s1+$0x210];
	v14 =	vmul.f32 v14, v5;
	[tilespmem:s1+$0x6270] =	vst v12  }
.Ltmp1:
0xd3: {  	v18 =	vld [tilespmem:s1+$0x220];
	v11 =	vmul.f32 v11, v4;
	(pc) =	sbr.rel @p0 .LBB2_4-.Ltmp1, $4  }
0xd4: {  	v16 =	vld [tilespmem:s1+$0x230];
	v10 =	vmul.f32 v10, v3  }
0xd5: {  	v13 =	vld [tilespmem:s1+$0x240];
	v9 =	vmul.f32 v9, v2  }
0xd6: {  	v19 =	vadd.f32 v21, v19;
	v12 =	vld [tilespmem:s1+$0x250]  }
0xd7: {  	s6 =	sshra.s32 s4, $0x2;
	s4 =	sadd.s32 $0x200, s4;
	v20 =	vadd.f32 v15, v20;
	v15 =	vld [tilespmem:s1+$0x260]  }
0xd8: {  	v21 =	vld [tilespmem:s6+$0x3270];
	v19 =	vmax.f32 v19, $0.0e+00;
	v17 =	vadd.f32 v18, v17  }
0xd9: {  	v22 =	vld [tilespmem:s6+$0x3200];
	[tilespmem:s1+$0x6200] =	vst v19;
	v50 =	vmax.f32 v20, $0.0e+00;
	v14 =	vadd.f32 v16, v14  }
0xda: {  	v19 =	vld [tilespmem:s6+$0x270];
	[tilespmem:s1+$0x6210] =	vst v50;
	v51 =	vmax.f32 v17, $0.0e+00;
	v11 =	vadd.f32 v13, v11  }
0xdb: {  	v52 =	vld [tilespmem:s6+$0x3210];
	[tilespmem:s1+$0x6220] =	vst v51;
	v53 =	vmax.f32 v14, $0.0e+00;
	v10 =	vadd.f32 v12, v10  }
0xdc: {  	v54 =	vld [tilespmem:s6+$0x3220];
	[tilespmem:s1+$0x6230] =	vst v53;
	v11 =	vmax.f32 v11, $0.0e+00;
	v9 =	vadd.f32 v15, v9  }
0xdd: {  	v55 =	vld [tilespmem:s6+$0x3230];
	[tilespmem:s1+$0x6240] =	vst v11;
	v10 =	vmax.f32 v10, $0.0e+00  }
0xde: {  	v11 =	vld [tilespmem:s6+$0x3240];
	[tilespmem:s1+$0x6250] =	vst v10;
	v10 =	vmul.f32 v21, v1;
	v9 =	vmax.f32 v9, $0.0e+00  }
0xdf: {  	v13 =	vld [tilespmem:s6+$0x3250];
	[tilespmem:s1+$0x6260] =	vst v9  }
0xe0: {  	v9 =	vadd.f32 v19, v10;
	v10 =	vld [tilespmem:s6+$0x3260]  }
0xe1: {  	v56 =	vld [tilespmem:s6+$0x200]  }
0xe2: {  	v16 =	vld [tilespmem:s6+$0x210];
	v9 =	vmax.f32 v9, $0.0e+00  }
0xe3: {  	[tilespmem:s6+$0x6270] =	vst v9;
	v9 =	vld [tilespmem:s6+$0x220]  }
0xe4: {  	v57 =	vmul.f32 v22, v7;
	v58 =	vld [tilespmem:s6+$0x230]  }
0xe5: {  	v17 =	vmul.f32 v52, v8;
	v59 =	vld [tilespmem:s6+$0x240]  }
0xe6: {  	v60 =	vld [tilespmem:s6+$0x250];
	v14 =	vmul.f32 v54, v6;
	v15 =	vadd.f32 v56, v57  }
0xe7: {  	v61 =	vld [tilespmem:s6+$0x260];
	v12 =	vmul.f32 v55, v5;
	v16 =	vadd.f32 v16, v17  }
0xe8: {  	v11 =	vmul.f32 v11, v4;
	v15 =	vmax.f32 v15, $0.0e+00;
	v9 =	vadd.f32 v9, v14  }
0xe9: {  	v13 =	vmul.f32 v13, v3;
	v12 =	vadd.f32 v58, v12;
	v62 =	vmax.f32 v16, $0.0e+00;
	[tilespmem:s6+$0x6200] =	vst v15  }
0xea: {  	v10 =	vmul.f32 v10, v2;
	v11 =	vadd.f32 v59, v11;
	[tilespmem:s6+$0x6210] =	vst v62;
	v9 =	vmax.f32 v9, $0.0e+00  }
0xeb: {  	v63 =	vadd.f32 v60, v13;
	[tilespmem:s6+$0x6220] =	vst v9;
	v9 =	vmax.f32 v12, $0.0e+00  }
0xec: {  	v10 =	vadd.f32 v61, v10;
	[tilespmem:s6+$0x6230] =	vst v9;
	v9 =	vmax.f32 v11, $0.0e+00  }
0xed: {  	[tilespmem:s6+$0x6240] =	vst v9;
	v9 =	vmax.f32 v63, $0.0e+00  }
0xee: {  	[tilespmem:s6+$0x6250] =	vst v9;
	v9 =	vmax.f32 v10, $0.0e+00  }
0xef: {  	[tilespmem:s6+$0x6260] =	vst v9  }
0xf0: {  	_ =	swait.ge [sflag:s31], $0x30  }
0xf1: {  	[sflag:s31] =	ssyncset.done $0x0  }
0xf2: {  	s22 =	simm.s32 $0x0;
	s6 =	simm.s32 $0x0;
	[sflag:s31] =	ssyncadd.s32 $0xFFFFFFD0  }
0xf3: {  	[spmem:s16] =	stream.indirect.scatter.add.f32 [tilespmem:s14], [sflag:$0x7], $0x80, s13, s17, $0xb8;
	[tilespmem:$0x1DF80] =	vst v63  }
.LBB2_6:
0xf4: {  	_ =	swait.ge [sflag:s12], $0x30  }
0xf5: {  	s1 =	smul.u32 $0x60, s22;
	[sflag:s12] =	ssyncset.done $0x0  }
0xf6: {  	[sflag:s12] =	ssyncadd.s32 $0xFFFFFFD0  }
0xf7: {  	s4 =	sadd.s32 s1, s11;
	_ =	swait.ge [sflag:s0], $0x1800  }
0xf8: {  	s9 =	sshrl.u32 s4, $0x3;
	[sflag:s0] =	ssyncset.done $0x0  }
0xf9: {  	s9 =	sadd.s32 s20, s9;
	[sflag:s0] =	ssyncadd.s32 $0xFFFFE800  }
0xfa: {  	[tilespmem:s13], [sflag:$0x3] =	stream.linear.gather [hbm4b:s9+s6], $0x30, $0x38;
	[tilespmem:$0x1DF80] =	vst v63  }
0xfb: {  	s4 =	sshll.u32 s4, $0x4  }
0xfc: {  	[tilespmem:s18], [sflag:$0x5] =	stream.indirect.gather [hbm4b:s15+s17], $0x80, s6, s17, $0xb8;
	[tilespmem:$0x1DF80] =	vst v63  }
0xfd: {  	s23 =	simm.s32 $0x3200;
	s4 =	sadd.s32 s21, s4  }
0xfe: {  	[tilespmem:s23], [sflag:$0x5] =	stream.linear.gather [hbm4b:s4+s6], $0x1800, $0x38;
	[tilespmem:$0x1DF80] =	vst v63  }
0xff: {  	_ =	swait.ge [sflag:s2], $0x1800  }
0x100: {  	[sflag:s2] =	ssyncset.done $0x0  }
0x101: {  	[sflag:s2] =	ssyncadd.s32 $0xFFFFE800  }
0x102: {  	s9 =	sadd.s32 s1, s7;
	_ =	swait.ge [sflag:s2], $0x1800  }
0x103: {  	s28 =	sshrl.u32 s9, $0x3;
	[sflag:s2] =	ssyncset.done $0x0  }
0x104: {  	s29 =	simm.s32 $0x0;
	s23 =	sadd.s32 s19, s28;
	[sflag:s2] =	ssyncadd.s32 $0xFFFFE800  }
0x105: {  	[tilespmem:s24], [sflag:$0x2] =	stream.linear.gather [hbm4b:s23+s6], $0x30, $0x38;
	[tilespmem:$0x1DF80] =	vst v63  }
0x106: {  	v9 =	vld [tilespmem:s29+$0x4A70]  }
0x107: {  	v10 =	vld [tilespmem:s29+$0x4A00]  }
0x108: {  	v11 =	vld [tilespmem:s29+$0x1A70]  }
0x109: {  	v12 =	vld [tilespmem:s29+$0x4A10]  }
0x10a: {  	v13 =	vld [tilespmem:s29+$0x4A20]  }
0x10b: {  	v14 =	vld [tilespmem:s29+$0x4A30]  }
0x10c: {  	v15 =	vld [tilespmem:s29+$0x4A40]  }
0x10d: {  	v20 =	vld [tilespmem:s29+$0x4A50];
	v9 =	vmul.f32 v9, v1  }
0x10e: {  	v21 =	vld [tilespmem:s29+$0x4A60]  }
0x10f: {  	v19 =	vld [tilespmem:s29+$0x1A00];
	v9 =	vadd.f32 v11, v9  }
0x110: {  	v22 =	vld [tilespmem:s29+$0x1A10]  }
0x111: {  	v18 =	vld [tilespmem:s29+$0x1A20];
	v9 =	vmax.f32 v9, $0.0e+00  }
0x112: {  	v16 =	vld [tilespmem:s29+$0x1A30];
	[tilespmem:s29+$0x7A70] =	vst v9;
	v9 =	vmul.f32 v10, v7  }
0x113: {  	v23 =	vmul.f32 v12, v8;
	v17 =	vmul.f32 v13, v6;
	v13 =	vld [tilespmem:s29+$0x1A40]  }
0x114: {  	v14 =	vmul.f32 v14, v5;
	v12 =	vld [tilespmem:s29+$0x1A50];
	v11 =	vmul.f32 v15, v4;
	v19 =	vadd.f32 v19, v9  }
0x115: {  	s4 =	simm.s32 $0x80;
	s23 =	simm.s32 $0x400;
	v15 =	vld [tilespmem:s29+$0x1A60];
	v10 =	vmul.f32 v20, v3;
	v20 =	vadd.f32 v22, v23;
	v9 =	vmul.f32 v21, v2  }
.LBB2_7:
0x116: {  	p0 =	sne.s32 s23, $0x5E00;
	v21 =	vld [tilespmem:s4+$0x4A70];
	v19 =	vmax.f32 v19, $0.0e+00;
	v17 =	vadd.f32 v18, v17  }
0x117: {  	v18 =	vld [tilespmem:s4+$0x4A00];
	[tilespmem:s29+$0x7A00] =	vst v19;
	v19 =	vmax.f32 v20, $0.0e+00;
	v14 =	vadd.f32 v16, v14  }
0x118: {  	v16 =	vld [tilespmem:s4+$0x1A70];
	[tilespmem:s29+$0x7A10] =	vst v19;
	v17 =	vmax.f32 v17, $0.0e+00;
	v11 =	vadd.f32 v13, v11  }
0x119: {  	v13 =	vld [tilespmem:s4+$0x4A10];
	[tilespmem:s29+$0x7A20] =	vst v17;
	v14 =	vmax.f32 v14, $0.0e+00;
	v10 =	vadd.f32 v12, v10  }
0x11a: {  	v12 =	vld [tilespmem:s4+$0x4A20];
	[tilespmem:s29+$0x7A30] =	vst v14;
	v11 =	vmax.f32 v11, $0.0e+00;
	v9 =	vadd.f32 v15, v9  }
0x11b: {  	v14 =	vld [tilespmem:s4+$0x4A30];
	v15 =	vmul.f32 v21, v1;
	[tilespmem:s29+$0x7A40] =	vst v11;
	v10 =	vmax.f32 v10, $0.0e+00  }
0x11c: {  	v19 =	vmul.f32 v18, v7;
	v11 =	vld [tilespmem:s4+$0x4A40];
	[tilespmem:s29+$0x7A50] =	vst v10;
	v9 =	vmax.f32 v9, $0.0e+00  }
0x11d: {  	v10 =	vld [tilespmem:s4+$0x4A50];
	v15 =	vadd.f32 v16, v15;
	[tilespmem:s29+$0x7A60] =	vst v9;
	s29 =	smov.u32 s4  }
0x11e: {  	v20 =	vmul.f32 v13, v8;
	v9 =	vld [tilespmem:s29+$0x4A60]  }
0x11f: {  	v21 =	vld [tilespmem:s29+$0x1A00];
	v17 =	vmul.f32 v12, v6;
	v12 =	vmax.f32 v15, $0.0e+00  }
0x120: {  	v15 =	vld [tilespmem:s29+$0x1A10];
	v14 =	vmul.f32 v14, v5;
	[tilespmem:s29+$0x7A70] =	vst v12  }
.Ltmp2:
0x121: {  	v18 =	vld [tilespmem:s29+$0x1A20];
	v11 =	vmul.f32 v11, v4;
	(pc) =	sbr.rel @p0 .LBB2_7-.Ltmp2, $4  }
0x122: {  	v16 =	vld [tilespmem:s29+$0x1A30];
	v10 =	vmul.f32 v10, v3  }
0x123: {  	v13 =	vld [tilespmem:s29+$0x1A40];
	v9 =	vmul.f32 v9, v2  }
0x124: {  	v19 =	vadd.f32 v21, v19;
	v12 =	vld [tilespmem:s29+$0x1A50]  }
0x125: {  	s4 =	sshra.s32 s23, $0x2;
	s23 =	sadd.s32 $0x200, s23;
	v20 =	vadd.f32 v15, v20;
	v15 =	vld [tilespmem:s29+$0x1A60]  }
0x126: {  	v21 =	vld [tilespmem:s4+$0x4A70];
	v19 =	vmax.f32 v19, $0.0e+00;
	v17 =	vadd.f32 v18, v17  }
0x127: {  	v22 =	vld [tilespmem:s4+$0x4A00];
	[tilespmem:s29+$0x7A00] =	vst v19;
	v18 =	vmax.f32 v20, $0.0e+00;
	v14 =	vadd.f32 v16, v14  }
0x128: {  	v19 =	vld [tilespmem:s4+$0x1A70];
	[tilespmem:s29+$0x7A10] =	vst v18;
	v16 =	vmax.f32 v17, $0.0e+00;
	v11 =	vadd.f32 v13, v11  }
0x129: {  	v17 =	vld [tilespmem:s4+$0x4A10];
	[tilespmem:s29+$0x7A20] =	vst v16;
	v13 =	vmax.f32 v14, $0.0e+00;
	v10 =	vadd.f32 v12, v10  }
0x12a: {  	v14 =	vld [tilespmem:s4+$0x4A20];
	[tilespmem:s29+$0x7A30] =	vst v13;
	v11 =	vmax.f32 v11, $0.0e+00;
	v9 =	vadd.f32 v15, v9  }
0x12b: {  	v12 =	vld [tilespmem:s4+$0x4A30];
	[tilespmem:s29+$0x7A40] =	vst v11;
	v10 =	vmax.f32 v10, $0.0e+00  }
0x12c: {  	v11 =	vld [tilespmem:s4+$0x4A40];
	[tilespmem:s29+$0x7A50] =	vst v10;
	v10 =	vmul.f32 v21, v1;
	v9 =	vmax.f32 v9, $0.0e+00  }
0x12d: {  	v13 =	vld [tilespmem:s4+$0x4A50];
	[tilespmem:s29+$0x7A60] =	vst v9  }
0x12e: {  	v9 =	vadd.f32 v19, v10;
	v10 =	vld [tilespmem:s4+$0x4A60]  }
0x12f: {  	v15 =	vld [tilespmem:s4+$0x1A00]  }
0x130: {  	v16 =	vld [tilespmem:s4+$0x1A10];
	v9 =	vmax.f32 v9, $0.0e+00  }
0x131: {  	[tilespmem:s4+$0x7A70] =	vst v9;
	v9 =	vld [tilespmem:s4+$0x1A20]  }
0x132: {  	v18 =	vmul.f32 v22, v7;
	v19 =	vld [tilespmem:s4+$0x1A30]  }
0x133: {  	v17 =	vmul.f32 v17, v8;
	v20 =	vld [tilespmem:s4+$0x1A40]  }
0x134: {  	v14 =	vmul.f32 v14, v6;
	v15 =	vadd.f32 v15, v18;
	v18 =	vld [tilespmem:s4+$0x1A50]  }
0x135: {  	v12 =	vmul.f32 v12, v5;
	v16 =	vadd.f32 v16, v17;
	v17 =	vld [tilespmem:s4+$0x1A60]  }
0x136: {  	v11 =	vmul.f32 v11, v4;
	v15 =	vmax.f32 v15, $0.0e+00;
	v9 =	vadd.f32 v9, v14  }
0x137: {  	v13 =	vmul.f32 v13, v3;
	v12 =	vadd.f32 v19, v12;
	[tilespmem:s4+$0x7A00] =	vst v15;
	v14 =	vmax.f32 v16, $0.0e+00  }
0x138: {  	v10 =	vmul.f32 v10, v2;
	v11 =	vadd.f32 v20, v11;
	[tilespmem:s4+$0x7A10] =	vst v14;
	v9 =	vmax.f32 v9, $0.0e+00  }
0x139: {  	[tilespmem:s4+$0x7A20] =	vst v9;
	v9 =	vmax.f32 v12, $0.0e+00;
	v12 =	vadd.f32 v18, v13  }
0x13a: {  	v10 =	vadd.f32 v17, v10;
	[tilespmem:s4+$0x7A30] =	vst v9;
	v9 =	vmax.f32 v11, $0.0e+00  }
0x13b: {  	[tilespmem:s4+$0x7A40] =	vst v9;
	v9 =	vmax.f32 v12, $0.0e+00  }
0x13c: {  	[tilespmem:s4+$0x7A50] =	vst v9;
	v9 =	vmax.f32 v10, $0.0e+00  }
0x13d: {  	[tilespmem:s4+$0x7A60] =	vst v9  }
0x13e: {  	_ =	swait.ge [sflag:s3], $0x30  }
0x13f: {  	[sflag:s3] =	ssyncset.done $0x0  }
0x140: {  	s23 =	simm.s32 $0x7A00;
	[sflag:s3] =	ssyncadd.s32 $0xFFFFFFD0  }
0x141: {  	[spmem:s16] =	stream.indirect.scatter.add.f32 [tilespmem:s23], [sflag:$0x8], $0x80, s26, s17, $0xb8;
	[tilespmem:$0x1DF80] =	vst v63  }
0x142: {  	_ =	swait.ge [sflag:s25], $0x30  }
0x143: {  	[sflag:s25] =	ssyncset.done $0x0  }
0x144: {  	[sflag:s25] =	ssyncadd.s32 $0xFFFFFFD0  }
0x145: {  	_ =	swait.ge [sflag:s5], $0x1800  }
0x146: {  	[sflag:s5] =	ssyncset.done $0x0  }
0x147: {  	s28 =	sadd.s32 s20, s28;
	s23 =	simm.s32 $0x0;
	[sflag:s5] =	ssyncadd.s32 $0xFFFFE800  }
0x148: {  	[tilespmem:s26], [sflag:$0x4] =	stream.linear.gather [hbm4b:s28+s23], $0x30, $0x38;
	[tilespmem:$0x1DF80] =	vst v63  }
0x149: {  	s29 =	simm.s32 $0x1A00;
	s28 =	sshll.u32 s9, $0x4  }
0x14a: {  	[tilespmem:s29], [sflag:$0x6] =	stream.indirect.gather [hbm4b:s15+s17], $0x80, s24, s17, $0xb8;
	[tilespmem:$0x1DF80] =	vst v63  }
0x14b: {  	s4 =	sadd.s32 s21, s28;
	s29 =	simm.s32 $0x4A00  }
0x14c: {  	[tilespmem:s29], [sflag:$0x6] =	stream.linear.gather [hbm4b:s4+s23], $0x1800, $0x38;
	[tilespmem:$0x1DF80] =	vst v63  }
0x14d: {  	_ =	swait.ge [sflag:s30], $0x1800  }
0x14e: {  	[sflag:s30] =	ssyncset.done $0x0  }
0x14f: {  	[sflag:s30] =	ssyncadd.s32 $0xFFFFE800  }
0x150: {  	s1 =	sadd.s32 s1, s8;
	_ =	swait.ge [sflag:s30], $0x1800  }
0x151: {  	s1 =	sshrl.u32 s1, $0x3;
	[sflag:s30] =	ssyncset.done $0x0  }
0x152: {  	s1 =	sadd.s32 s19, s1;
	[sflag:s30] =	ssyncadd.s32 $0xFFFFE800  }
0x153: {  	[tilespmem:s23], [sflag:$0x1] =	stream.linear.gather [hbm4b:s1+s23], $0x30, $0x38;
	[tilespmem:$0x1DF80] =	vst v63  }
0x154: {  	s1 =	simm.s32 $0x0  }
0x155: {  	v9 =	vld [tilespmem:s1+$0x3270]  }
0x156: {  	v10 =	vld [tilespmem:s1+$0x3200]  }
0x157: {  	v11 =	vld [tilespmem:s1+$0x270]  }
0x158: {  	v12 =	vld [tilespmem:s1+$0x3210]  }
0x159: {  	v13 =	vld [tilespmem:s1+$0x3220]  }
0x15a: {  	v14 =	vld [tilespmem:s1+$0x3230]  }
0x15b: {  	v15 =	vld [tilespmem:s1+$0x3240]  }
0x15c: {  	v19 =	vld [tilespmem:s1+$0x3250]  }
0x15d: {  	v20 =	vld [tilespmem:s1+$0x3260]  }
0x15e: {  	v21 =	vld [tilespmem:s1+$0x200];
	v9 =	vmul.f32 v9, v1  }
0x15f: {  	v22 =	vld [tilespmem:s1+$0x210]  }
0x160: {  	v18 =	vld [tilespmem:s1+$0x220];
	v9 =	vadd.f32 v11, v9  }
0x161: {  	v17 =	vld [tilespmem:s1+$0x230];
	v23 =	vmul.f32 v10, v7;
	v24 =	vmul.f32 v12, v8  }
0x162: {  	v16 =	vmul.f32 v13, v6;
	v13 =	vmul.f32 v14, v5;
	v14 =	vld [tilespmem:s1+$0x240];
	v9 =	vmax.f32 v9, $0.0e+00  }
0x163: {  	v12 =	vld [tilespmem:s1+$0x250];
	[tilespmem:s1+$0x6270] =	vst v9;
	v9 =	vmul.f32 v20, v2;
	v20 =	vadd.f32 v21, v23  }
0x164: {  	s9 =	simm.s32 $0x400;
	s4 =	simm.s32 $0x80;
	v10 =	vmul.f32 v19, v3;
	v11 =	vmul.f32 v15, v4;
	v19 =	vadd.f32 v22, v24;
	v15 =	vld [tilespmem:s1+$0x260]  }
.LBB2_9:
0x165: {  	p0 =	sne.s32 s9, $0x5E00;
	v21 =	vld [tilespmem:s4+$0x3270];
	v20 =	vmax.f32 v20, $0.0e+00;
	v16 =	vadd.f32 v18, v16  }
0x166: {  	v18 =	vld [tilespmem:s4+$0x3200];
	[tilespmem:s1+$0x6200] =	vst v20;
	v19 =	vmax.f32 v19, $0.0e+00;
	v13 =	vadd.f32 v17, v13  }
0x167: {  	v17 =	vld [tilespmem:s4+$0x270];
	[tilespmem:s1+$0x6210] =	vst v19;
	v16 =	vmax.f32 v16, $0.0e+00;
	v11 =	vadd.f32 v14, v11  }
0x168: {  	v14 =	vld [tilespmem:s4+$0x3210];
	[tilespmem:s1+$0x6220] =	vst v16;
	v13 =	vmax.f32 v13, $0.0e+00;
	v10 =	vadd.f32 v12, v10  }
0x169: {  	v12 =	vld [tilespmem:s4+$0x3220];
	[tilespmem:s1+$0x6230] =	vst v13;
	v11 =	vmax.f32 v11, $0.0e+00;
	v9 =	vadd.f32 v15, v9  }
0x16a: {  	v13 =	vld [tilespmem:s4+$0x3230];
	v15 =	vmul.f32 v21, v1;
	[tilespmem:s1+$0x6240] =	vst v11;
	v10 =	vmax.f32 v10, $0.0e+00  }
0x16b: {  	v19 =	vmul.f32 v18, v7;
	v11 =	vld [tilespmem:s4+$0x3240];
	[tilespmem:s1+$0x6250] =	vst v10;
	v9 =	vmax.f32 v9, $0.0e+00  }
0x16c: {  	v10 =	vld [tilespmem:s4+$0x3250];
	v15 =	vadd.f32 v17, v15;
	[tilespmem:s1+$0x6260] =	vst v9;
	s1 =	smov.u32 s4  }
0x16d: {  	v21 =	vmul.f32 v14, v8;
	v9 =	vld [tilespmem:s1+$0x3260]  }
0x16e: {  	v20 =	vld [tilespmem:s1+$0x200];
	v16 =	vmul.f32 v12, v6;
	v12 =	vmax.f32 v15, $0.0e+00  }
0x16f: {  	v15 =	vld [tilespmem:s1+$0x210];
	v13 =	vmul.f32 v13, v5;
	[tilespmem:s1+$0x6270] =	vst v12  }
.Ltmp3:
0x170: {  	v18 =	vld [tilespmem:s1+$0x220];
	v11 =	vmul.f32 v11, v4;
	(pc) =	sbr.rel @p0 .LBB2_9-.Ltmp3, $4  }
0x171: {  	v17 =	vld [tilespmem:s1+$0x230];
	v10 =	vmul.f32 v10, v3  }
0x172: {  	v14 =	vld [tilespmem:s1+$0x240];
	v9 =	vmul.f32 v9, v2  }
0x173: {  	v20 =	vadd.f32 v20, v19;
	v12 =	vld [tilespmem:s1+$0x250]  }
0x174: {  	s4 =	sshra.s32 s9, $0x2;
	s9 =	sadd.s32 $0x200, s9;
	v19 =	vadd.f32 v15, v21;
	v15 =	vld [tilespmem:s1+$0x260]  }
0x175: {  	v21 =	vld [tilespmem:s4+$0x3270];
	v20 =	vmax.f32 v20, $0.0e+00;
	v16 =	vadd.f32 v18, v16  }
0x176: {  	v22 =	vld [tilespmem:s4+$0x3200];
	[tilespmem:s1+$0x6200] =	vst v20;
	v52 =	vmax.f32 v19, $0.0e+00;
	v13 =	vadd.f32 v17, v13  }
0x177: {  	v53 =	vld [tilespmem:s4+$0x270];
	[tilespmem:s1+$0x6210] =	vst v52;
	v16 =	vmax.f32 v16, $0.0e+00;
	v11 =	vadd.f32 v14, v11  }
0x178: {  	v54 =	vld [tilespmem:s4+$0x3210];
	[tilespmem:s1+$0x6220] =	vst v16;
	v13 =	vmax.f32 v13, $0.0e+00;
	v10 =	vadd.f32 v12, v10  }
0x179: {  	v55 =	vld [tilespmem:s4+$0x3220];
	[tilespmem:s1+$0x6230] =	vst v13;
	v11 =	vmax.f32 v11, $0.0e+00;
	v9 =	vadd.f32 v15, v9  }
0x17a: {  	v56 =	vld [tilespmem:s4+$0x3230];
	[tilespmem:s1+$0x6240] =	vst v11;
	v10 =	vmax.f32 v10, $0.0e+00  }
0x17b: {  	v11 =	vld [tilespmem:s4+$0x3240];
	[tilespmem:s1+$0x6250] =	vst v10;
	v10 =	vmul.f32 v21, v1;
	v9 =	vmax.f32 v9, $0.0e+00  }
0x17c: {  	v13 =	vld [tilespmem:s4+$0x3250];
	[tilespmem:s1+$0x6260] =	vst v9  }
0x17d: {  	v9 =	vadd.f32 v53, v10;
	v10 =	vld [tilespmem:s4+$0x3260]  }
0x17e: {  	v57 =	vld [tilespmem:s4+$0x200]  }
0x17f: {  	v16 =	vld [tilespmem:s4+$0x210];
	v9 =	vmax.f32 v9, $0.0e+00  }
0x180: {  	[tilespmem:s4+$0x6270] =	vst v9;
	v9 =	vld [tilespmem:s4+$0x220]  }
0x181: {  	v58 =	vmul.f32 v22, v7;
	v59 =	vld [tilespmem:s4+$0x230]  }
0x182: {  	v17 =	vmul.f32 v54, v8;
	v20 =	vld [tilespmem:s4+$0x240]  }
0x183: {  	v60 =	vld [tilespmem:s4+$0x250];
	v14 =	vmul.f32 v55, v6;
	v15 =	vadd.f32 v57, v58  }
0x184: {  	v61 =	vld [tilespmem:s4+$0x260];
	v12 =	vmul.f32 v56, v5;
	v16 =	vadd.f32 v16, v17  }
0x185: {  	v11 =	vmul.f32 v11, v4;
	v15 =	vmax.f32 v15, $0.0e+00;
	v9 =	vadd.f32 v9, v14  }
0x186: {  	v13 =	vmul.f32 v13, v3;
	v12 =	vadd.f32 v59, v12;
	v62 =	vmax.f32 v16, $0.0e+00;
	[tilespmem:s4+$0x6200] =	vst v15  }
0x187: {  	v10 =	vmul.f32 v10, v2;
	v11 =	vadd.f32 v20, v11;
	[tilespmem:s4+$0x6210] =	vst v62;
	v9 =	vmax.f32 v9, $0.0e+00  }
0x188: {  	v63 =	vadd.f32 v60, v13;
	[tilespmem:s4+$0x6220] =	vst v9;
	v9 =	vmax.f32 v12, $0.0e+00  }
0x189: {  	v10 =	vadd.f32 v61, v10;
	[tilespmem:s4+$0x6230] =	vst v9;
	v9 =	vmax.f32 v11, $0.0e+00  }
0x18a: {  	s22 =	sadd.s32 $0x1, s22;
	[tilespmem:s4+$0x6240] =	vst v9;
	v9 =	vmax.f32 v63, $0.0e+00  }
0x18b: {  	p0 =	sne.s32 s22, $0x66;
	[tilespmem:s4+$0x6250] =	vst v9;
	v9 =	vmax.f32 v10, $0.0e+00  }
.Ltmp4:
0x18c: {  	[tilespmem:s4+$0x6260] =	vst v9;
	(pc) =	sbr.rel @p0 .LBB2_6-.Ltmp4, $4  }
0x18d: {  	_ =	swait.ge [sflag:s31], $0x30  }
0x18e: {  	[sflag:s31] =	ssyncset.done $0x0  }
0x18f: {  	[sflag:s31] =	ssyncadd.s32 $0xFFFFFFD0  }
0x190: {  	[spmem:s16] =	stream.indirect.scatter.add.f32 [tilespmem:s14], [sflag:$0x7], $0x80, s13, s17, $0xb8;
	[tilespmem:$0x1DF80] =	vst v63  }
0x191: {  	_ =	swait.ge [sflag:s12], $0x30  }
0x192: {  	[sflag:s12] =	ssyncset.done $0x0  }
0x193: {  	[sflag:s12] =	ssyncadd.s32 $0xFFFFFFD0  }
0x194: {  	_ =	swait.ge [sflag:s0], $0x1800  }
0x195: {  	s4 =	sld [smem:$0x7F5]  }
0x196: {  	[sflag:s0] =	ssyncset.done $0x0  }
0x197: {  	s1 =	simm.s32 $0x0;
	[sflag:s0] =	ssyncadd.s32 $0xFFFFE800  }
0x198: {  	[tilespmem:s13], [sflag:$0x3] =	stream.linear.gather [hbm4b:s4+s1], $0x30, $0x38;
	[tilespmem:$0x1DF80] =	vst v63  }
0x199: {  	s28 =	sld [smem:$0x7F6]  }
0x19a: {  	[tilespmem:s18], [sflag:$0x5] =	stream.indirect.gather [hbm4b:s15+s17], $0x80, s1, s17, $0xb8;
	[tilespmem:$0x1DF80] =	vst v63  }
0x19b: {  	s6 =	simm.s32 $0x3200  }
0x19c: {  	[tilespmem:s6], [sflag:$0x5] =	stream.linear.gather [hbm4b:s28+s1], $0x1800, $0x38;
	[tilespmem:$0x1DF80] =	vst v63  }
0x19d: {  	_ =	swait.ge [sflag:s2], $0x1800  }
0x19e: {  	[sflag:s2] =	ssyncset.done $0x0  }
0x19f: {  	[sflag:s2] =	ssyncadd.s32 $0xFFFFE800  }
0x1a0: {  	_ =	swait.ge [sflag:s2], $0x1800  }
0x1a1: {  	s29 =	sld [smem:$0x7F7]  }
0x1a2: {  	[sflag:s2] =	ssyncset.done $0x0  }
0x1a3: {  	[sflag:s2] =	ssyncadd.s32 $0xFFFFE800  }
0x1a4: {  	[tilespmem:s24], [sflag:$0x2] =	stream.linear.gather [hbm4b:s29+s1], $0x30, $0x38;
	[tilespmem:$0x1DF80] =	vst v63  }
0x1a5: {  	s1 =	simm.s32 $0x0  }
0x1a6: {  	v9 =	vld [tilespmem:s1+$0x4A70]  }
0x1a7: {  	v10 =	vld [tilespmem:s1+$0x4A00]  }
0x1a8: {  	v11 =	vld [tilespmem:s1+$0x1A70]  }
0x1a9: {  	v12 =	vld [tilespmem:s1+$0x4A10]  }
0x1aa: {  	v13 =	vld [tilespmem:s1+$0x4A20]  }
0x1ab: {  	v14 =	vld [tilespmem:s1+$0x4A30]  }
0x1ac: {  	v15 =	vld [tilespmem:s1+$0x4A40]  }
0x1ad: {  	v20 =	vld [tilespmem:s1+$0x4A50];
	v9 =	vmul.f32 v9, v1  }
0x1ae: {  	v21 =	vld [tilespmem:s1+$0x4A60]  }
0x1af: {  	v19 =	vld [tilespmem:s1+$0x1A00];
	v9 =	vadd.f32 v11, v9  }
0x1b0: {  	v22 =	vld [tilespmem:s1+$0x1A10]  }
0x1b1: {  	v18 =	vld [tilespmem:s1+$0x1A20];
	v9 =	vmax.f32 v9, $0.0e+00  }
0x1b2: {  	v16 =	vld [tilespmem:s1+$0x1A30];
	[tilespmem:s1+$0x7A70] =	vst v9;
	v9 =	vmul.f32 v10, v7  }
0x1b3: {  	v23 =	vmul.f32 v12, v8;
	v17 =	vmul.f32 v13, v6;
	v13 =	vld [tilespmem:s1+$0x1A40]  }
0x1b4: {  	v14 =	vmul.f32 v14, v5;
	v12 =	vld [tilespmem:s1+$0x1A50];
	v11 =	vmul.f32 v15, v4;
	v19 =	vadd.f32 v19, v9  }
0x1b5: {  	s4 =	simm.s32 $0x80;
	s6 =	simm.s32 $0x400;
	v15 =	vld [tilespmem:s1+$0x1A60];
	v10 =	vmul.f32 v20, v3;
	v20 =	vadd.f32 v22, v23;
	v9 =	vmul.f32 v21, v2  }
.LBB2_12:
0x1b6: {  	p0 =	sne.s32 s6, $0x5E00;
	v21 =	vld [tilespmem:s4+$0x4A70];
	v19 =	vmax.f32 v19, $0.0e+00;
	v17 =	vadd.f32 v18, v17  }
0x1b7: {  	v18 =	vld [tilespmem:s4+$0x4A00];
	[tilespmem:s1+$0x7A00] =	vst v19;
	v19 =	vmax.f32 v20, $0.0e+00;
	v14 =	vadd.f32 v16, v14  }
0x1b8: {  	v16 =	vld [tilespmem:s4+$0x1A70];
	[tilespmem:s1+$0x7A10] =	vst v19;
	v17 =	vmax.f32 v17, $0.0e+00;
	v11 =	vadd.f32 v13, v11  }
0x1b9: {  	v13 =	vld [tilespmem:s4+$0x4A10];
	[tilespmem:s1+$0x7A20] =	vst v17;
	v14 =	vmax.f32 v14, $0.0e+00;
	v10 =	vadd.f32 v12, v10  }
0x1ba: {  	v12 =	vld [tilespmem:s4+$0x4A20];
	[tilespmem:s1+$0x7A30] =	vst v14;
	v11 =	vmax.f32 v11, $0.0e+00;
	v9 =	vadd.f32 v15, v9  }
0x1bb: {  	v14 =	vld [tilespmem:s4+$0x4A30];
	v15 =	vmul.f32 v21, v1;
	[tilespmem:s1+$0x7A40] =	vst v11;
	v10 =	vmax.f32 v10, $0.0e+00  }
0x1bc: {  	v19 =	vmul.f32 v18, v7;
	v11 =	vld [tilespmem:s4+$0x4A40];
	[tilespmem:s1+$0x7A50] =	vst v10;
	v9 =	vmax.f32 v9, $0.0e+00  }
0x1bd: {  	v10 =	vld [tilespmem:s4+$0x4A50];
	v15 =	vadd.f32 v16, v15;
	[tilespmem:s1+$0x7A60] =	vst v9;
	s1 =	smov.u32 s4  }
0x1be: {  	v20 =	vmul.f32 v13, v8;
	v9 =	vld [tilespmem:s1+$0x4A60]  }
0x1bf: {  	v21 =	vld [tilespmem:s1+$0x1A00];
	v17 =	vmul.f32 v12, v6;
	v12 =	vmax.f32 v15, $0.0e+00  }
0x1c0: {  	v15 =	vld [tilespmem:s1+$0x1A10];
	v14 =	vmul.f32 v14, v5;
	[tilespmem:s1+$0x7A70] =	vst v12  }
.Ltmp5:
0x1c1: {  	v18 =	vld [tilespmem:s1+$0x1A20];
	v11 =	vmul.f32 v11, v4;
	(pc) =	sbr.rel @p0 .LBB2_12-.Ltmp5, $4  }
0x1c2: {  	v16 =	vld [tilespmem:s1+$0x1A30];
	v10 =	vmul.f32 v10, v3  }
0x1c3: {  	v13 =	vld [tilespmem:s1+$0x1A40];
	v9 =	vmul.f32 v9, v2  }
0x1c4: {  	v19 =	vadd.f32 v21, v19;
	v12 =	vld [tilespmem:s1+$0x1A50]  }
0x1c5: {  	s4 =	sshra.s32 s6, $0x2;
	s6 =	sadd.s32 $0x200, s6;
	v20 =	vadd.f32 v15, v20;
	v15 =	vld [tilespmem:s1+$0x1A60]  }
0x1c6: {  	v21 =	vld [tilespmem:s4+$0x4A70];
	v19 =	vmax.f32 v19, $0.0e+00;
	v17 =	vadd.f32 v18, v17  }
0x1c7: {  	v22 =	vld [tilespmem:s4+$0x4A00];
	[tilespmem:s1+$0x7A00] =	vst v19;
	v18 =	vmax.f32 v20, $0.0e+00;
	v14 =	vadd.f32 v16, v14  }
0x1c8: {  	v19 =	vld [tilespmem:s4+$0x1A70];
	[tilespmem:s1+$0x7A10] =	vst v18;
	v16 =	vmax.f32 v17, $0.0e+00;
	v11 =	vadd.f32 v13, v11  }
0x1c9: {  	v17 =	vld [tilespmem:s4+$0x4A10];
	[tilespmem:s1+$0x7A20] =	vst v16;
	v13 =	vmax.f32 v14, $0.0e+00;
	v10 =	vadd.f32 v12, v10  }
0x1ca: {  	v14 =	vld [tilespmem:s4+$0x4A20];
	[tilespmem:s1+$0x7A30] =	vst v13;
	v11 =	vmax.f32 v11, $0.0e+00;
	v9 =	vadd.f32 v15, v9  }
0x1cb: {  	v12 =	vld [tilespmem:s4+$0x4A30];
	[tilespmem:s1+$0x7A40] =	vst v11;
	v10 =	vmax.f32 v10, $0.0e+00  }
0x1cc: {  	v11 =	vld [tilespmem:s4+$0x4A40];
	[tilespmem:s1+$0x7A50] =	vst v10;
	v10 =	vmul.f32 v21, v1;
	v9 =	vmax.f32 v9, $0.0e+00  }
0x1cd: {  	v13 =	vld [tilespmem:s4+$0x4A50];
	[tilespmem:s1+$0x7A60] =	vst v9  }
0x1ce: {  	v9 =	vadd.f32 v19, v10;
	v10 =	vld [tilespmem:s4+$0x4A60]  }
0x1cf: {  	v15 =	vld [tilespmem:s4+$0x1A00]  }
0x1d0: {  	v16 =	vld [tilespmem:s4+$0x1A10];
	v9 =	vmax.f32 v9, $0.0e+00  }
0x1d1: {  	[tilespmem:s4+$0x7A70] =	vst v9;
	v9 =	vld [tilespmem:s4+$0x1A20]  }
0x1d2: {  	v18 =	vmul.f32 v22, v7;
	v19 =	vld [tilespmem:s4+$0x1A30]  }
0x1d3: {  	v17 =	vmul.f32 v17, v8;
	v20 =	vld [tilespmem:s4+$0x1A40]  }
0x1d4: {  	v14 =	vmul.f32 v14, v6;
	v15 =	vadd.f32 v15, v18;
	v18 =	vld [tilespmem:s4+$0x1A50]  }
0x1d5: {  	v12 =	vmul.f32 v12, v5;
	v16 =	vadd.f32 v16, v17;
	v17 =	vld [tilespmem:s4+$0x1A60]  }
0x1d6: {  	v11 =	vmul.f32 v11, v4;
	v15 =	vmax.f32 v15, $0.0e+00;
	v9 =	vadd.f32 v9, v14  }
0x1d7: {  	v13 =	vmul.f32 v13, v3;
	v12 =	vadd.f32 v19, v12;
	[tilespmem:s4+$0x7A00] =	vst v15;
	v14 =	vmax.f32 v16, $0.0e+00  }
0x1d8: {  	v10 =	vmul.f32 v10, v2;
	v11 =	vadd.f32 v20, v11;
	[tilespmem:s4+$0x7A10] =	vst v14;
	v9 =	vmax.f32 v9, $0.0e+00  }
0x1d9: {  	[tilespmem:s4+$0x7A20] =	vst v9;
	v9 =	vmax.f32 v12, $0.0e+00;
	v12 =	vadd.f32 v18, v13  }
0x1da: {  	v10 =	vadd.f32 v17, v10;
	[tilespmem:s4+$0x7A30] =	vst v9;
	v9 =	vmax.f32 v11, $0.0e+00  }
0x1db: {  	[tilespmem:s4+$0x7A40] =	vst v9;
	v9 =	vmax.f32 v12, $0.0e+00  }
0x1dc: {  	[tilespmem:s4+$0x7A50] =	vst v9;
	v9 =	vmax.f32 v10, $0.0e+00  }
0x1dd: {  	[tilespmem:s4+$0x7A60] =	vst v9  }
0x1de: {  	_ =	swait.ge [sflag:s3], $0x30  }
0x1df: {  	[sflag:s3] =	ssyncset.done $0x0  }
0x1e0: {  	s4 =	simm.s32 $0x7A00;
	[sflag:s3] =	ssyncadd.s32 $0xFFFFFFD0  }
0x1e1: {  	[spmem:s16] =	stream.indirect.scatter.add.f32 [tilespmem:s4], [sflag:$0x8], $0x80, s26, s17, $0xb8;
	[tilespmem:$0x1DF80] =	vst v63  }
0x1e2: {  	_ =	swait.ge [sflag:s25], $0x30  }
0x1e3: {  	[sflag:s25] =	ssyncset.done $0x0  }
0x1e4: {  	[sflag:s25] =	ssyncadd.s32 $0xFFFFFFD0  }
0x1e5: {  	_ =	swait.ge [sflag:s5], $0x1800  }
0x1e6: {  	s6 =	sld [smem:$0x7F8]  }
0x1e7: {  	[sflag:s5] =	ssyncset.done $0x0  }
0x1e8: {  	s1 =	simm.s32 $0x0;
	[sflag:s5] =	ssyncadd.s32 $0xFFFFE800  }
0x1e9: {  	[tilespmem:s26], [sflag:$0x4] =	stream.linear.gather [hbm4b:s6+s1], $0x30, $0x38;
	[tilespmem:$0x1DF80] =	vst v63  }
0x1ea: {  	s9 =	simm.s32 $0x1A00;
	s22 =	sld [smem:$0x7F9]  }
0x1eb: {  	[tilespmem:s9], [sflag:$0x6] =	stream.indirect.gather [hbm4b:s15+s17], $0x80, s24, s17, $0xb8;
	[tilespmem:$0x1DF80] =	vst v63  }
0x1ec: {  	s6 =	simm.s32 $0x4A00  }
0x1ed: {  	[tilespmem:s6], [sflag:$0x6] =	stream.linear.gather [hbm4b:s22+s1], $0x1800, $0x38;
	[tilespmem:$0x1DF80] =	vst v63  }
0x1ee: {  	_ =	swait.ge [sflag:s30], $0x1800  }
0x1ef: {  	[sflag:s30] =	ssyncset.done $0x0  }
0x1f0: {  	[sflag:s30] =	ssyncadd.s32 $0xFFFFE800  }
0x1f1: {  	_ =	swait.ge [sflag:s30], $0x1800  }
0x1f2: {  	s23 =	sld [smem:$0x7F7]  }
0x1f3: {  	[sflag:s30] =	ssyncset.done $0x0  }
0x1f4: {  	[sflag:s30] =	ssyncadd.s32 $0xFFFFE800  }
0x1f5: {  	[tilespmem:s1], [sflag:$0x1] =	stream.linear.gather [hbm4b:s23+s1], $0x30, $0x38;
	[tilespmem:$0x1DF80] =	vst v63  }
0x1f6: {  	s1 =	simm.s32 $0x0  }
0x1f7: {  	v9 =	vld [tilespmem:s1+$0x3270]  }
0x1f8: {  	v10 =	vld [tilespmem:s1+$0x3200]  }
0x1f9: {  	v11 =	vld [tilespmem:s1+$0x270]  }
0x1fa: {  	v12 =	vld [tilespmem:s1+$0x3210]  }
0x1fb: {  	v13 =	vld [tilespmem:s1+$0x3220]  }
0x1fc: {  	v14 =	vld [tilespmem:s1+$0x3230]  }
0x1fd: {  	v15 =	vld [tilespmem:s1+$0x3240]  }
0x1fe: {  	v19 =	vld [tilespmem:s1+$0x3250]  }
0x1ff: {  	v20 =	vld [tilespmem:s1+$0x3260]  }
0x200: {  	v21 =	vld [tilespmem:s1+$0x200];
	v9 =	vmul.f32 v9, v1  }
0x201: {  	v22 =	vld [tilespmem:s1+$0x210]  }
0x202: {  	v18 =	vld [tilespmem:s1+$0x220];
	v9 =	vadd.f32 v11, v9  }
0x203: {  	s22 =	rddreg [dreg:$0x13];
	v17 =	vld [tilespmem:s1+$0x230];
	v23 =	vmul.f32 v10, v7;
	v24 =	vmul.f32 v12, v8  }
0x204: {  	s28 =	rddreg [dreg:$0x15];
	v16 =	vmul.f32 v13, v6;
	v13 =	vmul.f32 v14, v5;
	v14 =	vld [tilespmem:s1+$0x240];
	v9 =	vmax.f32 v9, $0.0e+00  }
0x205: {  	s29 =	rddreg [dreg:$0x17];
	v12 =	vld [tilespmem:s1+$0x250];
	[tilespmem:s1+$0x6270] =	vst v9;
	v9 =	vmul.f32 v20, v2;
	v20 =	vadd.f32 v21, v23  }
0x206: {  	s4 =	simm.s32 $0x80;
	s6 =	simm.s32 $0x400;
	s23 =	rddreg [dreg:$0x14];
	v10 =	vmul.f32 v19, v3;
	v11 =	vmul.f32 v15, v4;
	v19 =	vadd.f32 v22, v24;
	v15 =	vld [tilespmem:s1+$0x260]  }
.LBB2_14:
0x207: {  	p0 =	sne.s32 s6, $0x5E00;
	v21 =	vld [tilespmem:s4+$0x3270];
	v20 =	vmax.f32 v20, $0.0e+00;
	v16 =	vadd.f32 v18, v16  }
0x208: {  	v18 =	vld [tilespmem:s4+$0x3200];
	[tilespmem:s1+$0x6200] =	vst v20;
	v19 =	vmax.f32 v19, $0.0e+00;
	v13 =	vadd.f32 v17, v13  }
0x209: {  	v17 =	vld [tilespmem:s4+$0x270];
	[tilespmem:s1+$0x6210] =	vst v19;
	v16 =	vmax.f32 v16, $0.0e+00;
	v11 =	vadd.f32 v14, v11  }
0x20a: {  	v14 =	vld [tilespmem:s4+$0x3210];
	[tilespmem:s1+$0x6220] =	vst v16;
	v13 =	vmax.f32 v13, $0.0e+00;
	v10 =	vadd.f32 v12, v10  }
0x20b: {  	v12 =	vld [tilespmem:s4+$0x3220];
	[tilespmem:s1+$0x6230] =	vst v13;
	v11 =	vmax.f32 v11, $0.0e+00;
	v9 =	vadd.f32 v15, v9  }
0x20c: {  	v13 =	vld [tilespmem:s4+$0x3230];
	v15 =	vmul.f32 v21, v1;
	[tilespmem:s1+$0x6240] =	vst v11;
	v10 =	vmax.f32 v10, $0.0e+00  }
0x20d: {  	v19 =	vmul.f32 v18, v7;
	v11 =	vld [tilespmem:s4+$0x3240];
	[tilespmem:s1+$0x6250] =	vst v10;
	v9 =	vmax.f32 v9, $0.0e+00  }
0x20e: {  	v10 =	vld [tilespmem:s4+$0x3250];
	v15 =	vadd.f32 v17, v15;
	[tilespmem:s1+$0x6260] =	vst v9;
	s1 =	smov.u32 s4  }
0x20f: {  	v21 =	vmul.f32 v14, v8;
	v9 =	vld [tilespmem:s1+$0x3260]  }
0x210: {  	v20 =	vld [tilespmem:s1+$0x200];
	v16 =	vmul.f32 v12, v6;
	v12 =	vmax.f32 v15, $0.0e+00  }
0x211: {  	v15 =	vld [tilespmem:s1+$0x210];
	v13 =	vmul.f32 v13, v5;
	[tilespmem:s1+$0x6270] =	vst v12  }
.Ltmp6:
0x212: {  	v18 =	vld [tilespmem:s1+$0x220];
	v11 =	vmul.f32 v11, v4;
	(pc) =	sbr.rel @p0 .LBB2_14-.Ltmp6, $4  }
0x213: {  	v17 =	vld [tilespmem:s1+$0x230];
	v10 =	vmul.f32 v10, v3  }
0x214: {  	v14 =	vld [tilespmem:s1+$0x240];
	v9 =	vmul.f32 v9, v2  }
0x215: {  	v20 =	vadd.f32 v20, v19;
	v12 =	vld [tilespmem:s1+$0x250]  }
0x216: {  	s4 =	sshra.s32 s6, $0x2;
	s6 =	sadd.s32 $0x200, s6;
	v19 =	vadd.f32 v15, v21;
	v15 =	vld [tilespmem:s1+$0x260]  }
0x217: {  	v21 =	vld [tilespmem:s4+$0x3270];
	v20 =	vmax.f32 v20, $0.0e+00;
	v16 =	vadd.f32 v18, v16  }
0x218: {  	v22 =	vld [tilespmem:s4+$0x3200];
	[tilespmem:s1+$0x6200] =	vst v20;
	v18 =	vmax.f32 v19, $0.0e+00;
	v13 =	vadd.f32 v17, v13  }
0x219: {  	v19 =	vld [tilespmem:s4+$0x270];
	[tilespmem:s1+$0x6210] =	vst v18;
	v16 =	vmax.f32 v16, $0.0e+00;
	v11 =	vadd.f32 v14, v11  }
0x21a: {  	v17 =	vld [tilespmem:s4+$0x3210];
	[tilespmem:s1+$0x6220] =	vst v16;
	v13 =	vmax.f32 v13, $0.0e+00;
	v10 =	vadd.f32 v12, v10  }
0x21b: {  	v14 =	vld [tilespmem:s4+$0x3220];
	[tilespmem:s1+$0x6230] =	vst v13;
	v11 =	vmax.f32 v11, $0.0e+00;
	v9 =	vadd.f32 v15, v9  }
0x21c: {  	v12 =	vld [tilespmem:s4+$0x3230];
	[tilespmem:s1+$0x6240] =	vst v11;
	v10 =	vmax.f32 v10, $0.0e+00  }
0x21d: {  	v11 =	vld [tilespmem:s4+$0x3240];
	[tilespmem:s1+$0x6250] =	vst v10;
	v10 =	vmul.f32 v21, v1;
	v9 =	vmax.f32 v9, $0.0e+00  }
0x21e: {  	v13 =	vld [tilespmem:s4+$0x3250];
	[tilespmem:s1+$0x6260] =	vst v9  }
0x21f: {  	v9 =	vadd.f32 v19, v10;
	v10 =	vld [tilespmem:s4+$0x3260]  }
0x220: {  	v15 =	vld [tilespmem:s4+$0x200]  }
0x221: {  	v16 =	vld [tilespmem:s4+$0x210];
	v9 =	vmax.f32 v9, $0.0e+00  }
0x222: {  	[tilespmem:s4+$0x6270] =	vst v9;
	v9 =	vld [tilespmem:s4+$0x220]  }
0x223: {  	v18 =	vmul.f32 v22, v7;
	v19 =	vld [tilespmem:s4+$0x230]  }
0x224: {  	v17 =	vmul.f32 v17, v8;
	v20 =	vld [tilespmem:s4+$0x240]  }
0x225: {  	v14 =	vmul.f32 v14, v6;
	v15 =	vadd.f32 v15, v18;
	v18 =	vld [tilespmem:s4+$0x250]  }
0x226: {  	v12 =	vmul.f32 v12, v5;
	v16 =	vadd.f32 v16, v17;
	v17 =	vld [tilespmem:s4+$0x260]  }
0x227: {  	v11 =	vmul.f32 v11, v4;
	v15 =	vmax.f32 v15, $0.0e+00;
	v9 =	vadd.f32 v9, v14  }
0x228: {  	v13 =	vmul.f32 v13, v3;
	v12 =	vadd.f32 v19, v12;
	[tilespmem:s4+$0x6200] =	vst v15;
	v14 =	vmax.f32 v16, $0.0e+00  }
0x229: {  	v10 =	vmul.f32 v10, v2;
	v11 =	vadd.f32 v20, v11;
	[tilespmem:s4+$0x6210] =	vst v14;
	v9 =	vmax.f32 v9, $0.0e+00  }
0x22a: {  	[tilespmem:s4+$0x6220] =	vst v9;
	v9 =	vmax.f32 v12, $0.0e+00;
	v12 =	vadd.f32 v18, v13  }
0x22b: {  	v10 =	vadd.f32 v17, v10;
	[tilespmem:s4+$0x6230] =	vst v9;
	v9 =	vmax.f32 v11, $0.0e+00  }
0x22c: {  	[tilespmem:s4+$0x6240] =	vst v9;
	v9 =	vmax.f32 v12, $0.0e+00  }
0x22d: {  	[tilespmem:s4+$0x6250] =	vst v9;
	v9 =	vmax.f32 v10, $0.0e+00  }
0x22e: {  	[tilespmem:s4+$0x6260] =	vst v9  }
0x22f: {  	_ =	swait.ge [sflag:s31], $0x30  }
0x230: {  	[sflag:s31] =	ssyncset.done $0x0  }
0x231: {  	[sflag:s31] =	ssyncadd.s32 $0xFFFFFFD0  }
0x232: {  	[spmem:s16] =	stream.indirect.scatter.add.f32 [tilespmem:s14], [sflag:$0x7], $0x80, s13, s17, $0xb8;
	[tilespmem:$0x1DF80] =	vst v63  }
0x233: {  	_ =	swait.ge [sflag:s12], $0x30  }
0x234: {  	[sflag:s12] =	ssyncset.done $0x0  }
0x235: {  	[sflag:s12] =	ssyncadd.s32 $0xFFFFFFD0  }
0x236: {  	_ =	swait.ge [sflag:s0], $0x1800  }
0x237: {  	s6 =	sld [smem:$0x7F8]  }
0x238: {  	[sflag:s0] =	ssyncset.done $0x0  }
0x239: {  	s1 =	simm.s32 $0x0;
	[sflag:s0] =	ssyncadd.s32 $0xFFFFE800  }
0x23a: {  	[tilespmem:s13], [sflag:$0x3] =	stream.linear.gather [hbm4b:s6+s1], $0x30, $0x38;
	[tilespmem:$0x1DF80] =	vst v63  }
0x23b: {  	s9 =	sld [smem:$0x7F9]  }
0x23c: {  	[tilespmem:s18], [sflag:$0x5] =	stream.indirect.gather [hbm4b:s15+s17], $0x80, s1, s17, $0xb8;
	[tilespmem:$0x1DF80] =	vst v63  }
0x23d: {  	s6 =	simm.s32 $0x3200  }
0x23e: {  	[tilespmem:s6], [sflag:$0x5] =	stream.linear.gather [hbm4b:s9+s1], $0x1800, $0x38;
	[tilespmem:$0x1DF80] =	vst v63  }
0x23f: {  	_ =	swait.ge [sflag:s2], $0x1800  }
0x240: {  	[sflag:s2] =	ssyncset.done $0x0  }
0x241: {  	[sflag:s2] =	ssyncadd.s32 $0xFFFFE800  }
0x242: {  	_ =	swait.ge [sflag:s2], $0x1800  }
0x243: {  	s9 =	sld [smem:$0x7F7]  }
0x244: {  	[sflag:s2] =	ssyncset.done $0x0  }
0x245: {  	[sflag:s2] =	ssyncadd.s32 $0xFFFFE800  }
0x246: {  	[tilespmem:s24], [sflag:$0x2] =	stream.linear.gather [hbm4b:s9+s1], $0x30, $0x38;
	[tilespmem:$0x1DF80] =	vst v63  }
0x247: {  	s1 =	simm.s32 $0x0  }
0x248: {  	v9 =	vld [tilespmem:s1+$0x4A70]  }
0x249: {  	v10 =	vld [tilespmem:s1+$0x4A00]  }
0x24a: {  	v11 =	vld [tilespmem:s1+$0x1A70]  }
0x24b: {  	v12 =	vld [tilespmem:s1+$0x4A10]  }
0x24c: {  	v13 =	vld [tilespmem:s1+$0x4A20]  }
0x24d: {  	v14 =	vld [tilespmem:s1+$0x4A30]  }
0x24e: {  	v15 =	vld [tilespmem:s1+$0x4A40]  }
0x24f: {  	v19 =	vld [tilespmem:s1+$0x4A50]  }
0x250: {  	v20 =	vld [tilespmem:s1+$0x4A60]  }
0x251: {  	v21 =	vld [tilespmem:s1+$0x1A00];
	v9 =	vmul.f32 v9, v1  }
0x252: {  	v22 =	vld [tilespmem:s1+$0x1A10]  }
0x253: {  	v18 =	vld [tilespmem:s1+$0x1A20];
	v9 =	vadd.f32 v11, v9  }
0x254: {  	v17 =	vld [tilespmem:s1+$0x1A30];
	v23 =	vmul.f32 v10, v7;
	v24 =	vmul.f32 v12, v8  }
0x255: {  	v16 =	vmul.f32 v13, v6;
	v13 =	vmul.f32 v14, v5;
	v14 =	vld [tilespmem:s1+$0x1A40];
	v9 =	vmax.f32 v9, $0.0e+00  }
0x256: {  	v12 =	vld [tilespmem:s1+$0x1A50];
	[tilespmem:s1+$0x7A70] =	vst v9;
	v9 =	vmul.f32 v20, v2;
	v20 =	vadd.f32 v21, v23  }
0x257: {  	s4 =	simm.s32 $0x80;
	s6 =	simm.s32 $0x400;
	v10 =	vmul.f32 v19, v3;
	v11 =	vmul.f32 v15, v4;
	v19 =	vadd.f32 v22, v24;
	v15 =	vld [tilespmem:s1+$0x1A60]  }
.LBB2_16:
0x258: {  	p0 =	sne.s32 s6, $0x5E00;
	v21 =	vld [tilespmem:s4+$0x4A70];
	v20 =	vmax.f32 v20, $0.0e+00;
	v16 =	vadd.f32 v18, v16  }
0x259: {  	v18 =	vld [tilespmem:s4+$0x4A00];
	[tilespmem:s1+$0x7A00] =	vst v20;
	v19 =	vmax.f32 v19, $0.0e+00;
	v13 =	vadd.f32 v17, v13  }
0x25a: {  	v17 =	vld [tilespmem:s4+$0x1A70];
	[tilespmem:s1+$0x7A10] =	vst v19;
	v16 =	vmax.f32 v16, $0.0e+00;
	v11 =	vadd.f32 v14, v11  }
0x25b: {  	v14 =	vld [tilespmem:s4+$0x4A10];
	[tilespmem:s1+$0x7A20] =	vst v16;
	v13 =	vmax.f32 v13, $0.0e+00;
	v10 =	vadd.f32 v12, v10  }
0x25c: {  	v12 =	vld [tilespmem:s4+$0x4A20];
	[tilespmem:s1+$0x7A30] =	vst v13;
	v11 =	vmax.f32 v11, $0.0e+00;
	v9 =	vadd.f32 v15, v9  }
0x25d: {  	v13 =	vld [tilespmem:s4+$0x4A30];
	v15 =	vmul.f32 v21, v1;
	[tilespmem:s1+$0x7A40] =	vst v11;
	v10 =	vmax.f32 v10, $0.0e+00  }
0x25e: {  	v19 =	vmul.f32 v18, v7;
	v11 =	vld [tilespmem:s4+$0x4A40];
	[tilespmem:s1+$0x7A50] =	vst v10;
	v9 =	vmax.f32 v9, $0.0e+00  }
0x25f: {  	v10 =	vld [tilespmem:s4+$0x4A50];
	v15 =	vadd.f32 v17, v15;
	[tilespmem:s1+$0x7A60] =	vst v9;
	s1 =	smov.u32 s4  }
0x260: {  	v21 =	vmul.f32 v14, v8;
	v9 =	vld [tilespmem:s1+$0x4A60]  }
0x261: {  	v20 =	vld [tilespmem:s1+$0x1A00];
	v16 =	vmul.f32 v12, v6;
	v12 =	vmax.f32 v15, $0.0e+00  }
0x262: {  	v15 =	vld [tilespmem:s1+$0x1A10];
	v13 =	vmul.f32 v13, v5;
	[tilespmem:s1+$0x7A70] =	vst v12  }
.Ltmp7:
0x263: {  	v18 =	vld [tilespmem:s1+$0x1A20];
	v11 =	vmul.f32 v11, v4;
	(pc) =	sbr.rel @p0 .LBB2_16-.Ltmp7, $4  }
0x264: {  	v17 =	vld [tilespmem:s1+$0x1A30];
	v10 =	vmul.f32 v10, v3  }
0x265: {  	v14 =	vld [tilespmem:s1+$0x1A40];
	v9 =	vmul.f32 v9, v2  }
0x266: {  	v20 =	vadd.f32 v20, v19;
	v12 =	vld [tilespmem:s1+$0x1A50]  }
0x267: {  	s4 =	sshra.s32 s6, $0x2;
	s6 =	sadd.s32 $0x200, s6;
	v19 =	vadd.f32 v15, v21;
	v15 =	vld [tilespmem:s1+$0x1A60]  }
0x268: {  	v21 =	vld [tilespmem:s4+$0x4A70];
	v20 =	vmax.f32 v20, $0.0e+00;
	v16 =	vadd.f32 v18, v16  }
0x269: {  	v22 =	vld [tilespmem:s4+$0x4A00];
	[tilespmem:s1+$0x7A00] =	vst v20;
	v18 =	vmax.f32 v19, $0.0e+00;
	v13 =	vadd.f32 v17, v13  }
0x26a: {  	v19 =	vld [tilespmem:s4+$0x1A70];
	[tilespmem:s1+$0x7A10] =	vst v18;
	v16 =	vmax.f32 v16, $0.0e+00;
	v11 =	vadd.f32 v14, v11  }
0x26b: {  	v17 =	vld [tilespmem:s4+$0x4A10];
	[tilespmem:s1+$0x7A20] =	vst v16;
	v13 =	vmax.f32 v13, $0.0e+00;
	v10 =	vadd.f32 v12, v10  }
0x26c: {  	v14 =	vld [tilespmem:s4+$0x4A20];
	[tilespmem:s1+$0x7A30] =	vst v13;
	v11 =	vmax.f32 v11, $0.0e+00;
	v9 =	vadd.f32 v15, v9  }
0x26d: {  	v12 =	vld [tilespmem:s4+$0x4A30];
	[tilespmem:s1+$0x7A40] =	vst v11;
	v10 =	vmax.f32 v10, $0.0e+00  }
0x26e: {  	v11 =	vld [tilespmem:s4+$0x4A40];
	[tilespmem:s1+$0x7A50] =	vst v10;
	v10 =	vmul.f32 v21, v1;
	v9 =	vmax.f32 v9, $0.0e+00  }
0x26f: {  	v13 =	vld [tilespmem:s4+$0x4A50];
	[tilespmem:s1+$0x7A60] =	vst v9  }
0x270: {  	v9 =	vadd.f32 v19, v10;
	v10 =	vld [tilespmem:s4+$0x4A60]  }
0x271: {  	v15 =	vld [tilespmem:s4+$0x1A00]  }
0x272: {  	v16 =	vld [tilespmem:s4+$0x1A10];
	v9 =	vmax.f32 v9, $0.0e+00  }
0x273: {  	[tilespmem:s4+$0x7A70] =	vst v9;
	v9 =	vld [tilespmem:s4+$0x1A20]  }
0x274: {  	v18 =	vmul.f32 v22, v7;
	v19 =	vld [tilespmem:s4+$0x1A30]  }
0x275: {  	v17 =	vmul.f32 v17, v8;
	v20 =	vld [tilespmem:s4+$0x1A40]  }
0x276: {  	v14 =	vmul.f32 v14, v6;
	v15 =	vadd.f32 v15, v18;
	v18 =	vld [tilespmem:s4+$0x1A50]  }
0x277: {  	v12 =	vmul.f32 v12, v5;
	v16 =	vadd.f32 v16, v17;
	v17 =	vld [tilespmem:s4+$0x1A60]  }
0x278: {  	v11 =	vmul.f32 v11, v4;
	v15 =	vmax.f32 v15, $0.0e+00;
	v9 =	vadd.f32 v9, v14  }
0x279: {  	v13 =	vmul.f32 v13, v3;
	v12 =	vadd.f32 v19, v12;
	[tilespmem:s4+$0x7A00] =	vst v15;
	v14 =	vmax.f32 v16, $0.0e+00  }
0x27a: {  	v10 =	vmul.f32 v10, v2;
	v11 =	vadd.f32 v20, v11;
	[tilespmem:s4+$0x7A10] =	vst v14;
	v9 =	vmax.f32 v9, $0.0e+00  }
0x27b: {  	[tilespmem:s4+$0x7A20] =	vst v9;
	v9 =	vmax.f32 v12, $0.0e+00;
	v12 =	vadd.f32 v18, v13  }
0x27c: {  	v10 =	vadd.f32 v17, v10;
	[tilespmem:s4+$0x7A30] =	vst v9;
	v9 =	vmax.f32 v11, $0.0e+00  }
0x27d: {  	[tilespmem:s4+$0x7A40] =	vst v9;
	v9 =	vmax.f32 v12, $0.0e+00  }
0x27e: {  	[tilespmem:s4+$0x7A50] =	vst v9;
	v9 =	vmax.f32 v10, $0.0e+00  }
0x27f: {  	[tilespmem:s4+$0x7A60] =	vst v9  }
0x280: {  	_ =	swait.ge [sflag:s3], $0x30  }
0x281: {  	[sflag:s3] =	ssyncset.done $0x0  }
0x282: {  	s6 =	simm.s32 $0x7A00;
	[sflag:s3] =	ssyncadd.s32 $0xFFFFFFD0  }
0x283: {  	[spmem:s16] =	stream.indirect.scatter.add.f32 [tilespmem:s6], [sflag:$0x8], $0x80, s26, s17, $0xb8;
	[tilespmem:$0x1DF80] =	vst v63  }
0x284: {  	_ =	swait.ge [sflag:s30], $0x1800  }
0x285: {  	[sflag:s30] =	ssyncset.done $0x0  }
0x286: {  	[sflag:s30] =	ssyncadd.s32 $0xFFFFE800  }
0x287: {  	_ =	swait.ge [sflag:s30], $0x1800  }
0x288: {  	[sflag:s30] =	ssyncset.done $0x0  }
0x289: {  	[sflag:s30] =	ssyncadd.s32 $0xFFFFE800  }
0x28a: {  	_ =	swait.ge [sflag:s25], $0x30  }
0x28b: {  	[sflag:s25] =	ssyncset.done $0x0  }
0x28c: {  	[sflag:s25] =	ssyncadd.s32 $0xFFFFFFD0  }
0x28d: {  	_ =	swait.ge [sflag:s31], $0x30  }
0x28e: {  	[sflag:s31] =	ssyncset.done $0x0  }
0x28f: {  	[sflag:s31] =	ssyncadd.s32 $0xFFFFFFD0  }
0x290: {  	_ =	swait.ge [sflag:s5], $0x1800  }
0x291: {  	s9 =	sld [smem:$0x7FB]  }
0x292: {  	[sflag:s5] =	ssyncset.done $0x0  }
0x293: {  	s1 =	simm.s32 $0x0;
	s6 =	simm.s32 $0xA200;
	[sflag:s5] =	ssyncadd.s32 $0xFFFFE800  }
0x294: {  	[tilespmem:s6], [sflag:$0x9] =	stream.linear.gather [hbm4b:s9+s1], $0x10, $0x38;
	[tilespmem:$0x1DF80] =	vst v63  }
0x295: {  	_ =	swait.ge [sflag:s10], $0x10  }
0x296: {  	[sflag:s10] =	ssyncset.done $0x0  }
0x297: {  	s4 =	simm.s32 $0x10;
	s9 =	simm.s32 $0x9200;
	[sflag:s10] =	ssyncadd.s32 $0xFFFFFFF0  }
0x298: {  	[tilespmem:s9], [sflag:$0x5] =	stream.indirect.gather [hbm4b:s15+s4], $0x80, s6, s4, $0xb8;
	[tilespmem:$0x1DF80] =	vst v63  }
0x299: {  	_ =	swait.ge [sflag:s30], $0x800  }
0x29a: {  	s6 =	sld [smem:$0x7FA]  }
0x29b: {  	[sflag:s30] =	ssyncset.done $0x0  }
0x29c: {  	s9 =	simm.s32 $0x9A00;
	[sflag:s30] =	ssyncadd.s32 $0xFFFFF800  }
0x29d: {  	[tilespmem:s9], [sflag:$0x9] =	stream.linear.gather [hbm4b:s6+s1], $0x800, $0x38;
	[tilespmem:$0x1DF80] =	vst v63  }
0x29e: {  	_ =	swait.ge [sflag:s10], $0x800  }
0x29f: {  	[sflag:s10] =	ssyncset.done $0x0  }
0x2a0: {  	s1 =	simm.s32 $0x0;
	[sflag:s10] =	ssyncadd.s32 $0xFFFFF800  }
0x2a1: {  	v15 =	vld [tilespmem:s1+$0x9A00]  }
0x2a2: {  	v20 =	vld [tilespmem:s1+$0x9A10]  }
0x2a3: {  	v13 =	vld [tilespmem:s1+$0x9A20]  }
0x2a4: {  	v14 =	vld [tilespmem:s1+$0x9A30]  }
0x2a5: {  	v12 =	vld [tilespmem:s1+$0x9A40]  }
0x2a6: {  	v11 =	vld [tilespmem:s1+$0x9A50]  }
0x2a7: {  	v10 =	vld [tilespmem:s1+$0x9A60]  }
0x2a8: {  	v9 =	vld [tilespmem:s1+$0x9A70]  }
0x2a9: {  	v19 =	vld [tilespmem:s1+$0x9200]  }
0x2aa: {  	v18 =	vld [tilespmem:s1+$0x9210]  }
0x2ab: {  	v17 =	vld [tilespmem:s1+$0x9220]  }
0x2ac: {  	v16 =	vld [tilespmem:s1+$0x9230];
	v21 =	vmul.f32 v15, v7  }
0x2ad: {  	s4 =	simm.s32 $0x200;
	v20 =	vmul.f32 v20, v8;
	v15 =	vld [tilespmem:s1+$0x9240]  }
.LBB2_18:
0x2ae: {  	p0 =	sne.s32 s4, $0x1E00;
	v19 =	vadd.f32 v19, v21;
	v13 =	vmul.f32 v13, v6;
	v21 =	vld [tilespmem:s1+$0x9250]  }
0x2af: {  	v14 =	vmul.f32 v14, v5;
	v18 =	vadd.f32 v18, v20;
	v20 =	vld [tilespmem:s1+$0x9260]  }
0x2b0: {  	s6 =	sshra.s32 s4, $0x2;
	v12 =	vmul.f32 v12, v4;
	v19 =	vmax.f32 v19, $0.0e+00;
	v13 =	vadd.f32 v17, v13;
	v17 =	vld [tilespmem:s1+$0x9270]  }
0x2b1: {  	v11 =	vmul.f32 v11, v3;
	v22 =	vld [tilespmem:s6+$0x9A00];
	[tilespmem:s1+$0x9200] =	vst v19;
	v18 =	vmax.f32 v18, $0.0e+00;
	v14 =	vadd.f32 v16, v14  }
0x2b2: {  	v10 =	vmul.f32 v10, v2;
	v23 =	vld [tilespmem:s6+$0x9A10];
	[tilespmem:s1+$0x9210] =	vst v18;
	v16 =	vmax.f32 v13, $0.0e+00;
	v12 =	vadd.f32 v15, v12  }
0x2b3: {  	v9 =	vmul.f32 v9, v1;
	v13 =	vld [tilespmem:s6+$0x9A20];
	[tilespmem:s1+$0x9220] =	vst v16;
	v15 =	vmax.f32 v14, $0.0e+00;
	v11 =	vadd.f32 v21, v11  }
0x2b4: {  	v14 =	vld [tilespmem:s6+$0x9A30];
	[tilespmem:s1+$0x9230] =	vst v15;
	v15 =	vmax.f32 v12, $0.0e+00;
	v10 =	vadd.f32 v20, v10  }
0x2b5: {  	v12 =	vld [tilespmem:s6+$0x9A40];
	[tilespmem:s1+$0x9240] =	vst v15;
	v15 =	vmax.f32 v11, $0.0e+00;
	v9 =	vadd.f32 v17, v9  }
0x2b6: {  	v11 =	vld [tilespmem:s6+$0x9A50];
	[tilespmem:s1+$0x9250] =	vst v15;
	v15 =	vmax.f32 v10, $0.0e+00  }
0x2b7: {  	v10 =	vld [tilespmem:s6+$0x9A60];
	[tilespmem:s1+$0x9260] =	vst v15;
	v15 =	vmax.f32 v9, $0.0e+00  }
0x2b8: {  	v9 =	vld [tilespmem:s6+$0x9A70];
	[tilespmem:s1+$0x9270] =	vst v15;
	s1 =	smov.u32 s6  }
.Ltmp8:
0x2b9: {  	v19 =	vld [tilespmem:s1+$0x9200];
	(pc) =	sbr.rel @p0 .LBB2_18-.Ltmp8, $4  }
0x2ba: {  	v18 =	vld [tilespmem:s1+$0x9210]  }
0x2bb: {  	v17 =	vld [tilespmem:s1+$0x9220]  }
0x2bc: {  	v21 =	vmul.f32 v22, v7;
	v16 =	vld [tilespmem:s1+$0x9230]  }
0x2bd: {  	s4 =	sadd.s32 $0x200, s4;
	v20 =	vmul.f32 v23, v8;
	v15 =	vld [tilespmem:s1+$0x9240]  }
0x2be: {  	v7 =	vadd.f32 v19, v21;
	v6 =	vmul.f32 v13, v6;
	v8 =	vld [tilespmem:s1+$0x9250]  }
0x2bf: {  	v5 =	vmul.f32 v14, v5;
	v61 =	vld [tilespmem:s1+$0x9260];
	v60 =	vadd.f32 v18, v20  }
0x2c0: {  	v4 =	vmul.f32 v12, v4;
	v62 =	vld [tilespmem:s1+$0x9270];
	v7 =	vmax.f32 v7, $0.0e+00;
	v6 =	vadd.f32 v17, v6  }
0x2c1: {  	v3 =	vmul.f32 v11, v3;
	[tilespmem:s1+$0x9200] =	vst v7;
	v63 =	vmax.f32 v60, $0.0e+00;
	v5 =	vadd.f32 v16, v5  }
0x2c2: {  	v2 =	vmul.f32 v10, v2;
	[tilespmem:s1+$0x9210] =	vst v63;
	v6 =	vmax.f32 v6, $0.0e+00;
	v4 =	vadd.f32 v15, v4  }
0x2c3: {  	v1 =	vmul.f32 v9, v1;
	[tilespmem:s1+$0x9220] =	vst v6;
	v5 =	vmax.f32 v5, $0.0e+00;
	v3 =	vadd.f32 v8, v3  }
0x2c4: {  	v2 =	vadd.f32 v61, v2;
	[tilespmem:s1+$0x9230] =	vst v5;
	v4 =	vmax.f32 v4, $0.0e+00  }
0x2c5: {  	v1 =	vadd.f32 v62, v1;
	[tilespmem:s1+$0x9240] =	vst v4;
	v3 =	vmax.f32 v3, $0.0e+00  }
0x2c6: {  	s4 =	sld [smem:$0x7FC];
	v2 =	vmax.f32 v2, $0.0e+00;
	[tilespmem:s1+$0x9250] =	vst v3  }
0x2c7: {  	v1 =	vmax.f32 v1, $0.0e+00;
	[tilespmem:s1+$0x9260] =	vst v2  }
0x2c8: {  	s6 =	simm.s32 $0xA200;
	[tilespmem:s1+$0x9270] =	vst v1;
	s1 =	simm.s32 $0x0  }
0x2c9: {  	[tilespmem:s6], [sflag:$0x9] =	stream.linear.gather [hbm4b:s4+s1], $0x10, $0x38;
	[tilespmem:$0x1DF80] =	vst v63  }
0x2ca: {  	_ =	swait.ge [sflag:s10], $0x10  }
0x2cb: {  	[sflag:s10] =	ssyncset.done $0x0  }
0x2cc: {  	s9 =	simm.s32 $0x9200;
	s4 =	simm.s32 $0x10;
	[sflag:s10] =	ssyncadd.s32 $0xFFFFFFF0  }
0x2cd: {  	[spmem:s16] =	stream.indirect.scatter.add.f32 [tilespmem:s9], [sflag:$0x9], $0x80, s6, s4, $0xb8;
	[tilespmem:$0x1DF80] =	vst v63  }
0x2ce: {  	_ =	swait.ge [sflag:s10], $0x800  }
0x2cf: {  	[sflag:s10] =	ssyncset.done $0x0  }
0x2d0: {  	[sflag:s10] =	ssyncadd.s32 $0xFFFFF800  }
0x2d1: {  	[bflag:$0x0] =	sbarrier.arrive $0xFFFF  }
0x2d2: {  	[tilespmem:s18], [sflag:$0x9] =	stream.linear.gather [spmem:s22], $0x1800, $0x38;
	[tilespmem:$0x1DF80] =	vst v63  }
0x2d3: {  	_ =	swait.ge [sflag:s10], $0x1800  }
0x2d4: {  	[sflag:s10] =	ssyncset.done $0x0  }
0x2d5: {  	s6 =	rddreg [dreg:$0x4];
	[sflag:s10] =	ssyncadd.s32 $0xFFFFE800  }
0x2d6: {  	[hbm4b:s6+s1] =	stream.linear.scatter [tilespmem:s18], [sflag:$0x7], $0x1800, $0x38;
	[tilespmem:$0x1DF80] =	vst v63  }
0x2d7: {  	_ = 	snop  }
0x2d8: {  	[tilespmem:s14], [sflag:$0x9] =	stream.linear.gather [spmem:s23], $0x1800, $0x38;
	[tilespmem:$0x1DF80] =	vst v63  }
0x2d9: {  	_ =	swait.ge [sflag:s10], $0x1800  }
0x2da: {  	[sflag:s10] =	ssyncset.done $0x0  }
0x2db: {  	[sflag:s10] =	ssyncadd.s32 $0xFFFFE800  }
0x2dc: {  	_ =	swait.ge [sflag:s0], $0x1800  }
0x2dd: {  	[sflag:s0] =	ssyncset.done $0x0  }
0x2de: {  	s9 =	rddreg [dreg:$0x5];
	[sflag:s0] =	ssyncadd.s32 $0xFFFFE800  }
0x2df: {  	[hbm4b:s9+s1] =	stream.linear.scatter [tilespmem:s14], [sflag:$0x7], $0x1800, $0x38;
	[tilespmem:$0x1DF80] =	vst v63  }
0x2e0: {  	_ = 	snop  }
0x2e1: {  	[tilespmem:s18], [sflag:$0x9] =	stream.linear.gather [spmem:s28], $0x1800, $0x38;
	[tilespmem:$0x1DF80] =	vst v63  }
0x2e2: {  	_ =	swait.ge [sflag:s10], $0x1800  }
0x2e3: {  	[sflag:s10] =	ssyncset.done $0x0  }
0x2e4: {  	[sflag:s10] =	ssyncadd.s32 $0xFFFFE800  }
0x2e5: {  	_ =	swait.ge [sflag:s0], $0x1800  }
0x2e6: {  	[sflag:s0] =	ssyncset.done $0x0  }
0x2e7: {  	s6 =	rddreg [dreg:$0x6];
	[sflag:s0] =	ssyncadd.s32 $0xFFFFE800  }
0x2e8: {  	[hbm4b:s6+s1] =	stream.linear.scatter [tilespmem:s18], [sflag:$0x7], $0x1800, $0x38;
	[tilespmem:$0x1DF80] =	vst v63  }
0x2e9: {  	s6 =	rddreg [dreg:$0x16]  }
0x2ea: {  	[tilespmem:s14], [sflag:$0x9] =	stream.linear.gather [spmem:s6], $0x1800, $0x38;
	[tilespmem:$0x1DF80] =	vst v63  }
0x2eb: {  	_ =	swait.ge [sflag:s10], $0x1800  }
0x2ec: {  	[sflag:s10] =	ssyncset.done $0x0  }
0x2ed: {  	[sflag:s10] =	ssyncadd.s32 $0xFFFFE800  }
0x2ee: {  	_ =	swait.ge [sflag:s0], $0x1800  }
0x2ef: {  	[sflag:s0] =	ssyncset.done $0x0  }
0x2f0: {  	s9 =	rddreg [dreg:$0x7];
	[sflag:s0] =	ssyncadd.s32 $0xFFFFE800  }
0x2f1: {  	[hbm4b:s9+s1] =	stream.linear.scatter [tilespmem:s14], [sflag:$0x7], $0x1800, $0x38;
	[tilespmem:$0x1DF80] =	vst v63  }
0x2f2: {  	_ = 	snop  }
0x2f3: {  	[tilespmem:s18], [sflag:$0x9] =	stream.linear.gather [spmem:s29], $0x1800, $0x38;
	[tilespmem:$0x1DF80] =	vst v63  }
0x2f4: {  	_ =	swait.ge [sflag:s10], $0x1800  }
0x2f5: {  	[sflag:s10] =	ssyncset.done $0x0  }
0x2f6: {  	[sflag:s10] =	ssyncadd.s32 $0xFFFFE800  }
0x2f7: {  	_ =	swait.ge [sflag:s0], $0x1800  }
0x2f8: {  	[sflag:s0] =	ssyncset.done $0x0  }
0x2f9: {  	s9 =	rddreg [dreg:$0x8];
	[sflag:s0] =	ssyncadd.s32 $0xFFFFE800  }
0x2fa: {  	[hbm4b:s9+s1] =	stream.linear.scatter [tilespmem:s18], [sflag:$0x7], $0x1800, $0x38;
	[tilespmem:$0x1DF80] =	vst v63  }
0x2fb: {  	s9 =	rddreg [dreg:$0x18]  }
0x2fc: {  	[tilespmem:s14], [sflag:$0x9] =	stream.linear.gather [spmem:s9], $0x1800, $0x38;
	[tilespmem:$0x1DF80] =	vst v63  }
0x2fd: {  	_ =	swait.ge [sflag:s10], $0x1800  }
0x2fe: {  	[sflag:s10] =	ssyncset.done $0x0  }
0x2ff: {  	[sflag:s10] =	ssyncadd.s32 $0xFFFFE800  }
0x300: {  	_ =	swait.ge [sflag:s0], $0x1800  }
0x301: {  	[sflag:s0] =	ssyncset.done $0x0  }
0x302: {  	s9 =	rddreg [dreg:$0x9];
	[sflag:s0] =	ssyncadd.s32 $0xFFFFE800  }
0x303: {  	[hbm4b:s9+s1] =	stream.linear.scatter [tilespmem:s14], [sflag:$0x7], $0x1800, $0x38;
	[tilespmem:$0x1DF80] =	vst v63  }
0x304: {  	s9 =	rddreg [dreg:$0x19]  }
0x305: {  	[tilespmem:s18], [sflag:$0x9] =	stream.linear.gather [spmem:s9], $0x1800, $0x38;
	[tilespmem:$0x1DF80] =	vst v63  }
0x306: {  	_ =	swait.ge [sflag:s10], $0x1800  }
0x307: {  	[sflag:s10] =	ssyncset.done $0x0  }
0x308: {  	[sflag:s10] =	ssyncadd.s32 $0xFFFFE800  }
0x309: {  	_ =	swait.ge [sflag:s0], $0x1800  }
0x30a: {  	[sflag:s0] =	ssyncset.done $0x0  }
0x30b: {  	s4 =	rddreg [dreg:$0xa];
	[sflag:s0] =	ssyncadd.s32 $0xFFFFE800  }
0x30c: {  	[hbm4b:s4+s1] =	stream.linear.scatter [tilespmem:s18], [sflag:$0x7], $0x1800, $0x38;
	[tilespmem:$0x1DF80] =	vst v63  }
0x30d: {  	s4 =	rddreg [dreg:$0x1a]  }
0x30e: {  	[tilespmem:s14], [sflag:$0x9] =	stream.linear.gather [spmem:s4], $0x1800, $0x38;
	[tilespmem:$0x1DF80] =	vst v63  }
0x30f: {  	_ =	swait.ge [sflag:s10], $0x1800  }
0x310: {  	[sflag:s10] =	ssyncset.done $0x0  }
0x311: {  	[sflag:s10] =	ssyncadd.s32 $0xFFFFE800  }
0x312: {  	_ =	swait.ge [sflag:s0], $0x1800  }
0x313: {  	[sflag:s0] =	ssyncset.done $0x0  }
0x314: {  	s4 =	rddreg [dreg:$0xb];
	[sflag:s0] =	ssyncadd.s32 $0xFFFFE800  }
0x315: {  	[hbm4b:s4+s1] =	stream.linear.scatter [tilespmem:s14], [sflag:$0x7], $0x1800, $0x38;
	[tilespmem:$0x1DF80] =	vst v63  }
0x316: {  	s4 =	rddreg [dreg:$0x1b]  }
0x317: {  	[tilespmem:s18], [sflag:$0x9] =	stream.linear.gather [spmem:s4], $0x1800, $0x38;
	[tilespmem:$0x1DF80] =	vst v63  }
0x318: {  	_ =	swait.ge [sflag:s10], $0x1800  }
0x319: {  	[sflag:s10] =	ssyncset.done $0x0  }
0x31a: {  	[sflag:s10] =	ssyncadd.s32 $0xFFFFE800  }
0x31b: {  	_ =	swait.ge [sflag:s0], $0x1800  }
0x31c: {  	[sflag:s0] =	ssyncset.done $0x0  }
0x31d: {  	s4 =	rddreg [dreg:$0xc];
	[sflag:s0] =	ssyncadd.s32 $0xFFFFE800  }
0x31e: {  	[hbm4b:s4+s1] =	stream.linear.scatter [tilespmem:s18], [sflag:$0x7], $0x1800, $0x38;
	[tilespmem:$0x1DF80] =	vst v63  }
0x31f: {  	s4 =	rddreg [dreg:$0x1c]  }
0x320: {  	[tilespmem:s14], [sflag:$0x9] =	stream.linear.gather [spmem:s4], $0x1800, $0x38;
	[tilespmem:$0x1DF80] =	vst v63  }
0x321: {  	_ =	swait.ge [sflag:s10], $0x1800  }
0x322: {  	[sflag:s10] =	ssyncset.done $0x0  }
0x323: {  	[sflag:s10] =	ssyncadd.s32 $0xFFFFE800  }
0x324: {  	_ =	swait.ge [sflag:s0], $0x1800  }
0x325: {  	[sflag:s0] =	ssyncset.done $0x0  }
0x326: {  	s4 =	rddreg [dreg:$0xd];
	[sflag:s0] =	ssyncadd.s32 $0xFFFFE800  }
0x327: {  	[hbm4b:s4+s1] =	stream.linear.scatter [tilespmem:s14], [sflag:$0x7], $0x1800, $0x38;
	[tilespmem:$0x1DF80] =	vst v63  }
0x328: {  	s4 =	rddreg [dreg:$0x1d]  }
0x329: {  	[tilespmem:s18], [sflag:$0x9] =	stream.linear.gather [spmem:s4], $0x1800, $0x38;
	[tilespmem:$0x1DF80] =	vst v63  }
0x32a: {  	_ =	swait.ge [sflag:s10], $0x1800  }
0x32b: {  	[sflag:s10] =	ssyncset.done $0x0  }
0x32c: {  	[sflag:s10] =	ssyncadd.s32 $0xFFFFE800  }
0x32d: {  	_ =	swait.ge [sflag:s0], $0x1800  }
0x32e: {  	[sflag:s0] =	ssyncset.done $0x0  }
0x32f: {  	s4 =	rddreg [dreg:$0xe];
	[sflag:s0] =	ssyncadd.s32 $0xFFFFE800  }
0x330: {  	[hbm4b:s4+s1] =	stream.linear.scatter [tilespmem:s18], [sflag:$0x7], $0x1800, $0x38;
	[tilespmem:$0x1DF80] =	vst v63  }
0x331: {  	s4 =	rddreg [dreg:$0x1e]  }
0x332: {  	[tilespmem:s14], [sflag:$0x9] =	stream.linear.gather [spmem:s4], $0x1800, $0x38;
	[tilespmem:$0x1DF80] =	vst v63  }
0x333: {  	_ =	swait.ge [sflag:s10], $0x1800  }
0x334: {  	[sflag:s10] =	ssyncset.done $0x0  }
0x335: {  	[sflag:s10] =	ssyncadd.s32 $0xFFFFE800  }
0x336: {  	_ =	swait.ge [sflag:s0], $0x1800  }
0x337: {  	[sflag:s0] =	ssyncset.done $0x0  }
0x338: {  	s4 =	rddreg [dreg:$0xf];
	[sflag:s0] =	ssyncadd.s32 $0xFFFFE800  }
0x339: {  	[hbm4b:s4+s1] =	stream.linear.scatter [tilespmem:s14], [sflag:$0x7], $0x1800, $0x38;
	[tilespmem:$0x1DF80] =	vst v63  }
0x33a: {  	s4 =	rddreg [dreg:$0x1f]  }
0x33b: {  	[tilespmem:s18], [sflag:$0x9] =	stream.linear.gather [spmem:s4], $0x1800, $0x38;
	[tilespmem:$0x1DF80] =	vst v63  }
0x33c: {  	_ =	swait.ge [sflag:s10], $0x1800  }
0x33d: {  	[sflag:s10] =	ssyncset.done $0x0  }
0x33e: {  	[sflag:s10] =	ssyncadd.s32 $0xFFFFE800  }
0x33f: {  	_ =	swait.ge [sflag:s0], $0x1800  }
0x340: {  	[sflag:s0] =	ssyncset.done $0x0  }
0x341: {  	s4 =	rddreg [dreg:$0x10];
	[sflag:s0] =	ssyncadd.s32 $0xFFFFE800  }
0x342: {  	[hbm4b:s4+s1] =	stream.linear.scatter [tilespmem:s18], [sflag:$0x7], $0x1800, $0x38;
	[tilespmem:$0x1DF80] =	vst v63  }
0x343: {  	s4 =	sld [smem:$0x7ED];
	_ =	sdelay $0x2  }
0x344: {  	[tilespmem:s14], [sflag:$0x9] =	stream.linear.gather [spmem:s4], $0x400, $0x38;
	[tilespmem:$0x1DF80] =	vst v63  }
0x345: {  	_ =	swait.ge [sflag:s10], $0x400  }
0x346: {  	[sflag:s10] =	ssyncset.done $0x0  }
0x347: {  	[sflag:s10] =	ssyncadd.s32 $0xFFFFFC00  }
0x348: {  	_ =	swait.ge [sflag:s0], $0x1800  }
0x349: {  	[sflag:s0] =	ssyncset.done $0x0  }
0x34a: {  	s4 =	rddreg [dreg:$0x11];
	[sflag:s0] =	ssyncadd.s32 $0xFFFFE800  }
0x34b: {  	[hbm4b:s4+s1] =	stream.linear.scatter [tilespmem:s14], [sflag:$0x7], $0x400, $0x38;
	[tilespmem:$0x1DF80] =	vst v63  }
0x34c: {  	_ =	swait.ge [sflag:s0], $0x400  }
0x34d: {  	s1 =	sld [smem:$0x7EC];
	_ =	sdelay $0x2  }
0x34e: {  	s4 =	sadd.s32 $0x1, s1;
	s1 =	sld [smem:$0x7FD];
	_ =	sdelay $0x2  }
0x34f: {  	p0 =	sne.s32 s4, s1  }
.Ltmp9:
0x350: {  	_ = 	snop;
	(pc) =	sbr.rel @p0 .LBB2_1-.Ltmp9, $3  }
0x351: {  	_ =	sdelay $0x1  }
0x352: {  	[sflag:s0] =	ssyncset.done $0x0  }
0x353: {  	[sflag:s0] =	ssyncadd.s32 $0xFFFFFC00  }
0x354: {  	_ =	sfence.sel $0x180000  }
0x355: {  	[bflag:$0x0] =	sbarrier.arrive $0xFFFF  }
0x356: {  	_ =	strace $0x9000004A  }
0x357: {  	s0 =	stileid.u32;
	[bflag:$0x2] =	sbarrier.arrive $0xFFFF  }
0x358: {  	p0 =	sne.s32 s0, $0x0;
	s0 =	rddreg [dreg:$0x3]  }
0x359: {  	s0 =	sadd.s32 @!p0 $0x100000, s0  }
0x35a: {  	[sflag:s0] =	ssyncadd.tile.s32 @!p0 $0x1;
	_ =	shalt  }
.Lfunc_end2:
_tile_overlayer_lowered:
.L_overlay_start_2:
0x35b: {  	(tag) =	ssettag $0x2  }
0x35c: {  	s0 =	rddreg [dreg:$0x0];
	s2 =	stileid.u32  }
0x35d: {  	s1 =	rddreg [dreg:$0x1];
	p0 =	sne.s32 s2, $0x0  }
0x35e: {  	s3 =	rddreg [dreg:$0x2];
	[bflag:$0x3] =	sbarrier.arrive $0xFFFF;
	s2 =	simm.s32 @!p0 $0x1C09  }
0x35f: {  	[timem:s3], [sflag:s2] =	dma.local @!p0 [hbm:s0], s1  }
0x360: {  	s0 =	simm.s32 @!p0 $0x9  }
0x361: {  	_ =	swait.ge @!p0 [sflag:s0], s1  }
0x362: {  	s1 =	ssub.s32 @!p0 $0x0, s1;
	[sflag:s0] =	ssyncset.done @!p0 $0x0  }
0x363: {  	[sflag:s0] =	ssyncadd.s32 @!p0 s1  }
0x364: {  	[bflag:$0x3] =	sbarrier.arrive $0xFFFF  }
0x365: {  	_ =	shalt  }

// kernel: kernel.8.cloned.1.call-start
scs
__scs_entry_jumppad:
0x0: {  	(pc) =	sbr.rel $0x88, $3  }
0x1: {  	(tag) =	ssettag $0x0;
	lr =	simm.s32 $0x1  }
0x2: {  	[smem:$0x3F95] =	sst lr;
	_ =	strace $0xD0000000  }
0x3: {  	_ = 	snop  }
0x4: {  	_ = 	snop  }
0x5: {  	_ = 	snop  }
0x6: {  	_ = 	snop  }
0x7: {  	_ = 	snop  }
__scs_overlays_trampoline_lowered:
0x8: {  	[smem:$0x3FA4] =	sst s0  }
0x9: {  	[smem:$0x3FA5] =	sst s1  }
0xa: {  	[smem:$0x3FA6] =	sst s2  }
0xb: {  	[smem:$0x3FA7] =	sst s3  }
0xc: {  	[smem:$0x3FA8] =	sst s4  }
0xd: {  	[smem:$0x3FA9] =	sst s5  }
0xe: {  	[smem:$0x3FAA] =	sst s6  }
0xf: {  	[smem:$0x3FAB] =	sst s7  }
0x10: {  	[smem:$0x3FAC] =	sst s8  }
0x11: {  	[smem:$0x3FAD] =	sst s9;
	s0 =	simm.s32 @!p0 $0x0  }
0x12: {  	s1 =	sld [smem:$0x3F93];
	s0 =	simm.s32 @p0 $0x1  }
0x13: {  	[smem:$0x3FAE] =	sst s0;
	s0 =	simm.s32 @!p1 $0x0  }
0x14: {  	s2 =	sld [smem:$0x3F92];
	s0 =	simm.s32 @p1 $0x1  }
0x15: {  	[smem:$0x3FAF] =	sst s0;
	s0 =	simm.s32 @!p2 $0x0  }
0x16: {  	s3 =	sld [smem:$0x3FDB];
	s0 =	simm.s32 @p2 $0x1  }
0x17: {  	s4 =	simm.s32 $0x1BF5;
	[smem:$0x3FB1] =	sst s0  }
0x18: {  	s0 =	sld [smem:$0x3F94];
	_ =	swait.ge [sflag:s4], $0x0  }
0x19: {  	s7 =	sld [smem:$0x3F95]  }
0x1a: {  	s8 =	sadd.s32 $0xFFFFE003, lr  }
0x1b: {  	s9 =	sadd.s32 $0xFFFFFEF7, lr;
	s5 =	simm.s32 $0xFFFFFFFF;
	p2 =	slt.u32 s8, $0xFFFFF086  }
0x1c: {  	p1 =	slt.u32 s9, $0xF7A;
	s5 =	simm.s32 @!p2 $0x0  }
0x1d: {  	s5 =	simm.s32 @p1 $0x1;
	p0 =	seq.s32 s7, s2  }
0x1e: {  	s7 =	smul.u32 @!p0 $0xF7A, s2;
	p2 =	seq.s32 @!p0 s5, $0x0  }
0x1f: {  	s9 =	smul.u32 $0xF7A, s1;
	s8 =	simm.s32 @!p0 $0x1BF5;
	p2 =	por !p2, p0  }
0x20: {  	[sflag:s8] =	ssyncset.s32 @!p0 $0xFFFFF086;
	s6 =	sadd.s32 @!p0 s3, s7;
	s7 =	simm.s32 @!p0 $0x108  }
0x21: {  	s3 =	sadd.s32 s3, s9;
	s6 =	sadd.s32 @!p0 $0x88, s6;
	s7 =	simm.s32 @p2 $0x1082  }
0x22: {  	[simem:s7], [sflag:s8] =	dma.local @!p0 [hbm:s6], $0xF7A  }
0x23: {  	s9 =	sor.u32 $0xD0000000, s2;
	s6 =	simm.s32 $0x108;
	_ =	swait.ge @!p0 [sflag:s8], $0x0  }
0x24: {  	s3 =	sadd.s32 $0x88, s3;
	s6 =	simm.s32 @!p1 $0x1082;
	[sflag:s4] =	ssyncset.s32 $0xFFFFF086  }
0x25: {  	[simem:s6], [sflag:s4] =	dma.local [hbm:s3], $0xF7A  }
0x26: {  	[smem:$0x3F95] =	sst s1;
	(tag) =	ssettag s2;
	_ =	strace s9  }
0x27: {  	s1 =	sld [smem:$0x3FA5]  }
0x28: {  	s2 =	sld [smem:$0x3FA6]  }
0x29: {  	s4 =	sld [smem:$0x3FA8]  }
0x2a: {  	p0 =	seq.s32 s5, $0x0;
	s5 =	sld [smem:$0x3FA9]  }
0x2b: {  	s6 =	sld [smem:$0x3FAA]  }
0x2c: {  	s7 =	sld [smem:$0x3FAB]  }
0x2d: {  	s3 =	simm.s32 $0x108;
	s8 =	sld [smem:$0x3FAC]  }
0x2e: {  	s3 =	simm.s32 @!p0 $0x1082;
	s9 =	sld [smem:$0x3FAD]  }
0x2f: {  	lr =	sadd.s32 s0, s3;
	s0 =	sld [smem:$0x3FA4]  }
0x30: {  	s3 =	sld [smem:$0x3FA7]  }
0x31: {  	[smem:$0x3FB0] =	sst s10  }
0x32: {  	s10 =	sld [smem:$0x3FAE];
	_ =	sdelay $0x3  }
0x33: {  	p0 =	seq.s32 s10, $0x1;
	s10 =	sld [smem:$0x3FB0];
	_ =	sdelay $0x3  }
0x34: {  	[smem:$0x3FB0] =	sst s10  }
0x35: {  	s10 =	sld [smem:$0x3FAF];
	_ =	sdelay $0x3  }
0x36: {  	p1 =	seq.s32 s10, $0x1;
	s10 =	sld [smem:$0x3FB0];
	_ =	sdelay $0x3  }
0x37: {  	[smem:$0x3FB0] =	sst s10  }
0x38: {  	s10 =	sld [smem:$0x3FB1]  }
0x39: {  	_ = 	snop;
	(pc) =	sbr.ind lr, $3  }
0x3a: {  	_ = 	snop  }
0x3b: {  	_ = 	snop  }
0x3c: {  	p2 =	seq.s32 s10, $0x1;
	s10 =	sld [smem:$0x3FB0]  }
0x3d: {  	_ =	shalt  }
0x3e: {  	_ =	shalt  }
0x3f: {  	_ =	shalt  }
0x40: {  	_ =	shalt  }
0x41: {  	_ =	shalt  }
0x42: {  	_ =	shalt  }
0x43: {  	_ =	shalt  }
0x44: {  	_ =	shalt  }
0x45: {  	_ =	shalt  }
0x46: {  	_ =	shalt  }
0x47: {  	_ =	shalt  }
0x48: {  	_ =	shalt  }
0x49: {  	_ =	shalt  }
0x4a: {  	_ =	shalt  }
0x4b: {  	_ =	shalt  }
0x4c: {  	_ =	shalt  }
0x4d: {  	_ =	shalt  }
0x4e: {  	_ =	shalt  }
0x4f: {  	_ =	shalt  }
0x50: {  	_ =	shalt  }
0x51: {  	_ =	shalt  }
0x52: {  	_ =	shalt  }
0x53: {  	_ =	shalt  }
0x54: {  	_ =	shalt  }
0x55: {  	_ =	shalt  }
0x56: {  	_ =	shalt  }
0x57: {  	_ =	shalt  }
0x58: {  	_ =	shalt  }
0x59: {  	_ =	shalt  }
0x5a: {  	_ =	shalt  }
0x5b: {  	_ =	shalt  }
0x5c: {  	_ =	shalt  }
0x5d: {  	_ =	shalt  }
0x5e: {  	_ =	shalt  }
0x5f: {  	_ =	shalt  }
0x60: {  	_ =	shalt  }
0x61: {  	_ =	shalt  }
0x62: {  	_ =	shalt  }
0x63: {  	_ =	shalt  }
0x64: {  	_ =	shalt  }
0x65: {  	_ =	shalt  }
0x66: {  	_ =	shalt  }
0x67: {  	_ =	shalt  }
0x68: {  	_ =	shalt  }
0x69: {  	_ =	shalt  }
0x6a: {  	_ =	shalt  }
0x6b: {  	_ =	shalt  }
0x6c: {  	_ =	shalt  }
0x6d: {  	_ =	shalt  }
0x6e: {  	_ =	shalt  }
0x6f: {  	_ =	shalt  }
0x70: {  	_ =	shalt  }
0x71: {  	_ =	shalt  }
0x72: {  	_ =	shalt  }
0x73: {  	_ =	shalt  }
0x74: {  	_ =	shalt  }
0x75: {  	_ =	shalt  }
0x76: {  	_ =	shalt  }
0x77: {  	_ =	shalt  }
0x78: {  	_ =	shalt  }
0x79: {  	_ =	shalt  }
0x7a: {  	_ =	shalt  }
0x7b: {  	_ =	shalt  }
0x7c: {  	_ =	shalt  }
0x7d: {  	_ =	shalt  }
0x7e: {  	_ =	shalt  }
0x7f: {  	_ =	shalt  }
0x80: {  	_ =	shalt  }
0x81: {  	_ =	shalt  }
0x82: {  	_ =	shalt  }
0x83: {  	_ =	shalt  }
0x84: {  	_ =	shalt  }
0x85: {  	_ =	shalt  }
0x86: {  	_ =	shalt  }
0x87: {  	_ =	shalt  }
.Lfunc_end0:
.L_simem_size_0:
called_computation_lowered:
.L_overlay_start_0:
0x88: {  	s2 =	sld [smem:$0x3FD9]  }
0x89: {  	s3 =	sld [smem:$0x3FFE];
	_ =	sdelay $0x1  }
0x8a: {  	s1 =	srdreg.scid  }
0x8b: {  	s0 =	sand.u32 $0x1, s1  }
0x8c: {  	s17 =	sshll.u32 s0, $0xA;
	s2 =	sadd.s32 s3, s2  }
0x8d: {  	s2 =	sadd.s32 s2, s17  }
0x8e: {  	[smem:$0x3FBC] =	sst s2  }
0x8f: {  	_ = 	snop  }
0x90: {  	s2 =	sld [smem:$0x3FD0];
	(tm) =	ssettm $0x1  }
0x91: {  	s18 =	sld [smem:$0x3FFB];
	_ =	sdelay $0x3  }
0x92: {  	_ =	strace s18  }
0x93: {  	s3 =	sld [smem:$0x3FFC];
	_ =	sdelay $0x3  }
0x94: {  	_ =	strace s3  }
0x95: {  	s3 =	sld [smem:$0x3FFD];
	_ =	sdelay $0x3  }
0x96: {  	_ =	strace s3  }
0x97: {  	_ =	strace $0x8FFFFFFF  }
0x98: {  	s19 =	sld [smem:$0x3FDB];
	_ =	sdelay $0x1  }
0x99: {  	s4 =	simm.s32 $_scs_section_size  }
0x9a: {  	s5 =	simm.s32 $_size__tile_overlayer_lowered;
	s6 =	simm.s32 $_tile_overlayer_lowered  }
0x9b: {  	s22 =	simm.s32 $0x1BFF;
	s21 =	sshll.u32 s6, $0x1;
	s3 =	sadd.s32 s4, s19  }
0x9c: {  	s7 =	simm.s32 $0x0;
	s20 =	sshll.u32 s5, $0x1;
	s5 =	sadd.s32 s21, s3  }
0x9d: {  	[timem:s7], [sflag:s22] =	dma.local [hbm:s5], s20  }
0x9e: {  	_ =	swait.ge [sflag:s22], s20  }
0x9f: {  	s4 =	ssub.s32 $0x0, s20;
	[sflag:s22] =	ssyncset.done $0x0  }
0xa0: {  	[sflag:s22] =	ssyncadd.s32 s4;
	_ =	sdelay $0x1  }
0xa1: {  	s23 =	simm.s32 $0x1B8B  }
0xa2: {  	_ =	swait.ge [sflag:s23], $0x1  }
0xa3: {  	[sflag:s23] =	ssyncset.done $0x0  }
0xa4: {  	s25 =	simm.s32 $0x1B8E;
	s24 =	sld [smem:$0x3FFE];
	[sflag:s23] =	ssyncadd.s32 $0xFFFFFFFF  }
0xa5: {  	s26 =	simm.s32 $execute0_lowered;
	[smem:$0x3FD2] =	sst s25  }
0xa6: {  	s5 =	sshll.u32 s26, $0x1;
	_ =	strace $0x80000046;
	[dreg:$0x1] =	wrdreg $0xFFFFFFFF  }
0xa7: {  	s28 =	simm.s32 $_size_execute0_lowered;
	s3 =	sadd.s32 s3, s5;
	[dreg:$0x0] =	wrdreg $0x0  }
0xa8: {  	s5 =	sshll.u32 s28, $0x1;
	[dreg:$0x2] =	wrdreg s3  }
0xa9: {  	[dreg:$0x3] =	wrdreg s5  }
0xaa: {  	[dreg:$0x4] =	wrdreg $0xC0  }
0xab: {  	_ =	task [dreg:s7], $0x5FFFF  }
0xac: {  	[dreg:$0x1] =	wrdreg $0xFFFFFFFF  }
0xad: {  	[dreg:$0x0] =	wrdreg $0x60  }
0xae: {  	[dreg:$0x2] =	wrdreg s24  }
0xaf: {  	[dreg:$0x3] =	wrdreg s2  }
0xb0: {  	[dreg:$0x4] =	wrdreg $0x9  }
0xb1: {  	_ =	task.clear_ibuf [dreg:s7], $0x5FFFF;
	_ =	strace $0x90000046  }
0xb2: {  	s29 =	simm.s32 $0x9;
	_ =	strace $0x80000048  }
0xb3: {  	_ =	swait.ge [sflag:s29], $0x1  }
0xb4: {  	[sflag:s29] =	ssyncadd.s32 $0xFFFFFFFF  }
0xb5: {  	_ =	strace $0x90000048  }
0xb6: {  	_ =	sfence  }
0xb7: {  	s30 =	sld [smem:$0x0];
	_ =	sdelay $0x2  }
0xb8: {  	s31 =	sshll.u32 s1, $0xD;
	s1 =	sshrl.u32 s1, $0x2  }
0xb9: {  	s3 =	sand.u32 $0x4000, s31;
	s1 =	sadd.s32 s1, s30  }
0xba: {  	s0 =	sor.u32 s3, s0;
	s1 =	sshll.u32 s1, $0x11  }
0xbb: {  	s0 =	sor.u32 s1, s0  }
0xbc: {  	s0 =	sadd.s32 $0x8F2B, s0  }
0xbd: {  	[sflag:s0] =	ssyncadd.remote.s32 $0x1  }
0xbe: {  	_ =	sfence.sel $0xFFFF  }
0xbf: {  	[dreg:$0x0] =	wrdreg $0xFFFFFFFF;
	(pc) =	sbr.abs _section_cstart, $3  }
0xc0: {  	[dreg:$0x1] =	wrdreg $0xFFFFFFFF  }
0xc1: {  	_ =	task.clear_ibuf [dreg:s7], $0x2FFFF;
	_ =	strace $0x9FFFFFFF  }
0xc2: {  	(tm) =	ssettm $0x7FFFFFFF  }
0xc3: {  	_ =	shalt  }
tec
execute0_lowered:
.L_overlay_start_1:
0x0: {  	(tag) =	ssettag $0x1  }
0x1: {  	s0 =	rddreg [dreg:$0x0]  }
0x2: {  	s1 =	rddreg [dreg:$0x1];
	s3 =	simm.s32 $0x0;
	s2 =	srdreg.scid  }
0x3: {  	s5 =	stileid.u32;
	s15 =	simm.s32 $0x1;
	s16 =	simm.s32 $0xC8  }
0x4: {  	s17 =	simm.s32 $0x200;
	s18 =	simm.s32 $0xCA00;
	s19 =	simm.s32 $0x100  }
0x5: {  	s20 =	simm.s32 $0x2;
	s21 =	simm.s32 $0x6600;
	s22 =	simm.s32 $0x12E00  }
0x6: {  	s23 =	simm.s32 $0x3;
	s24 =	simm.s32 $0x4;
	s25 =	simm.s32 $0x19200  }
0x7: {  	s26 =	simm.s32 $0x5;
	s2 =	sand.u32 $0x1, s2;
	s6 =	sshll.u32 s5, $0x1  }
0x8: {  	s28 =	simm.s32 $0x0;
	[smem:$0x7FF] =	sst s3;
	s6 =	sor.u32 s2, s6  }
0x9: {  	s4 =	sadd.s32 $0xC800, s0;
	s5 =	sadd.s32 $0x16600, s0;
	s11 =	smul.u32 $0x2710, s6  }
0xa: {  	_ =	strace $0x80000047;
	s2 =	ssub.s32 $0x2, s2;
	s30 =	smul.u32 $0x138800, s6  }
0xb: {  	s7 =	sshll.u32 s6, $0x5;
	s8 =	sshrl.u32 s2, $0x1;
	s9 =	smul.u32 $0x27100, s6  }
0xc: {  	s0 =	sadd.s32 s7, s0;
	s2 =	ssub.s32 s2, s8;
	s31 =	sshrl.u32 s11, $0x3  }
0xd: {  	s6 =	sadd.s32 $0xC8, s11;
	s12 =	sshrl.u32 s30, $0x3;
	s8 =	sadd.s32 s5, s9  }
0xe: {  	s13 =	sadd.s32 $0x4F8600, s0;
	s14 =	smax.u32 s2, $0x1;
	s10 =	sshrl.u32 s6, $0x3  }
0xf: {  	s7 =	sadd.s32 s4, s31;
	s12 =	sadd.s32 s5, s12;
	s9 =	sadd.s32 s4, s10  }
0x10: {  	s10 =	sadd.s32 $0x190, s11;
	s11 =	sadd.s32 $0x258, s11;
	s12 =	sadd.s32 $0x26480, s12  }
.LBB2_1:
0x11: {  	[tilespmem:s3], [sflag:$0x1] =	stream.linear.gather [hbm4b:s7+s3], $0xC8, $0x38;
	[tilespmem:$0x19300] =	vst v63  }
0x12: {  	_ =	swait.ge [sflag:s15], $0xC8  }
0x13: {  	[sflag:s15] =	ssyncset.done $0x0  }
0x14: {  	v0 =	vimm.f32 $0.0e+00;
	[sflag:s15] =	ssyncadd.s32 $0xFFFFFF38  }
0x15: {  	v17 =	vimm.f32 $0.0e+00;
	v1 =	vimm.f32 $0.0e+00;
	v3 =	vimm.f32 $0.0e+00;
	[tilespmem:s17], [sflag:$0x3] =	stream.indirect.gather [hbm4b:s1+s16], $0x80, s3, s16, $0xb8;
	[tilespmem:$0x19300] =	vst v63  }
0x16: {  	v5 =	vimm.f32 $0.0e+00;
	v15 =	vimm.f32 $0.0e+00;
	v8 =	vimm.f32 $0.0e+00  }
0x17: {  	v12 =	vimm.f32 $0.0e+00;
	v20 =	vimm.f32 $0.0e+00;
	v2 =	vimm.f32 $0.0e+00;
	[tilespmem:s18], [sflag:$0x3] =	stream.linear.gather [hbm4b:s8+s3], $0x6400, $0x38;
	[tilespmem:$0x19300] =	vst v63  }
0x18: {  	v4 =	vimm.f32 $0.0e+00;
	v6 =	vimm.f32 $0.0e+00;
	v7 =	vimm.f32 $0.0e+00;
	s29 =	simm.s32 $0x0  }
0x19: {  	v16 =	vimm.f32 $0.0e+00;
	v18 =	vimm.f32 $0.0e+00;
	v19 =	vimm.f32 $0.0e+00;
	[tilespmem:s19], [sflag:$0x2] =	stream.linear.gather [hbm4b:s9+s3], $0xC8, $0x38;
	[tilespmem:$0x19300] =	vst v63  }
.LBB2_2:
0x1a: {  	_ =	swait.ge [sflag:s20], $0xC8;
	s30 =	smul.u32 $0x190, s29  }
0x1b: {  	[sflag:s20] =	ssyncset.done $0x0  }
0x1c: {  	[sflag:s20] =	ssyncadd.s32 $0xFFFFFF38;
	s0 =	sadd.s32 s30, s6  }
0x1d: {  	[tilespmem:s21], [sflag:$0x4] =	stream.indirect.gather [hbm4b:s1+s16], $0x80, s19, s16, $0xb8;
	[tilespmem:$0x19300] =	vst v63  }
0x1e: {  	s0 =	sshll.u32 s0, $0x4  }
0x1f: {  	s2 =	simm.s32 $0x0;
	s0 =	sadd.s32 s5, s0  }
0x20: {  	[tilespmem:s22], [sflag:$0x4] =	stream.linear.gather [hbm4b:s0+s2], $0x6400, $0x38;
	[tilespmem:$0x19300] =	vst v63  }
0x21: {  	_ =	swait.ge [sflag:s23], $0x6400  }
0x22: {  	[sflag:s23] =	ssyncset.done $0x0  }
0x23: {  	[sflag:s23] =	ssyncadd.s32 $0xFFFF9C00  }
0x24: {  	s31 =	sadd.s32 s30, s10;
	_ =	swait.ge [sflag:s23], $0x6400  }
0x25: {  	s0 =	sshrl.u32 s31, $0x3;
	[sflag:s23] =	ssyncset.done $0x0  }
0x26: {  	s0 =	sadd.s32 s4, s0;
	[sflag:s23] =	ssyncadd.s32 $0xFFFF9C00  }
0x27: {  	[tilespmem:s2], [sflag:$0x1] =	stream.linear.gather [hbm4b:s0+s2], $0xC8, $0x38;
	[tilespmem:$0x19300] =	vst v63  }
0x28: {  	s2 =	simm.s32 $0x0  }
0x29: {  	v9 =	vld [tilespmem:s2+$0x270]  }
0x2a: {  	v10 =	vld [tilespmem:s2+$0xCA70]  }
0x2b: {  	v11 =	vld [tilespmem:s2+$0x200]  }
0x2c: {  	v13 =	vld [tilespmem:s2+$0xCA00]  }
0x2d: {  	v14 =	vld [tilespmem:s2+$0x210]  }
0x2e: {  	v21 =	vld [tilespmem:s2+$0xCA10]  }
0x2f: {  	v22 =	vld [tilespmem:s2+$0x220]  }
0x30: {  	v23 =	vld [tilespmem:s2+$0xCA20]  }
0x31: {  	v24 =	vld [tilespmem:s2+$0x230]  }
0x32: {  	v25 =	vld [tilespmem:s2+$0xCA30]  }
0x33: {  	v9 =	vadd.f32 v10, v9  }
0x34: {  	v26 =	vld [tilespmem:s2+$0x240];
	v11 =	vadd.f32 v13, v11  }
0x35: {  	v27 =	vld [tilespmem:s2+$0xCA40];
	v14 =	vadd.f32 v21, v14;
	v10 =	vmul.f32 v9, v9;
	v9 =	vadd.f32 v9, v20  }
0x36: {  	v13 =	vmul.f32 v11, v11;
	v20 =	vadd.f32 v23, v22;
	v11 =	vadd.f32 v11, v19;
	v19 =	vld [tilespmem:s2+$0xCA50]  }
0x37: {  	v21 =	vadd.f32 v25, v24;
	v22 =	vmul.f32 v14, v14;
	v10 =	vadd.f32 v10, v17;
	v17 =	vld [tilespmem:s2+$0x250]  }
0x38: {  	v12 =	vadd.f32 v13, v12;
	v13 =	vadd.f32 v14, v18;
	v23 =	vmul.f32 v20, v20;
	v18 =	vld [tilespmem:s2+$0x260]  }
0x39: {  	s0 =	simm.s32 $0x80;
	v14 =	vadd.f32 v22, v8;
	v8 =	vadd.f32 v20, v16;
	v20 =	vld [tilespmem:s2+$0xCA60]  }
0x3a: {  	v16 =	vld [tilespmem:s0+$0x270];
	s2 =	simm.s32 $0x400;
	v22 =	vadd.f32 v27, v26;
	v15 =	vadd.f32 v23, v15;
	v23 =	vmul.f32 v21, v21  }
.LBB2_3:
0x3b: {  	p0 =	sne.s32 s2, $0x18E00;
	v24 =	vld [tilespmem:s0+$0xCA70];
	v7 =	vadd.f32 v21, v7  }
0x3c: {  	v21 =	vld [tilespmem:s0+$0x200];
	v5 =	vadd.f32 v23, v5;
	v23 =	vmul.f32 v22, v22;
	v17 =	vadd.f32 v19, v17  }
0x3d: {  	v6 =	vadd.f32 v22, v6;
	v19 =	vld [tilespmem:s0+$0xCA00]  }
0x3e: {  	v22 =	vld [tilespmem:s0+$0x210];
	v3 =	vadd.f32 v23, v3;
	v23 =	vmul.f32 v17, v17;
	v18 =	vadd.f32 v20, v18  }
0x3f: {  	v4 =	vadd.f32 v17, v4;
	v20 =	vld [tilespmem:s0+$0xCA10]  }
0x40: {  	v17 =	vld [tilespmem:s0+$0x220];
	v16 =	vadd.f32 v24, v16;
	v1 =	vadd.f32 v23, v1;
	v23 =	vmul.f32 v18, v18  }
0x41: {  	v2 =	vadd.f32 v18, v2;
	v24 =	vld [tilespmem:s0+$0xCA20]  }
0x42: {  	v18 =	vadd.f32 v19, v21;
	v21 =	vld [tilespmem:s0+$0x230];
	v19 =	vmul.f32 v16, v16;
	v0 =	vadd.f32 v23, v0  }
0x43: {  	v9 =	vadd.f32 v16, v9;
	v23 =	vld [tilespmem:s0+$0xCA30]  }
0x44: {  	v16 =	vmul.f32 v18, v18;
	v20 =	vadd.f32 v20, v22;
	v22 =	vld [tilespmem:s0+$0x240];
	v10 =	vadd.f32 v19, v10  }
0x45: {  	v11 =	vadd.f32 v18, v11;
	v25 =	vld [tilespmem:s0+$0xCA40]  }
.Ltmp0:
0x46: {  	v12 =	vadd.f32 v16, v12;
	v16 =	vmul.f32 v20, v20;
	v24 =	vadd.f32 v24, v17;
	v17 =	vld [tilespmem:s0+$0x250];
	(pc) =	sbr.rel @p0 .LBB2_3-.Ltmp0, $4  }
0x47: {  	v13 =	vadd.f32 v20, v13;
	v19 =	vld [tilespmem:s0+$0xCA50]  }
0x48: {  	v14 =	vadd.f32 v16, v14;
	v26 =	vmul.f32 v24, v24;
	v21 =	vadd.f32 v23, v21;
	v18 =	vld [tilespmem:s0+$0x260]  }
0x49: {  	v8 =	vadd.f32 v24, v8;
	v20 =	vld [tilespmem:s0+$0xCA60];
	s0 =	sshra.s32 s2, $0x2  }
0x4a: {  	s2 =	sadd.s32 $0x200, s2;
	v16 =	vld [tilespmem:s0+$0x270];
	v15 =	vadd.f32 v26, v15;
	v23 =	vmul.f32 v21, v21;
	v22 =	vadd.f32 v25, v22  }
0x4b: {  	v24 =	vld [tilespmem:s0+$0xCA70]  }
0x4c: {  	v25 =	vld [tilespmem:s0+$0x200]  }
0x4d: {  	v26 =	vld [tilespmem:s0+$0xCA00]  }
0x4e: {  	v27 =	vld [tilespmem:s0+$0x210]  }
0x4f: {  	v28 =	vld [tilespmem:s0+$0xCA10]  }
0x50: {  	v29 =	vld [tilespmem:s0+$0x220]  }
0x51: {  	v30 =	vld [tilespmem:s0+$0xCA20]  }
0x52: {  	v31 =	vld [tilespmem:s0+$0x230]  }
0x53: {  	v32 =	vld [tilespmem:s0+$0xCA30]  }
0x54: {  	v33 =	vld [tilespmem:s0+$0x240]  }
0x55: {  	v34 =	vld [tilespmem:s0+$0xCA40]  }
0x56: {  	v35 =	vld [tilespmem:s0+$0x250]  }
0x57: {  	v36 =	vld [tilespmem:s0+$0xCA50]  }
0x58: {  	v37 =	vld [tilespmem:s0+$0x260]  }
0x59: {  	v38 =	vld [tilespmem:s0+$0xCA60];
	_ =	swait.ge [sflag:s15], $0xC8  }
0x5a: {  	[sflag:s15] =	ssyncset.done $0x0  }
0x5b: {  	s0 =	simm.s32 $0x0;
	s2 =	sshll.u32 s31, $0x4;
	[sflag:s15] =	ssyncadd.s32 $0xFFFFFF38  }
0x5c: {  	[tilespmem:s17], [sflag:$0x3] =	stream.indirect.gather [hbm4b:s1+s16], $0x80, s0, s16, $0xb8;
	[tilespmem:$0x19300] =	vst v63  }
0x5d: {  	s2 =	sadd.s32 s5, s2  }
0x5e: {  	v17 =	vadd.f32 v19, v17;
	v19 =	vmul.f32 v22, v22;
	[tilespmem:s18], [sflag:$0x3] =	stream.linear.gather [hbm4b:s2+s0], $0x6400, $0x38;
	[tilespmem:$0x19300] =	vst v63  }
0x5f: {  	v7 =	vadd.f32 v21, v7;
	v5 =	vadd.f32 v23, v5;
	_ =	swait.ge [sflag:s24], $0x6400  }
0x60: {  	v6 =	vadd.f32 v22, v6;
	v19 =	vadd.f32 v19, v3;
	v3 =	vmul.f32 v17, v17;
	[sflag:s24] =	ssyncset.done $0x0  }
0x61: {  	v18 =	vadd.f32 v20, v18;
	v17 =	vadd.f32 v17, v4;
	[sflag:s24] =	ssyncadd.s32 $0xFFFF9C00  }
0x62: {  	s31 =	sadd.s32 s30, s11;
	v4 =	vadd.f32 v24, v16;
	v20 =	vadd.f32 v3, v1;
	_ =	swait.ge [sflag:s24], $0x6400  }
0x63: {  	v16 =	vmul.f32 v18, v18;
	s2 =	sshrl.u32 s31, $0x3;
	v1 =	vadd.f32 v26, v25;
	v18 =	vadd.f32 v18, v2;
	[sflag:s24] =	ssyncset.done $0x0  }
0x64: {  	v3 =	vadd.f32 v28, v27;
	s31 =	simm.s32 $0x0;
	v23 =	vadd.f32 v34, v33;
	s2 =	sadd.s32 s4, s2;
	[sflag:s24] =	ssyncadd.s32 $0xFFFF9C00  }
0x65: {  	v2 =	vmul.f32 v4, v4;
	v9 =	vadd.f32 v4, v9;
	v4 =	vmul.f32 v1, v1;
	[tilespmem:s19], [sflag:$0x2] =	stream.linear.gather [hbm4b:s2+s0], $0xC8, $0x38;
	[tilespmem:$0x19300] =	vst v63  }
0x66: {  	v0 =	vadd.f32 v16, v0;
	v11 =	vadd.f32 v1, v11;
	v16 =	vld [tilespmem:s31+$0x6670]  }
0x67: {  	v1 =	vmul.f32 v3, v3;
	v10 =	vadd.f32 v2, v10;
	v21 =	vadd.f32 v4, v12;
	v12 =	vld [tilespmem:s31+$0x12E70]  }
0x68: {  	v2 =	vadd.f32 v30, v29;
	v4 =	vadd.f32 v32, v31;
	v22 =	vld [tilespmem:s31+$0x6600]  }
0x69: {  	v13 =	vadd.f32 v3, v13;
	v14 =	vadd.f32 v1, v14;
	v56 =	vld [tilespmem:s31+$0x12E00]  }
0x6a: {  	v3 =	vmul.f32 v2, v2;
	v57 =	vadd.f32 v2, v8;
	v2 =	vmul.f32 v4, v4;
	v58 =	vld [tilespmem:s31+$0x6610]  }
0x6b: {  	v1 =	vadd.f32 v4, v7;
	v4 =	vmul.f32 v23, v23;
	v7 =	vadd.f32 v36, v35;
	v59 =	vld [tilespmem:s31+$0x12E10]  }
0x6c: {  	v8 =	vadd.f32 v38, v37;
	v15 =	vadd.f32 v3, v15;
	v60 =	vld [tilespmem:s31+$0x6620]  }
0x6d: {  	v3 =	vadd.f32 v23, v6;
	v4 =	vadd.f32 v4, v19;
	v6 =	vmul.f32 v7, v7;
	v19 =	vld [tilespmem:s31+$0x12E20]  }
0x6e: {  	v2 =	vadd.f32 v2, v5  }
0x6f: {  	v5 =	vadd.f32 v7, v17;
	v17 =	vmul.f32 v8, v8;
	v23 =	vld [tilespmem:s31+$0x6630];
	v6 =	vadd.f32 v6, v20  }
0x70: {  	v12 =	vadd.f32 v12, v16;
	v20 =	vadd.f32 v56, v22;
	v22 =	vld [tilespmem:s31+$0x12E30]  }
0x71: {  	v7 =	vadd.f32 v8, v18;
	v61 =	vld [tilespmem:s31+$0x6640];
	v0 =	vadd.f32 v17, v0  }
0x72: {  	v62 =	vld [tilespmem:s31+$0x12E40];
	v18 =	vadd.f32 v59, v58;
	v63 =	vadd.f32 v19, v60;
	v16 =	vmul.f32 v12, v12  }
0x73: {  	v19 =	vld [tilespmem:s31+$0x12E50];
	v8 =	vadd.f32 v12, v9;
	v17 =	vmul.f32 v20, v20;
	v12 =	vadd.f32 v20, v11  }
0x74: {  	v11 =	vadd.f32 v18, v13;
	v28 =	vmul.f32 v63, v63;
	v9 =	vadd.f32 v16, v10;
	v16 =	vld [tilespmem:s31+$0x6650]  }
0x75: {  	v20 =	vld [tilespmem:s31+$0x12E60];
	v10 =	vadd.f32 v17, v21;
	v17 =	vmul.f32 v18, v18;
	v21 =	vadd.f32 v22, v23  }
0x76: {  	s30 =	simm.s32 $0x80;
	v13 =	vadd.f32 v63, v57;
	v18 =	vld [tilespmem:s31+$0x6660];
	v15 =	vadd.f32 v28, v15  }
0x77: {  	s0 =	simm.s32 $0x400;
	v22 =	vadd.f32 v62, v61;
	v14 =	vadd.f32 v17, v14;
	v17 =	vld [tilespmem:s30+$0x6670];
	v23 =	vmul.f32 v21, v21  }
.LBB2_5:
0x78: {  	p0 =	sne.s32 s0, $0x18E00;
	v24 =	vld [tilespmem:s30+$0x12E70];
	v1 =	vadd.f32 v21, v1  }
0x79: {  	v21 =	vld [tilespmem:s30+$0x6600];
	v2 =	vadd.f32 v23, v2;
	v23 =	vmul.f32 v22, v22;
	v16 =	vadd.f32 v19, v16  }
0x7a: {  	v3 =	vadd.f32 v22, v3;
	v19 =	vld [tilespmem:s30+$0x12E00]  }
0x7b: {  	v22 =	vld [tilespmem:s30+$0x6610];
	v4 =	vadd.f32 v23, v4;
	v23 =	vmul.f32 v16, v16;
	v18 =	vadd.f32 v20, v18  }
0x7c: {  	v5 =	vadd.f32 v16, v5;
	v20 =	vld [tilespmem:s30+$0x12E10]  }
0x7d: {  	v16 =	vld [tilespmem:s30+$0x6620];
	v17 =	vadd.f32 v24, v17;
	v6 =	vadd.f32 v23, v6;
	v23 =	vmul.f32 v18, v18  }
0x7e: {  	v7 =	vadd.f32 v18, v7;
	v24 =	vld [tilespmem:s30+$0x12E20]  }
0x7f: {  	v18 =	vadd.f32 v19, v21;
	v21 =	vld [tilespmem:s30+$0x6630];
	v19 =	vmul.f32 v17, v17;
	v0 =	vadd.f32 v23, v0  }
0x80: {  	v8 =	vadd.f32 v17, v8;
	v23 =	vld [tilespmem:s30+$0x12E30]  }
0x81: {  	v17 =	vmul.f32 v18, v18;
	v20 =	vadd.f32 v20, v22;
	v22 =	vld [tilespmem:s30+$0x6640];
	v9 =	vadd.f32 v19, v9  }
0x82: {  	v12 =	vadd.f32 v18, v12;
	v25 =	vld [tilespmem:s30+$0x12E40]  }
.Ltmp1:
0x83: {  	v10 =	vadd.f32 v17, v10;
	v17 =	vmul.f32 v20, v20;
	v24 =	vadd.f32 v24, v16;
	v16 =	vld [tilespmem:s30+$0x6650];
	(pc) =	sbr.rel @p0 .LBB2_5-.Ltmp1, $4  }
0x84: {  	v11 =	vadd.f32 v20, v11;
	v19 =	vld [tilespmem:s30+$0x12E50]  }
0x85: {  	v14 =	vadd.f32 v17, v14;
	v26 =	vmul.f32 v24, v24;
	v21 =	vadd.f32 v23, v21;
	v18 =	vld [tilespmem:s30+$0x6660]  }
0x86: {  	v13 =	vadd.f32 v24, v13;
	v20 =	vld [tilespmem:s30+$0x12E60];
	s30 =	sshra.s32 s0, $0x2  }
0x87: {  	s0 =	sadd.s32 $0x200, s0;
	v17 =	vld [tilespmem:s30+$0x6670];
	v15 =	vadd.f32 v26, v15;
	v23 =	vmul.f32 v21, v21;
	v22 =	vadd.f32 v25, v22  }
0x88: {  	v24 =	vld [tilespmem:s30+$0x12E70]  }
0x89: {  	v25 =	vld [tilespmem:s30+$0x6600]  }
0x8a: {  	v26 =	vld [tilespmem:s30+$0x12E00]  }
0x8b: {  	v27 =	vld [tilespmem:s30+$0x6610]  }
0x8c: {  	v28 =	vld [tilespmem:s30+$0x12E10]  }
0x8d: {  	v29 =	vld [tilespmem:s30+$0x6620]  }
0x8e: {  	v30 =	vld [tilespmem:s30+$0x12E20]  }
0x8f: {  	v31 =	vld [tilespmem:s30+$0x6630];
	v16 =	vadd.f32 v19, v16  }
0x90: {  	v1 =	vadd.f32 v21, v1;
	v60 =	vld [tilespmem:s30+$0x12E40];
	v2 =	vadd.f32 v23, v2  }
0x91: {  	v61 =	vld [tilespmem:s30+$0x6650];
	v3 =	vadd.f32 v22, v3;
	v18 =	vadd.f32 v20, v18;
	v19 =	vmul.f32 v16, v16  }
0x92: {  	v33 =	vld [tilespmem:s30+$0x12E50];
	v21 =	vmul.f32 v22, v22;
	v22 =	vadd.f32 v16, v5;
	v5 =	vadd.f32 v24, v17  }
0x93: {  	v23 =	vld [tilespmem:s30+$0x12E30];
	v16 =	vmul.f32 v18, v18;
	v32 =	vadd.f32 v19, v6;
	v6 =	vadd.f32 v26, v25  }
0x94: {  	v4 =	vadd.f32 v21, v4;
	v21 =	vld [tilespmem:s30+$0x6640];
	v62 =	vadd.f32 v18, v7;
	v7 =	vmul.f32 v5, v5  }
0x95: {  	v63 =	vld [tilespmem:s30+$0x6660];
	v0 =	vadd.f32 v16, v0;
	v20 =	vadd.f32 v5, v8;
	v5 =	vmul.f32 v6, v6  }
0x96: {  	v8 =	vadd.f32 v28, v27;
	v19 =	vadd.f32 v6, v12;
	v6 =	vld [tilespmem:s30+$0x12E60]  }
0x97: {  	v17 =	vadd.f32 v7, v9;
	v12 =	vadd.f32 v5, v10  }
0x98: {  	v5 =	vadd.f32 v30, v29;
	v7 =	vmul.f32 v8, v8;
	v18 =	vadd.f32 v8, v11  }
0x99: {  	v9 =	vadd.f32 v23, v31;
	v10 =	vadd.f32 v60, v21  }
0x9a: {  	s29 =	sadd.s32 $0x1, s29;
	v11 =	vadd.f32 v33, v61;
	v8 =	vadd.f32 v7, v14;
	v7 =	vmul.f32 v5, v5  }
0x9b: {  	p0 =	sne.s32 s29, $0x18;
	v16 =	vadd.f32 v5, v13;
	v5 =	vmul.f32 v9, v9;
	v14 =	vadd.f32 v6, v63  }
.Ltmp2:
0x9c: {  	v13 =	vmul.f32 v10, v10;
	v6 =	vadd.f32 v10, v3;
	v15 =	vadd.f32 v7, v15;
	(pc) =	sbr.rel @p0 .LBB2_2-.Ltmp2, $4  }
0x9d: {  	v7 =	vadd.f32 v9, v1;
	v5 =	vadd.f32 v5, v2  }
0x9e: {  	v1 =	vmul.f32 v11, v11;
	v3 =	vadd.f32 v13, v4;
	v9 =	vmul.f32 v14, v14  }
0x9f: {  	v4 =	vadd.f32 v11, v22;
	v2 =	vadd.f32 v14, v62  }
0xa0: {  	v1 =	vadd.f32 v1, v32;
	v0 =	vadd.f32 v9, v0  }
0xa1: {  	_ =	swait.ge [sflag:s20], $0xC8  }
0xa2: {  	[sflag:s20] =	ssyncset.done $0x0  }
0xa3: {  	[sflag:s20] =	ssyncadd.s32 $0xFFFFFF38  }
0xa4: {  	[tilespmem:s21], [sflag:$0x4] =	stream.indirect.gather [hbm4b:s1+s16], $0x80, s19, s16, $0xb8;
	[tilespmem:$0x19300] =	vst v63  }
0xa5: {  	s0 =	simm.s32 $0x0  }
0xa6: {  	[tilespmem:s22], [sflag:$0x4] =	stream.linear.gather [hbm4b:s12+s0], $0x6400, $0x38;
	[tilespmem:$0x19300] =	vst v63  }
0xa7: {  	_ =	swait.ge [sflag:s23], $0x6400  }
0xa8: {  	[sflag:s23] =	ssyncset.done $0x0  }
0xa9: {  	[sflag:s23] =	ssyncadd.s32 $0xFFFF9C00  }
0xaa: {  	_ =	swait.ge [sflag:s23], $0x6400  }
0xab: {  	[sflag:s23] =	ssyncset.done $0x0  }
0xac: {  	s31 =	simm.s32 $0x0;
	[sflag:s23] =	ssyncadd.s32 $0xFFFF9C00  }
0xad: {  	v9 =	vld [tilespmem:s31+$0x270]  }
0xae: {  	v10 =	vld [tilespmem:s31+$0xCA70]  }
0xaf: {  	v11 =	vld [tilespmem:s31+$0x200]  }
0xb0: {  	v13 =	vld [tilespmem:s31+$0xCA00]  }
0xb1: {  	v21 =	vld [tilespmem:s31+$0x210]  }
0xb2: {  	v22 =	vld [tilespmem:s31+$0xCA10]  }
0xb3: {  	v23 =	vld [tilespmem:s31+$0x220]  }
0xb4: {  	v24 =	vld [tilespmem:s31+$0xCA20];
	_ =	sdelay $0x2  }
0xb5: {  	v25 =	vld [tilespmem:s31+$0x230]  }
0xb6: {  	v9 =	vadd.f32 v10, v9;
	v10 =	vadd.f32 v13, v11;
	v13 =	vld [tilespmem:s31+$0xCA30]  }
0xb7: {  	v26 =	vld [tilespmem:s31+$0x240];
	v21 =	vadd.f32 v22, v21;
	v23 =	vadd.f32 v24, v23  }
0xb8: {  	v22 =	vld [tilespmem:s31+$0xCA40];
	v11 =	vmul.f32 v9, v9;
	v14 =	vadd.f32 v9, v20;
	v20 =	vmul.f32 v10, v10  }
0xb9: {  	v10 =	vadd.f32 v10, v19;
	v19 =	vld [tilespmem:s31+$0xCA50];
	v24 =	vmul.f32 v23, v23  }
0xba: {  	v9 =	vadd.f32 v11, v17;
	v17 =	vld [tilespmem:s31+$0x250];
	v11 =	vadd.f32 v20, v12;
	v20 =	vmul.f32 v21, v21  }
0xbb: {  	v12 =	vadd.f32 v21, v18;
	v18 =	vld [tilespmem:s31+$0x260];
	v21 =	vadd.f32 v13, v25  }
0xbc: {  	s29 =	simm.s32 $0x80;
	v15 =	vadd.f32 v24, v15;
	v13 =	vadd.f32 v20, v8;
	v20 =	vld [tilespmem:s31+$0xCA60]  }
0xbd: {  	s0 =	simm.s32 $0x400;
	v22 =	vadd.f32 v22, v26;
	v8 =	vadd.f32 v23, v16;
	v16 =	vld [tilespmem:s29+$0x270];
	v23 =	vmul.f32 v21, v21  }
.LBB2_8:
0xbe: {  	p0 =	sne.s32 s0, $0x18E00;
	v24 =	vld [tilespmem:s29+$0xCA70];
	v7 =	vadd.f32 v21, v7  }
0xbf: {  	v21 =	vld [tilespmem:s29+$0x200];
	v5 =	vadd.f32 v23, v5;
	v23 =	vmul.f32 v22, v22;
	v17 =	vadd.f32 v19, v17  }
0xc0: {  	v6 =	vadd.f32 v22, v6;
	v19 =	vld [tilespmem:s29+$0xCA00]  }
0xc1: {  	v22 =	vld [tilespmem:s29+$0x210];
	v3 =	vadd.f32 v23, v3;
	v23 =	vmul.f32 v17, v17;
	v18 =	vadd.f32 v20, v18  }
0xc2: {  	v4 =	vadd.f32 v17, v4;
	v20 =	vld [tilespmem:s29+$0xCA10]  }
0xc3: {  	v17 =	vld [tilespmem:s29+$0x220];
	v16 =	vadd.f32 v24, v16;
	v1 =	vadd.f32 v23, v1;
	v23 =	vmul.f32 v18, v18  }
0xc4: {  	v2 =	vadd.f32 v18, v2;
	v24 =	vld [tilespmem:s29+$0xCA20]  }
0xc5: {  	v18 =	vadd.f32 v19, v21;
	v21 =	vld [tilespmem:s29+$0x230];
	v19 =	vmul.f32 v16, v16;
	v0 =	vadd.f32 v23, v0  }
0xc6: {  	v14 =	vadd.f32 v16, v14;
	v23 =	vld [tilespmem:s29+$0xCA30]  }
0xc7: {  	v16 =	vmul.f32 v18, v18;
	v20 =	vadd.f32 v20, v22;
	v22 =	vld [tilespmem:s29+$0x240];
	v9 =	vadd.f32 v19, v9  }
0xc8: {  	v10 =	vadd.f32 v18, v10;
	v25 =	vld [tilespmem:s29+$0xCA40]  }
.Ltmp3:
0xc9: {  	v11 =	vadd.f32 v16, v11;
	v16 =	vmul.f32 v20, v20;
	v24 =	vadd.f32 v24, v17;
	v17 =	vld [tilespmem:s29+$0x250];
	(pc) =	sbr.rel @p0 .LBB2_8-.Ltmp3, $4  }
0xca: {  	v12 =	vadd.f32 v20, v12;
	v19 =	vld [tilespmem:s29+$0xCA50]  }
0xcb: {  	v13 =	vadd.f32 v16, v13;
	v26 =	vmul.f32 v24, v24;
	v21 =	vadd.f32 v23, v21;
	v18 =	vld [tilespmem:s29+$0x260]  }
0xcc: {  	v8 =	vadd.f32 v24, v8;
	v20 =	vld [tilespmem:s29+$0xCA60];
	s29 =	sshra.s32 s0, $0x2  }
0xcd: {  	s0 =	sadd.s32 $0x200, s0;
	v16 =	vld [tilespmem:s29+$0x270];
	v15 =	vadd.f32 v26, v15;
	v23 =	vmul.f32 v21, v21;
	v22 =	vadd.f32 v25, v22  }
0xce: {  	v24 =	vld [tilespmem:s29+$0xCA70]  }
0xcf: {  	v25 =	vld [tilespmem:s29+$0x200]  }
0xd0: {  	v26 =	vld [tilespmem:s29+$0xCA00]  }
0xd1: {  	v27 =	vld [tilespmem:s29+$0x210]  }
0xd2: {  	v28 =	vld [tilespmem:s29+$0xCA10]  }
0xd3: {  	v29 =	vld [tilespmem:s29+$0x220]  }
0xd4: {  	v30 =	vld [tilespmem:s29+$0xCA20]  }
0xd5: {  	v31 =	vld [tilespmem:s29+$0x230]  }
0xd6: {  	v32 =	vld [tilespmem:s29+$0xCA30]  }
0xd7: {  	v33 =	vld [tilespmem:s29+$0x240]  }
0xd8: {  	v34 =	vld [tilespmem:s29+$0xCA40]  }
0xd9: {  	v35 =	vld [tilespmem:s29+$0x250]  }
0xda: {  	v36 =	vld [tilespmem:s29+$0xCA50]  }
0xdb: {  	v37 =	vld [tilespmem:s29+$0x260];
	v7 =	vadd.f32 v21, v7;
	v21 =	vmul.f32 v22, v22;
	v17 =	vadd.f32 v19, v17  }
0xdc: {  	v19 =	vld [tilespmem:s29+$0xCA60];
	v5 =	vadd.f32 v23, v5;
	_ =	swait.ge [sflag:s24], $0x6400;
	v18 =	vadd.f32 v20, v18  }
0xdd: {  	v6 =	vadd.f32 v22, v6;
	[sflag:s24] =	ssyncset.done $0x0;
	v20 =	vadd.f32 v21, v3;
	v3 =	vmul.f32 v17, v17  }
0xde: {  	v17 =	vadd.f32 v17, v4;
	[sflag:s24] =	ssyncadd.s32 $0xFFFF9C00;
	v4 =	vadd.f32 v24, v16;
	v16 =	vmul.f32 v18, v18  }
0xdf: {  	_ =	swait.ge [sflag:s24], $0x6400;
	v1 =	vadd.f32 v3, v1;
	v3 =	vadd.f32 v26, v25  }
0xe0: {  	v2 =	vadd.f32 v18, v2;
	[sflag:s24] =	ssyncset.done $0x0;
	v0 =	vadd.f32 v16, v0;
	v16 =	vmul.f32 v4, v4  }
0xe1: {  	s0 =	simm.s32 $0x0;
	[sflag:s24] =	ssyncadd.s32 $0xFFFF9C00;
	v14 =	vadd.f32 v4, v14;
	v4 =	vadd.f32 v28, v27;
	v18 =	vmul.f32 v3, v3  }
0xe2: {  	v21 =	vld [tilespmem:s0+$0x6670];
	v10 =	vadd.f32 v3, v10;
	v16 =	vadd.f32 v16, v9  }
0xe3: {  	v22 =	vld [tilespmem:s0+$0x12E70];
	v9 =	vadd.f32 v30, v29;
	v18 =	vadd.f32 v18, v11;
	v3 =	vmul.f32 v4, v4  }
0xe4: {  	v23 =	vld [tilespmem:s0+$0x6600];
	v12 =	vadd.f32 v4, v12;
	v11 =	vadd.f32 v32, v31  }
0xe5: {  	v60 =	vld [tilespmem:s0+$0x12E00];
	v4 =	vmul.f32 v9, v9;
	v59 =	vadd.f32 v3, v13;
	v13 =	vadd.f32 v34, v33  }
0xe6: {  	v61 =	vadd.f32 v9, v8;
	v3 =	vmul.f32 v11, v11;
	v8 =	vld [tilespmem:s0+$0x6610];
	v11 =	vadd.f32 v11, v7  }
0xe7: {  	v7 =	vadd.f32 v36, v35;
	v62 =	vadd.f32 v4, v15;
	v15 =	vld [tilespmem:s0+$0x12E10]  }
0xe8: {  	v4 =	vmul.f32 v13, v13;
	v3 =	vadd.f32 v3, v5;
	v5 =	vadd.f32 v19, v37;
	v19 =	vld [tilespmem:s0+$0x6620]  }
0xe9: {  	v6 =	vadd.f32 v13, v6;
	v9 =	vmul.f32 v7, v7;
	v13 =	vld [tilespmem:s0+$0x12E20];
	v7 =	vadd.f32 v7, v17  }
0xea: {  	v4 =	vadd.f32 v4, v20;
	v17 =	vmul.f32 v5, v5;
	v20 =	vadd.f32 v22, v21;
	v22 =	vld [tilespmem:s0+$0x6630]  }
0xeb: {  	v1 =	vadd.f32 v9, v1;
	v21 =	vadd.f32 v60, v23;
	v23 =	vld [tilespmem:s0+$0x12E30]  }
0xec: {  	v63 =	vld [tilespmem:s0+$0x6640];
	v9 =	vadd.f32 v5, v2;
	v2 =	vadd.f32 v17, v0;
	v0 =	vmul.f32 v20, v20  }
0xed: {  	v5 =	vadd.f32 v20, v14;
	v14 =	vmul.f32 v21, v21;
	v20 =	vld [tilespmem:s0+$0x12E40];
	v15 =	vadd.f32 v15, v8  }
0xee: {  	v17 =	vld [tilespmem:s0+$0x6650];
	v0 =	vadd.f32 v0, v16;
	v16 =	vadd.f32 v13, v19  }
0xef: {  	v13 =	vadd.f32 v21, v10;
	v8 =	vadd.f32 v14, v18;
	v21 =	vld [tilespmem:s0+$0x12E50];
	v10 =	vmul.f32 v15, v15  }
0xf0: {  	v19 =	vld [tilespmem:s0+$0x6660];
	v14 =	vadd.f32 v15, v12;
	v23 =	vadd.f32 v23, v22;
	v12 =	vmul.f32 v16, v16  }
0xf1: {  	s29 =	simm.s32 $0x80;
	v22 =	vld [tilespmem:s0+$0x12E60];
	v15 =	vadd.f32 v16, v61;
	v10 =	vadd.f32 v10, v59  }
0xf2: {  	s0 =	simm.s32 $0x400;
	v16 =	vld [tilespmem:s29+$0x6670];
	v18 =	vmul.f32 v23, v23;
	v20 =	vadd.f32 v20, v63;
	v12 =	vadd.f32 v12, v62  }
.LBB2_10:
0xf3: {  	p0 =	sne.s32 s0, $0x18E00;
	v24 =	vld [tilespmem:s29+$0x12E70];
	v11 =	vadd.f32 v23, v11  }
0xf4: {  	v23 =	vld [tilespmem:s29+$0x6600];
	v3 =	vadd.f32 v18, v3;
	v18 =	vmul.f32 v20, v20;
	v17 =	vadd.f32 v21, v17  }
0xf5: {  	v6 =	vadd.f32 v20, v6;
	v21 =	vld [tilespmem:s29+$0x12E00]  }
0xf6: {  	v20 =	vld [tilespmem:s29+$0x6610];
	v4 =	vadd.f32 v18, v4;
	v18 =	vmul.f32 v17, v17;
	v19 =	vadd.f32 v22, v19  }
0xf7: {  	v7 =	vadd.f32 v17, v7;
	v22 =	vld [tilespmem:s29+$0x12E10]  }
0xf8: {  	v17 =	vld [tilespmem:s29+$0x6620];
	v16 =	vadd.f32 v24, v16;
	v1 =	vadd.f32 v18, v1;
	v18 =	vmul.f32 v19, v19  }
0xf9: {  	v9 =	vadd.f32 v19, v9;
	v24 =	vld [tilespmem:s29+$0x12E20]  }
0xfa: {  	v19 =	vadd.f32 v21, v23;
	v23 =	vld [tilespmem:s29+$0x6630];
	v21 =	vmul.f32 v16, v16;
	v2 =	vadd.f32 v18, v2  }
0xfb: {  	v5 =	vadd.f32 v16, v5;
	v18 =	vld [tilespmem:s29+$0x12E30]  }
0xfc: {  	v16 =	vmul.f32 v19, v19;
	v20 =	vadd.f32 v22, v20;
	v25 =	vld [tilespmem:s29+$0x6640];
	v0 =	vadd.f32 v21, v0  }
0xfd: {  	v13 =	vadd.f32 v19, v13;
	v26 =	vld [tilespmem:s29+$0x12E40]  }
.Ltmp4:
0xfe: {  	v8 =	vadd.f32 v16, v8;
	v16 =	vmul.f32 v20, v20;
	v22 =	vadd.f32 v24, v17;
	v17 =	vld [tilespmem:s29+$0x6650];
	(pc) =	sbr.rel @p0 .LBB2_10-.Ltmp4, $4  }
0xff: {  	v14 =	vadd.f32 v20, v14;
	v21 =	vld [tilespmem:s29+$0x12E50]  }
0x100: {  	v10 =	vadd.f32 v16, v10;
	v20 =	vmul.f32 v22, v22;
	v23 =	vadd.f32 v18, v23;
	v19 =	vld [tilespmem:s29+$0x6660]  }
0x101: {  	v15 =	vadd.f32 v22, v15;
	v22 =	vld [tilespmem:s29+$0x12E60];
	s29 =	sshra.s32 s0, $0x2  }
0x102: {  	s0 =	sadd.s32 $0x200, s0;
	v16 =	vld [tilespmem:s29+$0x6670];
	v12 =	vadd.f32 v20, v12;
	v18 =	vmul.f32 v23, v23;
	v20 =	vadd.f32 v26, v25  }
0x103: {  	v24 =	vld [tilespmem:s29+$0x6600]  }
0x104: {  	v25 =	vld [tilespmem:s29+$0x12E00]  }
0x105: {  	v26 =	vld [tilespmem:s29+$0x6610]  }
0x106: {  	v27 =	vld [tilespmem:s29+$0x12E10]  }
0x107: {  	v28 =	vld [tilespmem:s29+$0x6620]  }
0x108: {  	v29 =	vld [tilespmem:s29+$0x12E20]  }
0x109: {  	v30 =	vld [tilespmem:s29+$0x6630]  }
0x10a: {  	v31 =	vld [tilespmem:s29+$0x12E30]  }
0x10b: {  	v32 =	vld [tilespmem:s29+$0x6640]  }
0x10c: {  	v33 =	vld [tilespmem:s29+$0x12E40]  }
0x10d: {  	v34 =	vld [tilespmem:s29+$0x6650]  }
0x10e: {  	v35 =	vld [tilespmem:s29+$0x12E50];
	v11 =	vadd.f32 v23, v11;
	v17 =	vadd.f32 v21, v17  }
0x10f: {  	v36 =	vld [tilespmem:s29+$0x6660];
	v6 =	vadd.f32 v20, v6;
	v19 =	vadd.f32 v22, v19  }
0x110: {  	v42 =	vld [tilespmem:s29+$0x12E60];
	v7 =	vadd.f32 v17, v7;
	v43 =	vadd.f32 v25, v24  }
0x111: {  	v44 =	vadd.f32 v27, v26;
	v45 =	vadd.f32 v29, v28  }
0x112: {  	v49 =	vld [tilespmem:s29+$0x12E70];
	v46 =	vadd.f32 v31, v30;
	v13 =	vadd.f32 v43, v13  }
0x113: {  	v47 =	vadd.f32 v33, v32;
	v14 =	vadd.f32 v44, v14  }
0x114: {  	v48 =	vadd.f32 v35, v34;
	v50 =	vadd.f32 v45, v15;
	[tilespmem:$0x19200] =	vst v13  }
0x115: {  	v21 =	vadd.f32 v42, v36;
	v11 =	vadd.f32 v46, v11;
	[tilespmem:$0x19210] =	vst v14  }
0x116: {  	v9 =	vadd.f32 v19, v9;
	v6 =	vadd.f32 v47, v6;
	[tilespmem:$0x19220] =	vst v50  }
0x117: {  	v51 =	vadd.f32 v49, v16;
	v7 =	vadd.f32 v48, v7;
	[tilespmem:$0x19230] =	vst v11  }
0x118: {  	v52 =	vmul.f32 v20, v20;
	v53 =	vmul.f32 v43, v43;
	v9 =	vadd.f32 v21, v9;
	[tilespmem:$0x19240] =	vst v6  }
0x119: {  	v3 =	vadd.f32 v18, v3;
	v5 =	vadd.f32 v51, v5;
	v54 =	vmul.f32 v44, v44;
	[tilespmem:$0x19250] =	vst v7  }
0x11a: {  	v4 =	vadd.f32 v52, v4;
	v56 =	vmul.f32 v45, v45;
	v55 =	vadd.f32 v53, v8;
	[tilespmem:$0x19260] =	vst v9  }
0x11b: {  	v57 =	vmul.f32 v17, v17;
	v58 =	vmul.f32 v46, v46;
	v6 =	vadd.f32 v54, v10;
	[tilespmem:$0x19270] =	vst v5  }
0x11c: {  	v59 =	vmul.f32 v19, v19;
	v60 =	vmul.f32 v47, v47;
	v8 =	vadd.f32 v56, v12;
	[tilespmem:$0x19280] =	vst v55  }
0x11d: {  	v1 =	vadd.f32 v57, v1;
	v61 =	vmul.f32 v48, v48;
	v3 =	vadd.f32 v58, v3;
	[tilespmem:$0x19290] =	vst v6  }
0x11e: {  	v2 =	vadd.f32 v59, v2;
	v62 =	vmul.f32 v21, v21;
	v4 =	vadd.f32 v60, v4;
	[tilespmem:$0x192A0] =	vst v8  }
0x11f: {  	v63 =	vmul.f32 v51, v51;
	v1 =	vadd.f32 v61, v1;
	[tilespmem:$0x192B0] =	vst v3  }
0x120: {  	v2 =	vadd.f32 v62, v2;
	[tilespmem:$0x192C0] =	vst v4  }
0x121: {  	s28 =	sadd.s32 $0x1, s28;
	v0 =	vadd.f32 v63, v0;
	[tilespmem:$0x192D0] =	vst v1  }
0x122: {  	p0 =	sne.s32 s28, s14;
	[tilespmem:$0x192E0] =	vst v2  }
.Ltmp5:
0x123: {  	[tilespmem:$0x192F0] =	vst v0;
	(pc) =	sbr.rel @p0 .LBB2_1-.Ltmp5, $4  }
0x124: {  	[hbm4b:s13+s3] =	stream.linear.scatter [tilespmem:s25], [sflag:$0x5], $0x100, $0x38;
	[tilespmem:$0x19300] =	vst v63  }
0x125: {  	_ =	swait.ge [sflag:s26], $0x100  }
0x126: {  	[sflag:s26] =	ssyncset.done $0x0  }
0x127: {  	[sflag:s26] =	ssyncadd.s32 $0xFFFFFF00  }
0x128: {  	_ =	sfence.sel $0x180000  }
0x129: {  	[bflag:$0x0] =	sbarrier.arrive $0xFFFF  }
0x12a: {  	_ =	strace $0x90000047  }
0x12b: {  	s0 =	stileid.u32;
	[bflag:$0x2] =	sbarrier.arrive $0xFFFF  }
0x12c: {  	p0 =	sne.s32 s0, $0x0;
	s0 =	rddreg [dreg:$0x2]  }
0x12d: {  	s0 =	sadd.s32 @!p0 $0x100000, s0  }
0x12e: {  	[sflag:s0] =	ssyncadd.tile.s32 @!p0 $0x1;
	_ =	shalt  }
.Lfunc_end2:
_tile_overlayer_lowered:
.L_overlay_start_2:
0x12f: {  	(tag) =	ssettag $0x2  }
0x130: {  	s0 =	rddreg [dreg:$0x0];
	s2 =	stileid.u32  }
0x131: {  	s1 =	rddreg [dreg:$0x1];
	p0 =	sne.s32 s2, $0x0  }
0x132: {  	s3 =	rddreg [dreg:$0x2];
	[bflag:$0x3] =	sbarrier.arrive $0xFFFF;
	s2 =	simm.s32 @!p0 $0x1C05  }
0x133: {  	[timem:s3], [sflag:s2] =	dma.local @!p0 [hbm:s0], s1  }
0x134: {  	s0 =	simm.s32 @!p0 $0x5  }
0x135: {  	_ =	swait.ge @!p0 [sflag:s0], s1  }
0x136: {  	s1 =	ssub.s32 @!p0 $0x0, s1;
	[sflag:s0] =	ssyncset.done @!p0 $0x0  }
0x137: {  	[sflag:s0] =	ssyncadd.s32 @!p0 s1  }
0x138: {  	[bflag:$0x3] =	sbarrier.arrive $0xFFFF  }
0x139: {  	_ =	shalt  }

</sc_bundles>
